<compile_context>
chip_gen: v7x
topology: tpu7x:2x2x1
jax: 0.10.2.dev20260603
libtpu: 0.0.44.dev20260713+nightly
codegen_flags: <defaults>
</compile_context>

<pallas_src>
import functools

import jax
import jax.numpy as jnp
from jax import lax
from jax.experimental import pallas as pl
from jax.experimental.pallas import tpu as pltpu
from jax.experimental.pallas import tpu_sc as plsc

_NC = 2
_NS = 16
_NW = _NC * _NS
_L = 16


def _prep_body(x_ref, xh_ref, nrm_ref):
    x = x_ref[...]
    ss = jnp.sum(x * x, axis=1, keepdims=True)
    r = lax.rsqrt(ss)
    xh_ref[...] = x * r
    nrm_ref[...] = (ss * r)[:, 0]


def _final_body(k_inv, d, s_ref, ws_ref, x_ref, w_ref, b_ref, o_ref):
    wn = w_ref[:, :d]
    wc = w_ref[:, d:]
    dn = (((1,), (1,)), ((), ()))
    ctr = lax.dot_general(x_ref[...], wc, dn,
                          preferred_element_type=jnp.float32) + b_ref[...]
    sn = lax.dot_general(s_ref[...], wn, dn,
                         preferred_element_type=jnp.float32)
    o_ref[...] = (sn + ws_ref[...] * ctr) * k_inv


def _make_sc_gather(np_, c, k, d):
    mesh = plsc.VectorSubcoreMesh(core_axis_name="c", subcore_axis_name="s")
    nsub = d // _L
    kw = (k + 1 + 7) // 8 * 8
    glen = k + 1
    NBUF = 4
    nblk = c
    assert nblk % NBUF == 0

    def body(xh_hbm, idx_hbm, nrm_hbm, s_hbm, ws_hbm,
             idx_v, nrm_v, *bufs_svw):
        bufs = bufs_svw[:NBUF]
        s_v, ws_v = bufs_svw[NBUF:NBUF + 2]
        sems = bufs_svw[NBUF + 2:]
        wid = lax.axis_index("s") * _NC + lax.axis_index("c")
        base = wid * c
        pltpu.sync_copy(idx_hbm.at[pl.ds(base * kw, c * kw)],
                        idx_v.at[pl.ds(0, c * kw)])
        idx_v[pl.ds(c * kw, _L)] = jnp.zeros((_L,), jnp.int32)
        pltpu.sync_copy(nrm_hbm, nrm_v)
        lane = lax.iota(jnp.int32, _L)

        def start(blk, buf, sem):
            pltpu.async_copy(
                xh_hbm.at[idx_v.at[pl.ds(blk * kw, glen)]], buf, sem)

        def wait(buf, sem):
            pltpu.make_async_copy(
                xh_hbm.at[idx_v.at[pl.ds(0, glen)]], buf, sem).wait()

        def compute(blk, buf):
            ib = blk * kw
            xn = [buf[k, pl.ds(t * _L, _L)] for t in range(nsub)]
            acc = [jnp.zeros((_L,), jnp.float32) for _ in range(nsub)]
            ws = jnp.float32(0.0)
            for grp in range(k // _L):
                rng = plsc.load_gather(
                    nrm_v, [idx_v[pl.ds(ib + grp * _L, _L)]])
                rb = grp * _L

                def edge(e2, carry):
                    *acc2, ws2 = carry
                    row = [buf[rb + e2, pl.ds(t * _L, _L)]
                           for t in range(nsub)]
                    dv = row[0] * xn[0]
                    for t in range(1, nsub):
                        dv = dv + row[t] * xn[t]
                    w = jnp.sum(dv)
                    wn = w * rng.at[jnp.full((_L,), e2, jnp.int32)].get(
                        mode="promise_in_bounds")
                    return tuple(
                        [acc2[t] + wn * row[t] for t in range(nsub)]
                        + [ws2 + w])
                *acc, ws = lax.fori_loop(0, _L, edge, (*acc, ws), unroll=2)
            for t in range(nsub):
                s_v[blk, pl.ds(t * _L, _L)] = acc[t]
            plsc.store_scatter(ws_v, [jnp.full((_L,), blk, jnp.int32)],
                               jnp.full((_L,), ws, jnp.float32),
                               mask=lane == 0)

        for j in range(NBUF - 1):
            start(jnp.int32(j), bufs[j], sems[j])

        def blk_grp(ii, carry):
            for j in range(NBUF):
                blk = ii * NBUF + j
                wait(bufs[j], sems[j])

                @pl.when(blk + NBUF - 1 < nblk)
                def _():
                    start(blk + NBUF - 1, bufs[(j + NBUF - 1) % NBUF],
                          sems[(j + NBUF - 1) % NBUF])

                compute(blk, bufs[j])
            return carry

        lax.fori_loop(0, nblk // NBUF, blk_grp, 0, unroll=False)
        pltpu.sync_copy(s_v, s_hbm.at[pl.ds(base, c)])
        pltpu.sync_copy(ws_v, ws_hbm.at[pl.ds(base, c)])

    return pl.kernel(
        body,
        out_type=[
            jax.ShapeDtypeStruct((np_, d), jnp.float32),
            jax.ShapeDtypeStruct((np_,), jnp.float32),
        ],
        mesh=mesh,
        scratch_types=[
            pltpu.VMEM((c * kw + _L,), jnp.int32),
            pltpu.VMEM((np_,), jnp.float32),
            *([pltpu.VMEM((glen, d), jnp.float32)] * NBUF),
            pltpu.VMEM((c, d), jnp.float32),
            pltpu.VMEM((c,), jnp.float32),
            *([pltpu.SemaphoreType.DMA] * NBUF),
        ],
        compiler_params=pltpu.CompilerParams(needs_layout_passes=False),
    )


def kernel(feat_prop, neigh_idx, W, b):
    n, d = feat_prop.shape
    k = neigh_idx.shape[1]
    out_f = W.shape[0]
    c = (n + _NW - 1) // _NW
    c = (c + 7) // 8 * 8
    np_ = c * _NW

    kw = (k + 1 + 7) // 8 * 8
    xp = jnp.pad(feat_prop, ((0, np_ - n), (0, 0)))
    idxp = jnp.pad(neigh_idx.astype(jnp.int32), ((0, np_ - n), (0, 0)))
    idxe = jnp.concatenate(
        [idxp, jnp.arange(np_, dtype=jnp.int32)[:, None],
         jnp.zeros((np_, kw - k - 1), jnp.int32)], axis=1).reshape(np_ * kw)

    xhat, nrm = pl.pallas_call(
        _prep_body,
        out_shape=[
            jax.ShapeDtypeStruct((np_, d), jnp.float32),
            jax.ShapeDtypeStruct((np_,), jnp.float32),
        ],
    )(xp)

    s, wsum = _make_sc_gather(np_, c, k, d)(xhat, idxe, nrm)
    wsum = wsum.reshape(np_, 1)

    blk = 1024
    grid = np_ // blk
    out = pl.pallas_call(
        functools.partial(_final_body, 1.0 / k, d),
        grid=(grid,),
        in_specs=[
            pl.BlockSpec((blk, d), lambda i: (i, 0)),
            pl.BlockSpec((blk, 1), lambda i: (i, 0)),
            pl.BlockSpec((blk, d), lambda i: (i, 0)),
            pl.BlockSpec((out_f, 2 * d), lambda i: (0, 0)),
            pl.BlockSpec((out_f,), lambda i: (0,)),
        ],
        out_specs=pl.BlockSpec((blk, out_f), lambda i: (i, 0)),
        out_shape=jax.ShapeDtypeStruct((np_, out_f), jnp.float32),
    )(s, wsum, xp, W, b)

    return out[:n]

# --- scband reference (transcript-rebuilt; emitter-appended) ---
"""Pipeline reference for scband-neigh-conv-33663953666895 (READ-ONLY COPY).

The authoritative reference and input builder live on the scoring server;
editing this copy changes nothing except your own understanding.
"""

import jax, jax.numpy as jnp
import numpy as np

N = 10000
K = 32
D = 128
OUT = 128

def setup_inputs(seed: int = 0) -> dict:
    key = jax.random.key(seed)
    k1, k2, k3, k4 = jax.random.split(key, 4)
    feat_prop = jax.random.normal(k1, (N, D), dtype=jnp.float32)
    neigh_idx = jax.random.randint(k2, (N, K), 0, N, dtype=jnp.int64) if jax.config.read('jax_enable_x64') else jax.random.randint(k2, (N, K), 0, N, dtype=jnp.int32)
    # mlp: nn.Linear(in_features*2, out_features) -> W [OUT, 2D], b [OUT]
    bound = 1.0 / np.sqrt(2 * D)
    W = jax.random.uniform(k3, (OUT, 2 * D), dtype=jnp.float32, minval=-bound, maxval=bound)
    b = jax.random.uniform(k4, (OUT,), dtype=jnp.float32, minval=-bound, maxval=bound)
    return {"feat_prop": feat_prop, "neigh_idx": neigh_idx, "W": W, "b": b}

def reference(feat_prop, neigh_idx, W, b):
    n, d = feat_prop.shape
    k = neigh_idx.shape[1]
    # gather neighbor features: feat_prop[neigh_idx]
    feat_neigh = jnp.take(feat_prop, neigh_idx.astype(jnp.int32), axis=0)  # [N, K, D]
    f_neigh_temp = feat_neigh.reshape(-1, k, d)  # [N, K, D]
    # nfeat_mode == 'feat_ctr': concat(neighbor feats, center feats repeated)
    ctr = jnp.broadcast_to(feat_prop.reshape(-1, 1, d), (n, k, d))
    feat_neigh_cat = jnp.concatenate([feat_neigh.reshape(-1, k, d), ctr], axis=-1)  # [N, K, 2D]
    # mlp
    feat_neigh_out = jnp.matmul(feat_neigh_cat, W.T) + b  # [N, K, OUT]
    # edge_weight == 'true': cosine similarity weighting
    weight = jnp.matmul(f_neigh_temp, feat_prop[:, :, None])  # [N, K, 1]
    weight_denom1 = jnp.sqrt(jnp.sum(f_neigh_temp * f_neigh_temp, axis=2, keepdims=True))  # [N, K, 1]
    weight_denom2 = jnp.sqrt(jnp.sum(feat_prop[:, :, None] * feat_prop[:, :, None], axis=1, keepdims=True))  # [N, 1, 1]
    weight = (weight / jnp.matmul(weight_denom1, weight_denom2))[:, :, 0]  # [N, K]
    feat_neigh_out = feat_neigh_out * weight[:, :, None]
    # agg_type == 'mean'
    feat_neigh_out = jnp.mean(feat_neigh_out, axis=1)  # [N, OUT]
    return feat_neigh_out

if __name__ == "__main__":
    import jax
    _d = setup_inputs()
    print(jax.jit(kernel)(*tuple(_d.values())))

</pallas_src>

<mosaic_0001>
#map = affine_map<(d0, d1) -> (0, 0)>
#map1 = affine_map<(d0, d1) -> (0)>
module attributes {stable_mosaic.version = 14 : i64} {
  func.func @body(%arg0: i32, %arg1: i32, %arg2: memref<10240x128xf32, #tpu.memory_space<hbm>>, %arg3: memref<409600xi32, #tpu.memory_space<hbm>>, %arg4: memref<10240xf32, #tpu.memory_space<hbm>>, %arg5: memref<10240x128xf32, #tpu.memory_space<hbm>>, %arg6: memref<10240xf32, #tpu.memory_space<hbm>>, %arg7: memref<12816xi32, #tpu.memory_space<vmem>>, %arg8: memref<10240xf32, #tpu.memory_space<vmem>>, %arg9: memref<33x128xf32, #tpu.memory_space<vmem>>, %arg10: memref<33x128xf32, #tpu.memory_space<vmem>>, %arg11: memref<33x128xf32, #tpu.memory_space<vmem>>, %arg12: memref<33x128xf32, #tpu.memory_space<vmem>>, %arg13: memref<320x128xf32, #tpu.memory_space<vmem>>, %arg14: memref<320xf32, #tpu.memory_space<vmem>>, %arg15: memref<!tpu.dma_semaphore, #tpu.memory_space<semaphore_mem>>, %arg16: memref<!tpu.dma_semaphore, #tpu.memory_space<semaphore_mem>>, %arg17: memref<!tpu.dma_semaphore, #tpu.memory_space<semaphore_mem>>, %arg18: memref<!tpu.dma_semaphore, #tpu.memory_space<semaphore_mem>>) attributes {dimension_semantics = [#tpu.dimension_semantics<core_parallel>, #tpu.dimension_semantics<subcore_parallel>], iteration_bounds = array<i64: 2, 16>, scalar_prefetch = 0 : i64, scratch_operands = 12 : i64, tpu.core_type = #tpu.core_type<sc_vector_subcore>, window_params = [{transform_indices = #map}, {transform_indices = #map1}, {transform_indices = #map1}, {transform_indices = #map}, {transform_indices = #map1}]} {
    %mul3A = arith.constant 2 : i32
    %mul3A_0 = arith.muli %arg1, %mul3A : i32
    %add3A = arith.addi %mul3A_0, %arg0 : i32
    %mul3A_1 = arith.constant 320 : i32
    %mul3A_2 = arith.muli %add3A, %mul3A_1 : i32
    %mul3A_3 = arith.constant 40 : i32
    %mul3A_4 = arith.muli %mul3A_2, %mul3A_3 : i32
    "tpu.region"() ({
      %run_scoped3A = tpu.sem_alloc : memref<!tpu.dma_semaphore, #tpu.memory_space<semaphore_mem>>
      %dma_start3A_32 = arith.constant 0 : i32
      %dma_start3A_33 = tpu.memref_slice %arg7[%dma_start3A_32] : memref<12816xi32, #tpu.memory_space<vmem>> -> memref<12800xi32, #tpu.memory_space<vmem>>
      %dma_start3A_34 = tpu.memref_slice %arg3[%mul3A_4] : memref<409600xi32, #tpu.memory_space<hbm>> -> memref<12800xi32, #tpu.memory_space<hbm>>
      %dma_start3A_35 = arith.constant 0 : i32
      %dma_start3A_36 = tpu.memref_slice %arg7[%dma_start3A_35] : memref<12816xi32, #tpu.memory_space<vmem>> -> memref<12800xi32, #tpu.memory_space<vmem>>
      %dma_start3A_37 = tpu.memref_slice %arg3[%mul3A_4] : memref<409600xi32, #tpu.memory_space<hbm>> -> memref<12800xi32, #tpu.memory_space<hbm>>
      tpu.enqueue_dma source(%dma_start3A_37 : memref<12800xi32, #tpu.memory_space<hbm>>) target(%dma_start3A_36 : memref<12800xi32, #tpu.memory_space<vmem>>) target_semaphore(%run_scoped3A : memref<!tpu.dma_semaphore, #tpu.memory_space<semaphore_mem>>)
      %dma_wait3A = arith.constant 0 : i32
      %dma_wait3A_38 = tpu.memref_slice %arg7[%dma_wait3A] : memref<12816xi32, #tpu.memory_space<vmem>> -> memref<12800xi32, #tpu.memory_space<vmem>>
      %dma_wait3A_39 = tpu.memref_slice %arg3[%mul3A_4] : memref<409600xi32, #tpu.memory_space<hbm>> -> memref<12800xi32, #tpu.memory_space<hbm>>
      %dma_wait3A_40 = arith.constant 0 : i32
      %dma_wait3A_41 = tpu.memref_slice %arg7[%dma_wait3A_40] : memref<12816xi32, #tpu.memory_space<vmem>> -> memref<12800xi32, #tpu.memory_space<vmem>>
      %dma_wait3A_42 = tpu.memref_slice %arg3[%mul3A_4] : memref<409600xi32, #tpu.memory_space<hbm>> -> memref<12800xi32, #tpu.memory_space<hbm>>
      tpu.wait_dma2 semaphore(%run_scoped3A : memref<!tpu.dma_semaphore, #tpu.memory_space<semaphore_mem>>) src(%dma_wait3A_42 : memref<12800xi32, #tpu.memory_space<hbm>>) dst(%dma_wait3A_41 : memref<12800xi32, #tpu.memory_space<vmem>>)
      tpu.yield
    }) : () -> ()
    %broadcast_in_dim3A = arith.constant 0 : i32
    %broadcast_in_dim3A_5 = vector.broadcast %broadcast_in_dim3A : i32 to vector<16xi32>
    %swap3A = arith.constant 12800 : index
    %swap3A_6 = tpu.vector_load %arg7[%swap3A] {strides = array<i32>} : memref<12816xi32, #tpu.memory_space<vmem>>, vector<16xi32>,
    tpu.vector_store %arg7[%swap3A], %broadcast_in_dim3A_5 {strides = array<i32>} : memref<12816xi32, #tpu.memory_space<vmem>>, vector<16xi32>,
    "tpu.region"() ({
      %run_scoped3A = tpu.sem_alloc : memref<!tpu.dma_semaphore, #tpu.memory_space<semaphore_mem>>
      tpu.enqueue_dma source(%arg4 : memref<10240xf32, #tpu.memory_space<hbm>>) target(%arg8 : memref<10240xf32, #tpu.memory_space<vmem>>) target_semaphore(%run_scoped3A : memref<!tpu.dma_semaphore, #tpu.memory_space<semaphore_mem>>)
      tpu.wait_dma2 semaphore(%run_scoped3A : memref<!tpu.dma_semaphore, #tpu.memory_space<semaphore_mem>>) src(%arg4 : memref<10240xf32, #tpu.memory_space<hbm>>) dst(%arg8 : memref<10240xf32, #tpu.memory_space<vmem>>)
      tpu.yield
    }) : () -> ()
    %iota3A = tpu.iota {dimensions = array<i32: 0>} : vector<16xi32>
    %mul3A_7 = arith.constant 0 : i32
    %mul3A_8 = arith.constant 40 : i32
    %mul3A_9 = arith.muli %mul3A_7, %mul3A_8 : i32
    %dma_start3A = tpu.memref_slice %arg7[%mul3A_9] : memref<12816xi32, #tpu.memory_space<vmem>> -> memref<33xi32, #tpu.memory_space<vmem>>
    %dma_start3A_10 = arith.constant 0 : i32
    %dma_start3A_11 = arith.constant 0 : i32
    %dma_start3A_12 = tpu.memref_slice %arg2[%dma_start3A_10, %dma_start3A_11] : memref<10240x128xf32, #tpu.memory_space<hbm>> -> memref<10240x128xf32, #tpu.memory_space<hbm>>
    tpu.enqueue_indirect_dma source(%dma_start3A_12 : memref<10240x128xf32, #tpu.memory_space<hbm>>) target(%arg9 : memref<33x128xf32, #tpu.memory_space<vmem>>) offsets(%dma_start3A : memref<33xi32, #tpu.memory_space<vmem>>) semaphore(%arg15 : memref<!tpu.dma_semaphore, #tpu.memory_space<semaphore_mem>>)
    %mul3A_13 = arith.constant 1 : i32
    %mul3A_14 = arith.constant 40 : i32
    %mul3A_15 = arith.muli %mul3A_13, %mul3A_14 : i32
    %dma_start3A_16 = tpu.memref_slice %arg7[%mul3A_15] : memref<12816xi32, #tpu.memory_space<vmem>> -> memref<33xi32, #tpu.memory_space<vmem>>
    %dma_start3A_17 = arith.constant 0 : i32
    %dma_start3A_18 = arith.constant 0 : i32
    %dma_start3A_19 = tpu.memref_slice %arg2[%dma_start3A_17, %dma_start3A_18] : memref<10240x128xf32, #tpu.memory_space<hbm>> -> memref<10240x128xf32, #tpu.memory_space<hbm>>
    tpu.enqueue_indirect_dma source(%dma_start3A_19 : memref<10240x128xf32, #tpu.memory_space<hbm>>) target(%arg10 : memref<33x128xf32, #tpu.memory_space<vmem>>) offsets(%dma_start3A_16 : memref<33xi32, #tpu.memory_space<vmem>>) semaphore(%arg16 : memref<!tpu.dma_semaphore, #tpu.memory_space<semaphore_mem>>)
    %mul3A_20 = arith.constant 2 : i32
    %mul3A_21 = arith.constant 40 : i32
    %mul3A_22 = arith.muli %mul3A_20, %mul3A_21 : i32
    %dma_start3A_23 = tpu.memref_slice %arg7[%mul3A_22] : memref<12816xi32, #tpu.memory_space<vmem>> -> memref<33xi32, #tpu.memory_space<vmem>>
    %dma_start3A_24 = arith.constant 0 : i32
    %dma_start3A_25 = arith.constant 0 : i32
    %dma_start3A_26 = tpu.memref_slice %arg2[%dma_start3A_24, %dma_start3A_25] : memref<10240x128xf32, #tpu.memory_space<hbm>> -> memref<10240x128xf32, #tpu.memory_space<hbm>>
    tpu.enqueue_indirect_dma source(%dma_start3A_26 : memref<10240x128xf32, #tpu.memory_space<hbm>>) target(%arg11 : memref<33x128xf32, #tpu.memory_space<vmem>>) offsets(%dma_start3A_23 : memref<33xi32, #tpu.memory_space<vmem>>) semaphore(%arg17 : memref<!tpu.dma_semaphore, #tpu.memory_space<semaphore_mem>>)
    %scan3A = arith.constant 0 : i32
    %scan3A_27 = arith.constant 0 : i32
    %scan3A_28 = arith.constant 80 : i32
    %scan3A_29 = arith.addi %scan3A_27, %scan3A_28 : i32
    %scan3A_30 = arith.constant 1 : i32
    scf.for %scan3A_32 = %scan3A_27 to %scan3A_29 step %scan3A_30  : i32 {
      %mul3A_33 = arith.constant 4 : i32
      %mul3A_34 = arith.muli %scan3A_32, %mul3A_33 : i32
      %add3A_35 = arith.constant 0 : i32
      %add3A_36 = arith.addi %mul3A_34, %add3A_35 : i32
      %dma_wait3A = arith.constant 0 : i32
      %dma_wait3A_37 = tpu.memref_slice %arg7[%dma_wait3A] : memref<12816xi32, #tpu.memory_space<vmem>> -> memref<33xi32, #tpu.memory_space<vmem>>
      %dma_wait3A_38 = arith.constant 0 : i32
      %dma_wait3A_39 = arith.constant 0 : i32
      %dma_wait3A_40 = tpu.memref_slice %arg2[%dma_wait3A_38, %dma_wait3A_39] : memref<10240x128xf32, #tpu.memory_space<hbm>> -> memref<10240x128xf32, #tpu.memory_space<hbm>>
      tpu.wait_indirect_dma semaphore(%arg15 : memref<!tpu.dma_semaphore, #tpu.memory_space<semaphore_mem>>) src(%dma_wait3A_40 : memref<10240x128xf32, #tpu.memory_space<hbm>>) dst(%arg9 : memref<33x128xf32, #tpu.memory_space<vmem>>)
      %add3A_41 = arith.constant 4 : i32
      %add3A_42 = arith.addi %add3A_36, %add3A_41 : i32
      %sub3A = arith.constant 1 : i32
      %sub3A_43 = arith.subi %add3A_42, %sub3A : i32
      %lt3A = arith.constant 320 : i32
      %lt3A_44 = arith.cmpi slt, %sub3A_43, %lt3A : i32
      %convert_element_type3A = arith.extui %lt3A_44 : i1 to i32
      %cond3A = arith.constant 0 : i32
      %cond3A_45 = arith.cmpi ne, %convert_element_type3A, %cond3A : i32
      scf.if %cond3A_45 {
        %add3A_505 = arith.constant 4 : i32
        %add3A_506 = arith.addi %add3A_36, %add3A_505 : i32
        %sub3A_507 = arith.constant 1 : i32
        %sub3A_508 = arith.subi %add3A_506, %sub3A_507 : i32
        %mul3A_509 = arith.constant 40 : i32
        %mul3A_510 = arith.muli %sub3A_508, %mul3A_509 : i32
        %dma_start3A_511 = tpu.memref_slice %arg7[%mul3A_510] : memref<12816xi32, #tpu.memory_space<vmem>> -> memref<33xi32, #tpu.memory_space<vmem>>
        %dma_start3A_512 = arith.constant 0 : i32
        %dma_start3A_513 = arith.constant 0 : i32
        %dma_start3A_514 = tpu.memref_slice %arg2[%dma_start3A_512, %dma_start3A_513] : memref<10240x128xf32, #tpu.memory_space<hbm>> -> memref<10240x128xf32, #tpu.memory_space<hbm>>
        tpu.enqueue_indirect_dma source(%dma_start3A_514 : memref<10240x128xf32, #tpu.memory_space<hbm>>) target(%arg12 : memref<33x128xf32, #tpu.memory_space<vmem>>) offsets(%dma_start3A_511 : memref<33xi32, #tpu.memory_space<vmem>>) semaphore(%arg18 : memref<!tpu.dma_semaphore, #tpu.memory_space<semaphore_mem>>)
      } else {
      }
      %mul3A_46 = arith.constant 40 : i32
      %mul3A_47 = arith.muli %add3A_36, %mul3A_46 : i32
      %get3A = arith.constant 32 : i32
      %get3A_48 = arith.index_cast %get3A : i32 to index
      %get3A_49 = arith.constant 0 : index
      %get3A_50 = tpu.vector_load %arg9[%get3A_48, %get3A_49] {strides = array<i32>} : memref<33x128xf32, #tpu.memory_space<vmem>>, vector<16xf32>,
      %get3A_51 = arith.constant 32 : i32
      %get3A_52 = arith.index_cast %get3A_51 : i32 to index
      %get3A_53 = arith.constant 16 : index
      %get3A_54 = tpu.vector_load %arg9[%get3A_52, %get3A_53] {strides = array<i32>} : memref<33x128xf32, #tpu.memory_space<vmem>>, vector<16xf32>,
      %get3A_55 = arith.constant 32 : i32
      %get3A_56 = arith.index_cast %get3A_55 : i32 to index
      %get3A_57 = arith.constant 32 : index
      %get3A_58 = tpu.vector_load %arg9[%get3A_56, %get3A_57] {strides = array<i32>} : memref<33x128xf32, #tpu.memory_space<vmem>>, vector<16xf32>,
      %get3A_59 = arith.constant 32 : i32
      %get3A_60 = arith.index_cast %get3A_59 : i32 to index
      %get3A_61 = arith.constant 48 : index
      %get3A_62 = tpu.vector_load %arg9[%get3A_60, %get3A_61] {strides = array<i32>} : memref<33x128xf32, #tpu.memory_space<vmem>>, vector<16xf32>,
      %get3A_63 = arith.constant 32 : i32
      %get3A_64 = arith.index_cast %get3A_63 : i32 to index
      %get3A_65 = arith.constant 64 : index
      %get3A_66 = tpu.vector_load %arg9[%get3A_64, %get3A_65] {strides = array<i32>} : memref<33x128xf32, #tpu.memory_space<vmem>>, vector<16xf32>,
      %get3A_67 = arith.constant 32 : i32
      %get3A_68 = arith.index_cast %get3A_67 : i32 to index
      %get3A_69 = arith.constant 80 : index
      %get3A_70 = tpu.vector_load %arg9[%get3A_68, %get3A_69] {strides = array<i32>} : memref<33x128xf32, #tpu.memory_space<vmem>>, vector<16xf32>,
      %get3A_71 = arith.constant 32 : i32
      %get3A_72 = arith.index_cast %get3A_71 : i32 to index
      %get3A_73 = arith.constant 96 : index
      %get3A_74 = tpu.vector_load %arg9[%get3A_72, %get3A_73] {strides = array<i32>} : memref<33x128xf32, #tpu.memory_space<vmem>>, vector<16xf32>,
      %get3A_75 = arith.constant 32 : i32
      %get3A_76 = arith.index_cast %get3A_75 : i32 to index
      %get3A_77 = arith.constant 112 : index
      %get3A_78 = tpu.vector_load %arg9[%get3A_76, %get3A_77] {strides = array<i32>} : memref<33x128xf32, #tpu.memory_space<vmem>>, vector<16xf32>,
      %broadcast_in_dim3A_79 = arith.constant 0.000000e+00 : f32
      %broadcast_in_dim3A_80 = vector.broadcast %broadcast_in_dim3A_79 : f32 to vector<16xf32>
      %broadcast_in_dim3A_81 = arith.constant 0.000000e+00 : f32
      %broadcast_in_dim3A_82 = vector.broadcast %broadcast_in_dim3A_81 : f32 to vector<16xf32>
      %broadcast_in_dim3A_83 = arith.constant 0.000000e+00 : f32
      %broadcast_in_dim3A_84 = vector.broadcast %broadcast_in_dim3A_83 : f32 to vector<16xf32>
      %broadcast_in_dim3A_85 = arith.constant 0.000000e+00 : f32
      %broadcast_in_dim3A_86 = vector.broadcast %broadcast_in_dim3A_85 : f32 to vector<16xf32>
      %broadcast_in_dim3A_87 = arith.constant 0.000000e+00 : f32
      %broadcast_in_dim3A_88 = vector.broadcast %broadcast_in_dim3A_87 : f32 to vector<16xf32>
      %broadcast_in_dim3A_89 = arith.constant 0.000000e+00 : f32
      %broadcast_in_dim3A_90 = vector.broadcast %broadcast_in_dim3A_89 : f32 to vector<16xf32>
      %broadcast_in_dim3A_91 = arith.constant 0.000000e+00 : f32
      %broadcast_in_dim3A_92 = vector.broadcast %broadcast_in_dim3A_91 : f32 to vector<16xf32>
      %broadcast_in_dim3A_93 = arith.constant 0.000000e+00 : f32
      %broadcast_in_dim3A_94 = vector.broadcast %broadcast_in_dim3A_93 : f32 to vector<16xf32>
      %add3A_95 = arith.constant 0 : i32
      %add3A_96 = arith.addi %mul3A_47, %add3A_95 : i32
      %get3A_97 = arith.index_cast %add3A_96 : i32 to index
      %get3A_98 = tpu.vector_load %arg7[%get3A_97] {strides = array<i32>} : memref<12816xi32, #tpu.memory_space<vmem>>, vector<16xi32>,
      %gather3A = tpu.vector_load_idx %arg8[%get3A_98] : memref<10240xf32, #tpu.memory_space<vmem>>[vector<16xi32>], vector<16xf32>,
      %scan3A_99 = arith.constant 0.000000e+00 : f32
      %scan3A_100 = arith.constant 0 : i32
      %scan3A_101 = arith.constant 16 : i32
      %scan3A_102 = arith.addi %scan3A_100, %scan3A_101 : i32
      %scan3A_103 = arith.constant 2 : i32
      %scan3A_104:9 = scf.for %scan3A_505 = %scan3A_100 to %scan3A_102 step %scan3A_103 iter_args(%scan3A_506 = %broadcast_in_dim3A_80, %scan3A_507 = %broadcast_in_dim3A_82, %scan3A_508 = %broadcast_in_dim3A_84, %scan3A_509 = %broadcast_in_dim3A_86, %scan3A_510 = %broadcast_in_dim3A_88, %scan3A_511 = %broadcast_in_dim3A_90, %scan3A_512 = %broadcast_in_dim3A_92, %scan3A_513 = %broadcast_in_dim3A_94, %scan3A_514 = %scan3A_99) -> (vector<16xf32>, vector<16xf32>, vector<16xf32>, vector<16xf32>, vector<16xf32>, vector<16xf32>, vector<16xf32>, vector<16xf32>, f32)  : i32 {
        %add3A_515 = arith.constant 0 : i32
        %add3A_516 = arith.addi %add3A_515, %scan3A_505 : i32
        %get3A_517 = arith.index_cast %add3A_516 : i32 to index
        %get3A_518 = arith.constant 0 : index
        %get3A_519 = tpu.vector_load %arg9[%get3A_517, %get3A_518] {strides = array<i32>} : memref<33x128xf32, #tpu.memory_space<vmem>>, vector<16xf32>,
        %add3A_520 = arith.constant 0 : i32
        %add3A_521 = arith.addi %add3A_520, %scan3A_505 : i32
        %get3A_522 = arith.index_cast %add3A_521 : i32 to index
        %get3A_523 = arith.constant 16 : index
        %get3A_524 = tpu.vector_load %arg9[%get3A_522, %get3A_523] {strides = array<i32>} : memref<33x128xf32, #tpu.memory_space<vmem>>, vector<16xf32>,
        %add3A_525 = arith.constant 0 : i32
        %add3A_526 = arith.addi %add3A_525, %scan3A_505 : i32
        %get3A_527 = arith.index_cast %add3A_526 : i32 to index
        %get3A_528 = arith.constant 32 : index
        %get3A_529 = tpu.vector_load %arg9[%get3A_527, %get3A_528] {strides = array<i32>} : memref<33x128xf32, #tpu.memory_space<vmem>>, vector<16xf32>,
        %add3A_530 = arith.constant 0 : i32
        %add3A_531 = arith.addi %add3A_530, %scan3A_505 : i32
        %get3A_532 = arith.index_cast %add3A_531 : i32 to index
        %get3A_533 = arith.constant 48 : index
        %get3A_534 = tpu.vector_load %arg9[%get3A_532, %get3A_533] {strides = array<i32>} : memref<33x128xf32, #tpu.memory_space<vmem>>, vector<16xf32>,
        %add3A_535 = arith.constant 0 : i32
        %add3A_536 = arith.addi %add3A_535, %scan3A_505 : i32
        %get3A_537 = arith.index_cast %add3A_536 : i32 to index
        %get3A_538 = arith.constant 64 : index
        %get3A_539 = tpu.vector_load %arg9[%get3A_537, %get3A_538] {strides = array<i32>} : memref<33x128xf32, #tpu.memory_space<vmem>>, vector<16xf32>,
        %add3A_540 = arith.constant 0 : i32
        %add3A_541 = arith.addi %add3A_540, %scan3A_505 : i32
        %get3A_542 = arith.index_cast %add3A_541 : i32 to index
        %get3A_543 = arith.constant 80 : index
        %get3A_544 = tpu.vector_load %arg9[%get3A_542, %get3A_543] {strides = array<i32>} : memref<33x128xf32, #tpu.memory_space<vmem>>, vector<16xf32>,
        %add3A_545 = arith.constant 0 : i32
        %add3A_546 = arith.addi %add3A_545, %scan3A_505 : i32
        %get3A_547 = arith.index_cast %add3A_546 : i32 to index
        %get3A_548 = arith.constant 96 : index
        %get3A_549 = tpu.vector_load %arg9[%get3A_547, %get3A_548] {strides = array<i32>} : memref<33x128xf32, #tpu.memory_space<vmem>>, vector<16xf32>,
        %add3A_550 = arith.constant 0 : i32
        %add3A_551 = arith.addi %add3A_550, %scan3A_505 : i32
        %get3A_552 = arith.index_cast %add3A_551 : i32 to index
        %get3A_553 = arith.constant 112 : index
        %get3A_554 = tpu.vector_load %arg9[%get3A_552, %get3A_553] {strides = array<i32>} : memref<33x128xf32, #tpu.memory_space<vmem>>, vector<16xf32>,
        %mul3A_555 = arith.mulf %get3A_519, %get3A_50 : vector<16xf32>
        %mul3A_556 = arith.mulf %get3A_524, %get3A_54 : vector<16xf32>
        %add3A_557 = arith.addf %mul3A_555, %mul3A_556 : vector<16xf32>
        %mul3A_558 = arith.mulf %get3A_529, %get3A_58 : vector<16xf32>
        %add3A_559 = arith.addf %add3A_557, %mul3A_558 : vector<16xf32>
        %mul3A_560 = arith.mulf %get3A_534, %get3A_62 : vector<16xf32>
        %add3A_561 = arith.addf %add3A_559, %mul3A_560 : vector<16xf32>
        %mul3A_562 = arith.mulf %get3A_539, %get3A_66 : vector<16xf32>
        %add3A_563 = arith.addf %add3A_561, %mul3A_562 : vector<16xf32>
        %mul3A_564 = arith.mulf %get3A_544, %get3A_70 : vector<16xf32>
        %add3A_565 = arith.addf %add3A_563, %mul3A_564 : vector<16xf32>
        %mul3A_566 = arith.mulf %get3A_549, %get3A_74 : vector<16xf32>
        %add3A_567 = arith.addf %add3A_565, %mul3A_566 : vector<16xf32>
        %mul3A_568 = arith.mulf %get3A_554, %get3A_78 : vector<16xf32>
        %add3A_569 = arith.addf %add3A_567, %mul3A_568 : vector<16xf32>
        %reduce_sum3A = arith.constant true
        %reduce_sum3A_570 = vector.broadcast %reduce_sum3A : i1 to vector<16xi1>
        %reduce_sum3A_571 = tpu.scan <sum>, %add3A_569 masked %reduce_sum3A_570 : vector<16xf32>, vector<16xi1> -> vector<16xf32>
        %reduce_sum3A_572 = vector.extract %reduce_sum3A_571[15] : f32 from vector<16xf32>
        %broadcast_in_dim3A_573 = vector.broadcast %scan3A_505 : i32 to vector<16xi32>
        %lt3A_574 = arith.constant 0 : i32
        %lt3A_575 = vector.broadcast %lt3A_574 : i32 to vector<16xi32>
        %lt3A_576 = arith.cmpi slt, %broadcast_in_dim3A_573, %lt3A_575 : vector<16xi32>
        %add3A_577 = arith.constant 16 : i32
        %add3A_578 = vector.broadcast %add3A_577 : i32 to vector<16xi32>
        %add3A_579 = arith.addi %broadcast_in_dim3A_573, %add3A_578 : vector<16xi32>
        %select_n3A = arith.select %lt3A_576, %add3A_579, %broadcast_in_dim3A_573 : vector<16xi1>, vector<16xi32>
        %broadcast_in_dim3A_580 = vector.shape_cast %select_n3A : vector<16xi32> to vector<16x1xi32>
        %gather3A_581 = vector.shape_cast %broadcast_in_dim3A_580 : vector<16x1xi32> to vector<16xi32>
        %gather3A_582 = tpu.dynamic_gather %gather3A[%gather3A_581] in [0] : vector<16xf32>, vector<16xi32> -> vector<16xf32>
        %mul3A_583 = vector.broadcast %reduce_sum3A_572 : f32 to vector<16xf32>
        %mul3A_584 = arith.mulf %mul3A_583, %gather3A_582 : vector<16xf32>
        %mul3A_585 = arith.mulf %mul3A_584, %get3A_519 : vector<16xf32>
        %add3A_586 = arith.addf %scan3A_506, %mul3A_585 : vector<16xf32>
        %mul3A_587 = arith.mulf %mul3A_584, %get3A_524 : vector<16xf32>
        %add3A_588 = arith.addf %scan3A_507, %mul3A_587 : vector<16xf32>
        %mul3A_589 = arith.mulf %mul3A_584, %get3A_529 : vector<16xf32>
        %add3A_590 = arith.addf %scan3A_508, %mul3A_589 : vector<16xf32>
        %mul3A_591 = arith.mulf %mul3A_584, %get3A_534 : vector<16xf32>
        %add3A_592 = arith.addf %scan3A_509, %mul3A_591 : vector<16xf32>
        %mul3A_593 = arith.mulf %mul3A_584, %get3A_539 : vector<16xf32>
        %add3A_594 = arith.addf %scan3A_510, %mul3A_593 : vector<16xf32>
        %mul3A_595 = arith.mulf %mul3A_584, %get3A_544 : vector<16xf32>
        %add3A_596 = arith.addf %scan3A_511, %mul3A_595 : vector<16xf32>
        %mul3A_597 = arith.mulf %mul3A_584, %get3A_549 : vector<16xf32>
        %add3A_598 = arith.addf %scan3A_512, %mul3A_597 : vector<16xf32>
        %mul3A_599 = arith.mulf %mul3A_584, %get3A_554 : vector<16xf32>
        %add3A_600 = arith.addf %scan3A_513, %mul3A_599 : vector<16xf32>
        %add3A_601 = arith.addf %scan3A_514, %reduce_sum3A_572 : f32
        %scan3A_602 = arith.constant 1 : i32
        %scan3A_603 = arith.addi %scan3A_505, %scan3A_602 : i32
        %add3A_604 = arith.constant 0 : i32
        %add3A_605 = arith.addi %add3A_604, %scan3A_603 : i32
        %get3A_606 = arith.index_cast %add3A_605 : i32 to index
        %get3A_607 = arith.constant 0 : index
        %get3A_608 = tpu.vector_load %arg9[%get3A_606, %get3A_607] {strides = array<i32>} : memref<33x128xf32, #tpu.memory_space<vmem>>, vector<16xf32>,
        %add3A_609 = arith.constant 0 : i32
        %add3A_610 = arith.addi %add3A_609, %scan3A_603 : i32
        %get3A_611 = arith.index_cast %add3A_610 : i32 to index
        %get3A_612 = arith.constant 16 : index
        %get3A_613 = tpu.vector_load %arg9[%get3A_611, %get3A_612] {strides = array<i32>} : memref<33x128xf32, #tpu.memory_space<vmem>>, vector<16xf32>,
        %add3A_614 = arith.constant 0 : i32
        %add3A_615 = arith.addi %add3A_614, %scan3A_603 : i32
        %get3A_616 = arith.index_cast %add3A_615 : i32 to index
        %get3A_617 = arith.constant 32 : index
        %get3A_618 = tpu.vector_load %arg9[%get3A_616, %get3A_617] {strides = array<i32>} : memref<33x128xf32, #tpu.memory_space<vmem>>, vector<16xf32>,
        %add3A_619 = arith.constant 0 : i32
        %add3A_620 = arith.addi %add3A_619, %scan3A_603 : i32
        %get3A_621 = arith.index_cast %add3A_620 : i32 to index
        %get3A_622 = arith.constant 48 : index
        %get3A_623 = tpu.vector_load %arg9[%get3A_621, %get3A_622] {strides = array<i32>} : memref<33x128xf32, #tpu.memory_space<vmem>>, vector<16xf32>,
        %add3A_624 = arith.constant 0 : i32
        %add3A_625 = arith.addi %add3A_624, %scan3A_603 : i32
        %get3A_626 = arith.index_cast %add3A_625 : i32 to index
        %get3A_627 = arith.constant 64 : index
        %get3A_628 = tpu.vector_load %arg9[%get3A_626, %get3A_627] {strides = array<i32>} : memref<33x128xf32, #tpu.memory_space<vmem>>, vector<16xf32>,
        %add3A_629 = arith.constant 0 : i32
        %add3A_630 = arith.addi %add3A_629, %scan3A_603 : i32
        %get3A_631 = arith.index_cast %add3A_630 : i32 to index
        %get3A_632 = arith.constant 80 : index
        %get3A_633 = tpu.vector_load %arg9[%get3A_631, %get3A_632] {strides = array<i32>} : memref<33x128xf32, #tpu.memory_space<vmem>>, vector<16xf32>,
        %add3A_634 = arith.constant 0 : i32
        %add3A_635 = arith.addi %add3A_634, %scan3A_603 : i32
        %get3A_636 = arith.index_cast %add3A_635 : i32 to index
        %get3A_637 = arith.constant 96 : index
        %get3A_638 = tpu.vector_load %arg9[%get3A_636, %get3A_637] {strides = array<i32>} : memref<33x128xf32, #tpu.memory_space<vmem>>, vector<16xf32>,
        %add3A_639 = arith.constant 0 : i32
        %add3A_640 = arith.addi %add3A_639, %scan3A_603 : i32
        %get3A_641 = arith.index_cast %add3A_640 : i32 to index
        %get3A_642 = arith.constant 112 : index
        %get3A_643 = tpu.vector_load %arg9[%get3A_641, %get3A_642] {strides = array<i32>} : memref<33x128xf32, #tpu.memory_space<vmem>>, vector<16xf32>,
        %mul3A_644 = arith.mulf %get3A_608, %get3A_50 : vector<16xf32>
        %mul3A_645 = arith.mulf %get3A_613, %get3A_54 : vector<16xf32>
        %add3A_646 = arith.addf %mul3A_644, %mul3A_645 : vector<16xf32>
        %mul3A_647 = arith.mulf %get3A_618, %get3A_58 : vector<16xf32>
        %add3A_648 = arith.addf %add3A_646, %mul3A_647 : vector<16xf32>
        %mul3A_649 = arith.mulf %get3A_623, %get3A_62 : vector<16xf32>
        %add3A_650 = arith.addf %add3A_648, %mul3A_649 : vector<16xf32>
        %mul3A_651 = arith.mulf %get3A_628, %get3A_66 : vector<16xf32>
        %add3A_652 = arith.addf %add3A_650, %mul3A_651 : vector<16xf32>
        %mul3A_653 = arith.mulf %get3A_633, %get3A_70 : vector<16xf32>
        %add3A_654 = arith.addf %add3A_652, %mul3A_653 : vector<16xf32>
        %mul3A_655 = arith.mulf %get3A_638, %get3A_74 : vector<16xf32>
        %add3A_656 = arith.addf %add3A_654, %mul3A_655 : vector<16xf32>
        %mul3A_657 = arith.mulf %get3A_643, %get3A_78 : vector<16xf32>
        %add3A_658 = arith.addf %add3A_656, %mul3A_657 : vector<16xf32>
        %reduce_sum3A_659 = arith.constant true
        %reduce_sum3A_660 = vector.broadcast %reduce_sum3A_659 : i1 to vector<16xi1>
        %reduce_sum3A_661 = tpu.scan <sum>, %add3A_658 masked %reduce_sum3A_660 : vector<16xf32>, vector<16xi1> -> vector<16xf32>
        %reduce_sum3A_662 = vector.extract %reduce_sum3A_661[15] : f32 from vector<16xf32>
        %broadcast_in_dim3A_663 = vector.broadcast %scan3A_603 : i32 to vector<16xi32>
        %lt3A_664 = arith.constant 0 : i32
        %lt3A_665 = vector.broadcast %lt3A_664 : i32 to vector<16xi32>
        %lt3A_666 = arith.cmpi slt, %broadcast_in_dim3A_663, %lt3A_665 : vector<16xi32>
        %add3A_667 = arith.constant 16 : i32
        %add3A_668 = vector.broadcast %add3A_667 : i32 to vector<16xi32>
        %add3A_669 = arith.addi %broadcast_in_dim3A_663, %add3A_668 : vector<16xi32>
        %select_n3A_670 = arith.select %lt3A_666, %add3A_669, %broadcast_in_dim3A_663 : vector<16xi1>, vector<16xi32>
        %broadcast_in_dim3A_671 = vector.shape_cast %select_n3A_670 : vector<16xi32> to vector<16x1xi32>
        %gather3A_672 = vector.shape_cast %broadcast_in_dim3A_671 : vector<16x1xi32> to vector<16xi32>
        %gather3A_673 = tpu.dynamic_gather %gather3A[%gather3A_672] in [0] : vector<16xf32>, vector<16xi32> -> vector<16xf32>
        %mul3A_674 = vector.broadcast %reduce_sum3A_662 : f32 to vector<16xf32>
        %mul3A_675 = arith.mulf %mul3A_674, %gather3A_673 : vector<16xf32>
        %mul3A_676 = arith.mulf %mul3A_675, %get3A_608 : vector<16xf32>
        %add3A_677 = arith.addf %add3A_586, %mul3A_676 : vector<16xf32>
        %mul3A_678 = arith.mulf %mul3A_675, %get3A_613 : vector<16xf32>
        %add3A_679 = arith.addf %add3A_588, %mul3A_678 : vector<16xf32>
        %mul3A_680 = arith.mulf %mul3A_675, %get3A_618 : vector<16xf32>
        %add3A_681 = arith.addf %add3A_590, %mul3A_680 : vector<16xf32>
        %mul3A_682 = arith.mulf %mul3A_675, %get3A_623 : vector<16xf32>
        %add3A_683 = arith.addf %add3A_592, %mul3A_682 : vector<16xf32>
        %mul3A_684 = arith.mulf %mul3A_675, %get3A_628 : vector<16xf32>
        %add3A_685 = arith.addf %add3A_594, %mul3A_684 : vector<16xf32>
        %mul3A_686 = arith.mulf %mul3A_675, %get3A_633 : vector<16xf32>
        %add3A_687 = arith.addf %add3A_596, %mul3A_686 : vector<16xf32>
        %mul3A_688 = arith.mulf %mul3A_675, %get3A_638 : vector<16xf32>
        %add3A_689 = arith.addf %add3A_598, %mul3A_688 : vector<16xf32>
        %mul3A_690 = arith.mulf %mul3A_675, %get3A_643 : vector<16xf32>
        %add3A_691 = arith.addf %add3A_600, %mul3A_690 : vector<16xf32>
        %add3A_692 = arith.addf %add3A_601, %reduce_sum3A_662 : f32
        scf.yield %add3A_677, %add3A_679, %add3A_681, %add3A_683, %add3A_685, %add3A_687, %add3A_689, %add3A_691, %add3A_692 : vector<16xf32>, vector<16xf32>, vector<16xf32>, vector<16xf32>, vector<16xf32>, vector<16xf32>, vector<16xf32>, vector<16xf32>, f32
      }
      %scan3A_105 = arith.constant 16 : i32
      %add3A_106 = arith.constant 16 : i32
      %add3A_107 = arith.addi %mul3A_47, %add3A_106 : i32
      %get3A_108 = arith.index_cast %add3A_107 : i32 to index
      %get3A_109 = tpu.vector_load %arg7[%get3A_108] {strides = array<i32>} : memref<12816xi32, #tpu.memory_space<vmem>>, vector<16xi32>,
      %gather3A_110 = tpu.vector_load_idx %arg8[%get3A_109] : memref<10240xf32, #tpu.memory_space<vmem>>[vector<16xi32>], vector<16xf32>,
      %scan3A_111 = arith.constant 0 : i32
      %scan3A_112 = arith.constant 16 : i32
      %scan3A_113 = arith.addi %scan3A_111, %scan3A_112 : i32
      %scan3A_114 = arith.constant 2 : i32
      %scan3A_115:9 = scf.for %scan3A_505 = %scan3A_111 to %scan3A_113 step %scan3A_114 iter_args(%scan3A_506 = %scan3A_104#0, %scan3A_507 = %scan3A_104#1, %scan3A_508 = %scan3A_104#2, %scan3A_509 = %scan3A_104#3, %scan3A_510 = %scan3A_104#4, %scan3A_511 = %scan3A_104#5, %scan3A_512 = %scan3A_104#6, %scan3A_513 = %scan3A_104#7, %scan3A_514 = %scan3A_104#8) -> (vector<16xf32>, vector<16xf32>, vector<16xf32>, vector<16xf32>, vector<16xf32>, vector<16xf32>, vector<16xf32>, vector<16xf32>, f32)  : i32 {
        %add3A_515 = arith.constant 16 : i32
        %add3A_516 = arith.addi %add3A_515, %scan3A_505 : i32
        %get3A_517 = arith.index_cast %add3A_516 : i32 to index
        %get3A_518 = arith.constant 0 : index
        %get3A_519 = tpu.vector_load %arg9[%get3A_517, %get3A_518] {strides = array<i32>} : memref<33x128xf32, #tpu.memory_space<vmem>>, vector<16xf32>,
        %add3A_520 = arith.constant 16 : i32
        %add3A_521 = arith.addi %add3A_520, %scan3A_505 : i32
        %get3A_522 = arith.index_cast %add3A_521 : i32 to index
        %get3A_523 = arith.constant 16 : index
        %get3A_524 = tpu.vector_load %arg9[%get3A_522, %get3A_523] {strides = array<i32>} : memref<33x128xf32, #tpu.memory_space<vmem>>, vector<16xf32>,
        %add3A_525 = arith.constant 16 : i32
        %add3A_526 = arith.addi %add3A_525, %scan3A_505 : i32
        %get3A_527 = arith.index_cast %add3A_526 : i32 to index
        %get3A_528 = arith.constant 32 : index
        %get3A_529 = tpu.vector_load %arg9[%get3A_527, %get3A_528] {strides = array<i32>} : memref<33x128xf32, #tpu.memory_space<vmem>>, vector<16xf32>,
        %add3A_530 = arith.constant 16 : i32
        %add3A_531 = arith.addi %add3A_530, %scan3A_505 : i32
        %get3A_532 = arith.index_cast %add3A_531 : i32 to index
        %get3A_533 = arith.constant 48 : index
        %get3A_534 = tpu.vector_load %arg9[%get3A_532, %get3A_533] {strides = array<i32>} : memref<33x128xf32, #tpu.memory_space<vmem>>, vector<16xf32>,
        %add3A_535 = arith.constant 16 : i32
        %add3A_536 = arith.addi %add3A_535, %scan3A_505 : i32
        %get3A_537 = arith.index_cast %add3A_536 : i32 to index
        %get3A_538 = arith.constant 64 : index
        %get3A_539 = tpu.vector_load %arg9[%get3A_537, %get3A_538] {strides = array<i32>} : memref<33x128xf32, #tpu.memory_space<vmem>>, vector<16xf32>,
        %add3A_540 = arith.constant 16 : i32
        %add3A_541 = arith.addi %add3A_540, %scan3A_505 : i32
        %get3A_542 = arith.index_cast %add3A_541 : i32 to index
        %get3A_543 = arith.constant 80 : index
        %get3A_544 = tpu.vector_load %arg9[%get3A_542, %get3A_543] {strides = array<i32>} : memref<33x128xf32, #tpu.memory_space<vmem>>, vector<16xf32>,
        %add3A_545 = arith.constant 16 : i32
        %add3A_546 = arith.addi %add3A_545, %scan3A_505 : i32
        %get3A_547 = arith.index_cast %add3A_546 : i32 to index
        %get3A_548 = arith.constant 96 : index
        %get3A_549 = tpu.vector_load %arg9[%get3A_547, %get3A_548] {strides = array<i32>} : memref<33x128xf32, #tpu.memory_space<vmem>>, vector<16xf32>,
        %add3A_550 = arith.constant 16 : i32
        %add3A_551 = arith.addi %add3A_550, %scan3A_505 : i32
        %get3A_552 = arith.index_cast %add3A_551 : i32 to index
        %get3A_553 = arith.constant 112 : index
        %get3A_554 = tpu.vector_load %arg9[%get3A_552, %get3A_553] {strides = array<i32>} : memref<33x128xf32, #tpu.memory_space<vmem>>, vector<16xf32>,
        %mul3A_555 = arith.mulf %get3A_519, %get3A_50 : vector<16xf32>
        %mul3A_556 = arith.mulf %get3A_524, %get3A_54 : vector<16xf32>
        %add3A_557 = arith.addf %mul3A_555, %mul3A_556 : vector<16xf32>
        %mul3A_558 = arith.mulf %get3A_529, %get3A_58 : vector<16xf32>
        %add3A_559 = arith.addf %add3A_557, %mul3A_558 : vector<16xf32>
        %mul3A_560 = arith.mulf %get3A_534, %get3A_62 : vector<16xf32>
        %add3A_561 = arith.addf %add3A_559, %mul3A_560 : vector<16xf32>
        %mul3A_562 = arith.mulf %get3A_539, %get3A_66 : vector<16xf32>
        %add3A_563 = arith.addf %add3A_561, %mul3A_562 : vector<16xf32>
        %mul3A_564 = arith.mulf %get3A_544, %get3A_70 : vector<16xf32>
        %add3A_565 = arith.addf %add3A_563, %mul3A_564 : vector<16xf32>
        %mul3A_566 = arith.mulf %get3A_549, %get3A_74 : vector<16xf32>
        %add3A_567 = arith.addf %add3A_565, %mul3A_566 : vector<16xf32>
        %mul3A_568 = arith.mulf %get3A_554, %get3A_78 : vector<16xf32>
        %add3A_569 = arith.addf %add3A_567, %mul3A_568 : vector<16xf32>
        %reduce_sum3A = arith.constant true
        %reduce_sum3A_570 = vector.broadcast %reduce_sum3A : i1 to vector<16xi1>
        %reduce_sum3A_571 = tpu.scan <sum>, %add3A_569 masked %reduce_sum3A_570 : vector<16xf32>, vector<16xi1> -> vector<16xf32>
        %reduce_sum3A_572 = vector.extract %reduce_sum3A_571[15] : f32 from vector<16xf32>
        %broadcast_in_dim3A_573 = vector.broadcast %scan3A_505 : i32 to vector<16xi32>
        %lt3A_574 = arith.constant 0 : i32
        %lt3A_575 = vector.broadcast %lt3A_574 : i32 to vector<16xi32>
        %lt3A_576 = arith.cmpi slt, %broadcast_in_dim3A_573, %lt3A_575 : vector<16xi32>
        %add3A_577 = arith.constant 16 : i32
        %add3A_578 = vector.broadcast %add3A_577 : i32 to vector<16xi32>
        %add3A_579 = arith.addi %broadcast_in_dim3A_573, %add3A_578 : vector<16xi32>
        %select_n3A = arith.select %lt3A_576, %add3A_579, %broadcast_in_dim3A_573 : vector<16xi1>, vector<16xi32>
        %broadcast_in_dim3A_580 = vector.shape_cast %select_n3A : vector<16xi32> to vector<16x1xi32>
        %gather3A_581 = vector.shape_cast %broadcast_in_dim3A_580 : vector<16x1xi32> to vector<16xi32>
        %gather3A_582 = tpu.dynamic_gather %gather3A_110[%gather3A_581] in [0] : vector<16xf32>, vector<16xi32> -> vector<16xf32>
        %mul3A_583 = vector.broadcast %reduce_sum3A_572 : f32 to vector<16xf32>
        %mul3A_584 = arith.mulf %mul3A_583, %gather3A_582 : vector<16xf32>
        %mul3A_585 = arith.mulf %mul3A_584, %get3A_519 : vector<16xf32>
        %add3A_586 = arith.addf %scan3A_506, %mul3A_585 : vector<16xf32>
        %mul3A_587 = arith.mulf %mul3A_584, %get3A_524 : vector<16xf32>
        %add3A_588 = arith.addf %scan3A_507, %mul3A_587 : vector<16xf32>
        %mul3A_589 = arith.mulf %mul3A_584, %get3A_529 : vector<16xf32>
        %add3A_590 = arith.addf %scan3A_508, %mul3A_589 : vector<16xf32>
        %mul3A_591 = arith.mulf %mul3A_584, %get3A_534 : vector<16xf32>
        %add3A_592 = arith.addf %scan3A_509, %mul3A_591 : vector<16xf32>
        %mul3A_593 = arith.mulf %mul3A_584, %get3A_539 : vector<16xf32>
        %add3A_594 = arith.addf %scan3A_510, %mul3A_593 : vector<16xf32>
        %mul3A_595 = arith.mulf %mul3A_584, %get3A_544 : vector<16xf32>
        %add3A_596 = arith.addf %scan3A_511, %mul3A_595 : vector<16xf32>
        %mul3A_597 = arith.mulf %mul3A_584, %get3A_549 : vector<16xf32>
        %add3A_598 = arith.addf %scan3A_512, %mul3A_597 : vector<16xf32>
        %mul3A_599 = arith.mulf %mul3A_584, %get3A_554 : vector<16xf32>
        %add3A_600 = arith.addf %scan3A_513, %mul3A_599 : vector<16xf32>
        %add3A_601 = arith.addf %scan3A_514, %reduce_sum3A_572 : f32
        %scan3A_602 = arith.constant 1 : i32
        %scan3A_603 = arith.addi %scan3A_505, %scan3A_602 : i32
        %add3A_604 = arith.constant 16 : i32
        %add3A_605 = arith.addi %add3A_604, %scan3A_603 : i32
        %get3A_606 = arith.index_cast %add3A_605 : i32 to index
        %get3A_607 = arith.constant 0 : index
        %get3A_608 = tpu.vector_load %arg9[%get3A_606, %get3A_607] {strides = array<i32>} : memref<33x128xf32, #tpu.memory_space<vmem>>, vector<16xf32>,
        %add3A_609 = arith.constant 16 : i32
        %add3A_610 = arith.addi %add3A_609, %scan3A_603 : i32
        %get3A_611 = arith.index_cast %add3A_610 : i32 to index
        %get3A_612 = arith.constant 16 : index
        %get3A_613 = tpu.vector_load %arg9[%get3A_611, %get3A_612] {strides = array<i32>} : memref<33x128xf32, #tpu.memory_space<vmem>>, vector<16xf32>,
        %add3A_614 = arith.constant 16 : i32
        %add3A_615 = arith.addi %add3A_614, %scan3A_603 : i32
        %get3A_616 = arith.index_cast %add3A_615 : i32 to index
        %get3A_617 = arith.constant 32 : index
        %get3A_618 = tpu.vector_load %arg9[%get3A_616, %get3A_617] {strides = array<i32>} : memref<33x128xf32, #tpu.memory_space<vmem>>, vector<16xf32>,
        %add3A_619 = arith.constant 16 : i32
        %add3A_620 = arith.addi %add3A_619, %scan3A_603 : i32
        %get3A_621 = arith.index_cast %add3A_620 : i32 to index
        %get3A_622 = arith.constant 48 : index
        %get3A_623 = tpu.vector_load %arg9[%get3A_621, %get3A_622] {strides = array<i32>} : memref<33x128xf32, #tpu.memory_space<vmem>>, vector<16xf32>,
        %add3A_624 = arith.constant 16 : i32
        %add3A_625 = arith.addi %add3A_624, %scan3A_603 : i32
        %get3A_626 = arith.index_cast %add3A_625 : i32 to index
        %get3A_627 = arith.constant 64 : index
        %get3A_628 = tpu.vector_load %arg9[%get3A_626, %get3A_627] {strides = array<i32>} : memref<33x128xf32, #tpu.memory_space<vmem>>, vector<16xf32>,
        %add3A_629 = arith.constant 16 : i32
        %add3A_630 = arith.addi %add3A_629, %scan3A_603 : i32
        %get3A_631 = arith.index_cast %add3A_630 : i32 to index
        %get3A_632 = arith.constant 80 : index
        %get3A_633 = tpu.vector_load %arg9[%get3A_631, %get3A_632] {strides = array<i32>} : memref<33x128xf32, #tpu.memory_space<vmem>>, vector<16xf32>,
        %add3A_634 = arith.constant 16 : i32
        %add3A_635 = arith.addi %add3A_634, %scan3A_603 : i32
        %get3A_636 = arith.index_cast %add3A_635 : i32 to index
        %get3A_637 = arith.constant 96 : index
        %get3A_638 = tpu.vector_load %arg9[%get3A_636, %get3A_637] {strides = array<i32>} : memref<33x128xf32, #tpu.memory_space<vmem>>, vector<16xf32>,
        %add3A_639 = arith.constant 16 : i32
        %add3A_640 = arith.addi %add3A_639, %scan3A_603 : i32
        %get3A_641 = arith.index_cast %add3A_640 : i32 to index
        %get3A_642 = arith.constant 112 : index
        %get3A_643 = tpu.vector_load %arg9[%get3A_641, %get3A_642] {strides = array<i32>} : memref<33x128xf32, #tpu.memory_space<vmem>>, vector<16xf32>,
        %mul3A_644 = arith.mulf %get3A_608, %get3A_50 : vector<16xf32>
        %mul3A_645 = arith.mulf %get3A_613, %get3A_54 : vector<16xf32>
        %add3A_646 = arith.addf %mul3A_644, %mul3A_645 : vector<16xf32>
        %mul3A_647 = arith.mulf %get3A_618, %get3A_58 : vector<16xf32>
        %add3A_648 = arith.addf %add3A_646, %mul3A_647 : vector<16xf32>
        %mul3A_649 = arith.mulf %get3A_623, %get3A_62 : vector<16xf32>
        %add3A_650 = arith.addf %add3A_648, %mul3A_649 : vector<16xf32>
        %mul3A_651 = arith.mulf %get3A_628, %get3A_66 : vector<16xf32>
        %add3A_652 = arith.addf %add3A_650, %mul3A_651 : vector<16xf32>
        %mul3A_653 = arith.mulf %get3A_633, %get3A_70 : vector<16xf32>
        %add3A_654 = arith.addf %add3A_652, %mul3A_653 : vector<16xf32>
        %mul3A_655 = arith.mulf %get3A_638, %get3A_74 : vector<16xf32>
        %add3A_656 = arith.addf %add3A_654, %mul3A_655 : vector<16xf32>
        %mul3A_657 = arith.mulf %get3A_643, %get3A_78 : vector<16xf32>
        %add3A_658 = arith.addf %add3A_656, %mul3A_657 : vector<16xf32>
        %reduce_sum3A_659 = arith.constant true
        %reduce_sum3A_660 = vector.broadcast %reduce_sum3A_659 : i1 to vector<16xi1>
        %reduce_sum3A_661 = tpu.scan <sum>, %add3A_658 masked %reduce_sum3A_660 : vector<16xf32>, vector<16xi1> -> vector<16xf32>
        %reduce_sum3A_662 = vector.extract %reduce_sum3A_661[15] : f32 from vector<16xf32>
        %broadcast_in_dim3A_663 = vector.broadcast %scan3A_603 : i32 to vector<16xi32>
        %lt3A_664 = arith.constant 0 : i32
        %lt3A_665 = vector.broadcast %lt3A_664 : i32 to vector<16xi32>
        %lt3A_666 = arith.cmpi slt, %broadcast_in_dim3A_663, %lt3A_665 : vector<16xi32>
        %add3A_667 = arith.constant 16 : i32
        %add3A_668 = vector.broadcast %add3A_667 : i32 to vector<16xi32>
        %add3A_669 = arith.addi %broadcast_in_dim3A_663, %add3A_668 : vector<16xi32>
        %select_n3A_670 = arith.select %lt3A_666, %add3A_669, %broadcast_in_dim3A_663 : vector<16xi1>, vector<16xi32>
        %broadcast_in_dim3A_671 = vector.shape_cast %select_n3A_670 : vector<16xi32> to vector<16x1xi32>
        %gather3A_672 = vector.shape_cast %broadcast_in_dim3A_671 : vector<16x1xi32> to vector<16xi32>
        %gather3A_673 = tpu.dynamic_gather %gather3A_110[%gather3A_672] in [0] : vector<16xf32>, vector<16xi32> -> vector<16xf32>
        %mul3A_674 = vector.broadcast %reduce_sum3A_662 : f32 to vector<16xf32>
        %mul3A_675 = arith.mulf %mul3A_674, %gather3A_673 : vector<16xf32>
        %mul3A_676 = arith.mulf %mul3A_675, %get3A_608 : vector<16xf32>
        %add3A_677 = arith.addf %add3A_586, %mul3A_676 : vector<16xf32>
        %mul3A_678 = arith.mulf %mul3A_675, %get3A_613 : vector<16xf32>
        %add3A_679 = arith.addf %add3A_588, %mul3A_678 : vector<16xf32>
        %mul3A_680 = arith.mulf %mul3A_675, %get3A_618 : vector<16xf32>
        %add3A_681 = arith.addf %add3A_590, %mul3A_680 : vector<16xf32>
        %mul3A_682 = arith.mulf %mul3A_675, %get3A_623 : vector<16xf32>
        %add3A_683 = arith.addf %add3A_592, %mul3A_682 : vector<16xf32>
        %mul3A_684 = arith.mulf %mul3A_675, %get3A_628 : vector<16xf32>
        %add3A_685 = arith.addf %add3A_594, %mul3A_684 : vector<16xf32>
        %mul3A_686 = arith.mulf %mul3A_675, %get3A_633 : vector<16xf32>
        %add3A_687 = arith.addf %add3A_596, %mul3A_686 : vector<16xf32>
        %mul3A_688 = arith.mulf %mul3A_675, %get3A_638 : vector<16xf32>
        %add3A_689 = arith.addf %add3A_598, %mul3A_688 : vector<16xf32>
        %mul3A_690 = arith.mulf %mul3A_675, %get3A_643 : vector<16xf32>
        %add3A_691 = arith.addf %add3A_600, %mul3A_690 : vector<16xf32>
        %add3A_692 = arith.addf %add3A_601, %reduce_sum3A_662 : f32
        scf.yield %add3A_677, %add3A_679, %add3A_681, %add3A_683, %add3A_685, %add3A_687, %add3A_689, %add3A_691, %add3A_692 : vector<16xf32>, vector<16xf32>, vector<16xf32>, vector<16xf32>, vector<16xf32>, vector<16xf32>, vector<16xf32>, vector<16xf32>, f32
      }
      %scan3A_116 = arith.constant 16 : i32
      %swap3A_117 = arith.index_cast %add3A_36 : i32 to index
      %swap3A_118 = arith.constant 0 : index
      %swap3A_119 = tpu.vector_load %arg13[%swap3A_117, %swap3A_118] {strides = array<i32>} : memref<320x128xf32, #tpu.memory_space<vmem>>, vector<16xf32>,
      tpu.vector_store %arg13[%swap3A_117, %swap3A_118], %scan3A_115#0 {strides = array<i32>} : memref<320x128xf32, #tpu.memory_space<vmem>>, vector<16xf32>,
      %swap3A_120 = arith.index_cast %add3A_36 : i32 to index
      %swap3A_121 = arith.constant 16 : index
      %swap3A_122 = tpu.vector_load %arg13[%swap3A_120, %swap3A_121] {strides = array<i32>} : memref<320x128xf32, #tpu.memory_space<vmem>>, vector<16xf32>,
      tpu.vector_store %arg13[%swap3A_120, %swap3A_121], %scan3A_115#1 {strides = array<i32>} : memref<320x128xf32, #tpu.memory_space<vmem>>, vector<16xf32>,
      %swap3A_123 = arith.index_cast %add3A_36 : i32 to index
      %swap3A_124 = arith.constant 32 : index
      %swap3A_125 = tpu.vector_load %arg13[%swap3A_123, %swap3A_124] {strides = array<i32>} : memref<320x128xf32, #tpu.memory_space<vmem>>, vector<16xf32>,
      tpu.vector_store %arg13[%swap3A_123, %swap3A_124], %scan3A_115#2 {strides = array<i32>} : memref<320x128xf32, #tpu.memory_space<vmem>>, vector<16xf32>,
      %swap3A_126 = arith.index_cast %add3A_36 : i32 to index
      %swap3A_127 = arith.constant 48 : index
      %swap3A_128 = tpu.vector_load %arg13[%swap3A_126, %swap3A_127] {strides = array<i32>} : memref<320x128xf32, #tpu.memory_space<vmem>>, vector<16xf32>,
      tpu.vector_store %arg13[%swap3A_126, %swap3A_127], %scan3A_115#3 {strides = array<i32>} : memref<320x128xf32, #tpu.memory_space<vmem>>, vector<16xf32>,
      %swap3A_129 = arith.index_cast %add3A_36 : i32 to index
      %swap3A_130 = arith.constant 64 : index
      %swap3A_131 = tpu.vector_load %arg13[%swap3A_129, %swap3A_130] {strides = array<i32>} : memref<320x128xf32, #tpu.memory_space<vmem>>, vector<16xf32>,
      tpu.vector_store %arg13[%swap3A_129, %swap3A_130], %scan3A_115#4 {strides = array<i32>} : memref<320x128xf32, #tpu.memory_space<vmem>>, vector<16xf32>,
      %swap3A_132 = arith.index_cast %add3A_36 : i32 to index
      %swap3A_133 = arith.constant 80 : index
      %swap3A_134 = tpu.vector_load %arg13[%swap3A_132, %swap3A_133] {strides = array<i32>} : memref<320x128xf32, #tpu.memory_space<vmem>>, vector<16xf32>,
      tpu.vector_store %arg13[%swap3A_132, %swap3A_133], %scan3A_115#5 {strides = array<i32>} : memref<320x128xf32, #tpu.memory_space<vmem>>, vector<16xf32>,
      %swap3A_135 = arith.index_cast %add3A_36 : i32 to index
      %swap3A_136 = arith.constant 96 : index
      %swap3A_137 = tpu.vector_load %arg13[%swap3A_135, %swap3A_136] {strides = array<i32>} : memref<320x128xf32, #tpu.memory_space<vmem>>, vector<16xf32>,
      tpu.vector_store %arg13[%swap3A_135, %swap3A_136], %scan3A_115#6 {strides = array<i32>} : memref<320x128xf32, #tpu.memory_space<vmem>>, vector<16xf32>,
      %swap3A_138 = arith.index_cast %add3A_36 : i32 to index
      %swap3A_139 = arith.constant 112 : index
      %swap3A_140 = tpu.vector_load %arg13[%swap3A_138, %swap3A_139] {strides = array<i32>} : memref<320x128xf32, #tpu.memory_space<vmem>>, vector<16xf32>,
      tpu.vector_store %arg13[%swap3A_138, %swap3A_139], %scan3A_115#7 {strides = array<i32>} : memref<320x128xf32, #tpu.memory_space<vmem>>, vector<16xf32>,
      %broadcast_in_dim3A_141 = vector.broadcast %add3A_36 : i32 to vector<16xi32>
      %broadcast_in_dim3A_142 = vector.broadcast %scan3A_115#8 : f32 to vector<16xf32>
      %eq3A = arith.constant 0 : i32
      %eq3A_143 = vector.broadcast %eq3A : i32 to vector<16xi32>
      %eq3A_144 = arith.cmpi eq, %iota3A, %eq3A_143 : vector<16xi32>
      tpu.vector_store_idx %arg14[%broadcast_in_dim3A_141], %broadcast_in_dim3A_142 masked %eq3A_144 : memref<320xf32, #tpu.memory_space<vmem>>[vector<16xi32>], vector<16xf32>, vector<16xi1>
      %mul3A_145 = arith.constant 4 : i32
      %mul3A_146 = arith.muli %scan3A_32, %mul3A_145 : i32
      %add3A_147 = arith.constant 1 : i32
      %add3A_148 = arith.addi %mul3A_146, %add3A_147 : i32
      %dma_wait3A_149 = arith.constant 0 : i32
      %dma_wait3A_150 = tpu.memref_slice %arg7[%dma_wait3A_149] : memref<12816xi32, #tpu.memory_space<vmem>> -> memref<33xi32, #tpu.memory_space<vmem>>
      %dma_wait3A_151 = arith.constant 0 : i32
      %dma_wait3A_152 = arith.constant 0 : i32
      %dma_wait3A_153 = tpu.memref_slice %arg2[%dma_wait3A_151, %dma_wait3A_152] : memref<10240x128xf32, #tpu.memory_space<hbm>> -> memref<10240x128xf32, #tpu.memory_space<hbm>>
      tpu.wait_indirect_dma semaphore(%arg16 : memref<!tpu.dma_semaphore, #tpu.memory_space<semaphore_mem>>) src(%dma_wait3A_153 : memref<10240x128xf32, #tpu.memory_space<hbm>>) dst(%arg10 : memref<33x128xf32, #tpu.memory_space<vmem>>)
      %add3A_154 = arith.constant 4 : i32
      %add3A_155 = arith.addi %add3A_148, %add3A_154 : i32
      %sub3A_156 = arith.constant 1 : i32
      %sub3A_157 = arith.subi %add3A_155, %sub3A_156 : i32
      %lt3A_158 = arith.constant 320 : i32
      %lt3A_159 = arith.cmpi slt, %sub3A_157, %lt3A_158 : i32
      %convert_element_type3A_160 = arith.extui %lt3A_159 : i1 to i32
      %cond3A_161 = arith.constant 0 : i32
      %cond3A_162 = arith.cmpi ne, %convert_element_type3A_160, %cond3A_161 : i32
      scf.if %cond3A_162 {
        %add3A_505 = arith.constant 4 : i32
        %add3A_506 = arith.addi %add3A_148, %add3A_505 : i32
        %sub3A_507 = arith.constant 1 : i32
        %sub3A_508 = arith.subi %add3A_506, %sub3A_507 : i32
        %mul3A_509 = arith.constant 40 : i32
        %mul3A_510 = arith.muli %sub3A_508, %mul3A_509 : i32
        %dma_start3A_511 = tpu.memref_slice %arg7[%mul3A_510] : memref<12816xi32, #tpu.memory_space<vmem>> -> memref<33xi32, #tpu.memory_space<vmem>>
        %dma_start3A_512 = arith.constant 0 : i32
        %dma_start3A_513 = arith.constant 0 : i32
        %dma_start3A_514 = tpu.memref_slice %arg2[%dma_start3A_512, %dma_start3A_513] : memref<10240x128xf32, #tpu.memory_space<hbm>> -> memref<10240x128xf32, #tpu.memory_space<hbm>>
        tpu.enqueue_indirect_dma source(%dma_start3A_514 : memref<10240x128xf32, #tpu.memory_space<hbm>>) target(%arg9 : memref<33x128xf32, #tpu.memory_space<vmem>>) offsets(%dma_start3A_511 : memref<33xi32, #tpu.memory_space<vmem>>) semaphore(%arg15 : memref<!tpu.dma_semaphore, #tpu.memory_space<semaphore_mem>>)
      } else {
      }
      %mul3A_163 = arith.constant 40 : i32
      %mul3A_164 = arith.muli %add3A_148, %mul3A_163 : i32
      %get3A_165 = arith.constant 32 : i32
      %get3A_166 = arith.index_cast %get3A_165 : i32 to index
      %get3A_167 = arith.constant 0 : index
      %get3A_168 = tpu.vector_load %arg10[%get3A_166, %get3A_167] {strides = array<i32>} : memref<33x128xf32, #tpu.memory_space<vmem>>, vector<16xf32>,
      %get3A_169 = arith.constant 32 : i32
      %get3A_170 = arith.index_cast %get3A_169 : i32 to index
      %get3A_171 = arith.constant 16 : index
      %get3A_172 = tpu.vector_load %arg10[%get3A_170, %get3A_171] {strides = array<i32>} : memref<33x128xf32, #tpu.memory_space<vmem>>, vector<16xf32>,
      %get3A_173 = arith.constant 32 : i32
      %get3A_174 = arith.index_cast %get3A_173 : i32 to index
      %get3A_175 = arith.constant 32 : index
      %get3A_176 = tpu.vector_load %arg10[%get3A_174, %get3A_175] {strides = array<i32>} : memref<33x128xf32, #tpu.memory_space<vmem>>, vector<16xf32>,
      %get3A_177 = arith.constant 32 : i32
      %get3A_178 = arith.index_cast %get3A_177 : i32 to index
      %get3A_179 = arith.constant 48 : index
      %get3A_180 = tpu.vector_load %arg10[%get3A_178, %get3A_179] {strides = array<i32>} : memref<33x128xf32, #tpu.memory_space<vmem>>, vector<16xf32>,
      %get3A_181 = arith.constant 32 : i32
      %get3A_182 = arith.index_cast %get3A_181 : i32 to index
      %get3A_183 = arith.constant 64 : index
      %get3A_184 = tpu.vector_load %arg10[%get3A_182, %get3A_183] {strides = array<i32>} : memref<33x128xf32, #tpu.memory_space<vmem>>, vector<16xf32>,
      %get3A_185 = arith.constant 32 : i32
      %get3A_186 = arith.index_cast %get3A_185 : i32 to index
      %get3A_187 = arith.constant 80 : index
      %get3A_188 = tpu.vector_load %arg10[%get3A_186, %get3A_187] {strides = array<i32>} : memref<33x128xf32, #tpu.memory_space<vmem>>, vector<16xf32>,
      %get3A_189 = arith.constant 32 : i32
      %get3A_190 = arith.index_cast %get3A_189 : i32 to index
      %get3A_191 = arith.constant 96 : index
      %get3A_192 = tpu.vector_load %arg10[%get3A_190, %get3A_191] {strides = array<i32>} : memref<33x128xf32, #tpu.memory_space<vmem>>, vector<16xf32>,
      %get3A_193 = arith.constant 32 : i32
      %get3A_194 = arith.index_cast %get3A_193 : i32 to index
      %get3A_195 = arith.constant 112 : index
      %get3A_196 = tpu.vector_load %arg10[%get3A_194, %get3A_195] {strides = array<i32>} : memref<33x128xf32, #tpu.memory_space<vmem>>, vector<16xf32>,
      %broadcast_in_dim3A_197 = arith.constant 0.000000e+00 : f32
      %broadcast_in_dim3A_198 = vector.broadcast %broadcast_in_dim3A_197 : f32 to vector<16xf32>
      %broadcast_in_dim3A_199 = arith.constant 0.000000e+00 : f32
      %broadcast_in_dim3A_200 = vector.broadcast %broadcast_in_dim3A_199 : f32 to vector<16xf32>
      %broadcast_in_dim3A_201 = arith.constant 0.000000e+00 : f32
      %broadcast_in_dim3A_202 = vector.broadcast %broadcast_in_dim3A_201 : f32 to vector<16xf32>
      %broadcast_in_dim3A_203 = arith.constant 0.000000e+00 : f32
      %broadcast_in_dim3A_204 = vector.broadcast %broadcast_in_dim3A_203 : f32 to vector<16xf32>
      %broadcast_in_dim3A_205 = arith.constant 0.000000e+00 : f32
      %broadcast_in_dim3A_206 = vector.broadcast %broadcast_in_dim3A_205 : f32 to vector<16xf32>
      %broadcast_in_dim3A_207 = arith.constant 0.000000e+00 : f32
      %broadcast_in_dim3A_208 = vector.broadcast %broadcast_in_dim3A_207 : f32 to vector<16xf32>
      %broadcast_in_dim3A_209 = arith.constant 0.000000e+00 : f32
      %broadcast_in_dim3A_210 = vector.broadcast %broadcast_in_dim3A_209 : f32 to vector<16xf32>
      %broadcast_in_dim3A_211 = arith.constant 0.000000e+00 : f32
      %broadcast_in_dim3A_212 = vector.broadcast %broadcast_in_dim3A_211 : f32 to vector<16xf32>
      %add3A_213 = arith.constant 0 : i32
      %add3A_214 = arith.addi %mul3A_164, %add3A_213 : i32
      %get3A_215 = arith.index_cast %add3A_214 : i32 to index
      %get3A_216 = tpu.vector_load %arg7[%get3A_215] {strides = array<i32>} : memref<12816xi32, #tpu.memory_space<vmem>>, vector<16xi32>,
      %gather3A_217 = tpu.vector_load_idx %arg8[%get3A_216] : memref<10240xf32, #tpu.memory_space<vmem>>[vector<16xi32>], vector<16xf32>,
      %scan3A_218 = arith.constant 0.000000e+00 : f32
      %scan3A_219 = arith.constant 0 : i32
      %scan3A_220 = arith.constant 16 : i32
      %scan3A_221 = arith.addi %scan3A_219, %scan3A_220 : i32
      %scan3A_222 = arith.constant 2 : i32
      %scan3A_223:9 = scf.for %scan3A_505 = %scan3A_219 to %scan3A_221 step %scan3A_222 iter_args(%scan3A_506 = %broadcast_in_dim3A_198, %scan3A_507 = %broadcast_in_dim3A_200, %scan3A_508 = %broadcast_in_dim3A_202, %scan3A_509 = %broadcast_in_dim3A_204, %scan3A_510 = %broadcast_in_dim3A_206, %scan3A_511 = %broadcast_in_dim3A_208, %scan3A_512 = %broadcast_in_dim3A_210, %scan3A_513 = %broadcast_in_dim3A_212, %scan3A_514 = %scan3A_218) -> (vector<16xf32>, vector<16xf32>, vector<16xf32>, vector<16xf32>, vector<16xf32>, vector<16xf32>, vector<16xf32>, vector<16xf32>, f32)  : i32 {
        %add3A_515 = arith.constant 0 : i32
        %add3A_516 = arith.addi %add3A_515, %scan3A_505 : i32
        %get3A_517 = arith.index_cast %add3A_516 : i32 to index
        %get3A_518 = arith.constant 0 : index
        %get3A_519 = tpu.vector_load %arg10[%get3A_517, %get3A_518] {strides = array<i32>} : memref<33x128xf32, #tpu.memory_space<vmem>>, vector<16xf32>,
        %add3A_520 = arith.constant 0 : i32
        %add3A_521 = arith.addi %add3A_520, %scan3A_505 : i32
        %get3A_522 = arith.index_cast %add3A_521 : i32 to index
        %get3A_523 = arith.constant 16 : index
        %get3A_524 = tpu.vector_load %arg10[%get3A_522, %get3A_523] {strides = array<i32>} : memref<33x128xf32, #tpu.memory_space<vmem>>, vector<16xf32>,
        %add3A_525 = arith.constant 0 : i32
        %add3A_526 = arith.addi %add3A_525, %scan3A_505 : i32
        %get3A_527 = arith.index_cast %add3A_526 : i32 to index
        %get3A_528 = arith.constant 32 : index
        %get3A_529 = tpu.vector_load %arg10[%get3A_527, %get3A_528] {strides = array<i32>} : memref<33x128xf32, #tpu.memory_space<vmem>>, vector<16xf32>,
        %add3A_530 = arith.constant 0 : i32
        %add3A_531 = arith.addi %add3A_530, %scan3A_505 : i32
        %get3A_532 = arith.index_cast %add3A_531 : i32 to index
        %get3A_533 = arith.constant 48 : index
        %get3A_534 = tpu.vector_load %arg10[%get3A_532, %get3A_533] {strides = array<i32>} : memref<33x128xf32, #tpu.memory_space<vmem>>, vector<16xf32>,
        %add3A_535 = arith.constant 0 : i32
        %add3A_536 = arith.addi %add3A_535, %scan3A_505 : i32
        %get3A_537 = arith.index_cast %add3A_536 : i32 to index
        %get3A_538 = arith.constant 64 : index
        %get3A_539 = tpu.vector_load %arg10[%get3A_537, %get3A_538] {strides = array<i32>} : memref<33x128xf32, #tpu.memory_space<vmem>>, vector<16xf32>,
        %add3A_540 = arith.constant 0 : i32
        %add3A_541 = arith.addi %add3A_540, %scan3A_505 : i32
        %get3A_542 = arith.index_cast %add3A_541 : i32 to index
        %get3A_543 = arith.constant 80 : index
        %get3A_544 = tpu.vector_load %arg10[%get3A_542, %get3A_543] {strides = array<i32>} : memref<33x128xf32, #tpu.memory_space<vmem>>, vector<16xf32>,
        %add3A_545 = arith.constant 0 : i32
        %add3A_546 = arith.addi %add3A_545, %scan3A_505 : i32
        %get3A_547 = arith.index_cast %add3A_546 : i32 to index
        %get3A_548 = arith.constant 96 : index
        %get3A_549 = tpu.vector_load %arg10[%get3A_547, %get3A_548] {strides = array<i32>} : memref<33x128xf32, #tpu.memory_space<vmem>>, vector<16xf32>,
        %add3A_550 = arith.constant 0 : i32
        %add3A_551 = arith.addi %add3A_550, %scan3A_505 : i32
        %get3A_552 = arith.index_cast %add3A_551 : i32 to index
        %get3A_553 = arith.constant 112 : index
        %get3A_554 = tpu.vector_load %arg10[%get3A_552, %get3A_553] {strides = array<i32>} : memref<33x128xf32, #tpu.memory_space<vmem>>, vector<16xf32>,
        %mul3A_555 = arith.mulf %get3A_519, %get3A_168 : vector<16xf32>
        %mul3A_556 = arith.mulf %get3A_524, %get3A_172 : vector<16xf32>
        %add3A_557 = arith.addf %mul3A_555, %mul3A_556 : vector<16xf32>
        %mul3A_558 = arith.mulf %get3A_529, %get3A_176 : vector<16xf32>
        %add3A_559 = arith.addf %add3A_557, %mul3A_558 : vector<16xf32>
        %mul3A_560 = arith.mulf %get3A_534, %get3A_180 : vector<16xf32>
        %add3A_561 = arith.addf %add3A_559, %mul3A_560 : vector<16xf32>
        %mul3A_562 = arith.mulf %get3A_539, %get3A_184 : vector<16xf32>
        %add3A_563 = arith.addf %add3A_561, %mul3A_562 : vector<16xf32>
        %mul3A_564 = arith.mulf %get3A_544, %get3A_188 : vector<16xf32>
        %add3A_565 = arith.addf %add3A_563, %mul3A_564 : vector<16xf32>
        %mul3A_566 = arith.mulf %get3A_549, %get3A_192 : vector<16xf32>
        %add3A_567 = arith.addf %add3A_565, %mul3A_566 : vector<16xf32>
        %mul3A_568 = arith.mulf %get3A_554, %get3A_196 : vector<16xf32>
        %add3A_569 = arith.addf %add3A_567, %mul3A_568 : vector<16xf32>
        %reduce_sum3A = arith.constant true
        %reduce_sum3A_570 = vector.broadcast %reduce_sum3A : i1 to vector<16xi1>
        %reduce_sum3A_571 = tpu.scan <sum>, %add3A_569 masked %reduce_sum3A_570 : vector<16xf32>, vector<16xi1> -> vector<16xf32>
        %reduce_sum3A_572 = vector.extract %reduce_sum3A_571[15] : f32 from vector<16xf32>
        %broadcast_in_dim3A_573 = vector.broadcast %scan3A_505 : i32 to vector<16xi32>
        %lt3A_574 = arith.constant 0 : i32
        %lt3A_575 = vector.broadcast %lt3A_574 : i32 to vector<16xi32>
        %lt3A_576 = arith.cmpi slt, %broadcast_in_dim3A_573, %lt3A_575 : vector<16xi32>
        %add3A_577 = arith.constant 16 : i32
        %add3A_578 = vector.broadcast %add3A_577 : i32 to vector<16xi32>
        %add3A_579 = arith.addi %broadcast_in_dim3A_573, %add3A_578 : vector<16xi32>
        %select_n3A = arith.select %lt3A_576, %add3A_579, %broadcast_in_dim3A_573 : vector<16xi1>, vector<16xi32>
        %broadcast_in_dim3A_580 = vector.shape_cast %select_n3A : vector<16xi32> to vector<16x1xi32>
        %gather3A_581 = vector.shape_cast %broadcast_in_dim3A_580 : vector<16x1xi32> to vector<16xi32>
        %gather3A_582 = tpu.dynamic_gather %gather3A_217[%gather3A_581] in [0] : vector<16xf32>, vector<16xi32> -> vector<16xf32>
        %mul3A_583 = vector.broadcast %reduce_sum3A_572 : f32 to vector<16xf32>
        %mul3A_584 = arith.mulf %mul3A_583, %gather3A_582 : vector<16xf32>
        %mul3A_585 = arith.mulf %mul3A_584, %get3A_519 : vector<16xf32>
        %add3A_586 = arith.addf %scan3A_506, %mul3A_585 : vector<16xf32>
        %mul3A_587 = arith.mulf %mul3A_584, %get3A_524 : vector<16xf32>
        %add3A_588 = arith.addf %scan3A_507, %mul3A_587 : vector<16xf32>
        %mul3A_589 = arith.mulf %mul3A_584, %get3A_529 : vector<16xf32>
        %add3A_590 = arith.addf %scan3A_508, %mul3A_589 : vector<16xf32>
        %mul3A_591 = arith.mulf %mul3A_584, %get3A_534 : vector<16xf32>
        %add3A_592 = arith.addf %scan3A_509, %mul3A_591 : vector<16xf32>
        %mul3A_593 = arith.mulf %mul3A_584, %get3A_539 : vector<16xf32>
        %add3A_594 = arith.addf %scan3A_510, %mul3A_593 : vector<16xf32>
        %mul3A_595 = arith.mulf %mul3A_584, %get3A_544 : vector<16xf32>
        %add3A_596 = arith.addf %scan3A_511, %mul3A_595 : vector<16xf32>
        %mul3A_597 = arith.mulf %mul3A_584, %get3A_549 : vector<16xf32>
        %add3A_598 = arith.addf %scan3A_512, %mul3A_597 : vector<16xf32>
        %mul3A_599 = arith.mulf %mul3A_584, %get3A_554 : vector<16xf32>
        %add3A_600 = arith.addf %scan3A_513, %mul3A_599 : vector<16xf32>
        %add3A_601 = arith.addf %scan3A_514, %reduce_sum3A_572 : f32
        %scan3A_602 = arith.constant 1 : i32
        %scan3A_603 = arith.addi %scan3A_505, %scan3A_602 : i32
        %add3A_604 = arith.constant 0 : i32
        %add3A_605 = arith.addi %add3A_604, %scan3A_603 : i32
        %get3A_606 = arith.index_cast %add3A_605 : i32 to index
        %get3A_607 = arith.constant 0 : index
        %get3A_608 = tpu.vector_load %arg10[%get3A_606, %get3A_607] {strides = array<i32>} : memref<33x128xf32, #tpu.memory_space<vmem>>, vector<16xf32>,
        %add3A_609 = arith.constant 0 : i32
        %add3A_610 = arith.addi %add3A_609, %scan3A_603 : i32
        %get3A_611 = arith.index_cast %add3A_610 : i32 to index
        %get3A_612 = arith.constant 16 : index
        %get3A_613 = tpu.vector_load %arg10[%get3A_611, %get3A_612] {strides = array<i32>} : memref<33x128xf32, #tpu.memory_space<vmem>>, vector<16xf32>,
        %add3A_614 = arith.constant 0 : i32
        %add3A_615 = arith.addi %add3A_614, %scan3A_603 : i32
        %get3A_616 = arith.index_cast %add3A_615 : i32 to index
        %get3A_617 = arith.constant 32 : index
        %get3A_618 = tpu.vector_load %arg10[%get3A_616, %get3A_617] {strides = array<i32>} : memref<33x128xf32, #tpu.memory_space<vmem>>, vector<16xf32>,
        %add3A_619 = arith.constant 0 : i32
        %add3A_620 = arith.addi %add3A_619, %scan3A_603 : i32
        %get3A_621 = arith.index_cast %add3A_620 : i32 to index
        %get3A_622 = arith.constant 48 : index
        %get3A_623 = tpu.vector_load %arg10[%get3A_621, %get3A_622] {strides = array<i32>} : memref<33x128xf32, #tpu.memory_space<vmem>>, vector<16xf32>,
        %add3A_624 = arith.constant 0 : i32
        %add3A_625 = arith.addi %add3A_624, %scan3A_603 : i32
        %get3A_626 = arith.index_cast %add3A_625 : i32 to index
        %get3A_627 = arith.constant 64 : index
        %get3A_628 = tpu.vector_load %arg10[%get3A_626, %get3A_627] {strides = array<i32>} : memref<33x128xf32, #tpu.memory_space<vmem>>, vector<16xf32>,
        %add3A_629 = arith.constant 0 : i32
        %add3A_630 = arith.addi %add3A_629, %scan3A_603 : i32
        %get3A_631 = arith.index_cast %add3A_630 : i32 to index
        %get3A_632 = arith.constant 80 : index
        %get3A_633 = tpu.vector_load %arg10[%get3A_631, %get3A_632] {strides = array<i32>} : memref<33x128xf32, #tpu.memory_space<vmem>>, vector<16xf32>,
        %add3A_634 = arith.constant 0 : i32
        %add3A_635 = arith.addi %add3A_634, %scan3A_603 : i32
        %get3A_636 = arith.index_cast %add3A_635 : i32 to index
        %get3A_637 = arith.constant 96 : index
        %get3A_638 = tpu.vector_load %arg10[%get3A_636, %get3A_637] {strides = array<i32>} : memref<33x128xf32, #tpu.memory_space<vmem>>, vector<16xf32>,
        %add3A_639 = arith.constant 0 : i32
        %add3A_640 = arith.addi %add3A_639, %scan3A_603 : i32
        %get3A_641 = arith.index_cast %add3A_640 : i32 to index
        %get3A_642 = arith.constant 112 : index
        %get3A_643 = tpu.vector_load %arg10[%get3A_641, %get3A_642] {strides = array<i32>} : memref<33x128xf32, #tpu.memory_space<vmem>>, vector<16xf32>,
        %mul3A_644 = arith.mulf %get3A_608, %get3A_168 : vector<16xf32>
        %mul3A_645 = arith.mulf %get3A_613, %get3A_172 : vector<16xf32>
        %add3A_646 = arith.addf %mul3A_644, %mul3A_645 : vector<16xf32>
        %mul3A_647 = arith.mulf %get3A_618, %get3A_176 : vector<16xf32>
        %add3A_648 = arith.addf %add3A_646, %mul3A_647 : vector<16xf32>
        %mul3A_649 = arith.mulf %get3A_623, %get3A_180 : vector<16xf32>
        %add3A_650 = arith.addf %add3A_648, %mul3A_649 : vector<16xf32>
        %mul3A_651 = arith.mulf %get3A_628, %get3A_184 : vector<16xf32>
        %add3A_652 = arith.addf %add3A_650, %mul3A_651 : vector<16xf32>
        %mul3A_653 = arith.mulf %get3A_633, %get3A_188 : vector<16xf32>
        %add3A_654 = arith.addf %add3A_652, %mul3A_653 : vector<16xf32>
        %mul3A_655 = arith.mulf %get3A_638, %get3A_192 : vector<16xf32>
        %add3A_656 = arith.addf %add3A_654, %mul3A_655 : vector<16xf32>
        %mul3A_657 = arith.mulf %get3A_643, %get3A_196 : vector<16xf32>
        %add3A_658 = arith.addf %add3A_656, %mul3A_657 : vector<16xf32>
        %reduce_sum3A_659 = arith.constant true
        %reduce_sum3A_660 = vector.broadcast %reduce_sum3A_659 : i1 to vector<16xi1>
        %reduce_sum3A_661 = tpu.scan <sum>, %add3A_658 masked %reduce_sum3A_660 : vector<16xf32>, vector<16xi1> -> vector<16xf32>
        %reduce_sum3A_662 = vector.extract %reduce_sum3A_661[15] : f32 from vector<16xf32>
        %broadcast_in_dim3A_663 = vector.broadcast %scan3A_603 : i32 to vector<16xi32>
        %lt3A_664 = arith.constant 0 : i32
        %lt3A_665 = vector.broadcast %lt3A_664 : i32 to vector<16xi32>
        %lt3A_666 = arith.cmpi slt, %broadcast_in_dim3A_663, %lt3A_665 : vector<16xi32>
        %add3A_667 = arith.constant 16 : i32
        %add3A_668 = vector.broadcast %add3A_667 : i32 to vector<16xi32>
        %add3A_669 = arith.addi %broadcast_in_dim3A_663, %add3A_668 : vector<16xi32>
        %select_n3A_670 = arith.select %lt3A_666, %add3A_669, %broadcast_in_dim3A_663 : vector<16xi1>, vector<16xi32>
        %broadcast_in_dim3A_671 = vector.shape_cast %select_n3A_670 : vector<16xi32> to vector<16x1xi32>
        %gather3A_672 = vector.shape_cast %broadcast_in_dim3A_671 : vector<16x1xi32> to vector<16xi32>
        %gather3A_673 = tpu.dynamic_gather %gather3A_217[%gather3A_672] in [0] : vector<16xf32>, vector<16xi32> -> vector<16xf32>
        %mul3A_674 = vector.broadcast %reduce_sum3A_662 : f32 to vector<16xf32>
        %mul3A_675 = arith.mulf %mul3A_674, %gather3A_673 : vector<16xf32>
        %mul3A_676 = arith.mulf %mul3A_675, %get3A_608 : vector<16xf32>
        %add3A_677 = arith.addf %add3A_586, %mul3A_676 : vector<16xf32>
        %mul3A_678 = arith.mulf %mul3A_675, %get3A_613 : vector<16xf32>
        %add3A_679 = arith.addf %add3A_588, %mul3A_678 : vector<16xf32>
        %mul3A_680 = arith.mulf %mul3A_675, %get3A_618 : vector<16xf32>
        %add3A_681 = arith.addf %add3A_590, %mul3A_680 : vector<16xf32>
        %mul3A_682 = arith.mulf %mul3A_675, %get3A_623 : vector<16xf32>
        %add3A_683 = arith.addf %add3A_592, %mul3A_682 : vector<16xf32>
        %mul3A_684 = arith.mulf %mul3A_675, %get3A_628 : vector<16xf32>
        %add3A_685 = arith.addf %add3A_594, %mul3A_684 : vector<16xf32>
        %mul3A_686 = arith.mulf %mul3A_675, %get3A_633 : vector<16xf32>
        %add3A_687 = arith.addf %add3A_596, %mul3A_686 : vector<16xf32>
        %mul3A_688 = arith.mulf %mul3A_675, %get3A_638 : vector<16xf32>
        %add3A_689 = arith.addf %add3A_598, %mul3A_688 : vector<16xf32>
        %mul3A_690 = arith.mulf %mul3A_675, %get3A_643 : vector<16xf32>
        %add3A_691 = arith.addf %add3A_600, %mul3A_690 : vector<16xf32>
        %add3A_692 = arith.addf %add3A_601, %reduce_sum3A_662 : f32
        scf.yield %add3A_677, %add3A_679, %add3A_681, %add3A_683, %add3A_685, %add3A_687, %add3A_689, %add3A_691, %add3A_692 : vector<16xf32>, vector<16xf32>, vector<16xf32>, vector<16xf32>, vector<16xf32>, vector<16xf32>, vector<16xf32>, vector<16xf32>, f32
      }
      %scan3A_224 = arith.constant 16 : i32
      %add3A_225 = arith.constant 16 : i32
      %add3A_226 = arith.addi %mul3A_164, %add3A_225 : i32
      %get3A_227 = arith.index_cast %add3A_226 : i32 to index
      %get3A_228 = tpu.vector_load %arg7[%get3A_227] {strides = array<i32>} : memref<12816xi32, #tpu.memory_space<vmem>>, vector<16xi32>,
      %gather3A_229 = tpu.vector_load_idx %arg8[%get3A_228] : memref<10240xf32, #tpu.memory_space<vmem>>[vector<16xi32>], vector<16xf32>,
      %scan3A_230 = arith.constant 0 : i32
      %scan3A_231 = arith.constant 16 : i32
      %scan3A_232 = arith.addi %scan3A_230, %scan3A_231 : i32
      %scan3A_233 = arith.constant 2 : i32
      %scan3A_234:9 = scf.for %scan3A_505 = %scan3A_230 to %scan3A_232 step %scan3A_233 iter_args(%scan3A_506 = %scan3A_223#0, %scan3A_507 = %scan3A_223#1, %scan3A_508 = %scan3A_223#2, %scan3A_509 = %scan3A_223#3, %scan3A_510 = %scan3A_223#4, %scan3A_511 = %scan3A_223#5, %scan3A_512 = %scan3A_223#6, %scan3A_513 = %scan3A_223#7, %scan3A_514 = %scan3A_223#8) -> (vector<16xf32>, vector<16xf32>, vector<16xf32>, vector<16xf32>, vector<16xf32>, vector<16xf32>, vector<16xf32>, vector<16xf32>, f32)  : i32 {
        %add3A_515 = arith.constant 16 : i32
        %add3A_516 = arith.addi %add3A_515, %scan3A_505 : i32
        %get3A_517 = arith.index_cast %add3A_516 : i32 to index
        %get3A_518 = arith.constant 0 : index
        %get3A_519 = tpu.vector_load %arg10[%get3A_517, %get3A_518] {strides = array<i32>} : memref<33x128xf32, #tpu.memory_space<vmem>>, vector<16xf32>,
        %add3A_520 = arith.constant 16 : i32
        %add3A_521 = arith.addi %add3A_520, %scan3A_505 : i32
        %get3A_522 = arith.index_cast %add3A_521 : i32 to index
        %get3A_523 = arith.constant 16 : index
        %get3A_524 = tpu.vector_load %arg10[%get3A_522, %get3A_523] {strides = array<i32>} : memref<33x128xf32, #tpu.memory_space<vmem>>, vector<16xf32>,
        %add3A_525 = arith.constant 16 : i32
        %add3A_526 = arith.addi %add3A_525, %scan3A_505 : i32
        %get3A_527 = arith.index_cast %add3A_526 : i32 to index
        %get3A_528 = arith.constant 32 : index
        %get3A_529 = tpu.vector_load %arg10[%get3A_527, %get3A_528] {strides = array<i32>} : memref<33x128xf32, #tpu.memory_space<vmem>>, vector<16xf32>,
        %add3A_530 = arith.constant 16 : i32
        %add3A_531 = arith.addi %add3A_530, %scan3A_505 : i32
        %get3A_532 = arith.index_cast %add3A_531 : i32 to index
        %get3A_533 = arith.constant 48 : index
        %get3A_534 = tpu.vector_load %arg10[%get3A_532, %get3A_533] {strides = array<i32>} : memref<33x128xf32, #tpu.memory_space<vmem>>, vector<16xf32>,
        %add3A_535 = arith.constant 16 : i32
        %add3A_536 = arith.addi %add3A_535, %scan3A_505 : i32
        %get3A_537 = arith.index_cast %add3A_536 : i32 to index
        %get3A_538 = arith.constant 64 : index
        %get3A_539 = tpu.vector_load %arg10[%get3A_537, %get3A_538] {strides = array<i32>} : memref<33x128xf32, #tpu.memory_space<vmem>>, vector<16xf32>,
        %add3A_540 = arith.constant 16 : i32
        %add3A_541 = arith.addi %add3A_540, %scan3A_505 : i32
        %get3A_542 = arith.index_cast %add3A_541 : i32 to index
        %get3A_543 = arith.constant 80 : index
        %get3A_544 = tpu.vector_load %arg10[%get3A_542, %get3A_543] {strides = array<i32>} : memref<33x128xf32, #tpu.memory_space<vmem>>, vector<16xf32>,
        %add3A_545 = arith.constant 16 : i32
        %add3A_546 = arith.addi %add3A_545, %scan3A_505 : i32
        %get3A_547 = arith.index_cast %add3A_546 : i32 to index
        %get3A_548 = arith.constant 96 : index
        %get3A_549 = tpu.vector_load %arg10[%get3A_547, %get3A_548] {strides = array<i32>} : memref<33x128xf32, #tpu.memory_space<vmem>>, vector<16xf32>,
        %add3A_550 = arith.constant 16 : i32
        %add3A_551 = arith.addi %add3A_550, %scan3A_505 : i32
        %get3A_552 = arith.index_cast %add3A_551 : i32 to index
        %get3A_553 = arith.constant 112 : index
        %get3A_554 = tpu.vector_load %arg10[%get3A_552, %get3A_553] {strides = array<i32>} : memref<33x128xf32, #tpu.memory_space<vmem>>, vector<16xf32>,
        %mul3A_555 = arith.mulf %get3A_519, %get3A_168 : vector<16xf32>
        %mul3A_556 = arith.mulf %get3A_524, %get3A_172 : vector<16xf32>
        %add3A_557 = arith.addf %mul3A_555, %mul3A_556 : vector<16xf32>
        %mul3A_558 = arith.mulf %get3A_529, %get3A_176 : vector<16xf32>
        %add3A_559 = arith.addf %add3A_557, %mul3A_558 : vector<16xf32>
        %mul3A_560 = arith.mulf %get3A_534, %get3A_180 : vector<16xf32>
        %add3A_561 = arith.addf %add3A_559, %mul3A_560 : vector<16xf32>
        %mul3A_562 = arith.mulf %get3A_539, %get3A_184 : vector<16xf32>
        %add3A_563 = arith.addf %add3A_561, %mul3A_562 : vector<16xf32>
        %mul3A_564 = arith.mulf %get3A_544, %get3A_188 : vector<16xf32>
        %add3A_565 = arith.addf %add3A_563, %mul3A_564 : vector<16xf32>
        %mul3A_566 = arith.mulf %get3A_549, %get3A_192 : vector<16xf32>
        %add3A_567 = arith.addf %add3A_565, %mul3A_566 : vector<16xf32>
        %mul3A_568 = arith.mulf %get3A_554, %get3A_196 : vector<16xf32>
        %add3A_569 = arith.addf %add3A_567, %mul3A_568 : vector<16xf32>
        %reduce_sum3A = arith.constant true
        %reduce_sum3A_570 = vector.broadcast %reduce_sum3A : i1 to vector<16xi1>
        %reduce_sum3A_571 = tpu.scan <sum>, %add3A_569 masked %reduce_sum3A_570 : vector<16xf32>, vector<16xi1> -> vector<16xf32>
        %reduce_sum3A_572 = vector.extract %reduce_sum3A_571[15] : f32 from vector<16xf32>
        %broadcast_in_dim3A_573 = vector.broadcast %scan3A_505 : i32 to vector<16xi32>
        %lt3A_574 = arith.constant 0 : i32
        %lt3A_575 = vector.broadcast %lt3A_574 : i32 to vector<16xi32>
        %lt3A_576 = arith.cmpi slt, %broadcast_in_dim3A_573, %lt3A_575 : vector<16xi32>
        %add3A_577 = arith.constant 16 : i32
        %add3A_578 = vector.broadcast %add3A_577 : i32 to vector<16xi32>
        %add3A_579 = arith.addi %broadcast_in_dim3A_573, %add3A_578 : vector<16xi32>
        %select_n3A = arith.select %lt3A_576, %add3A_579, %broadcast_in_dim3A_573 : vector<16xi1>, vector<16xi32>
        %broadcast_in_dim3A_580 = vector.shape_cast %select_n3A : vector<16xi32> to vector<16x1xi32>
        %gather3A_581 = vector.shape_cast %broadcast_in_dim3A_580 : vector<16x1xi32> to vector<16xi32>
        %gather3A_582 = tpu.dynamic_gather %gather3A_229[%gather3A_581] in [0] : vector<16xf32>, vector<16xi32> -> vector<16xf32>
        %mul3A_583 = vector.broadcast %reduce_sum3A_572 : f32 to vector<16xf32>
        %mul3A_584 = arith.mulf %mul3A_583, %gather3A_582 : vector<16xf32>
        %mul3A_585 = arith.mulf %mul3A_584, %get3A_519 : vector<16xf32>
        %add3A_586 = arith.addf %scan3A_506, %mul3A_585 : vector<16xf32>
        %mul3A_587 = arith.mulf %mul3A_584, %get3A_524 : vector<16xf32>
        %add3A_588 = arith.addf %scan3A_507, %mul3A_587 : vector<16xf32>
        %mul3A_589 = arith.mulf %mul3A_584, %get3A_529 : vector<16xf32>
        %add3A_590 = arith.addf %scan3A_508, %mul3A_589 : vector<16xf32>
        %mul3A_591 = arith.mulf %mul3A_584, %get3A_534 : vector<16xf32>
        %add3A_592 = arith.addf %scan3A_509, %mul3A_591 : vector<16xf32>
        %mul3A_593 = arith.mulf %mul3A_584, %get3A_539 : vector<16xf32>
        %add3A_594 = arith.addf %scan3A_510, %mul3A_593 : vector<16xf32>
        %mul3A_595 = arith.mulf %mul3A_584, %get3A_544 : vector<16xf32>
        %add3A_596 = arith.addf %scan3A_511, %mul3A_595 : vector<16xf32>
        %mul3A_597 = arith.mulf %mul3A_584, %get3A_549 : vector<16xf32>
        %add3A_598 = arith.addf %scan3A_512, %mul3A_597 : vector<16xf32>
        %mul3A_599 = arith.mulf %mul3A_584, %get3A_554 : vector<16xf32>
        %add3A_600 = arith.addf %scan3A_513, %mul3A_599 : vector<16xf32>
        %add3A_601 = arith.addf %scan3A_514, %reduce_sum3A_572 : f32
        %scan3A_602 = arith.constant 1 : i32
        %scan3A_603 = arith.addi %scan3A_505, %scan3A_602 : i32
        %add3A_604 = arith.constant 16 : i32
        %add3A_605 = arith.addi %add3A_604, %scan3A_603 : i32
        %get3A_606 = arith.index_cast %add3A_605 : i32 to index
        %get3A_607 = arith.constant 0 : index
        %get3A_608 = tpu.vector_load %arg10[%get3A_606, %get3A_607] {strides = array<i32>} : memref<33x128xf32, #tpu.memory_space<vmem>>, vector<16xf32>,
        %add3A_609 = arith.constant 16 : i32
        %add3A_610 = arith.addi %add3A_609, %scan3A_603 : i32
        %get3A_611 = arith.index_cast %add3A_610 : i32 to index
        %get3A_612 = arith.constant 16 : index
        %get3A_613 = tpu.vector_load %arg10[%get3A_611, %get3A_612] {strides = array<i32>} : memref<33x128xf32, #tpu.memory_space<vmem>>, vector<16xf32>,
        %add3A_614 = arith.constant 16 : i32
        %add3A_615 = arith.addi %add3A_614, %scan3A_603 : i32
        %get3A_616 = arith.index_cast %add3A_615 : i32 to index
        %get3A_617 = arith.constant 32 : index
        %get3A_618 = tpu.vector_load %arg10[%get3A_616, %get3A_617] {strides = array<i32>} : memref<33x128xf32, #tpu.memory_space<vmem>>, vector<16xf32>,
        %add3A_619 = arith.constant 16 : i32
        %add3A_620 = arith.addi %add3A_619, %scan3A_603 : i32
        %get3A_621 = arith.index_cast %add3A_620 : i32 to index
        %get3A_622 = arith.constant 48 : index
        %get3A_623 = tpu.vector_load %arg10[%get3A_621, %get3A_622] {strides = array<i32>} : memref<33x128xf32, #tpu.memory_space<vmem>>, vector<16xf32>,
        %add3A_624 = arith.constant 16 : i32
        %add3A_625 = arith.addi %add3A_624, %scan3A_603 : i32
        %get3A_626 = arith.index_cast %add3A_625 : i32 to index
        %get3A_627 = arith.constant 64 : index
        %get3A_628 = tpu.vector_load %arg10[%get3A_626, %get3A_627] {strides = array<i32>} : memref<33x128xf32, #tpu.memory_space<vmem>>, vector<16xf32>,
        %add3A_629 = arith.constant 16 : i32
        %add3A_630 = arith.addi %add3A_629, %scan3A_603 : i32
        %get3A_631 = arith.index_cast %add3A_630 : i32 to index
        %get3A_632 = arith.constant 80 : index
        %get3A_633 = tpu.vector_load %arg10[%get3A_631, %get3A_632] {strides = array<i32>} : memref<33x128xf32, #tpu.memory_space<vmem>>, vector<16xf32>,
        %add3A_634 = arith.constant 16 : i32
        %add3A_635 = arith.addi %add3A_634, %scan3A_603 : i32
        %get3A_636 = arith.index_cast %add3A_635 : i32 to index
        %get3A_637 = arith.constant 96 : index
        %get3A_638 = tpu.vector_load %arg10[%get3A_636, %get3A_637] {strides = array<i32>} : memref<33x128xf32, #tpu.memory_space<vmem>>, vector<16xf32>,
        %add3A_639 = arith.constant 16 : i32
        %add3A_640 = arith.addi %add3A_639, %scan3A_603 : i32
        %get3A_641 = arith.index_cast %add3A_640 : i32 to index
        %get3A_642 = arith.constant 112 : index
        %get3A_643 = tpu.vector_load %arg10[%get3A_641, %get3A_642] {strides = array<i32>} : memref<33x128xf32, #tpu.memory_space<vmem>>, vector<16xf32>,
        %mul3A_644 = arith.mulf %get3A_608, %get3A_168 : vector<16xf32>
        %mul3A_645 = arith.mulf %get3A_613, %get3A_172 : vector<16xf32>
        %add3A_646 = arith.addf %mul3A_644, %mul3A_645 : vector<16xf32>
        %mul3A_647 = arith.mulf %get3A_618, %get3A_176 : vector<16xf32>
        %add3A_648 = arith.addf %add3A_646, %mul3A_647 : vector<16xf32>
        %mul3A_649 = arith.mulf %get3A_623, %get3A_180 : vector<16xf32>
        %add3A_650 = arith.addf %add3A_648, %mul3A_649 : vector<16xf32>
        %mul3A_651 = arith.mulf %get3A_628, %get3A_184 : vector<16xf32>
        %add3A_652 = arith.addf %add3A_650, %mul3A_651 : vector<16xf32>
        %mul3A_653 = arith.mulf %get3A_633, %get3A_188 : vector<16xf32>
        %add3A_654 = arith.addf %add3A_652, %mul3A_653 : vector<16xf32>
        %mul3A_655 = arith.mulf %get3A_638, %get3A_192 : vector<16xf32>
        %add3A_656 = arith.addf %add3A_654, %mul3A_655 : vector<16xf32>
        %mul3A_657 = arith.mulf %get3A_643, %get3A_196 : vector<16xf32>
        %add3A_658 = arith.addf %add3A_656, %mul3A_657 : vector<16xf32>
        %reduce_sum3A_659 = arith.constant true
        %reduce_sum3A_660 = vector.broadcast %reduce_sum3A_659 : i1 to vector<16xi1>
        %reduce_sum3A_661 = tpu.scan <sum>, %add3A_658 masked %reduce_sum3A_660 : vector<16xf32>, vector<16xi1> -> vector<16xf32>
        %reduce_sum3A_662 = vector.extract %reduce_sum3A_661[15] : f32 from vector<16xf32>
        %broadcast_in_dim3A_663 = vector.broadcast %scan3A_603 : i32 to vector<16xi32>
        %lt3A_664 = arith.constant 0 : i32
        %lt3A_665 = vector.broadcast %lt3A_664 : i32 to vector<16xi32>
        %lt3A_666 = arith.cmpi slt, %broadcast_in_dim3A_663, %lt3A_665 : vector<16xi32>
        %add3A_667 = arith.constant 16 : i32
        %add3A_668 = vector.broadcast %add3A_667 : i32 to vector<16xi32>
        %add3A_669 = arith.addi %broadcast_in_dim3A_663, %add3A_668 : vector<16xi32>
        %select_n3A_670 = arith.select %lt3A_666, %add3A_669, %broadcast_in_dim3A_663 : vector<16xi1>, vector<16xi32>
        %broadcast_in_dim3A_671 = vector.shape_cast %select_n3A_670 : vector<16xi32> to vector<16x1xi32>
        %gather3A_672 = vector.shape_cast %broadcast_in_dim3A_671 : vector<16x1xi32> to vector<16xi32>
        %gather3A_673 = tpu.dynamic_gather %gather3A_229[%gather3A_672] in [0] : vector<16xf32>, vector<16xi32> -> vector<16xf32>
        %mul3A_674 = vector.broadcast %reduce_sum3A_662 : f32 to vector<16xf32>
        %mul3A_675 = arith.mulf %mul3A_674, %gather3A_673 : vector<16xf32>
        %mul3A_676 = arith.mulf %mul3A_675, %get3A_608 : vector<16xf32>
        %add3A_677 = arith.addf %add3A_586, %mul3A_676 : vector<16xf32>
        %mul3A_678 = arith.mulf %mul3A_675, %get3A_613 : vector<16xf32>
        %add3A_679 = arith.addf %add3A_588, %mul3A_678 : vector<16xf32>
        %mul3A_680 = arith.mulf %mul3A_675, %get3A_618 : vector<16xf32>
        %add3A_681 = arith.addf %add3A_590, %mul3A_680 : vector<16xf32>
        %mul3A_682 = arith.mulf %mul3A_675, %get3A_623 : vector<16xf32>
        %add3A_683 = arith.addf %add3A_592, %mul3A_682 : vector<16xf32>
        %mul3A_684 = arith.mulf %mul3A_675, %get3A_628 : vector<16xf32>
        %add3A_685 = arith.addf %add3A_594, %mul3A_684 : vector<16xf32>
        %mul3A_686 = arith.mulf %mul3A_675, %get3A_633 : vector<16xf32>
        %add3A_687 = arith.addf %add3A_596, %mul3A_686 : vector<16xf32>
        %mul3A_688 = arith.mulf %mul3A_675, %get3A_638 : vector<16xf32>
        %add3A_689 = arith.addf %add3A_598, %mul3A_688 : vector<16xf32>
        %mul3A_690 = arith.mulf %mul3A_675, %get3A_643 : vector<16xf32>
        %add3A_691 = arith.addf %add3A_600, %mul3A_690 : vector<16xf32>
        %add3A_692 = arith.addf %add3A_601, %reduce_sum3A_662 : f32
        scf.yield %add3A_677, %add3A_679, %add3A_681, %add3A_683, %add3A_685, %add3A_687, %add3A_689, %add3A_691, %add3A_692 : vector<16xf32>, vector<16xf32>, vector<16xf32>, vector<16xf32>, vector<16xf32>, vector<16xf32>, vector<16xf32>, vector<16xf32>, f32
      }
      %scan3A_235 = arith.constant 16 : i32
      %swap3A_236 = arith.index_cast %add3A_148 : i32 to index
      %swap3A_237 = arith.constant 0 : index
      %swap3A_238 = tpu.vector_load %arg13[%swap3A_236, %swap3A_237] {strides = array<i32>} : memref<320x128xf32, #tpu.memory_space<vmem>>, vector<16xf32>,
      tpu.vector_store %arg13[%swap3A_236, %swap3A_237], %scan3A_234#0 {strides = array<i32>} : memref<320x128xf32, #tpu.memory_space<vmem>>, vector<16xf32>,
      %swap3A_239 = arith.index_cast %add3A_148 : i32 to index
      %swap3A_240 = arith.constant 16 : index
      %swap3A_241 = tpu.vector_load %arg13[%swap3A_239, %swap3A_240] {strides = array<i32>} : memref<320x128xf32, #tpu.memory_space<vmem>>, vector<16xf32>,
      tpu.vector_store %arg13[%swap3A_239, %swap3A_240], %scan3A_234#1 {strides = array<i32>} : memref<320x128xf32, #tpu.memory_space<vmem>>, vector<16xf32>,
      %swap3A_242 = arith.index_cast %add3A_148 : i32 to index
      %swap3A_243 = arith.constant 32 : index
      %swap3A_244 = tpu.vector_load %arg13[%swap3A_242, %swap3A_243] {strides = array<i32>} : memref<320x128xf32, #tpu.memory_space<vmem>>, vector<16xf32>,
      tpu.vector_store %arg13[%swap3A_242, %swap3A_243], %scan3A_234#2 {strides = array<i32>} : memref<320x128xf32, #tpu.memory_space<vmem>>, vector<16xf32>,
      %swap3A_245 = arith.index_cast %add3A_148 : i32 to index
      %swap3A_246 = arith.constant 48 : index
      %swap3A_247 = tpu.vector_load %arg13[%swap3A_245, %swap3A_246] {strides = array<i32>} : memref<320x128xf32, #tpu.memory_space<vmem>>, vector<16xf32>,
      tpu.vector_store %arg13[%swap3A_245, %swap3A_246], %scan3A_234#3 {strides = array<i32>} : memref<320x128xf32, #tpu.memory_space<vmem>>, vector<16xf32>,
      %swap3A_248 = arith.index_cast %add3A_148 : i32 to index
      %swap3A_249 = arith.constant 64 : index
      %swap3A_250 = tpu.vector_load %arg13[%swap3A_248, %swap3A_249] {strides = array<i32>} : memref<320x128xf32, #tpu.memory_space<vmem>>, vector<16xf32>,
      tpu.vector_store %arg13[%swap3A_248, %swap3A_249], %scan3A_234#4 {strides = array<i32>} : memref<320x128xf32, #tpu.memory_space<vmem>>, vector<16xf32>,
      %swap3A_251 = arith.index_cast %add3A_148 : i32 to index
      %swap3A_252 = arith.constant 80 : index
      %swap3A_253 = tpu.vector_load %arg13[%swap3A_251, %swap3A_252] {strides = array<i32>} : memref<320x128xf32, #tpu.memory_space<vmem>>, vector<16xf32>,
      tpu.vector_store %arg13[%swap3A_251, %swap3A_252], %scan3A_234#5 {strides = array<i32>} : memref<320x128xf32, #tpu.memory_space<vmem>>, vector<16xf32>,
      %swap3A_254 = arith.index_cast %add3A_148 : i32 to index
      %swap3A_255 = arith.constant 96 : index
      %swap3A_256 = tpu.vector_load %arg13[%swap3A_254, %swap3A_255] {strides = array<i32>} : memref<320x128xf32, #tpu.memory_space<vmem>>, vector<16xf32>,
      tpu.vector_store %arg13[%swap3A_254, %swap3A_255], %scan3A_234#6 {strides = array<i32>} : memref<320x128xf32, #tpu.memory_space<vmem>>, vector<16xf32>,
      %swap3A_257 = arith.index_cast %add3A_148 : i32 to index
      %swap3A_258 = arith.constant 112 : index
      %swap3A_259 = tpu.vector_load %arg13[%swap3A_257, %swap3A_258] {strides = array<i32>} : memref<320x128xf32, #tpu.memory_space<vmem>>, vector<16xf32>,
      tpu.vector_store %arg13[%swap3A_257, %swap3A_258], %scan3A_234#7 {strides = array<i32>} : memref<320x128xf32, #tpu.memory_space<vmem>>, vector<16xf32>,
      %broadcast_in_dim3A_260 = vector.broadcast %add3A_148 : i32 to vector<16xi32>
      %broadcast_in_dim3A_261 = vector.broadcast %scan3A_234#8 : f32 to vector<16xf32>
      %eq3A_262 = arith.constant 0 : i32
      %eq3A_263 = vector.broadcast %eq3A_262 : i32 to vector<16xi32>
      %eq3A_264 = arith.cmpi eq, %iota3A, %eq3A_263 : vector<16xi32>
      tpu.vector_store_idx %arg14[%broadcast_in_dim3A_260], %broadcast_in_dim3A_261 masked %eq3A_264 : memref<320xf32, #tpu.memory_space<vmem>>[vector<16xi32>], vector<16xf32>, vector<16xi1>
      %mul3A_265 = arith.constant 4 : i32
      %mul3A_266 = arith.muli %scan3A_32, %mul3A_265 : i32
      %add3A_267 = arith.constant 2 : i32
      %add3A_268 = arith.addi %mul3A_266, %add3A_267 : i32
      %dma_wait3A_269 = arith.constant 0 : i32
      %dma_wait3A_270 = tpu.memref_slice %arg7[%dma_wait3A_269] : memref<12816xi32, #tpu.memory_space<vmem>> -> memref<33xi32, #tpu.memory_space<vmem>>
      %dma_wait3A_271 = arith.constant 0 : i32
      %dma_wait3A_272 = arith.constant 0 : i32
      %dma_wait3A_273 = tpu.memref_slice %arg2[%dma_wait3A_271, %dma_wait3A_272] : memref<10240x128xf32, #tpu.memory_space<hbm>> -> memref<10240x128xf32, #tpu.memory_space<hbm>>
      tpu.wait_indirect_dma semaphore(%arg17 : memref<!tpu.dma_semaphore, #tpu.memory_space<semaphore_mem>>) src(%dma_wait3A_273 : memref<10240x128xf32, #tpu.memory_space<hbm>>) dst(%arg11 : memref<33x128xf32, #tpu.memory_space<vmem>>)
      %add3A_274 = arith.constant 4 : i32
      %add3A_275 = arith.addi %add3A_268, %add3A_274 : i32
      %sub3A_276 = arith.constant 1 : i32
      %sub3A_277 = arith.subi %add3A_275, %sub3A_276 : i32
      %lt3A_278 = arith.constant 320 : i32
      %lt3A_279 = arith.cmpi slt, %sub3A_277, %lt3A_278 : i32
      %convert_element_type3A_280 = arith.extui %lt3A_279 : i1 to i32
      %cond3A_281 = arith.constant 0 : i32
      %cond3A_282 = arith.cmpi ne, %convert_element_type3A_280, %cond3A_281 : i32
      scf.if %cond3A_282 {
        %add3A_505 = arith.constant 4 : i32
        %add3A_506 = arith.addi %add3A_268, %add3A_505 : i32
        %sub3A_507 = arith.constant 1 : i32
        %sub3A_508 = arith.subi %add3A_506, %sub3A_507 : i32
        %mul3A_509 = arith.constant 40 : i32
        %mul3A_510 = arith.muli %sub3A_508, %mul3A_509 : i32
        %dma_start3A_511 = tpu.memref_slice %arg7[%mul3A_510] : memref<12816xi32, #tpu.memory_space<vmem>> -> memref<33xi32, #tpu.memory_space<vmem>>
        %dma_start3A_512 = arith.constant 0 : i32
        %dma_start3A_513 = arith.constant 0 : i32
        %dma_start3A_514 = tpu.memref_slice %arg2[%dma_start3A_512, %dma_start3A_513] : memref<10240x128xf32, #tpu.memory_space<hbm>> -> memref<10240x128xf32, #tpu.memory_space<hbm>>
        tpu.enqueue_indirect_dma source(%dma_start3A_514 : memref<10240x128xf32, #tpu.memory_space<hbm>>) target(%arg10 : memref<33x128xf32, #tpu.memory_space<vmem>>) offsets(%dma_start3A_511 : memref<33xi32, #tpu.memory_space<vmem>>) semaphore(%arg16 : memref<!tpu.dma_semaphore, #tpu.memory_space<semaphore_mem>>)
      } else {
      }
      %mul3A_283 = arith.constant 40 : i32
      %mul3A_284 = arith.muli %add3A_268, %mul3A_283 : i32
      %get3A_285 = arith.constant 32 : i32
      %get3A_286 = arith.index_cast %get3A_285 : i32 to index
      %get3A_287 = arith.constant 0 : index
      %get3A_288 = tpu.vector_load %arg11[%get3A_286, %get3A_287] {strides = array<i32>} : memref<33x128xf32, #tpu.memory_space<vmem>>, vector<16xf32>,
      %get3A_289 = arith.constant 32 : i32
      %get3A_290 = arith.index_cast %get3A_289 : i32 to index
      %get3A_291 = arith.constant 16 : index
      %get3A_292 = tpu.vector_load %arg11[%get3A_290, %get3A_291] {strides = array<i32>} : memref<33x128xf32, #tpu.memory_space<vmem>>, vector<16xf32>,
      %get3A_293 = arith.constant 32 : i32
      %get3A_294 = arith.index_cast %get3A_293 : i32 to index
      %get3A_295 = arith.constant 32 : index
      %get3A_296 = tpu.vector_load %arg11[%get3A_294, %get3A_295] {strides = array<i32>} : memref<33x128xf32, #tpu.memory_space<vmem>>, vector<16xf32>,
      %get3A_297 = arith.constant 32 : i32
      %get3A_298 = arith.index_cast %get3A_297 : i32 to index
      %get3A_299 = arith.constant 48 : index
      %get3A_300 = tpu.vector_load %arg11[%get3A_298, %get3A_299] {strides = array<i32>} : memref<33x128xf32, #tpu.memory_space<vmem>>, vector<16xf32>,
      %get3A_301 = arith.constant 32 : i32
      %get3A_302 = arith.index_cast %get3A_301 : i32 to index
      %get3A_303 = arith.constant 64 : index
      %get3A_304 = tpu.vector_load %arg11[%get3A_302, %get3A_303] {strides = array<i32>} : memref<33x128xf32, #tpu.memory_space<vmem>>, vector<16xf32>,
      %get3A_305 = arith.constant 32 : i32
      %get3A_306 = arith.index_cast %get3A_305 : i32 to index
      %get3A_307 = arith.constant 80 : index
      %get3A_308 = tpu.vector_load %arg11[%get3A_306, %get3A_307] {strides = array<i32>} : memref<33x128xf32, #tpu.memory_space<vmem>>, vector<16xf32>,
      %get3A_309 = arith.constant 32 : i32
      %get3A_310 = arith.index_cast %get3A_309 : i32 to index
      %get3A_311 = arith.constant 96 : index
      %get3A_312 = tpu.vector_load %arg11[%get3A_310, %get3A_311] {strides = array<i32>} : memref<33x128xf32, #tpu.memory_space<vmem>>, vector<16xf32>,
      %get3A_313 = arith.constant 32 : i32
      %get3A_314 = arith.index_cast %get3A_313 : i32 to index
      %get3A_315 = arith.constant 112 : index
      %get3A_316 = tpu.vector_load %arg11[%get3A_314, %get3A_315] {strides = array<i32>} : memref<33x128xf32, #tpu.memory_space<vmem>>, vector<16xf32>,
      %broadcast_in_dim3A_317 = arith.constant 0.000000e+00 : f32
      %broadcast_in_dim3A_318 = vector.broadcast %broadcast_in_dim3A_317 : f32 to vector<16xf32>
      %broadcast_in_dim3A_319 = arith.constant 0.000000e+00 : f32
      %broadcast_in_dim3A_320 = vector.broadcast %broadcast_in_dim3A_319 : f32 to vector<16xf32>
      %broadcast_in_dim3A_321 = arith.constant 0.000000e+00 : f32
      %broadcast_in_dim3A_322 = vector.broadcast %broadcast_in_dim3A_321 : f32 to vector<16xf32>
      %broadcast_in_dim3A_323 = arith.constant 0.000000e+00 : f32
      %broadcast_in_dim3A_324 = vector.broadcast %broadcast_in_dim3A_323 : f32 to vector<16xf32>
      %broadcast_in_dim3A_325 = arith.constant 0.000000e+00 : f32
      %broadcast_in_dim3A_326 = vector.broadcast %broadcast_in_dim3A_325 : f32 to vector<16xf32>
      %broadcast_in_dim3A_327 = arith.constant 0.000000e+00 : f32
      %broadcast_in_dim3A_328 = vector.broadcast %broadcast_in_dim3A_327 : f32 to vector<16xf32>
      %broadcast_in_dim3A_329 = arith.constant 0.000000e+00 : f32
      %broadcast_in_dim3A_330 = vector.broadcast %broadcast_in_dim3A_329 : f32 to vector<16xf32>
      %broadcast_in_dim3A_331 = arith.constant 0.000000e+00 : f32
      %broadcast_in_dim3A_332 = vector.broadcast %broadcast_in_dim3A_331 : f32 to vector<16xf32>
      %add3A_333 = arith.constant 0 : i32
      %add3A_334 = arith.addi %mul3A_284, %add3A_333 : i32
      %get3A_335 = arith.index_cast %add3A_334 : i32 to index
      %get3A_336 = tpu.vector_load %arg7[%get3A_335] {strides = array<i32>} : memref<12816xi32, #tpu.memory_space<vmem>>, vector<16xi32>,
      %gather3A_337 = tpu.vector_load_idx %arg8[%get3A_336] : memref<10240xf32, #tpu.memory_space<vmem>>[vector<16xi32>], vector<16xf32>,
      %scan3A_338 = arith.constant 0.000000e+00 : f32
      %scan3A_339 = arith.constant 0 : i32
      %scan3A_340 = arith.constant 16 : i32
      %scan3A_341 = arith.addi %scan3A_339, %scan3A_340 : i32
      %scan3A_342 = arith.constant 2 : i32
      %scan3A_343:9 = scf.for %scan3A_505 = %scan3A_339 to %scan3A_341 step %scan3A_342 iter_args(%scan3A_506 = %broadcast_in_dim3A_318, %scan3A_507 = %broadcast_in_dim3A_320, %scan3A_508 = %broadcast_in_dim3A_322, %scan3A_509 = %broadcast_in_dim3A_324, %scan3A_510 = %broadcast_in_dim3A_326, %scan3A_511 = %broadcast_in_dim3A_328, %scan3A_512 = %broadcast_in_dim3A_330, %scan3A_513 = %broadcast_in_dim3A_332, %scan3A_514 = %scan3A_338) -> (vector<16xf32>, vector<16xf32>, vector<16xf32>, vector<16xf32>, vector<16xf32>, vector<16xf32>, vector<16xf32>, vector<16xf32>, f32)  : i32 {
        %add3A_515 = arith.constant 0 : i32
        %add3A_516 = arith.addi %add3A_515, %scan3A_505 : i32
        %get3A_517 = arith.index_cast %add3A_516 : i32 to index
        %get3A_518 = arith.constant 0 : index
        %get3A_519 = tpu.vector_load %arg11[%get3A_517, %get3A_518] {strides = array<i32>} : memref<33x128xf32, #tpu.memory_space<vmem>>, vector<16xf32>,
        %add3A_520 = arith.constant 0 : i32
        %add3A_521 = arith.addi %add3A_520, %scan3A_505 : i32
        %get3A_522 = arith.index_cast %add3A_521 : i32 to index
        %get3A_523 = arith.constant 16 : index
        %get3A_524 = tpu.vector_load %arg11[%get3A_522, %get3A_523] {strides = array<i32>} : memref<33x128xf32, #tpu.memory_space<vmem>>, vector<16xf32>,
        %add3A_525 = arith.constant 0 : i32
        %add3A_526 = arith.addi %add3A_525, %scan3A_505 : i32
        %get3A_527 = arith.index_cast %add3A_526 : i32 to index
        %get3A_528 = arith.constant 32 : index
        %get3A_529 = tpu.vector_load %arg11[%get3A_527, %get3A_528] {strides = array<i32>} : memref<33x128xf32, #tpu.memory_space<vmem>>, vector<16xf32>,
        %add3A_530 = arith.constant 0 : i32
        %add3A_531 = arith.addi %add3A_530, %scan3A_505 : i32
        %get3A_532 = arith.index_cast %add3A_531 : i32 to index
        %get3A_533 = arith.constant 48 : index
        %get3A_534 = tpu.vector_load %arg11[%get3A_532, %get3A_533] {strides = array<i32>} : memref<33x128xf32, #tpu.memory_space<vmem>>, vector<16xf32>,
        %add3A_535 = arith.constant 0 : i32
        %add3A_536 = arith.addi %add3A_535, %scan3A_505 : i32
        %get3A_537 = arith.index_cast %add3A_536 : i32 to index
        %get3A_538 = arith.constant 64 : index
        %get3A_539 = tpu.vector_load %arg11[%get3A_537, %get3A_538] {strides = array<i32>} : memref<33x128xf32, #tpu.memory_space<vmem>>, vector<16xf32>,
        %add3A_540 = arith.constant 0 : i32
        %add3A_541 = arith.addi %add3A_540, %scan3A_505 : i32
        %get3A_542 = arith.index_cast %add3A_541 : i32 to index
        %get3A_543 = arith.constant 80 : index
        %get3A_544 = tpu.vector_load %arg11[%get3A_542, %get3A_543] {strides = array<i32>} : memref<33x128xf32, #tpu.memory_space<vmem>>, vector<16xf32>,
        %add3A_545 = arith.constant 0 : i32
        %add3A_546 = arith.addi %add3A_545, %scan3A_505 : i32
        %get3A_547 = arith.index_cast %add3A_546 : i32 to index
        %get3A_548 = arith.constant 96 : index
        %get3A_549 = tpu.vector_load %arg11[%get3A_547, %get3A_548] {strides = array<i32>} : memref<33x128xf32, #tpu.memory_space<vmem>>, vector<16xf32>,
        %add3A_550 = arith.constant 0 : i32
        %add3A_551 = arith.addi %add3A_550, %scan3A_505 : i32
        %get3A_552 = arith.index_cast %add3A_551 : i32 to index
        %get3A_553 = arith.constant 112 : index
        %get3A_554 = tpu.vector_load %arg11[%get3A_552, %get3A_553] {strides = array<i32>} : memref<33x128xf32, #tpu.memory_space<vmem>>, vector<16xf32>,
        %mul3A_555 = arith.mulf %get3A_519, %get3A_288 : vector<16xf32>
        %mul3A_556 = arith.mulf %get3A_524, %get3A_292 : vector<16xf32>
        %add3A_557 = arith.addf %mul3A_555, %mul3A_556 : vector<16xf32>
        %mul3A_558 = arith.mulf %get3A_529, %get3A_296 : vector<16xf32>
        %add3A_559 = arith.addf %add3A_557, %mul3A_558 : vector<16xf32>
        %mul3A_560 = arith.mulf %get3A_534, %get3A_300 : vector<16xf32>
        %add3A_561 = arith.addf %add3A_559, %mul3A_560 : vector<16xf32>
        %mul3A_562 = arith.mulf %get3A_539, %get3A_304 : vector<16xf32>
        %add3A_563 = arith.addf %add3A_561, %mul3A_562 : vector<16xf32>
        %mul3A_564 = arith.mulf %get3A_544, %get3A_308 : vector<16xf32>
        %add3A_565 = arith.addf %add3A_563, %mul3A_564 : vector<16xf32>
        %mul3A_566 = arith.mulf %get3A_549, %get3A_312 : vector<16xf32>
        %add3A_567 = arith.addf %add3A_565, %mul3A_566 : vector<16xf32>
        %mul3A_568 = arith.mulf %get3A_554, %get3A_316 : vector<16xf32>
        %add3A_569 = arith.addf %add3A_567, %mul3A_568 : vector<16xf32>
        %reduce_sum3A = arith.constant true
        %reduce_sum3A_570 = vector.broadcast %reduce_sum3A : i1 to vector<16xi1>
        %reduce_sum3A_571 = tpu.scan <sum>, %add3A_569 masked %reduce_sum3A_570 : vector<16xf32>, vector<16xi1> -> vector<16xf32>
        %reduce_sum3A_572 = vector.extract %reduce_sum3A_571[15] : f32 from vector<16xf32>
        %broadcast_in_dim3A_573 = vector.broadcast %scan3A_505 : i32 to vector<16xi32>
        %lt3A_574 = arith.constant 0 : i32
        %lt3A_575 = vector.broadcast %lt3A_574 : i32 to vector<16xi32>
        %lt3A_576 = arith.cmpi slt, %broadcast_in_dim3A_573, %lt3A_575 : vector<16xi32>
        %add3A_577 = arith.constant 16 : i32
        %add3A_578 = vector.broadcast %add3A_577 : i32 to vector<16xi32>
        %add3A_579 = arith.addi %broadcast_in_dim3A_573, %add3A_578 : vector<16xi32>
        %select_n3A = arith.select %lt3A_576, %add3A_579, %broadcast_in_dim3A_573 : vector<16xi1>, vector<16xi32>
        %broadcast_in_dim3A_580 = vector.shape_cast %select_n3A : vector<16xi32> to vector<16x1xi32>
        %gather3A_581 = vector.shape_cast %broadcast_in_dim3A_580 : vector<16x1xi32> to vector<16xi32>
        %gather3A_582 = tpu.dynamic_gather %gather3A_337[%gather3A_581] in [0] : vector<16xf32>, vector<16xi32> -> vector<16xf32>
        %mul3A_583 = vector.broadcast %reduce_sum3A_572 : f32 to vector<16xf32>
        %mul3A_584 = arith.mulf %mul3A_583, %gather3A_582 : vector<16xf32>
        %mul3A_585 = arith.mulf %mul3A_584, %get3A_519 : vector<16xf32>
        %add3A_586 = arith.addf %scan3A_506, %mul3A_585 : vector<16xf32>
        %mul3A_587 = arith.mulf %mul3A_584, %get3A_524 : vector<16xf32>
        %add3A_588 = arith.addf %scan3A_507, %mul3A_587 : vector<16xf32>
        %mul3A_589 = arith.mulf %mul3A_584, %get3A_529 : vector<16xf32>
        %add3A_590 = arith.addf %scan3A_508, %mul3A_589 : vector<16xf32>
        %mul3A_591 = arith.mulf %mul3A_584, %get3A_534 : vector<16xf32>
        %add3A_592 = arith.addf %scan3A_509, %mul3A_591 : vector<16xf32>
        %mul3A_593 = arith.mulf %mul3A_584, %get3A_539 : vector<16xf32>
        %add3A_594 = arith.addf %scan3A_510, %mul3A_593 : vector<16xf32>
        %mul3A_595 = arith.mulf %mul3A_584, %get3A_544 : vector<16xf32>
        %add3A_596 = arith.addf %scan3A_511, %mul3A_595 : vector<16xf32>
        %mul3A_597 = arith.mulf %mul3A_584, %get3A_549 : vector<16xf32>
        %add3A_598 = arith.addf %scan3A_512, %mul3A_597 : vector<16xf32>
        %mul3A_599 = arith.mulf %mul3A_584, %get3A_554 : vector<16xf32>
        %add3A_600 = arith.addf %scan3A_513, %mul3A_599 : vector<16xf32>
        %add3A_601 = arith.addf %scan3A_514, %reduce_sum3A_572 : f32
        %scan3A_602 = arith.constant 1 : i32
        %scan3A_603 = arith.addi %scan3A_505, %scan3A_602 : i32
        %add3A_604 = arith.constant 0 : i32
        %add3A_605 = arith.addi %add3A_604, %scan3A_603 : i32
        %get3A_606 = arith.index_cast %add3A_605 : i32 to index
        %get3A_607 = arith.constant 0 : index
        %get3A_608 = tpu.vector_load %arg11[%get3A_606, %get3A_607] {strides = array<i32>} : memref<33x128xf32, #tpu.memory_space<vmem>>, vector<16xf32>,
        %add3A_609 = arith.constant 0 : i32
        %add3A_610 = arith.addi %add3A_609, %scan3A_603 : i32
        %get3A_611 = arith.index_cast %add3A_610 : i32 to index
        %get3A_612 = arith.constant 16 : index
        %get3A_613 = tpu.vector_load %arg11[%get3A_611, %get3A_612] {strides = array<i32>} : memref<33x128xf32, #tpu.memory_space<vmem>>, vector<16xf32>,
        %add3A_614 = arith.constant 0 : i32
        %add3A_615 = arith.addi %add3A_614, %scan3A_603 : i32
        %get3A_616 = arith.index_cast %add3A_615 : i32 to index
        %get3A_617 = arith.constant 32 : index
        %get3A_618 = tpu.vector_load %arg11[%get3A_616, %get3A_617] {strides = array<i32>} : memref<33x128xf32, #tpu.memory_space<vmem>>, vector<16xf32>,
        %add3A_619 = arith.constant 0 : i32
        %add3A_620 = arith.addi %add3A_619, %scan3A_603 : i32
        %get3A_621 = arith.index_cast %add3A_620 : i32 to index
        %get3A_622 = arith.constant 48 : index
        %get3A_623 = tpu.vector_load %arg11[%get3A_621, %get3A_622] {strides = array<i32>} : memref<33x128xf32, #tpu.memory_space<vmem>>, vector<16xf32>,
        %add3A_624 = arith.constant 0 : i32
        %add3A_625 = arith.addi %add3A_624, %scan3A_603 : i32
        %get3A_626 = arith.index_cast %add3A_625 : i32 to index
        %get3A_627 = arith.constant 64 : index
        %get3A_628 = tpu.vector_load %arg11[%get3A_626, %get3A_627] {strides = array<i32>} : memref<33x128xf32, #tpu.memory_space<vmem>>, vector<16xf32>,
        %add3A_629 = arith.constant 0 : i32
        %add3A_630 = arith.addi %add3A_629, %scan3A_603 : i32
        %get3A_631 = arith.index_cast %add3A_630 : i32 to index
        %get3A_632 = arith.constant 80 : index
        %get3A_633 = tpu.vector_load %arg11[%get3A_631, %get3A_632] {strides = array<i32>} : memref<33x128xf32, #tpu.memory_space<vmem>>, vector<16xf32>,
        %add3A_634 = arith.constant 0 : i32
        %add3A_635 = arith.addi %add3A_634, %scan3A_603 : i32
        %get3A_636 = arith.index_cast %add3A_635 : i32 to index
        %get3A_637 = arith.constant 96 : index
        %get3A_638 = tpu.vector_load %arg11[%get3A_636, %get3A_637] {strides = array<i32>} : memref<33x128xf32, #tpu.memory_space<vmem>>, vector<16xf32>,
        %add3A_639 = arith.constant 0 : i32
        %add3A_640 = arith.addi %add3A_639, %scan3A_603 : i32
        %get3A_641 = arith.index_cast %add3A_640 : i32 to index
        %get3A_642 = arith.constant 112 : index
        %get3A_643 = tpu.vector_load %arg11[%get3A_641, %get3A_642] {strides = array<i32>} : memref<33x128xf32, #tpu.memory_space<vmem>>, vector<16xf32>,
        %mul3A_644 = arith.mulf %get3A_608, %get3A_288 : vector<16xf32>
        %mul3A_645 = arith.mulf %get3A_613, %get3A_292 : vector<16xf32>
        %add3A_646 = arith.addf %mul3A_644, %mul3A_645 : vector<16xf32>
        %mul3A_647 = arith.mulf %get3A_618, %get3A_296 : vector<16xf32>
        %add3A_648 = arith.addf %add3A_646, %mul3A_647 : vector<16xf32>
        %mul3A_649 = arith.mulf %get3A_623, %get3A_300 : vector<16xf32>
        %add3A_650 = arith.addf %add3A_648, %mul3A_649 : vector<16xf32>
        %mul3A_651 = arith.mulf %get3A_628, %get3A_304 : vector<16xf32>
        %add3A_652 = arith.addf %add3A_650, %mul3A_651 : vector<16xf32>
        %mul3A_653 = arith.mulf %get3A_633, %get3A_308 : vector<16xf32>
        %add3A_654 = arith.addf %add3A_652, %mul3A_653 : vector<16xf32>
        %mul3A_655 = arith.mulf %get3A_638, %get3A_312 : vector<16xf32>
        %add3A_656 = arith.addf %add3A_654, %mul3A_655 : vector<16xf32>
        %mul3A_657 = arith.mulf %get3A_643, %get3A_316 : vector<16xf32>
        %add3A_658 = arith.addf %add3A_656, %mul3A_657 : vector<16xf32>
        %reduce_sum3A_659 = arith.constant true
        %reduce_sum3A_660 = vector.broadcast %reduce_sum3A_659 : i1 to vector<16xi1>
        %reduce_sum3A_661 = tpu.scan <sum>, %add3A_658 masked %reduce_sum3A_660 : vector<16xf32>, vector<16xi1> -> vector<16xf32>
        %reduce_sum3A_662 = vector.extract %reduce_sum3A_661[15] : f32 from vector<16xf32>
        %broadcast_in_dim3A_663 = vector.broadcast %scan3A_603 : i32 to vector<16xi32>
        %lt3A_664 = arith.constant 0 : i32
        %lt3A_665 = vector.broadcast %lt3A_664 : i32 to vector<16xi32>
        %lt3A_666 = arith.cmpi slt, %broadcast_in_dim3A_663, %lt3A_665 : vector<16xi32>
        %add3A_667 = arith.constant 16 : i32
        %add3A_668 = vector.broadcast %add3A_667 : i32 to vector<16xi32>
        %add3A_669 = arith.addi %broadcast_in_dim3A_663, %add3A_668 : vector<16xi32>
        %select_n3A_670 = arith.select %lt3A_666, %add3A_669, %broadcast_in_dim3A_663 : vector<16xi1>, vector<16xi32>
        %broadcast_in_dim3A_671 = vector.shape_cast %select_n3A_670 : vector<16xi32> to vector<16x1xi32>
        %gather3A_672 = vector.shape_cast %broadcast_in_dim3A_671 : vector<16x1xi32> to vector<16xi32>
        %gather3A_673 = tpu.dynamic_gather %gather3A_337[%gather3A_672] in [0] : vector<16xf32>, vector<16xi32> -> vector<16xf32>
        %mul3A_674 = vector.broadcast %reduce_sum3A_662 : f32 to vector<16xf32>
        %mul3A_675 = arith.mulf %mul3A_674, %gather3A_673 : vector<16xf32>
        %mul3A_676 = arith.mulf %mul3A_675, %get3A_608 : vector<16xf32>
        %add3A_677 = arith.addf %add3A_586, %mul3A_676 : vector<16xf32>
        %mul3A_678 = arith.mulf %mul3A_675, %get3A_613 : vector<16xf32>
        %add3A_679 = arith.addf %add3A_588, %mul3A_678 : vector<16xf32>
        %mul3A_680 = arith.mulf %mul3A_675, %get3A_618 : vector<16xf32>
        %add3A_681 = arith.addf %add3A_590, %mul3A_680 : vector<16xf32>
        %mul3A_682 = arith.mulf %mul3A_675, %get3A_623 : vector<16xf32>
        %add3A_683 = arith.addf %add3A_592, %mul3A_682 : vector<16xf32>
        %mul3A_684 = arith.mulf %mul3A_675, %get3A_628 : vector<16xf32>
        %add3A_685 = arith.addf %add3A_594, %mul3A_684 : vector<16xf32>
        %mul3A_686 = arith.mulf %mul3A_675, %get3A_633 : vector<16xf32>
        %add3A_687 = arith.addf %add3A_596, %mul3A_686 : vector<16xf32>
        %mul3A_688 = arith.mulf %mul3A_675, %get3A_638 : vector<16xf32>
        %add3A_689 = arith.addf %add3A_598, %mul3A_688 : vector<16xf32>
        %mul3A_690 = arith.mulf %mul3A_675, %get3A_643 : vector<16xf32>
        %add3A_691 = arith.addf %add3A_600, %mul3A_690 : vector<16xf32>
        %add3A_692 = arith.addf %add3A_601, %reduce_sum3A_662 : f32
        scf.yield %add3A_677, %add3A_679, %add3A_681, %add3A_683, %add3A_685, %add3A_687, %add3A_689, %add3A_691, %add3A_692 : vector<16xf32>, vector<16xf32>, vector<16xf32>, vector<16xf32>, vector<16xf32>, vector<16xf32>, vector<16xf32>, vector<16xf32>, f32
      }
      %scan3A_344 = arith.constant 16 : i32
      %add3A_345 = arith.constant 16 : i32
      %add3A_346 = arith.addi %mul3A_284, %add3A_345 : i32
      %get3A_347 = arith.index_cast %add3A_346 : i32 to index
      %get3A_348 = tpu.vector_load %arg7[%get3A_347] {strides = array<i32>} : memref<12816xi32, #tpu.memory_space<vmem>>, vector<16xi32>,
      %gather3A_349 = tpu.vector_load_idx %arg8[%get3A_348] : memref<10240xf32, #tpu.memory_space<vmem>>[vector<16xi32>], vector<16xf32>,
      %scan3A_350 = arith.constant 0 : i32
      %scan3A_351 = arith.constant 16 : i32
      %scan3A_352 = arith.addi %scan3A_350, %scan3A_351 : i32
      %scan3A_353 = arith.constant 2 : i32
      %scan3A_354:9 = scf.for %scan3A_505 = %scan3A_350 to %scan3A_352 step %scan3A_353 iter_args(%scan3A_506 = %scan3A_343#0, %scan3A_507 = %scan3A_343#1, %scan3A_508 = %scan3A_343#2, %scan3A_509 = %scan3A_343#3, %scan3A_510 = %scan3A_343#4, %scan3A_511 = %scan3A_343#5, %scan3A_512 = %scan3A_343#6, %scan3A_513 = %scan3A_343#7, %scan3A_514 = %scan3A_343#8) -> (vector<16xf32>, vector<16xf32>, vector<16xf32>, vector<16xf32>, vector<16xf32>, vector<16xf32>, vector<16xf32>, vector<16xf32>, f32)  : i32 {
        %add3A_515 = arith.constant 16 : i32
        %add3A_516 = arith.addi %add3A_515, %scan3A_505 : i32
        %get3A_517 = arith.index_cast %add3A_516 : i32 to index
        %get3A_518 = arith.constant 0 : index
        %get3A_519 = tpu.vector_load %arg11[%get3A_517, %get3A_518] {strides = array<i32>} : memref<33x128xf32, #tpu.memory_space<vmem>>, vector<16xf32>,
        %add3A_520 = arith.constant 16 : i32
        %add3A_521 = arith.addi %add3A_520, %scan3A_505 : i32
        %get3A_522 = arith.index_cast %add3A_521 : i32 to index
        %get3A_523 = arith.constant 16 : index
        %get3A_524 = tpu.vector_load %arg11[%get3A_522, %get3A_523] {strides = array<i32>} : memref<33x128xf32, #tpu.memory_space<vmem>>, vector<16xf32>,
        %add3A_525 = arith.constant 16 : i32
        %add3A_526 = arith.addi %add3A_525, %scan3A_505 : i32
        %get3A_527 = arith.index_cast %add3A_526 : i32 to index
        %get3A_528 = arith.constant 32 : index
        %get3A_529 = tpu.vector_load %arg11[%get3A_527, %get3A_528] {strides = array<i32>} : memref<33x128xf32, #tpu.memory_space<vmem>>, vector<16xf32>,
        %add3A_530 = arith.constant 16 : i32
        %add3A_531 = arith.addi %add3A_530, %scan3A_505 : i32
        %get3A_532 = arith.index_cast %add3A_531 : i32 to index
        %get3A_533 = arith.constant 48 : index
        %get3A_534 = tpu.vector_load %arg11[%get3A_532, %get3A_533] {strides = array<i32>} : memref<33x128xf32, #tpu.memory_space<vmem>>, vector<16xf32>,
        %add3A_535 = arith.constant 16 : i32
        %add3A_536 = arith.addi %add3A_535, %scan3A_505 : i32
        %get3A_537 = arith.index_cast %add3A_536 : i32 to index
        %get3A_538 = arith.constant 64 : index
        %get3A_539 = tpu.vector_load %arg11[%get3A_537, %get3A_538] {strides = array<i32>} : memref<33x128xf32, #tpu.memory_space<vmem>>, vector<16xf32>,
        %add3A_540 = arith.constant 16 : i32
        %add3A_541 = arith.addi %add3A_540, %scan3A_505 : i32
        %get3A_542 = arith.index_cast %add3A_541 : i32 to index
        %get3A_543 = arith.constant 80 : index
        %get3A_544 = tpu.vector_load %arg11[%get3A_542, %get3A_543] {strides = array<i32>} : memref<33x128xf32, #tpu.memory_space<vmem>>, vector<16xf32>,
        %add3A_545 = arith.constant 16 : i32
        %add3A_546 = arith.addi %add3A_545, %scan3A_505 : i32
        %get3A_547 = arith.index_cast %add3A_546 : i32 to index
        %get3A_548 = arith.constant 96 : index
        %get3A_549 = tpu.vector_load %arg11[%get3A_547, %get3A_548] {strides = array<i32>} : memref<33x128xf32, #tpu.memory_space<vmem>>, vector<16xf32>,
        %add3A_550 = arith.constant 16 : i32
        %add3A_551 = arith.addi %add3A_550, %scan3A_505 : i32
        %get3A_552 = arith.index_cast %add3A_551 : i32 to index
        %get3A_553 = arith.constant 112 : index
        %get3A_554 = tpu.vector_load %arg11[%get3A_552, %get3A_553] {strides = array<i32>} : memref<33x128xf32, #tpu.memory_space<vmem>>, vector<16xf32>,
        %mul3A_555 = arith.mulf %get3A_519, %get3A_288 : vector<16xf32>
        %mul3A_556 = arith.mulf %get3A_524, %get3A_292 : vector<16xf32>
        %add3A_557 = arith.addf %mul3A_555, %mul3A_556 : vector<16xf32>
        %mul3A_558 = arith.mulf %get3A_529, %get3A_296 : vector<16xf32>
        %add3A_559 = arith.addf %add3A_557, %mul3A_558 : vector<16xf32>
        %mul3A_560 = arith.mulf %get3A_534, %get3A_300 : vector<16xf32>
        %add3A_561 = arith.addf %add3A_559, %mul3A_560 : vector<16xf32>
        %mul3A_562 = arith.mulf %get3A_539, %get3A_304 : vector<16xf32>
        %add3A_563 = arith.addf %add3A_561, %mul3A_562 : vector<16xf32>
        %mul3A_564 = arith.mulf %get3A_544, %get3A_308 : vector<16xf32>
        %add3A_565 = arith.addf %add3A_563, %mul3A_564 : vector<16xf32>
        %mul3A_566 = arith.mulf %get3A_549, %get3A_312 : vector<16xf32>
        %add3A_567 = arith.addf %add3A_565, %mul3A_566 : vector<16xf32>
        %mul3A_568 = arith.mulf %get3A_554, %get3A_316 : vector<16xf32>
        %add3A_569 = arith.addf %add3A_567, %mul3A_568 : vector<16xf32>
        %reduce_sum3A = arith.constant true
        %reduce_sum3A_570 = vector.broadcast %reduce_sum3A : i1 to vector<16xi1>
        %reduce_sum3A_571 = tpu.scan <sum>, %add3A_569 masked %reduce_sum3A_570 : vector<16xf32>, vector<16xi1> -> vector<16xf32>
        %reduce_sum3A_572 = vector.extract %reduce_sum3A_571[15] : f32 from vector<16xf32>
        %broadcast_in_dim3A_573 = vector.broadcast %scan3A_505 : i32 to vector<16xi32>
        %lt3A_574 = arith.constant 0 : i32
        %lt3A_575 = vector.broadcast %lt3A_574 : i32 to vector<16xi32>
        %lt3A_576 = arith.cmpi slt, %broadcast_in_dim3A_573, %lt3A_575 : vector<16xi32>
        %add3A_577 = arith.constant 16 : i32
        %add3A_578 = vector.broadcast %add3A_577 : i32 to vector<16xi32>
        %add3A_579 = arith.addi %broadcast_in_dim3A_573, %add3A_578 : vector<16xi32>
        %select_n3A = arith.select %lt3A_576, %add3A_579, %broadcast_in_dim3A_573 : vector<16xi1>, vector<16xi32>
        %broadcast_in_dim3A_580 = vector.shape_cast %select_n3A : vector<16xi32> to vector<16x1xi32>
        %gather3A_581 = vector.shape_cast %broadcast_in_dim3A_580 : vector<16x1xi32> to vector<16xi32>
        %gather3A_582 = tpu.dynamic_gather %gather3A_349[%gather3A_581] in [0] : vector<16xf32>, vector<16xi32> -> vector<16xf32>
        %mul3A_583 = vector.broadcast %reduce_sum3A_572 : f32 to vector<16xf32>
        %mul3A_584 = arith.mulf %mul3A_583, %gather3A_582 : vector<16xf32>
        %mul3A_585 = arith.mulf %mul3A_584, %get3A_519 : vector<16xf32>
        %add3A_586 = arith.addf %scan3A_506, %mul3A_585 : vector<16xf32>
        %mul3A_587 = arith.mulf %mul3A_584, %get3A_524 : vector<16xf32>
        %add3A_588 = arith.addf %scan3A_507, %mul3A_587 : vector<16xf32>
        %mul3A_589 = arith.mulf %mul3A_584, %get3A_529 : vector<16xf32>
        %add3A_590 = arith.addf %scan3A_508, %mul3A_589 : vector<16xf32>
        %mul3A_591 = arith.mulf %mul3A_584, %get3A_534 : vector<16xf32>
        %add3A_592 = arith.addf %scan3A_509, %mul3A_591 : vector<16xf32>
        %mul3A_593 = arith.mulf %mul3A_584, %get3A_539 : vector<16xf32>
        %add3A_594 = arith.addf %scan3A_510, %mul3A_593 : vector<16xf32>
        %mul3A_595 = arith.mulf %mul3A_584, %get3A_544 : vector<16xf32>
        %add3A_596 = arith.addf %scan3A_511, %mul3A_595 : vector<16xf32>
        %mul3A_597 = arith.mulf %mul3A_584, %get3A_549 : vector<16xf32>
        %add3A_598 = arith.addf %scan3A_512, %mul3A_597 : vector<16xf32>
        %mul3A_599 = arith.mulf %mul3A_584, %get3A_554 : vector<16xf32>
        %add3A_600 = arith.addf %scan3A_513, %mul3A_599 : vector<16xf32>
        %add3A_601 = arith.addf %scan3A_514, %reduce_sum3A_572 : f32
        %scan3A_602 = arith.constant 1 : i32
        %scan3A_603 = arith.addi %scan3A_505, %scan3A_602 : i32
        %add3A_604 = arith.constant 16 : i32
        %add3A_605 = arith.addi %add3A_604, %scan3A_603 : i32
        %get3A_606 = arith.index_cast %add3A_605 : i32 to index
        %get3A_607 = arith.constant 0 : index
        %get3A_608 = tpu.vector_load %arg11[%get3A_606, %get3A_607] {strides = array<i32>} : memref<33x128xf32, #tpu.memory_space<vmem>>, vector<16xf32>,
        %add3A_609 = arith.constant 16 : i32
        %add3A_610 = arith.addi %add3A_609, %scan3A_603 : i32
        %get3A_611 = arith.index_cast %add3A_610 : i32 to index
        %get3A_612 = arith.constant 16 : index
        %get3A_613 = tpu.vector_load %arg11[%get3A_611, %get3A_612] {strides = array<i32>} : memref<33x128xf32, #tpu.memory_space<vmem>>, vector<16xf32>,
        %add3A_614 = arith.constant 16 : i32
        %add3A_615 = arith.addi %add3A_614, %scan3A_603 : i32
        %get3A_616 = arith.index_cast %add3A_615 : i32 to index
        %get3A_617 = arith.constant 32 : index
        %get3A_618 = tpu.vector_load %arg11[%get3A_616, %get3A_617] {strides = array<i32>} : memref<33x128xf32, #tpu.memory_space<vmem>>, vector<16xf32>,
        %add3A_619 = arith.constant 16 : i32
        %add3A_620 = arith.addi %add3A_619, %scan3A_603 : i32
        %get3A_621 = arith.index_cast %add3A_620 : i32 to index
        %get3A_622 = arith.constant 48 : index
        %get3A_623 = tpu.vector_load %arg11[%get3A_621, %get3A_622] {strides = array<i32>} : memref<33x128xf32, #tpu.memory_space<vmem>>, vector<16xf32>,
        %add3A_624 = arith.constant 16 : i32
        %add3A_625 = arith.addi %add3A_624, %scan3A_603 : i32
        %get3A_626 = arith.index_cast %add3A_625 : i32 to index
        %get3A_627 = arith.constant 64 : index
        %get3A_628 = tpu.vector_load %arg11[%get3A_626, %get3A_627] {strides = array<i32>} : memref<33x128xf32, #tpu.memory_space<vmem>>, vector<16xf32>,
        %add3A_629 = arith.constant 16 : i32
        %add3A_630 = arith.addi %add3A_629, %scan3A_603 : i32
        %get3A_631 = arith.index_cast %add3A_630 : i32 to index
        %get3A_632 = arith.constant 80 : index
        %get3A_633 = tpu.vector_load %arg11[%get3A_631, %get3A_632] {strides = array<i32>} : memref<33x128xf32, #tpu.memory_space<vmem>>, vector<16xf32>,
        %add3A_634 = arith.constant 16 : i32
        %add3A_635 = arith.addi %add3A_634, %scan3A_603 : i32
        %get3A_636 = arith.index_cast %add3A_635 : i32 to index
        %get3A_637 = arith.constant 96 : index
        %get3A_638 = tpu.vector_load %arg11[%get3A_636, %get3A_637] {strides = array<i32>} : memref<33x128xf32, #tpu.memory_space<vmem>>, vector<16xf32>,
        %add3A_639 = arith.constant 16 : i32
        %add3A_640 = arith.addi %add3A_639, %scan3A_603 : i32
        %get3A_641 = arith.index_cast %add3A_640 : i32 to index
        %get3A_642 = arith.constant 112 : index
        %get3A_643 = tpu.vector_load %arg11[%get3A_641, %get3A_642] {strides = array<i32>} : memref<33x128xf32, #tpu.memory_space<vmem>>, vector<16xf32>,
        %mul3A_644 = arith.mulf %get3A_608, %get3A_288 : vector<16xf32>
        %mul3A_645 = arith.mulf %get3A_613, %get3A_292 : vector<16xf32>
        %add3A_646 = arith.addf %mul3A_644, %mul3A_645 : vector<16xf32>
        %mul3A_647 = arith.mulf %get3A_618, %get3A_296 : vector<16xf32>
        %add3A_648 = arith.addf %add3A_646, %mul3A_647 : vector<16xf32>
        %mul3A_649 = arith.mulf %get3A_623, %get3A_300 : vector<16xf32>
        %add3A_650 = arith.addf %add3A_648, %mul3A_649 : vector<16xf32>
        %mul3A_651 = arith.mulf %get3A_628, %get3A_304 : vector<16xf32>
        %add3A_652 = arith.addf %add3A_650, %mul3A_651 : vector<16xf32>
        %mul3A_653 = arith.mulf %get3A_633, %get3A_308 : vector<16xf32>
        %add3A_654 = arith.addf %add3A_652, %mul3A_653 : vector<16xf32>
        %mul3A_655 = arith.mulf %get3A_638, %get3A_312 : vector<16xf32>
        %add3A_656 = arith.addf %add3A_654, %mul3A_655 : vector<16xf32>
        %mul3A_657 = arith.mulf %get3A_643, %get3A_316 : vector<16xf32>
        %add3A_658 = arith.addf %add3A_656, %mul3A_657 : vector<16xf32>
        %reduce_sum3A_659 = arith.constant true
        %reduce_sum3A_660 = vector.broadcast %reduce_sum3A_659 : i1 to vector<16xi1>
        %reduce_sum3A_661 = tpu.scan <sum>, %add3A_658 masked %reduce_sum3A_660 : vector<16xf32>, vector<16xi1> -> vector<16xf32>
        %reduce_sum3A_662 = vector.extract %reduce_sum3A_661[15] : f32 from vector<16xf32>
        %broadcast_in_dim3A_663 = vector.broadcast %scan3A_603 : i32 to vector<16xi32>
        %lt3A_664 = arith.constant 0 : i32
        %lt3A_665 = vector.broadcast %lt3A_664 : i32 to vector<16xi32>
        %lt3A_666 = arith.cmpi slt, %broadcast_in_dim3A_663, %lt3A_665 : vector<16xi32>
        %add3A_667 = arith.constant 16 : i32
        %add3A_668 = vector.broadcast %add3A_667 : i32 to vector<16xi32>
        %add3A_669 = arith.addi %broadcast_in_dim3A_663, %add3A_668 : vector<16xi32>
        %select_n3A_670 = arith.select %lt3A_666, %add3A_669, %broadcast_in_dim3A_663 : vector<16xi1>, vector<16xi32>
        %broadcast_in_dim3A_671 = vector.shape_cast %select_n3A_670 : vector<16xi32> to vector<16x1xi32>
        %gather3A_672 = vector.shape_cast %broadcast_in_dim3A_671 : vector<16x1xi32> to vector<16xi32>
        %gather3A_673 = tpu.dynamic_gather %gather3A_349[%gather3A_672] in [0] : vector<16xf32>, vector<16xi32> -> vector<16xf32>
        %mul3A_674 = vector.broadcast %reduce_sum3A_662 : f32 to vector<16xf32>
        %mul3A_675 = arith.mulf %mul3A_674, %gather3A_673 : vector<16xf32>
        %mul3A_676 = arith.mulf %mul3A_675, %get3A_608 : vector<16xf32>
        %add3A_677 = arith.addf %add3A_586, %mul3A_676 : vector<16xf32>
        %mul3A_678 = arith.mulf %mul3A_675, %get3A_613 : vector<16xf32>
        %add3A_679 = arith.addf %add3A_588, %mul3A_678 : vector<16xf32>
        %mul3A_680 = arith.mulf %mul3A_675, %get3A_618 : vector<16xf32>
        %add3A_681 = arith.addf %add3A_590, %mul3A_680 : vector<16xf32>
        %mul3A_682 = arith.mulf %mul3A_675, %get3A_623 : vector<16xf32>
        %add3A_683 = arith.addf %add3A_592, %mul3A_682 : vector<16xf32>
        %mul3A_684 = arith.mulf %mul3A_675, %get3A_628 : vector<16xf32>
        %add3A_685 = arith.addf %add3A_594, %mul3A_684 : vector<16xf32>
        %mul3A_686 = arith.mulf %mul3A_675, %get3A_633 : vector<16xf32>
        %add3A_687 = arith.addf %add3A_596, %mul3A_686 : vector<16xf32>
        %mul3A_688 = arith.mulf %mul3A_675, %get3A_638 : vector<16xf32>
        %add3A_689 = arith.addf %add3A_598, %mul3A_688 : vector<16xf32>
        %mul3A_690 = arith.mulf %mul3A_675, %get3A_643 : vector<16xf32>
        %add3A_691 = arith.addf %add3A_600, %mul3A_690 : vector<16xf32>
        %add3A_692 = arith.addf %add3A_601, %reduce_sum3A_662 : f32
        scf.yield %add3A_677, %add3A_679, %add3A_681, %add3A_683, %add3A_685, %add3A_687, %add3A_689, %add3A_691, %add3A_692 : vector<16xf32>, vector<16xf32>, vector<16xf32>, vector<16xf32>, vector<16xf32>, vector<16xf32>, vector<16xf32>, vector<16xf32>, f32
      }
      %scan3A_355 = arith.constant 16 : i32
      %swap3A_356 = arith.index_cast %add3A_268 : i32 to index
      %swap3A_357 = arith.constant 0 : index
      %swap3A_358 = tpu.vector_load %arg13[%swap3A_356, %swap3A_357] {strides = array<i32>} : memref<320x128xf32, #tpu.memory_space<vmem>>, vector<16xf32>,
      tpu.vector_store %arg13[%swap3A_356, %swap3A_357], %scan3A_354#0 {strides = array<i32>} : memref<320x128xf32, #tpu.memory_space<vmem>>, vector<16xf32>,
      %swap3A_359 = arith.index_cast %add3A_268 : i32 to index
      %swap3A_360 = arith.constant 16 : index
      %swap3A_361 = tpu.vector_load %arg13[%swap3A_359, %swap3A_360] {strides = array<i32>} : memref<320x128xf32, #tpu.memory_space<vmem>>, vector<16xf32>,
      tpu.vector_store %arg13[%swap3A_359, %swap3A_360], %scan3A_354#1 {strides = array<i32>} : memref<320x128xf32, #tpu.memory_space<vmem>>, vector<16xf32>,
      %swap3A_362 = arith.index_cast %add3A_268 : i32 to index
      %swap3A_363 = arith.constant 32 : index
      %swap3A_364 = tpu.vector_load %arg13[%swap3A_362, %swap3A_363] {strides = array<i32>} : memref<320x128xf32, #tpu.memory_space<vmem>>, vector<16xf32>,
      tpu.vector_store %arg13[%swap3A_362, %swap3A_363], %scan3A_354#2 {strides = array<i32>} : memref<320x128xf32, #tpu.memory_space<vmem>>, vector<16xf32>,
      %swap3A_365 = arith.index_cast %add3A_268 : i32 to index
      %swap3A_366 = arith.constant 48 : index
      %swap3A_367 = tpu.vector_load %arg13[%swap3A_365, %swap3A_366] {strides = array<i32>} : memref<320x128xf32, #tpu.memory_space<vmem>>, vector<16xf32>,
      tpu.vector_store %arg13[%swap3A_365, %swap3A_366], %scan3A_354#3 {strides = array<i32>} : memref<320x128xf32, #tpu.memory_space<vmem>>, vector<16xf32>,
      %swap3A_368 = arith.index_cast %add3A_268 : i32 to index
      %swap3A_369 = arith.constant 64 : index
      %swap3A_370 = tpu.vector_load %arg13[%swap3A_368, %swap3A_369] {strides = array<i32>} : memref<320x128xf32, #tpu.memory_space<vmem>>, vector<16xf32>,
      tpu.vector_store %arg13[%swap3A_368, %swap3A_369], %scan3A_354#4 {strides = array<i32>} : memref<320x128xf32, #tpu.memory_space<vmem>>, vector<16xf32>,
      %swap3A_371 = arith.index_cast %add3A_268 : i32 to index
      %swap3A_372 = arith.constant 80 : index
      %swap3A_373 = tpu.vector_load %arg13[%swap3A_371, %swap3A_372] {strides = array<i32>} : memref<320x128xf32, #tpu.memory_space<vmem>>, vector<16xf32>,
      tpu.vector_store %arg13[%swap3A_371, %swap3A_372], %scan3A_354#5 {strides = array<i32>} : memref<320x128xf32, #tpu.memory_space<vmem>>, vector<16xf32>,
      %swap3A_374 = arith.index_cast %add3A_268 : i32 to index
      %swap3A_375 = arith.constant 96 : index
      %swap3A_376 = tpu.vector_load %arg13[%swap3A_374, %swap3A_375] {strides = array<i32>} : memref<320x128xf32, #tpu.memory_space<vmem>>, vector<16xf32>,
      tpu.vector_store %arg13[%swap3A_374, %swap3A_375], %scan3A_354#6 {strides = array<i32>} : memref<320x128xf32, #tpu.memory_space<vmem>>, vector<16xf32>,
      %swap3A_377 = arith.index_cast %add3A_268 : i32 to index
      %swap3A_378 = arith.constant 112 : index
      %swap3A_379 = tpu.vector_load %arg13[%swap3A_377, %swap3A_378] {strides = array<i32>} : memref<320x128xf32, #tpu.memory_space<vmem>>, vector<16xf32>,
      tpu.vector_store %arg13[%swap3A_377, %swap3A_378], %scan3A_354#7 {strides = array<i32>} : memref<320x128xf32, #tpu.memory_space<vmem>>, vector<16xf32>,
      %broadcast_in_dim3A_380 = vector.broadcast %add3A_268 : i32 to vector<16xi32>
      %broadcast_in_dim3A_381 = vector.broadcast %scan3A_354#8 : f32 to vector<16xf32>
      %eq3A_382 = arith.constant 0 : i32
      %eq3A_383 = vector.broadcast %eq3A_382 : i32 to vector<16xi32>
      %eq3A_384 = arith.cmpi eq, %iota3A, %eq3A_383 : vector<16xi32>
      tpu.vector_store_idx %arg14[%broadcast_in_dim3A_380], %broadcast_in_dim3A_381 masked %eq3A_384 : memref<320xf32, #tpu.memory_space<vmem>>[vector<16xi32>], vector<16xf32>, vector<16xi1>
      %mul3A_385 = arith.constant 4 : i32
      %mul3A_386 = arith.muli %scan3A_32, %mul3A_385 : i32
      %add3A_387 = arith.constant 3 : i32
      %add3A_388 = arith.addi %mul3A_386, %add3A_387 : i32
      %dma_wait3A_389 = arith.constant 0 : i32
      %dma_wait3A_390 = tpu.memref_slice %arg7[%dma_wait3A_389] : memref<12816xi32, #tpu.memory_space<vmem>> -> memref<33xi32, #tpu.memory_space<vmem>>
      %dma_wait3A_391 = arith.constant 0 : i32
      %dma_wait3A_392 = arith.constant 0 : i32
      %dma_wait3A_393 = tpu.memref_slice %arg2[%dma_wait3A_391, %dma_wait3A_392] : memref<10240x128xf32, #tpu.memory_space<hbm>> -> memref<10240x128xf32, #tpu.memory_space<hbm>>
      tpu.wait_indirect_dma semaphore(%arg18 : memref<!tpu.dma_semaphore, #tpu.memory_space<semaphore_mem>>) src(%dma_wait3A_393 : memref<10240x128xf32, #tpu.memory_space<hbm>>) dst(%arg12 : memref<33x128xf32, #tpu.memory_space<vmem>>)
      %add3A_394 = arith.constant 4 : i32
      %add3A_395 = arith.addi %add3A_388, %add3A_394 : i32
      %sub3A_396 = arith.constant 1 : i32
      %sub3A_397 = arith.subi %add3A_395, %sub3A_396 : i32
      %lt3A_398 = arith.constant 320 : i32
      %lt3A_399 = arith.cmpi slt, %sub3A_397, %lt3A_398 : i32
      %convert_element_type3A_400 = arith.extui %lt3A_399 : i1 to i32
      %cond3A_401 = arith.constant 0 : i32
      %cond3A_402 = arith.cmpi ne, %convert_element_type3A_400, %cond3A_401 : i32
      scf.if %cond3A_402 {
        %add3A_505 = arith.constant 4 : i32
        %add3A_506 = arith.addi %add3A_388, %add3A_505 : i32
        %sub3A_507 = arith.constant 1 : i32
        %sub3A_508 = arith.subi %add3A_506, %sub3A_507 : i32
        %mul3A_509 = arith.constant 40 : i32
        %mul3A_510 = arith.muli %sub3A_508, %mul3A_509 : i32
        %dma_start3A_511 = tpu.memref_slice %arg7[%mul3A_510] : memref<12816xi32, #tpu.memory_space<vmem>> -> memref<33xi32, #tpu.memory_space<vmem>>
        %dma_start3A_512 = arith.constant 0 : i32
        %dma_start3A_513 = arith.constant 0 : i32
        %dma_start3A_514 = tpu.memref_slice %arg2[%dma_start3A_512, %dma_start3A_513] : memref<10240x128xf32, #tpu.memory_space<hbm>> -> memref<10240x128xf32, #tpu.memory_space<hbm>>
        tpu.enqueue_indirect_dma source(%dma_start3A_514 : memref<10240x128xf32, #tpu.memory_space<hbm>>) target(%arg11 : memref<33x128xf32, #tpu.memory_space<vmem>>) offsets(%dma_start3A_511 : memref<33xi32, #tpu.memory_space<vmem>>) semaphore(%arg17 : memref<!tpu.dma_semaphore, #tpu.memory_space<semaphore_mem>>)
      } else {
      }
      %mul3A_403 = arith.constant 40 : i32
      %mul3A_404 = arith.muli %add3A_388, %mul3A_403 : i32
      %get3A_405 = arith.constant 32 : i32
      %get3A_406 = arith.index_cast %get3A_405 : i32 to index
      %get3A_407 = arith.constant 0 : index
      %get3A_408 = tpu.vector_load %arg12[%get3A_406, %get3A_407] {strides = array<i32>} : memref<33x128xf32, #tpu.memory_space<vmem>>, vector<16xf32>,
      %get3A_409 = arith.constant 32 : i32
      %get3A_410 = arith.index_cast %get3A_409 : i32 to index
      %get3A_411 = arith.constant 16 : index
      %get3A_412 = tpu.vector_load %arg12[%get3A_410, %get3A_411] {strides = array<i32>} : memref<33x128xf32, #tpu.memory_space<vmem>>, vector<16xf32>,
      %get3A_413 = arith.constant 32 : i32
      %get3A_414 = arith.index_cast %get3A_413 : i32 to index
      %get3A_415 = arith.constant 32 : index
      %get3A_416 = tpu.vector_load %arg12[%get3A_414, %get3A_415] {strides = array<i32>} : memref<33x128xf32, #tpu.memory_space<vmem>>, vector<16xf32>,
      %get3A_417 = arith.constant 32 : i32
      %get3A_418 = arith.index_cast %get3A_417 : i32 to index
      %get3A_419 = arith.constant 48 : index
      %get3A_420 = tpu.vector_load %arg12[%get3A_418, %get3A_419] {strides = array<i32>} : memref<33x128xf32, #tpu.memory_space<vmem>>, vector<16xf32>,
      %get3A_421 = arith.constant 32 : i32
      %get3A_422 = arith.index_cast %get3A_421 : i32 to index
      %get3A_423 = arith.constant 64 : index
      %get3A_424 = tpu.vector_load %arg12[%get3A_422, %get3A_423] {strides = array<i32>} : memref<33x128xf32, #tpu.memory_space<vmem>>, vector<16xf32>,
      %get3A_425 = arith.constant 32 : i32
      %get3A_426 = arith.index_cast %get3A_425 : i32 to index
      %get3A_427 = arith.constant 80 : index
      %get3A_428 = tpu.vector_load %arg12[%get3A_426, %get3A_427] {strides = array<i32>} : memref<33x128xf32, #tpu.memory_space<vmem>>, vector<16xf32>,
      %get3A_429 = arith.constant 32 : i32
      %get3A_430 = arith.index_cast %get3A_429 : i32 to index
      %get3A_431 = arith.constant 96 : index
      %get3A_432 = tpu.vector_load %arg12[%get3A_430, %get3A_431] {strides = array<i32>} : memref<33x128xf32, #tpu.memory_space<vmem>>, vector<16xf32>,
      %get3A_433 = arith.constant 32 : i32
      %get3A_434 = arith.index_cast %get3A_433 : i32 to index
      %get3A_435 = arith.constant 112 : index
      %get3A_436 = tpu.vector_load %arg12[%get3A_434, %get3A_435] {strides = array<i32>} : memref<33x128xf32, #tpu.memory_space<vmem>>, vector<16xf32>,
      %broadcast_in_dim3A_437 = arith.constant 0.000000e+00 : f32
      %broadcast_in_dim3A_438 = vector.broadcast %broadcast_in_dim3A_437 : f32 to vector<16xf32>
      %broadcast_in_dim3A_439 = arith.constant 0.000000e+00 : f32
      %broadcast_in_dim3A_440 = vector.broadcast %broadcast_in_dim3A_439 : f32 to vector<16xf32>
      %broadcast_in_dim3A_441 = arith.constant 0.000000e+00 : f32
      %broadcast_in_dim3A_442 = vector.broadcast %broadcast_in_dim3A_441 : f32 to vector<16xf32>
      %broadcast_in_dim3A_443 = arith.constant 0.000000e+00 : f32
      %broadcast_in_dim3A_444 = vector.broadcast %broadcast_in_dim3A_443 : f32 to vector<16xf32>
      %broadcast_in_dim3A_445 = arith.constant 0.000000e+00 : f32
      %broadcast_in_dim3A_446 = vector.broadcast %broadcast_in_dim3A_445 : f32 to vector<16xf32>
      %broadcast_in_dim3A_447 = arith.constant 0.000000e+00 : f32
      %broadcast_in_dim3A_448 = vector.broadcast %broadcast_in_dim3A_447 : f32 to vector<16xf32>
      %broadcast_in_dim3A_449 = arith.constant 0.000000e+00 : f32
      %broadcast_in_dim3A_450 = vector.broadcast %broadcast_in_dim3A_449 : f32 to vector<16xf32>
      %broadcast_in_dim3A_451 = arith.constant 0.000000e+00 : f32
      %broadcast_in_dim3A_452 = vector.broadcast %broadcast_in_dim3A_451 : f32 to vector<16xf32>
      %add3A_453 = arith.constant 0 : i32
      %add3A_454 = arith.addi %mul3A_404, %add3A_453 : i32
      %get3A_455 = arith.index_cast %add3A_454 : i32 to index
      %get3A_456 = tpu.vector_load %arg7[%get3A_455] {strides = array<i32>} : memref<12816xi32, #tpu.memory_space<vmem>>, vector<16xi32>,
      %gather3A_457 = tpu.vector_load_idx %arg8[%get3A_456] : memref<10240xf32, #tpu.memory_space<vmem>>[vector<16xi32>], vector<16xf32>,
      %scan3A_458 = arith.constant 0.000000e+00 : f32
      %scan3A_459 = arith.constant 0 : i32
      %scan3A_460 = arith.constant 16 : i32
      %scan3A_461 = arith.addi %scan3A_459, %scan3A_460 : i32
      %scan3A_462 = arith.constant 2 : i32
      %scan3A_463:9 = scf.for %scan3A_505 = %scan3A_459 to %scan3A_461 step %scan3A_462 iter_args(%scan3A_506 = %broadcast_in_dim3A_438, %scan3A_507 = %broadcast_in_dim3A_440, %scan3A_508 = %broadcast_in_dim3A_442, %scan3A_509 = %broadcast_in_dim3A_444, %scan3A_510 = %broadcast_in_dim3A_446, %scan3A_511 = %broadcast_in_dim3A_448, %scan3A_512 = %broadcast_in_dim3A_450, %scan3A_513 = %broadcast_in_dim3A_452, %scan3A_514 = %scan3A_458) -> (vector<16xf32>, vector<16xf32>, vector<16xf32>, vector<16xf32>, vector<16xf32>, vector<16xf32>, vector<16xf32>, vector<16xf32>, f32)  : i32 {
        %add3A_515 = arith.constant 0 : i32
        %add3A_516 = arith.addi %add3A_515, %scan3A_505 : i32
        %get3A_517 = arith.index_cast %add3A_516 : i32 to index
        %get3A_518 = arith.constant 0 : index
        %get3A_519 = tpu.vector_load %arg12[%get3A_517, %get3A_518] {strides = array<i32>} : memref<33x128xf32, #tpu.memory_space<vmem>>, vector<16xf32>,
        %add3A_520 = arith.constant 0 : i32
        %add3A_521 = arith.addi %add3A_520, %scan3A_505 : i32
        %get3A_522 = arith.index_cast %add3A_521 : i32 to index
        %get3A_523 = arith.constant 16 : index
        %get3A_524 = tpu.vector_load %arg12[%get3A_522, %get3A_523] {strides = array<i32>} : memref<33x128xf32, #tpu.memory_space<vmem>>, vector<16xf32>,
        %add3A_525 = arith.constant 0 : i32
        %add3A_526 = arith.addi %add3A_525, %scan3A_505 : i32
        %get3A_527 = arith.index_cast %add3A_526 : i32 to index
        %get3A_528 = arith.constant 32 : index
        %get3A_529 = tpu.vector_load %arg12[%get3A_527, %get3A_528] {strides = array<i32>} : memref<33x128xf32, #tpu.memory_space<vmem>>, vector<16xf32>,
        %add3A_530 = arith.constant 0 : i32
        %add3A_531 = arith.addi %add3A_530, %scan3A_505 : i32
        %get3A_532 = arith.index_cast %add3A_531 : i32 to index
        %get3A_533 = arith.constant 48 : index
        %get3A_534 = tpu.vector_load %arg12[%get3A_532, %get3A_533] {strides = array<i32>} : memref<33x128xf32, #tpu.memory_space<vmem>>, vector<16xf32>,
        %add3A_535 = arith.constant 0 : i32
        %add3A_536 = arith.addi %add3A_535, %scan3A_505 : i32
        %get3A_537 = arith.index_cast %add3A_536 : i32 to index
        %get3A_538 = arith.constant 64 : index
        %get3A_539 = tpu.vector_load %arg12[%get3A_537, %get3A_538] {strides = array<i32>} : memref<33x128xf32, #tpu.memory_space<vmem>>, vector<16xf32>,
        %add3A_540 = arith.constant 0 : i32
        %add3A_541 = arith.addi %add3A_540, %scan3A_505 : i32
        %get3A_542 = arith.index_cast %add3A_541 : i32 to index
        %get3A_543 = arith.constant 80 : index
        %get3A_544 = tpu.vector_load %arg12[%get3A_542, %get3A_543] {strides = array<i32>} : memref<33x128xf32, #tpu.memory_space<vmem>>, vector<16xf32>,
        %add3A_545 = arith.constant 0 : i32
        %add3A_546 = arith.addi %add3A_545, %scan3A_505 : i32
        %get3A_547 = arith.index_cast %add3A_546 : i32 to index
        %get3A_548 = arith.constant 96 : index
        %get3A_549 = tpu.vector_load %arg12[%get3A_547, %get3A_548] {strides = array<i32>} : memref<33x128xf32, #tpu.memory_space<vmem>>, vector<16xf32>,
        %add3A_550 = arith.constant 0 : i32
        %add3A_551 = arith.addi %add3A_550, %scan3A_505 : i32
        %get3A_552 = arith.index_cast %add3A_551 : i32 to index
        %get3A_553 = arith.constant 112 : index
        %get3A_554 = tpu.vector_load %arg12[%get3A_552, %get3A_553] {strides = array<i32>} : memref<33x128xf32, #tpu.memory_space<vmem>>, vector<16xf32>,
        %mul3A_555 = arith.mulf %get3A_519, %get3A_408 : vector<16xf32>
        %mul3A_556 = arith.mulf %get3A_524, %get3A_412 : vector<16xf32>
        %add3A_557 = arith.addf %mul3A_555, %mul3A_556 : vector<16xf32>
        %mul3A_558 = arith.mulf %get3A_529, %get3A_416 : vector<16xf32>
        %add3A_559 = arith.addf %add3A_557, %mul3A_558 : vector<16xf32>
        %mul3A_560 = arith.mulf %get3A_534, %get3A_420 : vector<16xf32>
        %add3A_561 = arith.addf %add3A_559, %mul3A_560 : vector<16xf32>
        %mul3A_562 = arith.mulf %get3A_539, %get3A_424 : vector<16xf32>
        %add3A_563 = arith.addf %add3A_561, %mul3A_562 : vector<16xf32>
        %mul3A_564 = arith.mulf %get3A_544, %get3A_428 : vector<16xf32>
        %add3A_565 = arith.addf %add3A_563, %mul3A_564 : vector<16xf32>
        %mul3A_566 = arith.mulf %get3A_549, %get3A_432 : vector<16xf32>
        %add3A_567 = arith.addf %add3A_565, %mul3A_566 : vector<16xf32>
        %mul3A_568 = arith.mulf %get3A_554, %get3A_436 : vector<16xf32>
        %add3A_569 = arith.addf %add3A_567, %mul3A_568 : vector<16xf32>
        %reduce_sum3A = arith.constant true
        %reduce_sum3A_570 = vector.broadcast %reduce_sum3A : i1 to vector<16xi1>
        %reduce_sum3A_571 = tpu.scan <sum>, %add3A_569 masked %reduce_sum3A_570 : vector<16xf32>, vector<16xi1> -> vector<16xf32>
        %reduce_sum3A_572 = vector.extract %reduce_sum3A_571[15] : f32 from vector<16xf32>
        %broadcast_in_dim3A_573 = vector.broadcast %scan3A_505 : i32 to vector<16xi32>
        %lt3A_574 = arith.constant 0 : i32
        %lt3A_575 = vector.broadcast %lt3A_574 : i32 to vector<16xi32>
        %lt3A_576 = arith.cmpi slt, %broadcast_in_dim3A_573, %lt3A_575 : vector<16xi32>
        %add3A_577 = arith.constant 16 : i32
        %add3A_578 = vector.broadcast %add3A_577 : i32 to vector<16xi32>
        %add3A_579 = arith.addi %broadcast_in_dim3A_573, %add3A_578 : vector<16xi32>
        %select_n3A = arith.select %lt3A_576, %add3A_579, %broadcast_in_dim3A_573 : vector<16xi1>, vector<16xi32>
        %broadcast_in_dim3A_580 = vector.shape_cast %select_n3A : vector<16xi32> to vector<16x1xi32>
        %gather3A_581 = vector.shape_cast %broadcast_in_dim3A_580 : vector<16x1xi32> to vector<16xi32>
        %gather3A_582 = tpu.dynamic_gather %gather3A_457[%gather3A_581] in [0] : vector<16xf32>, vector<16xi32> -> vector<16xf32>
        %mul3A_583 = vector.broadcast %reduce_sum3A_572 : f32 to vector<16xf32>
        %mul3A_584 = arith.mulf %mul3A_583, %gather3A_582 : vector<16xf32>
        %mul3A_585 = arith.mulf %mul3A_584, %get3A_519 : vector<16xf32>
        %add3A_586 = arith.addf %scan3A_506, %mul3A_585 : vector<16xf32>
        %mul3A_587 = arith.mulf %mul3A_584, %get3A_524 : vector<16xf32>
        %add3A_588 = arith.addf %scan3A_507, %mul3A_587 : vector<16xf32>
        %mul3A_589 = arith.mulf %mul3A_584, %get3A_529 : vector<16xf32>
        %add3A_590 = arith.addf %scan3A_508, %mul3A_589 : vector<16xf32>
        %mul3A_591 = arith.mulf %mul3A_584, %get3A_534 : vector<16xf32>
        %add3A_592 = arith.addf %scan3A_509, %mul3A_591 : vector<16xf32>
        %mul3A_593 = arith.mulf %mul3A_584, %get3A_539 : vector<16xf32>
        %add3A_594 = arith.addf %scan3A_510, %mul3A_593 : vector<16xf32>
        %mul3A_595 = arith.mulf %mul3A_584, %get3A_544 : vector<16xf32>
        %add3A_596 = arith.addf %scan3A_511, %mul3A_595 : vector<16xf32>
        %mul3A_597 = arith.mulf %mul3A_584, %get3A_549 : vector<16xf32>
        %add3A_598 = arith.addf %scan3A_512, %mul3A_597 : vector<16xf32>
        %mul3A_599 = arith.mulf %mul3A_584, %get3A_554 : vector<16xf32>
        %add3A_600 = arith.addf %scan3A_513, %mul3A_599 : vector<16xf32>
        %add3A_601 = arith.addf %scan3A_514, %reduce_sum3A_572 : f32
        %scan3A_602 = arith.constant 1 : i32
        %scan3A_603 = arith.addi %scan3A_505, %scan3A_602 : i32
        %add3A_604 = arith.constant 0 : i32
        %add3A_605 = arith.addi %add3A_604, %scan3A_603 : i32
        %get3A_606 = arith.index_cast %add3A_605 : i32 to index
        %get3A_607 = arith.constant 0 : index
        %get3A_608 = tpu.vector_load %arg12[%get3A_606, %get3A_607] {strides = array<i32>} : memref<33x128xf32, #tpu.memory_space<vmem>>, vector<16xf32>,
        %add3A_609 = arith.constant 0 : i32
        %add3A_610 = arith.addi %add3A_609, %scan3A_603 : i32
        %get3A_611 = arith.index_cast %add3A_610 : i32 to index
        %get3A_612 = arith.constant 16 : index
        %get3A_613 = tpu.vector_load %arg12[%get3A_611, %get3A_612] {strides = array<i32>} : memref<33x128xf32, #tpu.memory_space<vmem>>, vector<16xf32>,
        %add3A_614 = arith.constant 0 : i32
        %add3A_615 = arith.addi %add3A_614, %scan3A_603 : i32
        %get3A_616 = arith.index_cast %add3A_615 : i32 to index
        %get3A_617 = arith.constant 32 : index
        %get3A_618 = tpu.vector_load %arg12[%get3A_616, %get3A_617] {strides = array<i32>} : memref<33x128xf32, #tpu.memory_space<vmem>>, vector<16xf32>,
        %add3A_619 = arith.constant 0 : i32
        %add3A_620 = arith.addi %add3A_619, %scan3A_603 : i32
        %get3A_621 = arith.index_cast %add3A_620 : i32 to index
        %get3A_622 = arith.constant 48 : index
        %get3A_623 = tpu.vector_load %arg12[%get3A_621, %get3A_622] {strides = array<i32>} : memref<33x128xf32, #tpu.memory_space<vmem>>, vector<16xf32>,
        %add3A_624 = arith.constant 0 : i32
        %add3A_625 = arith.addi %add3A_624, %scan3A_603 : i32
        %get3A_626 = arith.index_cast %add3A_625 : i32 to index
        %get3A_627 = arith.constant 64 : index
        %get3A_628 = tpu.vector_load %arg12[%get3A_626, %get3A_627] {strides = array<i32>} : memref<33x128xf32, #tpu.memory_space<vmem>>, vector<16xf32>,
        %add3A_629 = arith.constant 0 : i32
        %add3A_630 = arith.addi %add3A_629, %scan3A_603 : i32
        %get3A_631 = arith.index_cast %add3A_630 : i32 to index
        %get3A_632 = arith.constant 80 : index
        %get3A_633 = tpu.vector_load %arg12[%get3A_631, %get3A_632] {strides = array<i32>} : memref<33x128xf32, #tpu.memory_space<vmem>>, vector<16xf32>,
        %add3A_634 = arith.constant 0 : i32
        %add3A_635 = arith.addi %add3A_634, %scan3A_603 : i32
        %get3A_636 = arith.index_cast %add3A_635 : i32 to index
        %get3A_637 = arith.constant 96 : index
        %get3A_638 = tpu.vector_load %arg12[%get3A_636, %get3A_637] {strides = array<i32>} : memref<33x128xf32, #tpu.memory_space<vmem>>, vector<16xf32>,
        %add3A_639 = arith.constant 0 : i32
        %add3A_640 = arith.addi %add3A_639, %scan3A_603 : i32
        %get3A_641 = arith.index_cast %add3A_640 : i32 to index
        %get3A_642 = arith.constant 112 : index
        %get3A_643 = tpu.vector_load %arg12[%get3A_641, %get3A_642] {strides = array<i32>} : memref<33x128xf32, #tpu.memory_space<vmem>>, vector<16xf32>,
        %mul3A_644 = arith.mulf %get3A_608, %get3A_408 : vector<16xf32>
        %mul3A_645 = arith.mulf %get3A_613, %get3A_412 : vector<16xf32>
        %add3A_646 = arith.addf %mul3A_644, %mul3A_645 : vector<16xf32>
        %mul3A_647 = arith.mulf %get3A_618, %get3A_416 : vector<16xf32>
        %add3A_648 = arith.addf %add3A_646, %mul3A_647 : vector<16xf32>
        %mul3A_649 = arith.mulf %get3A_623, %get3A_420 : vector<16xf32>
        %add3A_650 = arith.addf %add3A_648, %mul3A_649 : vector<16xf32>
        %mul3A_651 = arith.mulf %get3A_628, %get3A_424 : vector<16xf32>
        %add3A_652 = arith.addf %add3A_650, %mul3A_651 : vector<16xf32>
        %mul3A_653 = arith.mulf %get3A_633, %get3A_428 : vector<16xf32>
        %add3A_654 = arith.addf %add3A_652, %mul3A_653 : vector<16xf32>
        %mul3A_655 = arith.mulf %get3A_638, %get3A_432 : vector<16xf32>
        %add3A_656 = arith.addf %add3A_654, %mul3A_655 : vector<16xf32>
        %mul3A_657 = arith.mulf %get3A_643, %get3A_436 : vector<16xf32>
        %add3A_658 = arith.addf %add3A_656, %mul3A_657 : vector<16xf32>
        %reduce_sum3A_659 = arith.constant true
        %reduce_sum3A_660 = vector.broadcast %reduce_sum3A_659 : i1 to vector<16xi1>
        %reduce_sum3A_661 = tpu.scan <sum>, %add3A_658 masked %reduce_sum3A_660 : vector<16xf32>, vector<16xi1> -> vector<16xf32>
        %reduce_sum3A_662 = vector.extract %reduce_sum3A_661[15] : f32 from vector<16xf32>
        %broadcast_in_dim3A_663 = vector.broadcast %scan3A_603 : i32 to vector<16xi32>
        %lt3A_664 = arith.constant 0 : i32
        %lt3A_665 = vector.broadcast %lt3A_664 : i32 to vector<16xi32>
        %lt3A_666 = arith.cmpi slt, %broadcast_in_dim3A_663, %lt3A_665 : vector<16xi32>
        %add3A_667 = arith.constant 16 : i32
        %add3A_668 = vector.broadcast %add3A_667 : i32 to vector<16xi32>
        %add3A_669 = arith.addi %broadcast_in_dim3A_663, %add3A_668 : vector<16xi32>
        %select_n3A_670 = arith.select %lt3A_666, %add3A_669, %broadcast_in_dim3A_663 : vector<16xi1>, vector<16xi32>
        %broadcast_in_dim3A_671 = vector.shape_cast %select_n3A_670 : vector<16xi32> to vector<16x1xi32>
        %gather3A_672 = vector.shape_cast %broadcast_in_dim3A_671 : vector<16x1xi32> to vector<16xi32>
        %gather3A_673 = tpu.dynamic_gather %gather3A_457[%gather3A_672] in [0] : vector<16xf32>, vector<16xi32> -> vector<16xf32>
        %mul3A_674 = vector.broadcast %reduce_sum3A_662 : f32 to vector<16xf32>
        %mul3A_675 = arith.mulf %mul3A_674, %gather3A_673 : vector<16xf32>
        %mul3A_676 = arith.mulf %mul3A_675, %get3A_608 : vector<16xf32>
        %add3A_677 = arith.addf %add3A_586, %mul3A_676 : vector<16xf32>
        %mul3A_678 = arith.mulf %mul3A_675, %get3A_613 : vector<16xf32>
        %add3A_679 = arith.addf %add3A_588, %mul3A_678 : vector<16xf32>
        %mul3A_680 = arith.mulf %mul3A_675, %get3A_618 : vector<16xf32>
        %add3A_681 = arith.addf %add3A_590, %mul3A_680 : vector<16xf32>
        %mul3A_682 = arith.mulf %mul3A_675, %get3A_623 : vector<16xf32>
        %add3A_683 = arith.addf %add3A_592, %mul3A_682 : vector<16xf32>
        %mul3A_684 = arith.mulf %mul3A_675, %get3A_628 : vector<16xf32>
        %add3A_685 = arith.addf %add3A_594, %mul3A_684 : vector<16xf32>
        %mul3A_686 = arith.mulf %mul3A_675, %get3A_633 : vector<16xf32>
        %add3A_687 = arith.addf %add3A_596, %mul3A_686 : vector<16xf32>
        %mul3A_688 = arith.mulf %mul3A_675, %get3A_638 : vector<16xf32>
        %add3A_689 = arith.addf %add3A_598, %mul3A_688 : vector<16xf32>
        %mul3A_690 = arith.mulf %mul3A_675, %get3A_643 : vector<16xf32>
        %add3A_691 = arith.addf %add3A_600, %mul3A_690 : vector<16xf32>
        %add3A_692 = arith.addf %add3A_601, %reduce_sum3A_662 : f32
        scf.yield %add3A_677, %add3A_679, %add3A_681, %add3A_683, %add3A_685, %add3A_687, %add3A_689, %add3A_691, %add3A_692 : vector<16xf32>, vector<16xf32>, vector<16xf32>, vector<16xf32>, vector<16xf32>, vector<16xf32>, vector<16xf32>, vector<16xf32>, f32
      }
      %scan3A_464 = arith.constant 16 : i32
      %add3A_465 = arith.constant 16 : i32
      %add3A_466 = arith.addi %mul3A_404, %add3A_465 : i32
      %get3A_467 = arith.index_cast %add3A_466 : i32 to index
      %get3A_468 = tpu.vector_load %arg7[%get3A_467] {strides = array<i32>} : memref<12816xi32, #tpu.memory_space<vmem>>, vector<16xi32>,
      %gather3A_469 = tpu.vector_load_idx %arg8[%get3A_468] : memref<10240xf32, #tpu.memory_space<vmem>>[vector<16xi32>], vector<16xf32>,
      %scan3A_470 = arith.constant 0 : i32
      %scan3A_471 = arith.constant 16 : i32
      %scan3A_472 = arith.addi %scan3A_470, %scan3A_471 : i32
      %scan3A_473 = arith.constant 2 : i32
      %scan3A_474:9 = scf.for %scan3A_505 = %scan3A_470 to %scan3A_472 step %scan3A_473 iter_args(%scan3A_506 = %scan3A_463#0, %scan3A_507 = %scan3A_463#1, %scan3A_508 = %scan3A_463#2, %scan3A_509 = %scan3A_463#3, %scan3A_510 = %scan3A_463#4, %scan3A_511 = %scan3A_463#5, %scan3A_512 = %scan3A_463#6, %scan3A_513 = %scan3A_463#7, %scan3A_514 = %scan3A_463#8) -> (vector<16xf32>, vector<16xf32>, vector<16xf32>, vector<16xf32>, vector<16xf32>, vector<16xf32>, vector<16xf32>, vector<16xf32>, f32)  : i32 {
        %add3A_515 = arith.constant 16 : i32
        %add3A_516 = arith.addi %add3A_515, %scan3A_505 : i32
        %get3A_517 = arith.index_cast %add3A_516 : i32 to index
        %get3A_518 = arith.constant 0 : index
        %get3A_519 = tpu.vector_load %arg12[%get3A_517, %get3A_518] {strides = array<i32>} : memref<33x128xf32, #tpu.memory_space<vmem>>, vector<16xf32>,
        %add3A_520 = arith.constant 16 : i32
        %add3A_521 = arith.addi %add3A_520, %scan3A_505 : i32
        %get3A_522 = arith.index_cast %add3A_521 : i32 to index
        %get3A_523 = arith.constant 16 : index
        %get3A_524 = tpu.vector_load %arg12[%get3A_522, %get3A_523] {strides = array<i32>} : memref<33x128xf32, #tpu.memory_space<vmem>>, vector<16xf32>,
        %add3A_525 = arith.constant 16 : i32
        %add3A_526 = arith.addi %add3A_525, %scan3A_505 : i32
        %get3A_527 = arith.index_cast %add3A_526 : i32 to index
        %get3A_528 = arith.constant 32 : index
        %get3A_529 = tpu.vector_load %arg12[%get3A_527, %get3A_528] {strides = array<i32>} : memref<33x128xf32, #tpu.memory_space<vmem>>, vector<16xf32>,
        %add3A_530 = arith.constant 16 : i32
        %add3A_531 = arith.addi %add3A_530, %scan3A_505 : i32
        %get3A_532 = arith.index_cast %add3A_531 : i32 to index
        %get3A_533 = arith.constant 48 : index
        %get3A_534 = tpu.vector_load %arg12[%get3A_532, %get3A_533] {strides = array<i32>} : memref<33x128xf32, #tpu.memory_space<vmem>>, vector<16xf32>,
        %add3A_535 = arith.constant 16 : i32
        %add3A_536 = arith.addi %add3A_535, %scan3A_505 : i32
        %get3A_537 = arith.index_cast %add3A_536 : i32 to index
        %get3A_538 = arith.constant 64 : index
        %get3A_539 = tpu.vector_load %arg12[%get3A_537, %get3A_538] {strides = array<i32>} : memref<33x128xf32, #tpu.memory_space<vmem>>, vector<16xf32>,
        %add3A_540 = arith.constant 16 : i32
        %add3A_541 = arith.addi %add3A_540, %scan3A_505 : i32
        %get3A_542 = arith.index_cast %add3A_541 : i32 to index
        %get3A_543 = arith.constant 80 : index
        %get3A_544 = tpu.vector_load %arg12[%get3A_542, %get3A_543] {strides = array<i32>} : memref<33x128xf32, #tpu.memory_space<vmem>>, vector<16xf32>,
        %add3A_545 = arith.constant 16 : i32
        %add3A_546 = arith.addi %add3A_545, %scan3A_505 : i32
        %get3A_547 = arith.index_cast %add3A_546 : i32 to index
        %get3A_548 = arith.constant 96 : index
        %get3A_549 = tpu.vector_load %arg12[%get3A_547, %get3A_548] {strides = array<i32>} : memref<33x128xf32, #tpu.memory_space<vmem>>, vector<16xf32>,
        %add3A_550 = arith.constant 16 : i32
        %add3A_551 = arith.addi %add3A_550, %scan3A_505 : i32
        %get3A_552 = arith.index_cast %add3A_551 : i32 to index
        %get3A_553 = arith.constant 112 : index
        %get3A_554 = tpu.vector_load %arg12[%get3A_552, %get3A_553] {strides = array<i32>} : memref<33x128xf32, #tpu.memory_space<vmem>>, vector<16xf32>,
        %mul3A_555 = arith.mulf %get3A_519, %get3A_408 : vector<16xf32>
        %mul3A_556 = arith.mulf %get3A_524, %get3A_412 : vector<16xf32>
        %add3A_557 = arith.addf %mul3A_555, %mul3A_556 : vector<16xf32>
        %mul3A_558 = arith.mulf %get3A_529, %get3A_416 : vector<16xf32>
        %add3A_559 = arith.addf %add3A_557, %mul3A_558 : vector<16xf32>
        %mul3A_560 = arith.mulf %get3A_534, %get3A_420 : vector<16xf32>
        %add3A_561 = arith.addf %add3A_559, %mul3A_560 : vector<16xf32>
        %mul3A_562 = arith.mulf %get3A_539, %get3A_424 : vector<16xf32>
        %add3A_563 = arith.addf %add3A_561, %mul3A_562 : vector<16xf32>
        %mul3A_564 = arith.mulf %get3A_544, %get3A_428 : vector<16xf32>
        %add3A_565 = arith.addf %add3A_563, %mul3A_564 : vector<16xf32>
        %mul3A_566 = arith.mulf %get3A_549, %get3A_432 : vector<16xf32>
        %add3A_567 = arith.addf %add3A_565, %mul3A_566 : vector<16xf32>
        %mul3A_568 = arith.mulf %get3A_554, %get3A_436 : vector<16xf32>
        %add3A_569 = arith.addf %add3A_567, %mul3A_568 : vector<16xf32>
        %reduce_sum3A = arith.constant true
        %reduce_sum3A_570 = vector.broadcast %reduce_sum3A : i1 to vector<16xi1>
        %reduce_sum3A_571 = tpu.scan <sum>, %add3A_569 masked %reduce_sum3A_570 : vector<16xf32>, vector<16xi1> -> vector<16xf32>
        %reduce_sum3A_572 = vector.extract %reduce_sum3A_571[15] : f32 from vector<16xf32>
        %broadcast_in_dim3A_573 = vector.broadcast %scan3A_505 : i32 to vector<16xi32>
        %lt3A_574 = arith.constant 0 : i32
        %lt3A_575 = vector.broadcast %lt3A_574 : i32 to vector<16xi32>
        %lt3A_576 = arith.cmpi slt, %broadcast_in_dim3A_573, %lt3A_575 : vector<16xi32>
        %add3A_577 = arith.constant 16 : i32
        %add3A_578 = vector.broadcast %add3A_577 : i32 to vector<16xi32>
        %add3A_579 = arith.addi %broadcast_in_dim3A_573, %add3A_578 : vector<16xi32>
        %select_n3A = arith.select %lt3A_576, %add3A_579, %broadcast_in_dim3A_573 : vector<16xi1>, vector<16xi32>
        %broadcast_in_dim3A_580 = vector.shape_cast %select_n3A : vector<16xi32> to vector<16x1xi32>
        %gather3A_581 = vector.shape_cast %broadcast_in_dim3A_580 : vector<16x1xi32> to vector<16xi32>
        %gather3A_582 = tpu.dynamic_gather %gather3A_469[%gather3A_581] in [0] : vector<16xf32>, vector<16xi32> -> vector<16xf32>
        %mul3A_583 = vector.broadcast %reduce_sum3A_572 : f32 to vector<16xf32>
        %mul3A_584 = arith.mulf %mul3A_583, %gather3A_582 : vector<16xf32>
        %mul3A_585 = arith.mulf %mul3A_584, %get3A_519 : vector<16xf32>
        %add3A_586 = arith.addf %scan3A_506, %mul3A_585 : vector<16xf32>
        %mul3A_587 = arith.mulf %mul3A_584, %get3A_524 : vector<16xf32>
        %add3A_588 = arith.addf %scan3A_507, %mul3A_587 : vector<16xf32>
        %mul3A_589 = arith.mulf %mul3A_584, %get3A_529 : vector<16xf32>
        %add3A_590 = arith.addf %scan3A_508, %mul3A_589 : vector<16xf32>
        %mul3A_591 = arith.mulf %mul3A_584, %get3A_534 : vector<16xf32>
        %add3A_592 = arith.addf %scan3A_509, %mul3A_591 : vector<16xf32>
        %mul3A_593 = arith.mulf %mul3A_584, %get3A_539 : vector<16xf32>
        %add3A_594 = arith.addf %scan3A_510, %mul3A_593 : vector<16xf32>
        %mul3A_595 = arith.mulf %mul3A_584, %get3A_544 : vector<16xf32>
        %add3A_596 = arith.addf %scan3A_511, %mul3A_595 : vector<16xf32>
        %mul3A_597 = arith.mulf %mul3A_584, %get3A_549 : vector<16xf32>
        %add3A_598 = arith.addf %scan3A_512, %mul3A_597 : vector<16xf32>
        %mul3A_599 = arith.mulf %mul3A_584, %get3A_554 : vector<16xf32>
        %add3A_600 = arith.addf %scan3A_513, %mul3A_599 : vector<16xf32>
        %add3A_601 = arith.addf %scan3A_514, %reduce_sum3A_572 : f32
        %scan3A_602 = arith.constant 1 : i32
        %scan3A_603 = arith.addi %scan3A_505, %scan3A_602 : i32
        %add3A_604 = arith.constant 16 : i32
        %add3A_605 = arith.addi %add3A_604, %scan3A_603 : i32
        %get3A_606 = arith.index_cast %add3A_605 : i32 to index
        %get3A_607 = arith.constant 0 : index
        %get3A_608 = tpu.vector_load %arg12[%get3A_606, %get3A_607] {strides = array<i32>} : memref<33x128xf32, #tpu.memory_space<vmem>>, vector<16xf32>,
        %add3A_609 = arith.constant 16 : i32
        %add3A_610 = arith.addi %add3A_609, %scan3A_603 : i32
        %get3A_611 = arith.index_cast %add3A_610 : i32 to index
        %get3A_612 = arith.constant 16 : index
        %get3A_613 = tpu.vector_load %arg12[%get3A_611, %get3A_612] {strides = array<i32>} : memref<33x128xf32, #tpu.memory_space<vmem>>, vector<16xf32>,
        %add3A_614 = arith.constant 16 : i32
        %add3A_615 = arith.addi %add3A_614, %scan3A_603 : i32
        %get3A_616 = arith.index_cast %add3A_615 : i32 to index
        %get3A_617 = arith.constant 32 : index
        %get3A_618 = tpu.vector_load %arg12[%get3A_616, %get3A_617] {strides = array<i32>} : memref<33x128xf32, #tpu.memory_space<vmem>>, vector<16xf32>,
        %add3A_619 = arith.constant 16 : i32
        %add3A_620 = arith.addi %add3A_619, %scan3A_603 : i32
        %get3A_621 = arith.index_cast %add3A_620 : i32 to index
        %get3A_622 = arith.constant 48 : index
        %get3A_623 = tpu.vector_load %arg12[%get3A_621, %get3A_622] {strides = array<i32>} : memref<33x128xf32, #tpu.memory_space<vmem>>, vector<16xf32>,
        %add3A_624 = arith.constant 16 : i32
        %add3A_625 = arith.addi %add3A_624, %scan3A_603 : i32
        %get3A_626 = arith.index_cast %add3A_625 : i32 to index
        %get3A_627 = arith.constant 64 : index
        %get3A_628 = tpu.vector_load %arg12[%get3A_626, %get3A_627] {strides = array<i32>} : memref<33x128xf32, #tpu.memory_space<vmem>>, vector<16xf32>,
        %add3A_629 = arith.constant 16 : i32
        %add3A_630 = arith.addi %add3A_629, %scan3A_603 : i32
        %get3A_631 = arith.index_cast %add3A_630 : i32 to index
        %get3A_632 = arith.constant 80 : index
        %get3A_633 = tpu.vector_load %arg12[%get3A_631, %get3A_632] {strides = array<i32>} : memref<33x128xf32, #tpu.memory_space<vmem>>, vector<16xf32>,
        %add3A_634 = arith.constant 16 : i32
        %add3A_635 = arith.addi %add3A_634, %scan3A_603 : i32
        %get3A_636 = arith.index_cast %add3A_635 : i32 to index
        %get3A_637 = arith.constant 96 : index
        %get3A_638 = tpu.vector_load %arg12[%get3A_636, %get3A_637] {strides = array<i32>} : memref<33x128xf32, #tpu.memory_space<vmem>>, vector<16xf32>,
        %add3A_639 = arith.constant 16 : i32
        %add3A_640 = arith.addi %add3A_639, %scan3A_603 : i32
        %get3A_641 = arith.index_cast %add3A_640 : i32 to index
        %get3A_642 = arith.constant 112 : index
        %get3A_643 = tpu.vector_load %arg12[%get3A_641, %get3A_642] {strides = array<i32>} : memref<33x128xf32, #tpu.memory_space<vmem>>, vector<16xf32>,
        %mul3A_644 = arith.mulf %get3A_608, %get3A_408 : vector<16xf32>
        %mul3A_645 = arith.mulf %get3A_613, %get3A_412 : vector<16xf32>
        %add3A_646 = arith.addf %mul3A_644, %mul3A_645 : vector<16xf32>
        %mul3A_647 = arith.mulf %get3A_618, %get3A_416 : vector<16xf32>
        %add3A_648 = arith.addf %add3A_646, %mul3A_647 : vector<16xf32>
        %mul3A_649 = arith.mulf %get3A_623, %get3A_420 : vector<16xf32>
        %add3A_650 = arith.addf %add3A_648, %mul3A_649 : vector<16xf32>
        %mul3A_651 = arith.mulf %get3A_628, %get3A_424 : vector<16xf32>
        %add3A_652 = arith.addf %add3A_650, %mul3A_651 : vector<16xf32>
        %mul3A_653 = arith.mulf %get3A_633, %get3A_428 : vector<16xf32>
        %add3A_654 = arith.addf %add3A_652, %mul3A_653 : vector<16xf32>
        %mul3A_655 = arith.mulf %get3A_638, %get3A_432 : vector<16xf32>
        %add3A_656 = arith.addf %add3A_654, %mul3A_655 : vector<16xf32>
        %mul3A_657 = arith.mulf %get3A_643, %get3A_436 : vector<16xf32>
        %add3A_658 = arith.addf %add3A_656, %mul3A_657 : vector<16xf32>
        %reduce_sum3A_659 = arith.constant true
        %reduce_sum3A_660 = vector.broadcast %reduce_sum3A_659 : i1 to vector<16xi1>
        %reduce_sum3A_661 = tpu.scan <sum>, %add3A_658 masked %reduce_sum3A_660 : vector<16xf32>, vector<16xi1> -> vector<16xf32>
        %reduce_sum3A_662 = vector.extract %reduce_sum3A_661[15] : f32 from vector<16xf32>
        %broadcast_in_dim3A_663 = vector.broadcast %scan3A_603 : i32 to vector<16xi32>
        %lt3A_664 = arith.constant 0 : i32
        %lt3A_665 = vector.broadcast %lt3A_664 : i32 to vector<16xi32>
        %lt3A_666 = arith.cmpi slt, %broadcast_in_dim3A_663, %lt3A_665 : vector<16xi32>
        %add3A_667 = arith.constant 16 : i32
        %add3A_668 = vector.broadcast %add3A_667 : i32 to vector<16xi32>
        %add3A_669 = arith.addi %broadcast_in_dim3A_663, %add3A_668 : vector<16xi32>
        %select_n3A_670 = arith.select %lt3A_666, %add3A_669, %broadcast_in_dim3A_663 : vector<16xi1>, vector<16xi32>
        %broadcast_in_dim3A_671 = vector.shape_cast %select_n3A_670 : vector<16xi32> to vector<16x1xi32>
        %gather3A_672 = vector.shape_cast %broadcast_in_dim3A_671 : vector<16x1xi32> to vector<16xi32>
        %gather3A_673 = tpu.dynamic_gather %gather3A_469[%gather3A_672] in [0] : vector<16xf32>, vector<16xi32> -> vector<16xf32>
        %mul3A_674 = vector.broadcast %reduce_sum3A_662 : f32 to vector<16xf32>
        %mul3A_675 = arith.mulf %mul3A_674, %gather3A_673 : vector<16xf32>
        %mul3A_676 = arith.mulf %mul3A_675, %get3A_608 : vector<16xf32>
        %add3A_677 = arith.addf %add3A_586, %mul3A_676 : vector<16xf32>
        %mul3A_678 = arith.mulf %mul3A_675, %get3A_613 : vector<16xf32>
        %add3A_679 = arith.addf %add3A_588, %mul3A_678 : vector<16xf32>
        %mul3A_680 = arith.mulf %mul3A_675, %get3A_618 : vector<16xf32>
        %add3A_681 = arith.addf %add3A_590, %mul3A_680 : vector<16xf32>
        %mul3A_682 = arith.mulf %mul3A_675, %get3A_623 : vector<16xf32>
        %add3A_683 = arith.addf %add3A_592, %mul3A_682 : vector<16xf32>
        %mul3A_684 = arith.mulf %mul3A_675, %get3A_628 : vector<16xf32>
        %add3A_685 = arith.addf %add3A_594, %mul3A_684 : vector<16xf32>
        %mul3A_686 = arith.mulf %mul3A_675, %get3A_633 : vector<16xf32>
        %add3A_687 = arith.addf %add3A_596, %mul3A_686 : vector<16xf32>
        %mul3A_688 = arith.mulf %mul3A_675, %get3A_638 : vector<16xf32>
        %add3A_689 = arith.addf %add3A_598, %mul3A_688 : vector<16xf32>
        %mul3A_690 = arith.mulf %mul3A_675, %get3A_643 : vector<16xf32>
        %add3A_691 = arith.addf %add3A_600, %mul3A_690 : vector<16xf32>
        %add3A_692 = arith.addf %add3A_601, %reduce_sum3A_662 : f32
        scf.yield %add3A_677, %add3A_679, %add3A_681, %add3A_683, %add3A_685, %add3A_687, %add3A_689, %add3A_691, %add3A_692 : vector<16xf32>, vector<16xf32>, vector<16xf32>, vector<16xf32>, vector<16xf32>, vector<16xf32>, vector<16xf32>, vector<16xf32>, f32
      }
      %scan3A_475 = arith.constant 16 : i32
      %swap3A_476 = arith.index_cast %add3A_388 : i32 to index
      %swap3A_477 = arith.constant 0 : index
      %swap3A_478 = tpu.vector_load %arg13[%swap3A_476, %swap3A_477] {strides = array<i32>} : memref<320x128xf32, #tpu.memory_space<vmem>>, vector<16xf32>,
      tpu.vector_store %arg13[%swap3A_476, %swap3A_477], %scan3A_474#0 {strides = array<i32>} : memref<320x128xf32, #tpu.memory_space<vmem>>, vector<16xf32>,
      %swap3A_479 = arith.index_cast %add3A_388 : i32 to index
      %swap3A_480 = arith.constant 16 : index
      %swap3A_481 = tpu.vector_load %arg13[%swap3A_479, %swap3A_480] {strides = array<i32>} : memref<320x128xf32, #tpu.memory_space<vmem>>, vector<16xf32>,
      tpu.vector_store %arg13[%swap3A_479, %swap3A_480], %scan3A_474#1 {strides = array<i32>} : memref<320x128xf32, #tpu.memory_space<vmem>>, vector<16xf32>,
      %swap3A_482 = arith.index_cast %add3A_388 : i32 to index
      %swap3A_483 = arith.constant 32 : index
      %swap3A_484 = tpu.vector_load %arg13[%swap3A_482, %swap3A_483] {strides = array<i32>} : memref<320x128xf32, #tpu.memory_space<vmem>>, vector<16xf32>,
      tpu.vector_store %arg13[%swap3A_482, %swap3A_483], %scan3A_474#2 {strides = array<i32>} : memref<320x128xf32, #tpu.memory_space<vmem>>, vector<16xf32>,
      %swap3A_485 = arith.index_cast %add3A_388 : i32 to index
      %swap3A_486 = arith.constant 48 : index
      %swap3A_487 = tpu.vector_load %arg13[%swap3A_485, %swap3A_486] {strides = array<i32>} : memref<320x128xf32, #tpu.memory_space<vmem>>, vector<16xf32>,
      tpu.vector_store %arg13[%swap3A_485, %swap3A_486], %scan3A_474#3 {strides = array<i32>} : memref<320x128xf32, #tpu.memory_space<vmem>>, vector<16xf32>,
      %swap3A_488 = arith.index_cast %add3A_388 : i32 to index
      %swap3A_489 = arith.constant 64 : index
      %swap3A_490 = tpu.vector_load %arg13[%swap3A_488, %swap3A_489] {strides = array<i32>} : memref<320x128xf32, #tpu.memory_space<vmem>>, vector<16xf32>,
      tpu.vector_store %arg13[%swap3A_488, %swap3A_489], %scan3A_474#4 {strides = array<i32>} : memref<320x128xf32, #tpu.memory_space<vmem>>, vector<16xf32>,
      %swap3A_491 = arith.index_cast %add3A_388 : i32 to index
      %swap3A_492 = arith.constant 80 : index
      %swap3A_493 = tpu.vector_load %arg13[%swap3A_491, %swap3A_492] {strides = array<i32>} : memref<320x128xf32, #tpu.memory_space<vmem>>, vector<16xf32>,
      tpu.vector_store %arg13[%swap3A_491, %swap3A_492], %scan3A_474#5 {strides = array<i32>} : memref<320x128xf32, #tpu.memory_space<vmem>>, vector<16xf32>,
      %swap3A_494 = arith.index_cast %add3A_388 : i32 to index
      %swap3A_495 = arith.constant 96 : index
      %swap3A_496 = tpu.vector_load %arg13[%swap3A_494, %swap3A_495] {strides = array<i32>} : memref<320x128xf32, #tpu.memory_space<vmem>>, vector<16xf32>,
      tpu.vector_store %arg13[%swap3A_494, %swap3A_495], %scan3A_474#6 {strides = array<i32>} : memref<320x128xf32, #tpu.memory_space<vmem>>, vector<16xf32>,
      %swap3A_497 = arith.index_cast %add3A_388 : i32 to index
      %swap3A_498 = arith.constant 112 : index
      %swap3A_499 = tpu.vector_load %arg13[%swap3A_497, %swap3A_498] {strides = array<i32>} : memref<320x128xf32, #tpu.memory_space<vmem>>, vector<16xf32>,
      tpu.vector_store %arg13[%swap3A_497, %swap3A_498], %scan3A_474#7 {strides = array<i32>} : memref<320x128xf32, #tpu.memory_space<vmem>>, vector<16xf32>,
      %broadcast_in_dim3A_500 = vector.broadcast %add3A_388 : i32 to vector<16xi32>
      %broadcast_in_dim3A_501 = vector.broadcast %scan3A_474#8 : f32 to vector<16xf32>
      %eq3A_502 = arith.constant 0 : i32
      %eq3A_503 = vector.broadcast %eq3A_502 : i32 to vector<16xi32>
      %eq3A_504 = arith.cmpi eq, %iota3A, %eq3A_503 : vector<16xi32>
      tpu.vector_store_idx %arg14[%broadcast_in_dim3A_500], %broadcast_in_dim3A_501 masked %eq3A_504 : memref<320xf32, #tpu.memory_space<vmem>>[vector<16xi32>], vector<16xf32>, vector<16xi1>
    }
    %scan3A_31 = arith.constant 80 : i32
    "tpu.region"() ({
      %run_scoped3A = tpu.sem_alloc : memref<!tpu.dma_semaphore, #tpu.memory_space<semaphore_mem>>
      %dma_start3A_32 = arith.constant 0 : i32
      %dma_start3A_33 = tpu.memref_slice %arg5[%mul3A_2, %dma_start3A_32] : memref<10240x128xf32, #tpu.memory_space<hbm>> -> memref<320x128xf32, #tpu.memory_space<hbm>>
      %dma_start3A_34 = arith.constant 0 : i32
      %dma_start3A_35 = tpu.memref_slice %arg5[%mul3A_2, %dma_start3A_34] : memref<10240x128xf32, #tpu.memory_space<hbm>> -> memref<320x128xf32, #tpu.memory_space<hbm>>
      tpu.enqueue_dma source(%arg13 : memref<320x128xf32, #tpu.memory_space<vmem>>) target(%dma_start3A_35 : memref<320x128xf32, #tpu.memory_space<hbm>>) target_semaphore(%run_scoped3A : memref<!tpu.dma_semaphore, #tpu.memory_space<semaphore_mem>>)
      %dma_wait3A = arith.constant 0 : i32
      %dma_wait3A_36 = tpu.memref_slice %arg5[%mul3A_2, %dma_wait3A] : memref<10240x128xf32, #tpu.memory_space<hbm>> -> memref<320x128xf32, #tpu.memory_space<hbm>>
      %dma_wait3A_37 = arith.constant 0 : i32
      %dma_wait3A_38 = tpu.memref_slice %arg5[%mul3A_2, %dma_wait3A_37] : memref<10240x128xf32, #tpu.memory_space<hbm>> -> memref<320x128xf32, #tpu.memory_space<hbm>>
      tpu.wait_dma2 semaphore(%run_scoped3A : memref<!tpu.dma_semaphore, #tpu.memory_space<semaphore_mem>>) src(%arg13 : memref<320x128xf32, #tpu.memory_space<vmem>>) dst(%dma_wait3A_38 : memref<320x128xf32, #tpu.memory_space<hbm>>)
      tpu.yield
    }) : () -> ()
    "tpu.region"() ({
      %run_scoped3A = tpu.sem_alloc : memref<!tpu.dma_semaphore, #tpu.memory_space<semaphore_mem>>
      %dma_start3A_32 = tpu.memref_slice %arg6[%mul3A_2] : memref<10240xf32, #tpu.memory_space<hbm>> -> memref<320xf32, #tpu.memory_space<hbm>>
      %dma_start3A_33 = tpu.memref_slice %arg6[%mul3A_2] : memref<10240xf32, #tpu.memory_space<hbm>> -> memref<320xf32, #tpu.memory_space<hbm>>
      tpu.enqueue_dma source(%arg14 : memref<320xf32, #tpu.memory_space<vmem>>) target(%dma_start3A_33 : memref<320xf32, #tpu.memory_space<hbm>>) target_semaphore(%run_scoped3A : memref<!tpu.dma_semaphore, #tpu.memory_space<semaphore_mem>>)
      %dma_wait3A = tpu.memref_slice %arg6[%mul3A_2] : memref<10240xf32, #tpu.memory_space<hbm>> -> memref<320xf32, #tpu.memory_space<hbm>>
      %dma_wait3A_34 = tpu.memref_slice %arg6[%mul3A_2] : memref<10240xf32, #tpu.memory_space<hbm>> -> memref<320xf32, #tpu.memory_space<hbm>>
      tpu.wait_dma2 semaphore(%run_scoped3A : memref<!tpu.dma_semaphore, #tpu.memory_space<semaphore_mem>>) src(%arg14 : memref<320xf32, #tpu.memory_space<vmem>>) dst(%dma_wait3A_34 : memref<320xf32, #tpu.memory_space<hbm>>)
      tpu.yield
    }) : () -> ()
    return
  }
}

module attributes {stable_mosaic.version = 14 : i64} {
  func.func @_prep_body(%arg0: memref<10240x128xf32, #tpu.memory_space<vmem>>, %arg1: memref<10240x128xf32, #tpu.memory_space<vmem>>, %arg2: memref<10240xf32, #tpu.memory_space<vmem>>) attributes {dimension_semantics = [], scalar_prefetch = 0 : i64, scratch_operands = 0 : i64, tpu.core_type = #tpu.core_type<tc>} {
    %get3A = arith.constant 0 : index
    %get3A_0 = arith.constant 0 : index
    %get3A_1 = vector.load %arg0[%get3A, %get3A_0] : memref<10240x128xf32, #tpu.memory_space<vmem>>, vector<10240x128xf32>
    %mul3A = arith.mulf %get3A_1, %get3A_1 : vector<10240x128xf32>
    %reduce_sum3A = arith.constant dense<0.000000e+00> : vector<10240xf32>
    %reduce_sum3A_2 = vector.multi_reduction <add>, %mul3A, %reduce_sum3A [1] : vector<10240x128xf32> to vector<10240xf32>
    %broadcast_in_dim3A = vector.shape_cast %reduce_sum3A_2 : vector<10240xf32> to vector<10240x1xf32>
    %rsqrt3A = math.rsqrt %broadcast_in_dim3A : vector<10240x1xf32>
    %mul3A_3 = vector.broadcast %rsqrt3A : vector<10240x1xf32> to vector<10240x128xf32>
    %mul3A_4 = arith.mulf %get3A_1, %mul3A_3 : vector<10240x128xf32>
    %swap3A = arith.constant 0 : index
    %swap3A_5 = arith.constant 0 : index
    %swap3A_6 = vector.load %arg1[%swap3A, %swap3A_5] : memref<10240x128xf32, #tpu.memory_space<vmem>>, vector<10240x128xf32>
    tpu.vector_store %arg1[%swap3A, %swap3A_5], %mul3A_4 {strides = array<i32>} : memref<10240x128xf32, #tpu.memory_space<vmem>>, vector<10240x128xf32>,
    %mul3A_7 = arith.mulf %broadcast_in_dim3A, %rsqrt3A : vector<10240x1xf32>
    %squeeze3A = vector.shape_cast %mul3A_7 : vector<10240x1xf32> to vector<10240xf32>
    %swap3A_8 = arith.constant 0 : index
    %swap3A_9 = vector.load %arg2[%swap3A_8] : memref<10240xf32, #tpu.memory_space<vmem>>, vector<10240xf32>
    tpu.vector_store %arg2[%swap3A_8], %squeeze3A {strides = array<i32>} : memref<10240xf32, #tpu.memory_space<vmem>>, vector<10240xf32>,
    return
  }
}

module attributes {stable_mosaic.version = 14 : i64} {
  func.func @_final_body(%arg0: i32, %arg1: memref<1024x128xf32, #tpu.memory_space<vmem>>, %arg2: memref<1024x1xf32, #tpu.memory_space<vmem>>, %arg3: memref<1024x128xf32, #tpu.memory_space<vmem>>, %arg4: memref<128x256xf32, #tpu.memory_space<vmem>>, %arg5: memref<128xf32, #tpu.memory_space<vmem>>, %arg6: memref<1024x128xf32, #tpu.memory_space<vmem>>) attributes {dimension_semantics = [#tpu.dimension_semantics<arbitrary>], iteration_bounds = array<i64: 10>, scalar_prefetch = 0 : i64, scratch_operands = 0 : i64, tpu.core_type = #tpu.core_type<tc>, window_params = [{transform_indices = @transform_0, window_bounds = array<i64: 1024, 128>}, {transform_indices = @transform_1, window_bounds = array<i64: 1024, 1>}, {transform_indices = @transform_2, window_bounds = array<i64: 1024, 128>}, {pipeline_mode = #tpu.pipeline_mode<synchronous>, transform_indices = @transform_3, window_bounds = array<i64: 128, 256>}, {pipeline_mode = #tpu.pipeline_mode<synchronous>, transform_indices = @transform_4, window_bounds = array<i64: 128>}, {transform_indices = @transform_5, window_bounds = array<i64: 1024, 128>}]} {
    %get3A = arith.constant 0 : index
    %get3A_0 = arith.constant 0 : index
    %get3A_1 = vector.load %arg4[%get3A, %get3A_0] : memref<128x256xf32, #tpu.memory_space<vmem>>, vector<128x128xf32>
    %get3A_2 = arith.constant 0 : index
    %get3A_3 = arith.constant 128 : index
    %get3A_4 = vector.load %arg4[%get3A_2, %get3A_3] : memref<128x256xf32, #tpu.memory_space<vmem>>, vector<128x128xf32>
    %get3A_5 = arith.constant 0 : index
    %get3A_6 = arith.constant 0 : index
    %get3A_7 = vector.load %arg3[%get3A_5, %get3A_6] : memref<1024x128xf32, #tpu.memory_space<vmem>>, vector<1024x128xf32>
    %dot_general3A = arith.constant dense<0.000000e+00> : vector<1024x128xf32>
    %dot_general3A_8 = tpu.matmul %get3A_7, %get3A_4, %dot_general3A {dimension_numbers = #tpu.dot_dimension_numbers<[1], [1], [0], [0], [0, 0, 1, 0], [], []>, transpose_lhs_hint = false} : vector<1024x128xf32>, vector<128x128xf32>, vector<1024x128xf32> -> vector<1024x128xf32>
    %get3A_9 = arith.constant 0 : index
    %get3A_10 = vector.load %arg5[%get3A_9] : memref<128xf32, #tpu.memory_space<vmem>>, vector<128xf32>
    %broadcast_in_dim3A = vector.shape_cast %get3A_10 : vector<128xf32> to vector<1x128xf32>
    %add3A = vector.broadcast %broadcast_in_dim3A : vector<1x128xf32> to vector<1024x128xf32>
    %add3A_11 = arith.addf %dot_general3A_8, %add3A : vector<1024x128xf32>
    %get3A_12 = arith.constant 0 : index
    %get3A_13 = arith.constant 0 : index
    %get3A_14 = vector.load %arg1[%get3A_12, %get3A_13] : memref<1024x128xf32, #tpu.memory_space<vmem>>, vector<1024x128xf32>
    %dot_general3A_15 = arith.constant dense<0.000000e+00> : vector<1024x128xf32>
    %dot_general3A_16 = tpu.matmul %get3A_14, %get3A_1, %dot_general3A_15 {dimension_numbers = #tpu.dot_dimension_numbers<[1], [1], [0], [0], [0, 0, 1, 0], [], []>, transpose_lhs_hint = false} : vector<1024x128xf32>, vector<128x128xf32>, vector<1024x128xf32> -> vector<1024x128xf32>
    %get3A_17 = arith.constant 0 : index
    %get3A_18 = arith.constant 0 : index
    %get3A_19 = vector.load %arg2[%get3A_17, %get3A_18] : memref<1024x1xf32, #tpu.memory_space<vmem>>, vector<1024x1xf32>
    %mul3A = vector.broadcast %get3A_19 : vector<1024x1xf32> to vector<1024x128xf32>
    %mul3A_20 = arith.mulf %mul3A, %add3A_11 : vector<1024x128xf32>
    %add3A_21 = arith.addf %dot_general3A_16, %mul3A_20 : vector<1024x128xf32>
    %mul3A_22 = arith.constant 3.125000e-02 : f32
    %mul3A_23 = vector.broadcast %mul3A_22 : f32 to vector<1024x128xf32>
    %mul3A_24 = arith.mulf %add3A_21, %mul3A_23 : vector<1024x128xf32>
    %swap3A = arith.constant 0 : index
    %swap3A_25 = arith.constant 0 : index
    %swap3A_26 = vector.load %arg6[%swap3A, %swap3A_25] : memref<1024x128xf32, #tpu.memory_space<vmem>>, vector<1024x128xf32>
    tpu.vector_store %arg6[%swap3A, %swap3A_25], %mul3A_24 {strides = array<i32>} : memref<1024x128xf32, #tpu.memory_space<vmem>>, vector<1024x128xf32>,
    return
  }
  func.func @transform_0(%arg0: i32) -> (i32, i32) {
    %c0_i32 = arith.constant 0 : i32
    %c0_i32_0 = arith.constant 0 : i32
    return %arg0, %c0_i32 : i32, i32
  }
  func.func @transform_1(%arg0: i32) -> (i32, i32) {
    %c0_i32 = arith.constant 0 : i32
    %c0_i32_0 = arith.constant 0 : i32
    return %arg0, %c0_i32 : i32, i32
  }
  func.func @transform_2(%arg0: i32) -> (i32, i32) {
    %c0_i32 = arith.constant 0 : i32
    %c0_i32_0 = arith.constant 0 : i32
    return %arg0, %c0_i32 : i32, i32
  }
  func.func @transform_3(%arg0: i32) -> (i32, i32) {
    %c0_i32 = arith.constant 0 : i32
    %c0_i32_0 = arith.constant 0 : i32
    %c0_i32_1 = arith.constant 0 : i32
    return %c0_i32, %c0_i32_0 : i32, i32
  }
  func.func @transform_4(%arg0: i32) -> i32 {
    %c0_i32 = arith.constant 0 : i32
    %c0_i32_0 = arith.constant 0 : i32
    return %c0_i32 : i32
  }
  func.func @transform_5(%arg0: i32) -> (i32, i32) {
    %c0_i32 = arith.constant 0 : i32
    %c0_i32_0 = arith.constant 0 : i32
    return %arg0, %c0_i32 : i32, i32
  }
}

</mosaic_0001>

<sc_bundles>
// kernel: kernel.5.cloned.1.call-start
scs
__scs_entry_jumppad:
0x0: {  	(pc) =	sbr.rel $0x88, $3  }
0x1: {  	(tag) =	ssettag $0x0;
	lr =	simm.s32 $0x1  }
0x2: {  	[smem:$0x3F9D] =	sst lr;
	_ =	strace $0xD0000000  }
0x3: {  	_ = 	snop  }
0x4: {  	_ = 	snop  }
0x5: {  	_ = 	snop  }
0x6: {  	_ = 	snop  }
0x7: {  	_ = 	snop  }
__scs_overlays_trampoline_lowered:
0x8: {  	[smem:$0x3FAC] =	sst s0  }
0x9: {  	[smem:$0x3FAD] =	sst s1  }
0xa: {  	[smem:$0x3FAE] =	sst s2  }
0xb: {  	[smem:$0x3FAF] =	sst s3  }
0xc: {  	[smem:$0x3FB0] =	sst s4  }
0xd: {  	[smem:$0x3FB1] =	sst s5  }
0xe: {  	[smem:$0x3FB2] =	sst s6  }
0xf: {  	[smem:$0x3FB3] =	sst s7  }
0x10: {  	[smem:$0x3FB4] =	sst s8  }
0x11: {  	[smem:$0x3FB5] =	sst s9;
	s0 =	simm.s32 @!p0 $0x0  }
0x12: {  	s1 =	sld [smem:$0x3F9B];
	s0 =	simm.s32 @p0 $0x1  }
0x13: {  	[smem:$0x3FB6] =	sst s0;
	s0 =	simm.s32 @!p1 $0x0  }
0x14: {  	s2 =	sld [smem:$0x3F9A];
	s0 =	simm.s32 @p1 $0x1  }
0x15: {  	[smem:$0x3FB7] =	sst s0;
	s0 =	simm.s32 @!p2 $0x0  }
0x16: {  	s3 =	sld [smem:$0x3FDB];
	s0 =	simm.s32 @p2 $0x1  }
0x17: {  	s4 =	simm.s32 $0x1BF5;
	[smem:$0x3FB9] =	sst s0  }
0x18: {  	s0 =	sld [smem:$0x3F9C];
	_ =	swait.ge [sflag:s4], $0x0  }
0x19: {  	s7 =	sld [smem:$0x3F9D]  }
0x1a: {  	s8 =	sadd.s32 $0xFFFFE003, lr  }
0x1b: {  	s9 =	sadd.s32 $0xFFFFFEF7, lr;
	s5 =	simm.s32 $0xFFFFFFFF;
	p2 =	slt.u32 s8, $0xFFFFF086  }
0x1c: {  	p1 =	slt.u32 s9, $0xF7A;
	s5 =	simm.s32 @!p2 $0x0  }
0x1d: {  	s5 =	simm.s32 @p1 $0x1;
	p0 =	seq.s32 s7, s2  }
0x1e: {  	s7 =	smul.u32 @!p0 $0xF7A, s2;
	p2 =	seq.s32 @!p0 s5, $0x0  }
0x1f: {  	s9 =	smul.u32 $0xF7A, s1;
	s8 =	simm.s32 @!p0 $0x1BF5;
	p2 =	por !p2, p0  }
0x20: {  	[sflag:s8] =	ssyncset.s32 @!p0 $0xFFFFF086;
	s6 =	sadd.s32 @!p0 s3, s7;
	s7 =	simm.s32 @!p0 $0x108  }
0x21: {  	s3 =	sadd.s32 s3, s9;
	s6 =	sadd.s32 @!p0 $0x88, s6;
	s7 =	simm.s32 @p2 $0x1082  }
0x22: {  	[simem:s7], [sflag:s8] =	dma.local @!p0 [hbm:s6], $0xF7A  }
0x23: {  	s9 =	sor.u32 $0xD0000000, s2;
	s6 =	simm.s32 $0x108;
	_ =	swait.ge @!p0 [sflag:s8], $0x0  }
0x24: {  	s3 =	sadd.s32 $0x88, s3;
	s6 =	simm.s32 @!p1 $0x1082;
	[sflag:s4] =	ssyncset.s32 $0xFFFFF086  }
0x25: {  	[simem:s6], [sflag:s4] =	dma.local [hbm:s3], $0xF7A  }
0x26: {  	[smem:$0x3F9D] =	sst s1;
	(tag) =	ssettag s2;
	_ =	strace s9  }
0x27: {  	s1 =	sld [smem:$0x3FAD]  }
0x28: {  	s2 =	sld [smem:$0x3FAE]  }
0x29: {  	s4 =	sld [smem:$0x3FB0]  }
0x2a: {  	p0 =	seq.s32 s5, $0x0;
	s5 =	sld [smem:$0x3FB1]  }
0x2b: {  	s6 =	sld [smem:$0x3FB2]  }
0x2c: {  	s7 =	sld [smem:$0x3FB3]  }
0x2d: {  	s3 =	simm.s32 $0x108;
	s8 =	sld [smem:$0x3FB4]  }
0x2e: {  	s3 =	simm.s32 @!p0 $0x1082;
	s9 =	sld [smem:$0x3FB5]  }
0x2f: {  	lr =	sadd.s32 s0, s3;
	s0 =	sld [smem:$0x3FAC]  }
0x30: {  	s3 =	sld [smem:$0x3FAF]  }
0x31: {  	[smem:$0x3FB8] =	sst s10  }
0x32: {  	s10 =	sld [smem:$0x3FB6];
	_ =	sdelay $0x3  }
0x33: {  	p0 =	seq.s32 s10, $0x1;
	s10 =	sld [smem:$0x3FB8];
	_ =	sdelay $0x3  }
0x34: {  	[smem:$0x3FB8] =	sst s10  }
0x35: {  	s10 =	sld [smem:$0x3FB7];
	_ =	sdelay $0x3  }
0x36: {  	p1 =	seq.s32 s10, $0x1;
	s10 =	sld [smem:$0x3FB8];
	_ =	sdelay $0x3  }
0x37: {  	[smem:$0x3FB8] =	sst s10  }
0x38: {  	s10 =	sld [smem:$0x3FB9]  }
0x39: {  	_ = 	snop;
	(pc) =	sbr.ind lr, $3  }
0x3a: {  	_ = 	snop  }
0x3b: {  	_ = 	snop  }
0x3c: {  	p2 =	seq.s32 s10, $0x1;
	s10 =	sld [smem:$0x3FB8]  }
0x3d: {  	_ =	shalt  }
0x3e: {  	_ =	shalt  }
0x3f: {  	_ =	shalt  }
0x40: {  	_ =	shalt  }
0x41: {  	_ =	shalt  }
0x42: {  	_ =	shalt  }
0x43: {  	_ =	shalt  }
0x44: {  	_ =	shalt  }
0x45: {  	_ =	shalt  }
0x46: {  	_ =	shalt  }
0x47: {  	_ =	shalt  }
0x48: {  	_ =	shalt  }
0x49: {  	_ =	shalt  }
0x4a: {  	_ =	shalt  }
0x4b: {  	_ =	shalt  }
0x4c: {  	_ =	shalt  }
0x4d: {  	_ =	shalt  }
0x4e: {  	_ =	shalt  }
0x4f: {  	_ =	shalt  }
0x50: {  	_ =	shalt  }
0x51: {  	_ =	shalt  }
0x52: {  	_ =	shalt  }
0x53: {  	_ =	shalt  }
0x54: {  	_ =	shalt  }
0x55: {  	_ =	shalt  }
0x56: {  	_ =	shalt  }
0x57: {  	_ =	shalt  }
0x58: {  	_ =	shalt  }
0x59: {  	_ =	shalt  }
0x5a: {  	_ =	shalt  }
0x5b: {  	_ =	shalt  }
0x5c: {  	_ =	shalt  }
0x5d: {  	_ =	shalt  }
0x5e: {  	_ =	shalt  }
0x5f: {  	_ =	shalt  }
0x60: {  	_ =	shalt  }
0x61: {  	_ =	shalt  }
0x62: {  	_ =	shalt  }
0x63: {  	_ =	shalt  }
0x64: {  	_ =	shalt  }
0x65: {  	_ =	shalt  }
0x66: {  	_ =	shalt  }
0x67: {  	_ =	shalt  }
0x68: {  	_ =	shalt  }
0x69: {  	_ =	shalt  }
0x6a: {  	_ =	shalt  }
0x6b: {  	_ =	shalt  }
0x6c: {  	_ =	shalt  }
0x6d: {  	_ =	shalt  }
0x6e: {  	_ =	shalt  }
0x6f: {  	_ =	shalt  }
0x70: {  	_ =	shalt  }
0x71: {  	_ =	shalt  }
0x72: {  	_ =	shalt  }
0x73: {  	_ =	shalt  }
0x74: {  	_ =	shalt  }
0x75: {  	_ =	shalt  }
0x76: {  	_ =	shalt  }
0x77: {  	_ =	shalt  }
0x78: {  	_ =	shalt  }
0x79: {  	_ =	shalt  }
0x7a: {  	_ =	shalt  }
0x7b: {  	_ =	shalt  }
0x7c: {  	_ =	shalt  }
0x7d: {  	_ =	shalt  }
0x7e: {  	_ =	shalt  }
0x7f: {  	_ =	shalt  }
0x80: {  	_ =	shalt  }
0x81: {  	_ =	shalt  }
0x82: {  	_ =	shalt  }
0x83: {  	_ =	shalt  }
0x84: {  	_ =	shalt  }
0x85: {  	_ =	shalt  }
0x86: {  	_ =	shalt  }
0x87: {  	_ =	shalt  }
.Lfunc_end0:
.L_simem_size_0:
called_computation_lowered:
.L_overlay_start_0:
0x88: {  	s2 =	sld [smem:$0x3FD9]  }
0x89: {  	s3 =	sld [smem:$0x3FFE];
	_ =	sdelay $0x1  }
0x8a: {  	s1 =	srdreg.scid  }
0x8b: {  	s0 =	sand.u32 $0x1, s1  }
0x8c: {  	s17 =	sshll.u32 s0, $0xA;
	s2 =	sadd.s32 s3, s2  }
0x8d: {  	s2 =	sadd.s32 s2, s17  }
0x8e: {  	[smem:$0x3FC4] =	sst s2  }
0x8f: {  	_ = 	snop  }
0x90: {  	s2 =	sld [smem:$0x3FD0];
	(tm) =	ssettm $0x1  }
0x91: {  	s18 =	sld [smem:$0x3FFB];
	_ =	sdelay $0x3  }
0x92: {  	_ =	strace s18  }
0x93: {  	s3 =	sld [smem:$0x3FFC];
	_ =	sdelay $0x3  }
0x94: {  	_ =	strace s3  }
0x95: {  	s3 =	sld [smem:$0x3FFD];
	_ =	sdelay $0x3  }
0x96: {  	_ =	strace s3  }
0x97: {  	_ =	strace $0x8FFFFFFF  }
0x98: {  	s19 =	sld [smem:$0x3FDB];
	_ =	sdelay $0x1  }
0x99: {  	s4 =	simm.s32 $_scs_section_size  }
0x9a: {  	s5 =	simm.s32 $_size__tile_overlayer_lowered;
	s6 =	simm.s32 $_tile_overlayer_lowered  }
0x9b: {  	s22 =	simm.s32 $0x1BFF;
	s21 =	sshll.u32 s6, $0x1;
	s3 =	sadd.s32 s4, s19  }
0x9c: {  	s7 =	simm.s32 $0x0;
	s20 =	sshll.u32 s5, $0x1;
	s5 =	sadd.s32 s21, s3  }
0x9d: {  	[timem:s7], [sflag:s22] =	dma.local [hbm:s5], s20  }
0x9e: {  	_ =	swait.ge [sflag:s22], s20  }
0x9f: {  	s4 =	ssub.s32 $0x0, s20;
	[sflag:s22] =	ssyncset.done $0x0  }
0xa0: {  	[sflag:s22] =	ssyncadd.s32 s4;
	_ =	sdelay $0x1  }
0xa1: {  	s23 =	simm.s32 $0x1B8B  }
0xa2: {  	_ =	swait.ge [sflag:s23], $0x1  }
0xa3: {  	[sflag:s23] =	ssyncset.done $0x0  }
0xa4: {  	s25 =	simm.s32 $0x1B8E;
	s24 =	sld [smem:$0x3FFE];
	[sflag:s23] =	ssyncadd.s32 $0xFFFFFFFF  }
0xa5: {  	s26 =	simm.s32 $execute0_lowered;
	[smem:$0x3FD2] =	sst s25  }
0xa6: {  	s5 =	sshll.u32 s26, $0x1;
	_ =	strace $0x80000046;
	[dreg:$0x1] =	wrdreg $0xFFFFFFFF  }
0xa7: {  	s28 =	simm.s32 $_size_execute0_lowered;
	s3 =	sadd.s32 s3, s5;
	[dreg:$0x0] =	wrdreg $0x0  }
0xa8: {  	s5 =	sshll.u32 s28, $0x1;
	[dreg:$0x2] =	wrdreg s3  }
0xa9: {  	[dreg:$0x3] =	wrdreg s5  }
0xaa: {  	[dreg:$0x4] =	wrdreg $0xC0  }
0xab: {  	_ =	task [dreg:s7], $0x5FFFF  }
0xac: {  	[dreg:$0x1] =	wrdreg $0xFFFFFFFF  }
0xad: {  	[dreg:$0x0] =	wrdreg $0x60  }
0xae: {  	[dreg:$0x2] =	wrdreg s24  }
0xaf: {  	[dreg:$0x3] =	wrdreg s2  }
0xb0: {  	[dreg:$0x4] =	wrdreg $0x9  }
0xb1: {  	_ =	task.clear_ibuf [dreg:s7], $0x5FFFF;
	_ =	strace $0x90000046  }
0xb2: {  	s29 =	simm.s32 $0x9;
	_ =	strace $0x80000048  }
0xb3: {  	_ =	swait.ge [sflag:s29], $0x1  }
0xb4: {  	[sflag:s29] =	ssyncadd.s32 $0xFFFFFFFF  }
0xb5: {  	_ =	strace $0x90000048  }
0xb6: {  	_ =	sfence  }
0xb7: {  	s30 =	sld [smem:$0x0];
	_ =	sdelay $0x2  }
0xb8: {  	s31 =	sshll.u32 s1, $0xD;
	s1 =	sshrl.u32 s1, $0x2  }
0xb9: {  	s3 =	sand.u32 $0x4000, s31;
	s1 =	sadd.s32 s1, s30  }
0xba: {  	s0 =	sor.u32 s3, s0;
	s1 =	sshll.u32 s1, $0x11  }
0xbb: {  	s0 =	sor.u32 s1, s0  }
0xbc: {  	s0 =	sadd.s32 $0x8F2B, s0  }
0xbd: {  	[sflag:s0] =	ssyncadd.remote.s32 $0x1  }
0xbe: {  	_ =	sfence.sel $0xFFFF  }
0xbf: {  	[dreg:$0x0] =	wrdreg $0xFFFFFFFF;
	(pc) =	sbr.abs _section_cstart, $3  }
0xc0: {  	[dreg:$0x1] =	wrdreg $0xFFFFFFFF  }
0xc1: {  	_ =	task.clear_ibuf [dreg:s7], $0x2FFFF;
	_ =	strace $0x9FFFFFFF  }
0xc2: {  	(tm) =	ssettm $0x7FFFFFFF  }
0xc3: {  	_ =	shalt  }
tec
execute0_lowered:
.L_overlay_start_1:
0x0: {  	(tag) =	ssettag $0x1  }
0x1: {  	s0 =	rddreg [dreg:$0x0];
	s1 =	srdreg.scid  }
0x2: {  	s2 =	stileid.u32;
	s5 =	rddreg [dreg:$0x1]  }
0x3: {  	s9 =	simm.s32 $0x5;
	s10 =	simm.s32 $0x3280;
	s11 =	simm.s32 $0x21  }
0x4: {  	s17 =	simm.s32 $0x1;
	s18 =	simm.s32 $0x9680;
	s19 =	simm.s32 $0x14A80  }
0x5: {  	s20 =	simm.s32 $0x2;
	s1 =	sand.u32 $0x1, s1;
	s3 =	sshll.u32 s2, $0x1  }
0x6: {  	s21 =	simm.s32 $0x3;
	s22 =	simm.s32 $0x4;
	s6 =	sor.u32 s1, s3  }
0x7: {  	s24 =	simm.s32 $0x0;
	s2 =	simm.s32 $0x0;
	s7 =	smul.u32 $0x1400, s6  }
0x8: {  	s4 =	sadd.s32 $0x29C00, s0;
	s1 =	ssub.s32 $0x2, s1;
	s8 =	smul.u32 $0x28, s6  }
0x9: {  	[smem:$0x7FF] =	sst s2;
	s6 =	smul.u32 $0x640, s6;
	s31 =	sshrl.u32 s1, $0x1  }
0xa: {  	s3 =	sadd.s32 $0x1C00, s0;
	_ =	strace $0x80000047;
	s1 =	ssub.s32 s1, s31  }
0xb: {  	s7 =	sadd.s32 s7, s0;
	s0 =	sadd.s32 s8, s0;
	s5 =	sadd.s32 s5, s6  }
0xc: {  	v0 =	vimm.s32 $0x0;
	s8 =	smax.u32 s1, $0x1;
	s6 =	sadd.s32 $0x2A800, s7;
	s7 =	sadd.s32 $0x2A200, s0  }
.LBB2_1:
0xd: {  	[tilespmem:s2], [sflag:$0x5] =	stream.linear.gather [hbm4b:s5+s2], $0x3200, $0x38;
	[tilespmem:$0x14C00] =	vst v63  }
0xe: {  	_ =	swait.ge [sflag:s9], $0x3200  }
0xf: {  	[sflag:s9] =	ssyncset.done $0x0  }
0x10: {  	[sflag:s9] =	ssyncadd.s32 $0xFFFFCE00  }
0x11: {  	[tilespmem:$0x3200] =	vst v0  }
0x12: {  	[tilespmem:s10], [sflag:$0x5] =	stream.linear.gather [hbm4b:s4+s2], $0x2800, $0x38;
	[tilespmem:$0x14C00] =	vst v63  }
0x13: {  	_ =	swait.ge [sflag:s9], $0x2800  }
0x14: {  	[sflag:s9] =	ssyncset.done $0x0  }
0x15: {  	s0 =	simm.s32 $0x5A80;
	[sflag:s9] =	ssyncadd.s32 $0xFFFFD800  }
0x16: {  	[tilespmem:s0], [sflag:$0x1] =	stream.indirect.gather [hbm4b:s3+s11], $0x80, s2, s11, $0xb8;
	[tilespmem:$0x14C00] =	vst v63  }
0x17: {  	s29 =	simm.s32 $0x28;
	s1 =	simm.s32 $0x6E80  }
0x18: {  	[tilespmem:s1], [sflag:$0x2] =	stream.indirect.gather [hbm4b:s3+s11], $0x80, s29, s11, $0xb8;
	[tilespmem:$0x14C00] =	vst v63  }
0x19: {  	s30 =	simm.s32 $0x50;
	s31 =	simm.s32 $0x8280;
	s25 =	simm.s32 $0x0  }
0x1a: {  	[tilespmem:s31], [sflag:$0x3] =	stream.indirect.gather [hbm4b:s3+s11], $0x80, s30, s11, $0xb8;
	[tilespmem:$0x14C00] =	vst v63  }
.LBB2_2:
0x1b: {  	s26 =	sshllo.u32 s25, $0x2  }
0x1c: {  	_ =	swait.ge [sflag:s17], $0x1080;
	s0 =	smul.u32 $0xA0, s26  }
0x1d: {  	[sflag:s17] =	ssyncset.done $0x0  }
0x1e: {  	[sflag:s17] =	ssyncadd.s32 $0xFFFFEF80;
	s28 =	sshra.s32 s0, $0x2  }
0x1f: {  	[tilespmem:s18], [sflag:$0x4] =	stream.indirect.gather [hbm4b:s3+s11], $0x80, s28, s11, $0xb8;
	[tilespmem:$0x14C00] =	vst v63  }
0x20: {  	v7 =	vld [tilespmem:$0x6A80]  }
0x21: {  	v8 =	vld [tilespmem:$0x6A90]  }
0x22: {  	v6 =	vld [tilespmem:$0x6AA0]  }
0x23: {  	v5 =	vld [tilespmem:$0x6AB0]  }
0x24: {  	v4 =	vld [tilespmem:$0x6AC0]  }
0x25: {  	v3 =	vld [tilespmem:$0x6AD0]  }
0x26: {  	v2 =	vld [tilespmem:$0x6AE0]  }
0x27: {  	s15 =	simm.s32 $0x5B00;
	v1 =	vld [tilespmem:$0x6AF0]  }
0x28: {  	v12 =	vld [tilespmem:s15+$0x0]  }
0x29: {  	v20 =	vld [tilespmem:s15+$0x10]  }
0x2a: {  	v28 =	vld [tilespmem:s15+$0xFFFFFF80]  }
0x2b: {  	v30 =	vld [tilespmem:s15+$0xFFFFFF90]  }
0x2c: {  	v25 =	vld [tilespmem:s15+$0x20]  }
0x2d: {  	v31 =	vld [tilespmem:s15+$0xFFFFFFA0]  }
0x2e: {  	v32 =	vld [tilespmem:s15+$0x30]  }
0x2f: {  	v33 =	vld [tilespmem:s15+$0xFFFFFFB0];
	v10 =	vmul.f32 v12, v7;
	v11 =	vmul.f32 v20, v8  }
0x30: {  	v34 =	vld [tilespmem:s15+$0x40];
	v13 =	vmul.f32 v28, v7;
	v14 =	vmul.f32 v30, v8  }
0x31: {  	v35 =	vld [tilespmem:s15+$0xFFFFFFC0];
	v10 =	vadd.f32 v11, v10;
	v11 =	vmul.f32 v25, v6  }
0x32: {  	v36 =	vld [tilespmem:s15+$0x50];
	v13 =	vadd.f32 v14, v13;
	v14 =	vmul.f32 v31, v6  }
0x33: {  	v37 =	vld [tilespmem:s15+$0xFFFFFFD0];
	v10 =	vadd.f32 v11, v10;
	v11 =	vmul.f32 v32, v5  }
0x34: {  	v41 =	vld [tilespmem:s15+$0x60];
	v13 =	vadd.f32 v14, v13;
	v14 =	vmul.f32 v33, v5  }
0x35: {  	v38 =	vld [tilespmem:s15+$0xFFFFFFE0];
	v10 =	vadd.f32 v11, v10;
	v11 =	vmul.f32 v34, v4  }
0x36: {  	s14 =	smul.u32 $0x280, s25;
	v39 =	vld [tilespmem:s15+$0x70];
	v13 =	vadd.f32 v14, v13;
	v14 =	vmul.f32 v35, v4  }
0x37: {  	v42 =	vld [tilespmem:s15+$0xFFFFFFF0];
	v15 =	vmul.f32 v36, v3;
	v10 =	vadd.f32 v11, v10  }
0x38: {  	s29 =	sshra.s32 s14, $0x2;
	v11 =	vadd.f32 v14, v13;
	v13 =	vmul.f32 v37, v3  }
0x39: {  	s16 =	simm.s32 $0x5C00;
	v9 =	vld [tilespmem:s29+$0x0];
	v14 =	vmul.f32 v41, v2;
	v10 =	vadd.f32 v15, v10  }
0x3a: {  	v17 =	vld [tilespmem:s16+$0x0];
	v11 =	vadd.f32 v13, v11;
	v13 =	vmul.f32 v38, v2  }
0x3b: {  	v27 =	vld [tilespmem:s16+$0x10];
	v15 =	vmul.f32 v39, v1;
	v14 =	vadd.f32 v14, v10  }
0x3c: {  	v22 =	vld [tilespmem:s16+$0x20];
	v16 =	vmul.f32 v42, v1;
	v13 =	vadd.f32 v13, v11  }
0x3d: {  	v21 =	vld [tilespmem:s16+$0x30];
	v15 =	vadd.f32 v15, v14  }
0x3e: {  	v18 =	vld [tilespmem:s16+$0xFFFFFFB0];
	v13 =	vadd.f32 v16, v13  }
0x3f: {  	v24 =	vld [tilespmem:s16+$0x40];
	(xrf2) =	vadd.scan.msk.f32 $0xffff, v15  }
0x40: {  	v15 =	vld [tilespmem:s16+$0xFFFFFF80];
	(xrf2) =	vadd.scan.msk.f32 $0xffff, v13  }
0x41: {  	v13 =	vld [tilespmem:s16+$0xFFFFFF90]  }
0x42: {  	v9 =	vld.idx.msk [tilespmem:v9+s10+$0x0], $0xffff  }
0x43: {  	v26 =	vmul.f32 v17, v7;
	v29 =	vmul.f32 v27, v8;
	v16 =	vld [tilespmem:s16+$0xFFFFFFA0]  }
0x44: {  	s1 =	simm.s32 $0x0;
	v23 =	vld [tilespmem:s16+$0xFFFFFFC0]  }
0x45: {  	s23 =	simm.s32 $0x1;
	v19 =	vmov s1;
	v46 =	vmul.f32 v22, v6;
	v29 =	vadd.f32 v29, v26;
	v26 =	vld [tilespmem:s16+$0xFFFFFFD0]  }
0x46: {  	v45 =	vmov s23;
	v14 =	vld [tilespmem:s16+$0x50];
	v40 =	vmul.f32 v15, v7;
	v43 =	vmul.f32 v13, v8  }
0x47: {  	v48 =	vmul.f32 v21, v5;
	v50 =	vmul.f32 v18, v5;
	v46 =	vadd.f32 v46, v29;
	v10 =	vld [tilespmem:s16+$0x70]  }
0x48: {  	v47 =	vperm.xlane v9, v19;
	v11 =	vld [tilespmem:s16+$0xFFFFFFF0];
	v56 =	vmul.f32 v16, v6;
	v19 =	vadd.f32 v43, v40  }
0x49: {  	v59 =	vmul.f32 v24, v4;
	v60 =	vmul.f32 v23, v4;
	v29 =	vld [tilespmem:s16+$0xFFFFFFE0];
	v46 =	vadd.f32 v48, v46;
	v58, _, _ =	vpop (xrf2)  }
0x4a: {  	v62 =	vmul.f32 v26, v3;
	v57 =	vperm.xlane v9, v45;
	v40 =	vadd.f32 v56, v19;
	v19 =	vld [tilespmem:s16+$0x60];
	v52, _, _ =	vpop (xrf2)  }
0x4b: {  	v46 =	vadd.f32 v59, v46;
	v53 =	vmul.f32 v14, v3;
	(v2sf) =	vpush v52, $0xF  }
0x4c: {  	v49 =	vmul.f32 v10, v1;
	v61 =	vbroadcast v58, $0xF  }
0x4d: {  	v51 =	vmul.f32 v11, v1;
	v46 =	vadd.f32 v53, v46;
	(v2sf) =	vpush v58, $0xF  }
0x4e: {  	v40 =	vadd.f32 v50, v40;
	v63 =	vbroadcast v52, $0xF;
	v53 =	vmul.f32 v61, v57  }
0x4f: {  	v44 =	vimm.f32 $0.0e+00;
	v57 =	vmul.f32 v29, v2;
	v56 =	vmul.f32 v19, v2  }
0x50: {  	v40 =	vadd.f32 v60, v40;
	v47 =	vmul.f32 v63, v47;
	v48 =	vmul.f32 v53, v20  }
0x51: {  	v52 =	vmul.f32 v53, v25;
	v54 =	vmul.f32 v53, v32;
	v58 =	vadd.f32 v56, v46  }
0x52: {  	s12 =	simm.s32 $0x5D00;
	v45 =	vmul.f32 v53, v34;
	v43 =	vmul.f32 v53, v36;
	v40 =	vadd.f32 v62, v40  }
0x53: {  	v20 =	vld [tilespmem:s12+$0x70];
	v28 =	vmul.f32 v47, v28;
	v60 =	vmul.f32 v47, v30;
	v49 =	vadd.f32 v49, v58  }
0x54: {  	v25 =	vld [tilespmem:s12+$0xFFFFFFF0];
	v31 =	vmul.f32 v47, v31;
	v33 =	vmul.f32 v47, v33;
	v59 =	vadd.f32 v57, v40  }
0x55: {  	v32 =	vld [tilespmem:s12+$0xFFFFFF80];
	v63 =	vmul.f32 v47, v35;
	v42 =	vmul.f32 v47, v42;
	v61 =	vadd.f32 v28, v44;
	(xrf2) =	vadd.scan.msk.f32 $0xffff, v49  }
0x56: {  	v30 =	vld [tilespmem:s12+$0x0];
	v46 =	vmul.f32 v53, v12;
	v62 =	vadd.f32 v60, v44;
	v51 =	vadd.f32 v51, v59  }
0x57: {  	s13 =	simm.s32 $0x2;
	v12 =	vld [tilespmem:s12+$0x50];
	v56 =	vmul.f32 v47, v37;
	v55 =	vadd.f32 v31, v44;
	v33 =	vadd.f32 v33, v44  }
0x58: {  	v40 =	vmov s13;
	v28 =	vld [tilespmem:s12+$0x10];
	v50 =	vadd.f32 v63, v44;
	v34 =	vadd.f32 v46, v61;
	(xrf2) =	vadd.scan.msk.f32 $0xffff, v51  }
0x59: {  	v57 =	vmul.f32 v47, v38;
	v31 =	vld [tilespmem:s12+$0xFFFFFF90];
	v35 =	vadd.f32 v48, v62;
	v36 =	vadd.f32 v52, v55  }
0x5a: {  	s30 =	sshll.u32 s25, $0x2;
	s31 =	simm.f32 $0.0e+00;
	v38 =	vld [tilespmem:s12+$0x20];
	v37 =	vadd.f32 v54, v33;
	v48 =	vmul.f32 v53, v41;
	v49 =	vadd.f32 v56, v44;
	s15 =	spop (v2sf)  }
0x5b: {  	s14 =	simm.s32 $0x6;
	s0 =	simm.s32 $0x4;
	v33 =	vld [tilespmem:s12+$0xFFFFFFA0];
	v46 =	vadd.f32 v42, v44;
	v52 =	vmul.f32 v53, v39;
	v51 =	vadd.f32 v57, v44;
	s1 =	sadd.f32 s15, s31  }
.LBB2_3:
0x5c: {  	p0 =	slt.u32 s14, $0xE;
	v47 =	vld [tilespmem:s12+$0x30];
	v54 =	vmul.f32 v30, v7;
	v41 =	vadd.f32 v45, v50;
	v42 =	vadd.f32 v43, v49;
	s15 =	spop (v2sf);
	v39 =	vmovc v10  }
0x5d: {  	v43 =	vmul.f32 v28, v8;
	s31 =	sadd.s32 $0x1, s13;
	v10 =	vmovc v20;
	s13 =	smov.u32 s0;
	v49 =	vld [tilespmem:s12+$0xFFFFFFB0];
	v44 =	vadd.f32 v48, v51;
	v46 =	vadd.f32 v52, v46;
	s1 =	sadd.f32 s15, s1  }
0x5e: {  	s0 =	smov.u32 s14;
	v20 =	vmul.f32 v32, v7;
	v50 =	vmov s31;
	v51 =	vmovc v11;
	v11 =	vmovc v25;
	v45 =	vmul.f32 v31, v8;
	v48 =	vld [tilespmem:s12+$0x40]  }
0x5f: {  	v40 =	vperm.xlane v9, v40;
	v25 =	vadd.f32 v43, v54;
	v52 =	vld [tilespmem:s12+$0xFFFFFFC0];
	v43 =	vmul.f32 v38, v6;
	v53, _, _ =	vpop (xrf2)  }
0x60: {  	v50 =	vperm.xlane v9, v50;
	v20 =	vadd.f32 v45, v20;
	v59 =	vmul.f32 v33, v6;
	v54 =	vmovc v15  }
0x61: {  	v56 =	vmul.f32 v10, v1;
	v15 =	vmovc v32;
	v55 =	vld [tilespmem:s12+$0xFFFFFFD0];
	v25 =	vadd.f32 v43, v25;
	v43 =	vmul.f32 v47, v5  }
0x62: {  	v57 =	vmul.f32 v11, v1;
	v20 =	vadd.f32 v59, v20;
	v32 =	vmul.f32 v49, v5;
	v58 =	vld [tilespmem:s12+$0x60];
	v45, _, _ =	vpop (xrf2)  }
0x63: {  	v60 =	vmovc v13;
	v13 =	vmovc v31;
	v59 =	vld [tilespmem:s12+$0xFFFFFFE0];
	v25 =	vadd.f32 v43, v25;
	v43 =	vmul.f32 v48, v4;
	(v2sf) =	vpush v45, $0xF  }
0x64: {  	v61 =	vmovc v22;
	v20 =	vadd.f32 v32, v20;
	v31 =	vmul.f32 v52, v4;
	v32 =	vmul.f32 v12, v3  }
0x65: {  	v22 =	vmovc v38;
	v38 =	vmovc v16;
	v25 =	vadd.f32 v43, v25;
	v43 =	vbroadcast v53, $0xF;
	(v2sf) =	vpush v53, $0xF  }
0x66: {  	v16 =	vmovc v33;
	v45 =	vbroadcast v45, $0xF;
	v20 =	vadd.f32 v31, v20;
	v31 =	vmul.f32 v55, v3  }
0x67: {  	v25 =	vadd.f32 v32, v25;
	v32 =	vmul.f32 v58, v2;
	v53 =	vmul.f32 v43, v50  }
0x68: {  	v33 =	vmul.f32 v45, v40;
	v20 =	vadd.f32 v31, v20;
	v31 =	vmul.f32 v59, v2  }
0x69: {  	v25 =	vadd.f32 v32, v25;
	v50 =	vmul.f32 v53, v17;
	v62 =	vmul.f32 v53, v27;
	v17 =	vmovc v30  }
0x6a: {  	s12 =	sadd.s32 $0x100, s12;
	v61 =	vmul.f32 v53, v61;
	v63 =	vmul.f32 v53, v21;
	v21 =	vmovc v47;
	v30 =	vadd.f32 v31, v20  }
0x6b: {  	v45 =	vmul.f32 v53, v24;
	v43 =	vmul.f32 v53, v14;
	v24 =	vmovc v48;
	v20 =	vld [tilespmem:s12+$0x70];
	v31 =	vadd.f32 v56, v25  }
0x6c: {  	v40 =	vmov s13;
	v32 =	vmul.f32 v33, v54;
	v47 =	vmul.f32 v33, v60;
	v14 =	vmovc v12;
	v27 =	vmovc v28;
	v25 =	vld [tilespmem:s12+$0xFFFFFFF0]  }
0x6d: {  	v48 =	vadd.f32 v57, v30;
	v12 =	vld [tilespmem:s12+$0x50];
	(xrf2) =	vadd.scan.msk.f32 $0xffff, v31;
	v31 =	vmul.f32 v33, v38;
	v38 =	vmul.f32 v33, v18  }
0x6e: {  	v34 =	vadd.f32 v32, v34;
	v35 =	vadd.f32 v47, v35;
	v47 =	vmul.f32 v33, v23;
	v18 =	vmovc v49;
	v30 =	vld [tilespmem:s12+$0x0]  }
.Ltmp0:
0x6f: {  	v23 =	vmovc v52;
	v49 =	vmul.f32 v33, v26;
	v28 =	vld [tilespmem:s12+$0x10];
	v36 =	vadd.f32 v31, v36;
	v37 =	vadd.f32 v38, v37;
	(pc) =	sbr.rel @p0 .LBB2_3-.Ltmp0, $4  }
0x70: {  	v54 =	vmul.f32 v33, v29;
	v34 =	vadd.f32 v50, v34;
	v35 =	vadd.f32 v62, v35;
	v32 =	vld [tilespmem:s12+$0xFFFFFF80];
	(xrf2) =	vadd.scan.msk.f32 $0xffff, v48  }
0x71: {  	v52 =	vmul.f32 v33, v51;
	v26 =	vmovc v55;
	v31 =	vld [tilespmem:s12+$0xFFFFFF90];
	v36 =	vadd.f32 v61, v36;
	v37 =	vadd.f32 v63, v37  }
0x72: {  	v50 =	vadd.f32 v47, v41;
	v49 =	vadd.f32 v49, v42;
	v48 =	vmul.f32 v53, v19;
	v19 =	vmovc v58;
	v38 =	vld [tilespmem:s12+$0x20];
	s15 =	spop (v2sf)  }
0x73: {  	s14 =	sadd.s32 $0x2, s14;
	v29 =	vmovc v59;
	v51 =	vadd.f32 v54, v44;
	v46 =	vadd.f32 v52, v46;
	v52 =	vmul.f32 v53, v39;
	v33 =	vld [tilespmem:s12+$0xFFFFFFA0];
	s1 =	sadd.f32 s15, s1  }
0x74: {  	v53 =	vld [tilespmem:s12+$0x30]  }
0x75: {  	v39 =	vmul.f32 v30, v7;
	v47 =	vld [tilespmem:s12+$0xFFFFFFB0];
	v42 =	vmul.f32 v28, v8  }
0x76: {  	v55 =	vld [tilespmem:s12+$0x40];
	v44 =	vmul.f32 v32, v7;
	v54 =	vmul.f32 v31, v8  }
0x77: {  	v41 =	vld [tilespmem:s12+$0xFFFFFFC0];
	v39 =	vadd.f32 v42, v39;
	v56 =	vmul.f32 v38, v6  }
0x78: {  	v42 =	vld [tilespmem:s12+$0xFFFFFFD0];
	v44 =	vadd.f32 v54, v44  }
0x79: {  	v60 =	vmul.f32 v33, v6;
	v56 =	vadd.f32 v56, v39;
	v57 =	vmul.f32 v53, v5  }
0x7a: {  	v59 =	vmul.f32 v12, v3;
	v58 =	vmul.f32 v47, v5;
	v39 =	vld [tilespmem:s12+$0x60]  }
0x7b: {  	s14 =	sadd.s32 $0x1, s13;
	v61 =	vmul.f32 v55, v4;
	v54 =	vadd.f32 v60, v44;
	v56 =	vadd.f32 v57, v56  }
0x7c: {  	v40 =	vperm.xlane v9, v40;
	v62 =	vmul.f32 v41, v4;
	v44 =	vld [tilespmem:s12+$0xFFFFFFE0];
	v57 =	vmov s14  }
0x7d: {  	v54 =	vadd.f32 v58, v54;
	v58 =	vmul.f32 v42, v3;
	v60, _, _ =	vpop (xrf2);
	v56 =	vadd.f32 v61, v56  }
0x7e: {  	v57 =	vperm.xlane v9, v57;
	v63 =	vbroadcast v60, $0xF  }
0x7f: {  	v54 =	vadd.f32 v62, v54;
	v56 =	vadd.f32 v59, v56;
	v59 =	vmul.f32 v39, v2  }
0x80: {  	v61 =	vmul.f32 v20, v1;
	v63 =	vmul.f32 v63, v57  }
0x81: {  	v54 =	vadd.f32 v58, v54;
	v58 =	vmul.f32 v44, v2;
	v56 =	vadd.f32 v59, v56  }
0x82: {  	v45 =	vadd.f32 v45, v50;
	v62, _, _ =	vpop (xrf2);
	v59 =	vmul.f32 v25, v1;
	v17 =	vmul.f32 v63, v17  }
0x83: {  	v54 =	vadd.f32 v58, v54;
	v58 =	vbroadcast v62, $0xF;
	v56 =	vadd.f32 v61, v56  }
0x84: {  	v43 =	vadd.f32 v43, v49;
	v27 =	vmul.f32 v63, v27;
	v22 =	vmul.f32 v63, v22  }
0x85: {  	v21 =	vmul.f32 v63, v21;
	v40 =	vmul.f32 v58, v40;
	v54 =	vadd.f32 v59, v54;
	(xrf2) =	vadd.scan.msk.f32 $0xffff, v56  }
0x86: {  	v48 =	vadd.f32 v48, v51;
	v24 =	vmul.f32 v63, v24;
	v14 =	vmul.f32 v63, v14  }
0x87: {  	v46 =	vadd.f32 v52, v46;
	v19 =	vmul.f32 v63, v19;
	(xrf2) =	vadd.scan.msk.f32 $0xffff, v54;
	v18 =	vmul.f32 v40, v18  }
0x88: {  	(v2sf) =	vpush v62, $0xF;
	v10 =	vmul.f32 v63, v10;
	v13 =	vmul.f32 v40, v13  }
0x89: {  	v56 =	vmov s0;
	v16 =	vmul.f32 v40, v16;
	v18 =	vadd.f32 v18, v37  }
0x8a: {  	s15 =	simm.s32 $0x6370;
	v23 =	vmul.f32 v40, v23;
	v29 =	vmul.f32 v40, v29;
	v13 =	vadd.f32 v13, v35  }
0x8b: {  	v15 =	vmul.f32 v40, v15;
	v16 =	vadd.f32 v16, v36;
	v36 =	vld [tilespmem:s15+$0xFFFFFFA0];
	v18 =	vadd.f32 v21, v18  }
0x8c: {  	v26 =	vmul.f32 v40, v26;
	v21 =	vadd.f32 v23, v45;
	v23 =	vadd.f32 v29, v48;
	v29 =	vld [tilespmem:s15+$0xFFFFFF10]  }
0x8d: {  	s16 =	sadd.s32 $0x1, s0;
	v11 =	vmul.f32 v40, v11;
	v15 =	vadd.f32 v15, v34;
	v34 =	vld [tilespmem:s15+$0xFFFFFF20];
	v13 =	vadd.f32 v27, v13  }
0x8e: {  	v16 =	vadd.f32 v22, v16;
	v27 =	vld [tilespmem:s15+$0xFFFFFF90];
	v22 =	vadd.f32 v26, v43;
	v26 =	vmov s16  }
0x8f: {  	v58 =	vperm.xlane v9, v56;
	v11 =	vadd.f32 v11, v46;
	v9 =	vperm.xlane v9, v26;
	v57, _, _ =	vpop (xrf2)  }
0x90: {  	v46 =	vld [tilespmem:s15+$0xFFFFFFB0];
	v24 =	vadd.f32 v24, v21;
	v14 =	vadd.f32 v14, v22;
	v21 =	vbroadcast v57, $0xF  }
0x91: {  	v35 =	vld [tilespmem:s15+$0xFFFFFF30];
	v22 =	vadd.f32 v10, v11;
	v10 =	vmul.f32 v36, v8;
	v11 =	vmul.f32 v29, v7;
	v26, _, _ =	vpop (xrf2)  }
0x92: {  	v19 =	vadd.f32 v19, v23;
	v59 =	vbroadcast v26, $0xF;
	v23 =	vmul.f32 v21, v9  }
0x93: {  	(v2sf) =	vpush v60, $0xF;
	v43 =	vld [tilespmem:s15+$0xFFFFFF50];
	v9 =	vmul.f32 v27, v7;
	v21 =	vmul.f32 v34, v8  }
0x94: {  	v50 =	vld [tilespmem:s15+$0xFFFFFFC0];
	(v2sf) =	vpush v26, $0xF;
	v52 =	vmul.f32 v59, v58;
	v26 =	vmul.f32 v23, v30  }
0x95: {  	v37 =	vld [tilespmem:s15+$0xFFFFFF40];
	v9 =	vadd.f32 v10, v9;
	v10 =	vmul.f32 v46, v6;
	v30 =	vmul.f32 v23, v28  }
0x96: {  	v51 =	vld [tilespmem:s15+$0xFFFFFFD0];
	v11 =	vadd.f32 v21, v11;
	v21 =	vmul.f32 v35, v6;
	v54 =	vmul.f32 v23, v38  }
0x97: {  	v15 =	vadd.f32 v17, v15;
	v17 =	vld [tilespmem:s29+$0x10];
	v53 =	vmul.f32 v23, v53;
	v56 =	vmul.f32 v23, v12  }
0x98: {  	(v2sf) =	vpush v57, $0xF;
	v28 =	vld [tilespmem:s15+$0xFFFFFFE0];
	v12 =	vmul.f32 v43, v4;
	v31 =	vmul.f32 v52, v31  }
0x99: {  	v45 =	vld [tilespmem:s15+$0xFFFFFF60];
	v47 =	vmul.f32 v52, v47;
	v9 =	vadd.f32 v10, v9;
	v10 =	vmul.f32 v50, v5  }
0x9a: {  	v38 =	vld [tilespmem:s15+$0xFFFFFFF0];
	v62 =	vmul.f32 v52, v41;
	v11 =	vadd.f32 v21, v11;
	v21 =	vmul.f32 v37, v5  }
0x9b: {  	v48 =	vld [tilespmem:s15+$0xFFFFFF70];
	v63 =	vmul.f32 v52, v42;
	v9 =	vadd.f32 v10, v9;
	v10 =	vmul.f32 v51, v4  }
0x9c: {  	v40 =	vld [tilespmem:s15+$0x0];
	v57 =	vmul.f32 v52, v44;
	v25 =	vmul.f32 v52, v25;
	v11 =	vadd.f32 v21, v11  }
0x9d: {  	v49 =	vld [tilespmem:s15+$0xFFFFFF80];
	v18 =	vadd.f32 v47, v18;
	v60 =	vmul.f32 v28, v3;
	v9 =	vadd.f32 v10, v9  }
0x9e: {  	v21 =	vmul.f32 v52, v32;
	v10 =	vadd.f32 v12, v11;
	v11 =	vmul.f32 v45, v3  }
0x9f: {  	v61 =	vmul.f32 v38, v2;
	v12 =	vmul.f32 v52, v33;
	v32 =	vadd.f32 v60, v9  }
0xa0: {  	s23 =	simm.s32 $0x6470;
	v15 =	vadd.f32 v21, v15;
	v9 =	vld.idx.msk [tilespmem:v17+s10+$0x0], $0xffff;
	v11 =	vadd.f32 v11, v10;
	v17 =	vmul.f32 v48, v2  }
0xa1: {  	v21 =	vmul.f32 v40, v1;
	v52 =	vadd.f32 v53, v18;
	v18 =	vld [tilespmem:s23+$0xFFFFFFB0];
	v32 =	vadd.f32 v61, v32  }
0xa2: {  	v31 =	vadd.f32 v31, v13;
	v13 =	vmul.f32 v49, v1;
	v10 =	vld [tilespmem:s23+$0x0];
	v17 =	vadd.f32 v17, v11  }
0xa3: {  	v16 =	vadd.f32 v12, v16;
	v12 =	vld [tilespmem:s23+$0xFFFFFFE0];
	v21 =	vadd.f32 v21, v32  }
0xa4: {  	v44 =	vadd.f32 v26, v15;
	v15 =	vld [tilespmem:s23+$0xFFFFFF10];
	v17 =	vadd.f32 v13, v17  }
0xa5: {  	v13 =	vld [tilespmem:s23+$0xFFFFFF90];
	(xrf2) =	vadd.scan.msk.f32 $0xffff, v21  }
0xa6: {  	v55 =	vmul.f32 v23, v55;
	v19 =	vadd.f32 v57, v19;
	v21 =	vld [tilespmem:s23+$0xFFFFFFA0];
	(xrf2) =	vadd.scan.msk.f32 $0xffff, v17  }
0xa7: {  	v20 =	vmul.f32 v23, v20;
	v22 =	vadd.f32 v25, v22;
	v17 =	vadd.f32 v63, v14;
	v14 =	vld [tilespmem:s23+$0xFFFFFF20]  }
0xa8: {  	v47 =	vadd.f32 v54, v16;
	v16 =	vadd.f32 v62, v24;
	v24 =	vmul.f32 v23, v39;
	v23 =	vld [tilespmem:s23+$0xFFFFFFD0]  }
0xa9: {  	v31 =	vadd.f32 v30, v31;
	v54 =	vadd.f32 v56, v17;
	v17 =	vld [tilespmem:s23+$0xFFFFFF30]  }
0xaa: {  	v59 =	vmul.f32 v18, v6;
	v53 =	vadd.f32 v55, v16;
	v56 =	vadd.f32 v20, v22;
	v20 =	vld [tilespmem:s23+$0xFFFFFFC0]  }
0xab: {  	s31 =	simm.s32 $0x0;
	v55 =	vadd.f32 v24, v19;
	v19 =	vld [tilespmem:s23+$0xFFFFFF40];
	v24 =	vmul.f32 v13, v7;
	v25 =	vmul.f32 v21, v8  }
0xac: {  	s13 =	simm.s32 $0x1;
	v11 =	vld [tilespmem:s23+$0xFFFFFF80];
	v16 =	vmov s31;
	v26 =	vmul.f32 v15, v7;
	v30 =	vmul.f32 v14, v8  }
0xad: {  	v58 =	vmov s13;
	v39 =	vperm.xlane v9, v16;
	v22 =	vld [tilespmem:s23+$0xFFFFFF50];
	v25 =	vadd.f32 v25, v24  }
0xae: {  	v41 =	vmul.f32 v10, v1;
	v16 =	vadd.f32 v30, v26;
	v26 =	vmul.f32 v17, v6  }
0xaf: {  	v33 =	vmul.f32 v23, v4;
	v24 =	vld [tilespmem:s23+$0xFFFFFF60];
	v60 =	vmul.f32 v20, v5;
	v25 =	vadd.f32 v59, v25;
	v32, _, _ =	vpop (xrf2)  }
0xb0: {  	v62 =	vmul.f32 v19, v5;
	v30 =	vperm.xlane v9, v58;
	v61 =	vadd.f32 v26, v16;
	v16 =	vld [tilespmem:s23+$0xFFFFFFF0];
	v59, _, _ =	vpop (xrf2)  }
0xb1: {  	v58 =	vmul.f32 v11, v1;
	v26 =	vld [tilespmem:s23+$0xFFFFFF70];
	v25 =	vadd.f32 v60, v25;
	(v2sf) =	vpush v59, $0xF  }
0xb2: {  	v57 =	vmul.f32 v22, v4;
	v60 =	vmul.f32 v12, v3;
	v42 =	vadd.f32 v62, v61  }
0xb3: {  	v63 =	vbroadcast v32, $0xF;
	v25 =	vadd.f32 v33, v25;
	(v2sf) =	vpush v32, $0xF  }
0xb4: {  	v32 =	vadd.f32 v57, v42;
	v42 =	vmul.f32 v24, v3;
	v57 =	vbroadcast v59, $0xF  }
0xb5: {  	v25 =	vadd.f32 v60, v25;
	v59 =	vmul.f32 v16, v2;
	v60 =	vmul.f32 v63, v30  }
0xb6: {  	s14 =	spop (v2sf);
	v61 =	vmul.f32 v26, v2;
	v30 =	vadd.f32 v42, v32;
	v33 =	vmul.f32 v57, v39  }
0xb7: {  	s0 =	sadd.f32 s14, s1;
	v25 =	vadd.f32 v59, v25;
	v57 =	vmul.f32 v60, v27;
	v59 =	vmul.f32 v60, v36  }
0xb8: {  	s12 =	simm.s32 $0x6570;
	s15 =	spop (v2sf);
	v46 =	vmul.f32 v60, v46;
	v42 =	vmul.f32 v60, v51;
	v32 =	vadd.f32 v61, v30  }
0xb9: {  	s1 =	simm.s32 $0x2;
	s0 =	sadd.f32 s15, s0;
	v27 =	vld [tilespmem:s12+$0x0];
	v34 =	vmul.f32 v33, v34;
	v62 =	vmul.f32 v33, v35;
	v61 =	vadd.f32 v41, v25  }
0xba: {  	s16 =	spop (v2sf);
	v39 =	vmov s1;
	v36 =	vld [tilespmem:s12+$0xFFFFFF10];
	v63 =	vmul.f32 v33, v37;
	v43 =	vmul.f32 v33, v43  }
0xbb: {  	s0 =	sadd.f32 s16, s0;
	v30 =	vld [tilespmem:s12+$0xFFFFFF80];
	v45 =	vmul.f32 v33, v45;
	v41 =	vmul.f32 v60, v28;
	v51 =	vadd.f32 v58, v32;
	(xrf2) =	vadd.scan.msk.f32 $0xffff, v61  }
0xbc: {  	s23 =	spop (v2sf);
	v35 =	vld [tilespmem:s12+$0xFFFFFF20];
	v28 =	vmul.f32 v33, v29;
	v34 =	vadd.f32 v34, v31;
	v62 =	vadd.f32 v62, v47  }
0xbd: {  	s0 =	sadd.f32 s23, s0;
	v48 =	vmul.f32 v33, v48;
	v29 =	vld [tilespmem:s12+$0xFFFFFF90];
	v63 =	vadd.f32 v63, v52;
	v43 =	vadd.f32 v43, v53  }
0xbe: {  	s31 =	spop (v2sf);
	v50 =	vmul.f32 v60, v50;
	v58 =	vadd.f32 v28, v44;
	v28 =	vld [tilespmem:s12+$0xFFFFFFA0];
	v44 =	vadd.f32 v45, v54;
	(xrf2) =	vadd.scan.msk.f32 $0xffff, v51  }
0xbf: {  	s14 =	sadd.f32 s31, s0;
	v49 =	vmul.f32 v33, v49;
	v37 =	vld [tilespmem:s12+$0xFFFFFFB0];
	v45 =	vadd.f32 v48, v55;
	v32 =	vadd.f32 v59, v34  }
0xc0: {  	v25 =	vld [tilespmem:s12+$0xFFFFFFE0];
	v47 =	vmul.f32 v60, v38;
	v33 =	vadd.f32 v46, v62;
	v34 =	vadd.f32 v50, v63;
	s15 =	spop (v2sf)  }
0xc1: {  	s13 =	simm.s32 $0x6;
	s0 =	simm.s32 $0x4;
	v38 =	vld [tilespmem:s12+$0xFFFFFF30];
	v48 =	vmul.f32 v60, v40;
	v46 =	vadd.f32 v49, v56;
	v31 =	vadd.f32 v57, v58;
	s14 =	sadd.f32 s15, s14  }
.LBB2_5:
0xc2: {  	p0 =	slt.u32 s13, $0xE;
	v49 =	vld [tilespmem:s12+$0xFFFFFFC0];
	v54 =	vmul.f32 v29, v7;
	v43 =	vadd.f32 v42, v43;
	v44 =	vadd.f32 v41, v44;
	s15 =	spop (v2sf);
	v40 =	vmovc v10  }
0xc3: {  	v41 =	vmul.f32 v28, v8;
	s31 =	sadd.s32 $0x1, s1;
	v10 =	vmovc v27;
	s1 =	smov.u32 s0;
	v51 =	vld [tilespmem:s12+$0xFFFFFF40];
	v45 =	vadd.f32 v47, v45;
	v46 =	vadd.f32 v48, v46;
	s14 =	sadd.f32 s15, s14  }
0xc4: {  	v52 =	vmovc v11;
	v11 =	vmovc v30;
	s0 =	smov.u32 s13;
	v27 =	vmul.f32 v36, v7;
	v48 =	vmov s31;
	v42 =	vmul.f32 v35, v8;
	v47 =	vld [tilespmem:s12+$0xFFFFFFD0]  }
0xc5: {  	v39 =	vperm.xlane v9, v39;
	v30 =	vadd.f32 v41, v54;
	v53 =	vld [tilespmem:s12+$0xFFFFFF50];
	v41 =	vmul.f32 v37, v6;
	v50, _, _ =	vpop (xrf2)  }
0xc6: {  	v48 =	vperm.xlane v9, v48;
	v27 =	vadd.f32 v42, v27;
	v59 =	vmul.f32 v38, v6;
	v54 =	vmovc v15  }
0xc7: {  	v56 =	vmul.f32 v10, v1;
	v15 =	vmovc v36;
	v55 =	vld [tilespmem:s12+$0xFFFFFF60];
	v30 =	vadd.f32 v41, v30;
	v41 =	vmul.f32 v49, v5  }
0xc8: {  	v57 =	vmul.f32 v11, v1;
	v27 =	vadd.f32 v59, v27;
	v36 =	vmul.f32 v51, v5;
	v58 =	vld [tilespmem:s12+$0xFFFFFFF0];
	v42, _, _ =	vpop (xrf2)  }
0xc9: {  	v60 =	vmovc v14;
	v14 =	vmovc v35;
	v59 =	vld [tilespmem:s12+$0xFFFFFF70];
	v30 =	vadd.f32 v41, v30;
	v41 =	vmul.f32 v47, v4;
	(v2sf) =	vpush v42, $0xF  }
0xca: {  	v61 =	vmovc v18;
	v27 =	vadd.f32 v36, v27;
	v35 =	vmul.f32 v53, v4;
	v36 =	vmul.f32 v25, v3  }
0xcb: {  	v18 =	vmovc v37;
	v37 =	vmovc v17;
	v30 =	vadd.f32 v41, v30;
	v41 =	vbroadcast v50, $0xF;
	(v2sf) =	vpush v50, $0xF  }
0xcc: {  	v17 =	vmovc v38;
	v42 =	vbroadcast v42, $0xF;
	v27 =	vadd.f32 v35, v27;
	v35 =	vmul.f32 v55, v3  }
0xcd: {  	v30 =	vadd.f32 v36, v30;
	v36 =	vmul.f32 v58, v2;
	v48 =	vmul.f32 v41, v48  }
0xce: {  	v38 =	vmul.f32 v42, v39;
	v27 =	vadd.f32 v35, v27;
	v35 =	vmul.f32 v59, v2  }
0xcf: {  	v30 =	vadd.f32 v36, v30;
	v50 =	vmul.f32 v48, v13;
	v62 =	vmul.f32 v48, v21;
	v13 =	vmovc v29  }
0xd0: {  	s12 =	sadd.s32 $0x100, s12;
	v61 =	vmul.f32 v48, v61;
	v63 =	vmul.f32 v48, v20;
	v20 =	vmovc v49;
	v29 =	vadd.f32 v35, v27  }
0xd1: {  	v42 =	vmul.f32 v48, v23;
	v41 =	vmul.f32 v48, v12;
	v23 =	vmovc v47;
	v27 =	vld [tilespmem:s12+$0x0];
	v35 =	vadd.f32 v56, v30  }
0xd2: {  	v39 =	vmov s1;
	v36 =	vmul.f32 v38, v54;
	v47 =	vmul.f32 v38, v60;
	v12 =	vmovc v25;
	v21 =	vmovc v28;
	v30 =	vld [tilespmem:s12+$0xFFFFFF80]  }
0xd3: {  	v49 =	vadd.f32 v57, v29;
	v25 =	vld [tilespmem:s12+$0xFFFFFFE0];
	(xrf2) =	vadd.scan.msk.f32 $0xffff, v35;
	v35 =	vmul.f32 v38, v37;
	v37 =	vmul.f32 v38, v19  }
0xd4: {  	v31 =	vadd.f32 v36, v31;
	v32 =	vadd.f32 v47, v32;
	v47 =	vmul.f32 v38, v22;
	v19 =	vmovc v51;
	v29 =	vld [tilespmem:s12+$0xFFFFFF90]  }
.Ltmp1:
0xd5: {  	v22 =	vmovc v53;
	v51 =	vmul.f32 v38, v24;
	v28 =	vld [tilespmem:s12+$0xFFFFFFA0];
	v33 =	vadd.f32 v35, v33;
	v34 =	vadd.f32 v37, v34;
	(pc) =	sbr.rel @p0 .LBB2_5-.Ltmp1, $4  }
0xd6: {  	v53 =	vmul.f32 v38, v26;
	v31 =	vadd.f32 v50, v31;
	v32 =	vadd.f32 v62, v32;
	v36 =	vld [tilespmem:s12+$0xFFFFFF10];
	(xrf2) =	vadd.scan.msk.f32 $0xffff, v49  }
0xd7: {  	v24 =	vmovc v55;
	v49 =	vmul.f32 v38, v52;
	v35 =	vld [tilespmem:s12+$0xFFFFFF20];
	v33 =	vadd.f32 v61, v33;
	v34 =	vadd.f32 v63, v34  }
0xd8: {  	v43 =	vadd.f32 v47, v43;
	v47 =	vmul.f32 v48, v16;
	v16 =	vmovc v58;
	v44 =	vadd.f32 v51, v44;
	v37 =	vld [tilespmem:s12+$0xFFFFFFB0];
	s15 =	spop (v2sf)  }
0xd9: {  	s13 =	sadd.s32 $0x2, s13;
	v26 =	vmovc v59;
	v45 =	vadd.f32 v53, v45;
	v48 =	vmul.f32 v48, v40;
	v46 =	vadd.f32 v49, v46;
	v38 =	vld [tilespmem:s12+$0xFFFFFF30];
	s14 =	sadd.f32 s15, s14  }
0xda: {  	v40 =	vld [tilespmem:s12+$0xFFFFFFC0]  }
0xdb: {  	v49 =	vmul.f32 v29, v7;
	v50 =	vld [tilespmem:s12+$0xFFFFFF40];
	v51 =	vmul.f32 v28, v8  }
0xdc: {  	v52 =	vld [tilespmem:s12+$0xFFFFFFD0];
	v7 =	vmul.f32 v36, v7;
	v8 =	vmul.f32 v35, v8  }
0xdd: {  	v53 =	vld [tilespmem:s12+$0xFFFFFF50];
	v49 =	vadd.f32 v51, v49;
	v60 =	vmul.f32 v37, v6  }
0xde: {  	v7 =	vadd.f32 v8, v7;
	v6 =	vmul.f32 v38, v6  }
0xdf: {  	v8 =	vld [tilespmem:s12+$0xFFFFFF60];
	v49 =	vadd.f32 v60, v49;
	v61 =	vmul.f32 v40, v5  }
0xe0: {  	v5 =	vmul.f32 v50, v5;
	v6 =	vadd.f32 v6, v7;
	v7 =	vld [tilespmem:s12+$0xFFFFFFF0]  }
0xe1: {  	v54 =	vld [tilespmem:s12+$0xFFFFFF70];
	v62 =	vmul.f32 v52, v4;
	v49 =	vadd.f32 v61, v49  }
0xe2: {  	v4 =	vmul.f32 v53, v4;
	v5 =	vadd.f32 v5, v6  }
0xe3: {  	v6 =	vmul.f32 v25, v3;
	v49 =	vadd.f32 v62, v49  }
0xe4: {  	v3 =	vmul.f32 v8, v3;
	v4 =	vadd.f32 v4, v5  }
0xe5: {  	v5 =	vadd.f32 v6, v49;
	v6 =	vmul.f32 v7, v2  }
0xe6: {  	v2 =	vmul.f32 v54, v2;
	v3 =	vadd.f32 v3, v4  }
0xe7: {  	s1 =	sadd.s32 $0x1, s1;
	v4 =	vmul.f32 v27, v1;
	v5 =	vadd.f32 v6, v5  }
0xe8: {  	v63, _, _ =	vpop (xrf2);
	v1 =	vmul.f32 v30, v1;
	v6 =	vmov s1;
	v2 =	vadd.f32 v2, v3  }
0xe9: {  	v3 =	vperm.xlane v9, v6;
	v6 =	vbroadcast v63, $0xF;
	v4 =	vadd.f32 v4, v5  }
0xea: {  	v55, _, _ =	vpop (xrf2);
	v5 =	vperm.xlane v9, v39;
	v1 =	vadd.f32 v1, v2  }
0xeb: {  	v2 =	vbroadcast v55, $0xF;
	v3 =	vmul.f32 v6, v3;
	(xrf2) =	vadd.scan.msk.f32 $0xffff, v4  }
0xec: {  	v56 =	vmov s0;
	(xrf2) =	vadd.scan.msk.f32 $0xffff, v1  }
0xed: {  	(v2sf) =	vpush v55, $0xF;
	v2 =	vmul.f32 v2, v5;
	v5 =	vmul.f32 v3, v13  }
0xee: {  	(v2sf) =	vpush v63, $0xF;
	v13 =	vmul.f32 v3, v21;
	v18 =	vmul.f32 v3, v18  }
0xef: {  	v6 =	vadd.f32 v47, v45;
	v20 =	vmul.f32 v3, v20;
	v23 =	vmul.f32 v3, v23  }
0xf0: {  	v4 =	vadd.f32 v42, v43;
	v12 =	vmul.f32 v3, v12;
	v15 =	vmul.f32 v2, v15  }
0xf1: {  	v1 =	vadd.f32 v41, v44;
	v14 =	vmul.f32 v2, v14;
	v17 =	vmul.f32 v2, v17  }
0xf2: {  	v21 =	vadd.f32 v48, v46;
	v19 =	vmul.f32 v2, v19;
	v22 =	vmul.f32 v2, v22  }
0xf3: {  	v24 =	vmul.f32 v2, v24;
	v15 =	vadd.f32 v15, v31;
	v14 =	vadd.f32 v14, v32  }
0xf4: {  	v26 =	vmul.f32 v2, v26;
	v17 =	vadd.f32 v17, v33;
	v19 =	vadd.f32 v19, v34  }
0xf5: {  	s23 =	sadd.s32 $0x1, s0;
	v2 =	vmul.f32 v2, v11;
	v5 =	vadd.f32 v5, v15;
	v13 =	vadd.f32 v13, v14;
	v11, _, _ =	vpop (xrf2)  }
0xf6: {  	v14 =	vadd.f32 v18, v17;
	v15 =	vadd.f32 v20, v19;
	v17 =	vmov s23;
	v18, _, _ =	vpop (xrf2)  }
0xf7: {  	v17 =	vperm.xlane v9, v17;
	v19 =	vbroadcast v11, $0xF;
	(v2sf) =	vpush v18, $0xF  }
0xf8: {  	v16 =	vmul.f32 v3, v16;
	v4 =	vadd.f32 v22, v4;
	v9 =	vperm.xlane v9, v56  }
0xf9: {  	(v2sf) =	vpush v11, $0xF;
	v11 =	vbroadcast v18, $0xF;
	v17 =	vmul.f32 v19, v17  }
0xfa: {  	v3 =	vmul.f32 v3, v10;
	v1 =	vadd.f32 v24, v1;
	v6 =	vadd.f32 v26, v6  }
0xfb: {  	v2 =	vadd.f32 v2, v21;
	v9 =	vmul.f32 v11, v9;
	v10 =	vmul.f32 v17, v29  }
0xfc: {  	v4 =	vadd.f32 v23, v4;
	v11 =	vmul.f32 v17, v28;
	v18 =	vmul.f32 v17, v37  }
0xfd: {  	v1 =	vadd.f32 v12, v1;
	v12 =	vmul.f32 v17, v40;
	v19 =	vmul.f32 v17, v52  }
0xfe: {  	v6 =	vadd.f32 v16, v6;
	v22 =	vmul.f32 v17, v25;
	v16 =	vmul.f32 v9, v36  }
0xff: {  	v2 =	vadd.f32 v3, v2;
	v20 =	vmul.f32 v9, v35;
	v3 =	vmul.f32 v9, v38  }
0x100: {  	s1 =	spop (v2sf);
	v7 =	vmul.f32 v17, v7;
	v21 =	vmul.f32 v9, v50;
	v5 =	vadd.f32 v16, v5  }
0x101: {  	s0 =	sadd.f32 s1, s14;
	v8 =	vmul.f32 v9, v8;
	v13 =	vadd.f32 v20, v13;
	v3 =	vadd.f32 v3, v14  }
0x102: {  	s13 =	sshll.u32 s25, $0x9;
	s12 =	spop (v2sf);
	v16 =	vmul.f32 v9, v53;
	v14 =	vadd.f32 v21, v15;
	v5 =	vadd.f32 v10, v5  }
0x103: {  	s14 =	sand.u32 $0x3FFFFE00, s13;
	s0 =	sadd.f32 s12, s0;
	v15 =	vmul.f32 v9, v54;
	v9 =	vmul.f32 v9, v30;
	v10 =	vadd.f32 v11, v13  }
0x104: {  	s15 =	spop (v2sf);
	v1 =	vadd.f32 v8, v1;
	v3 =	vadd.f32 v18, v3;
	[tilespmem:s14+$0xAA80] =	vst v5;
	v5 =	vmov s30  }
0x105: {  	s0 =	sadd.f32 s15, s0;
	v11 =	vadd.f32 v12, v14;
	v4 =	vadd.f32 v16, v4;
	[tilespmem:s14+$0xAA90] =	vst v10;
	v5 =	vand.u32 $0xFFFFFFFC, v5  }
0x106: {  	v6 =	vadd.f32 v15, v6;
	v1 =	vadd.f32 v22, v1;
	[tilespmem:s14+$0xAAA0] =	vst v3;
	v3 =	vbroadcast v5, $0x0;
	s16 =	spop (v2sf)  }
0x107: {  	v2 =	vadd.f32 v9, v2;
	v4 =	vadd.f32 v19, v4;
	[tilespmem:s14+$0xAAB0] =	vst v11;
	v5 =	vmul.f32 v17, v27;
	s0 =	sadd.f32 s16, s0  }
0x108: {  	v6 =	vadd.f32 v7, v6;
	[tilespmem:s14+$0xAAD0] =	vst v1;
	s23 =	spop (v2sf)  }
0x109: {  	[tilespmem:s14+$0xAAC0] =	vst v4;
	v2 =	vadd.f32 v5, v2;
	s0 =	sadd.f32 s23, s0  }
0x10a: {  	[tilespmem:s14+$0xAAE0] =	vst v6  }
0x10b: {  	[tilespmem:s14+$0xAAF0] =	vst v2;
	v1 =	vmov s0  }
0x10c: {  	[tilespmem:v3+s19+$0x0] =	vst.idx.msk $0x1, v1  }
0x10d: {  	p0 =	seq.s32 s25, $0x4F;
	_ =	swait.ge [sflag:s20], $0x1080  }
0x10e: {  	s1 =	simm.s32 @!p0 $0x21;
	[sflag:s20] =	ssyncset.done $0x0  }
0x10f: {  	s12 =	simm.s32 @!p0 $0x5A80;
	s0 =	sadd.s32 @!p0 $0xA0, s29;
	[sflag:s20] =	ssyncadd.s32 $0xFFFFEF80  }
0x110: {  	[tilespmem:s12], [sflag:$0x1] =	stream.indirect.gather @!p0 [hbm4b:s3+s1], $0x80, s0, s1, $0xb8;
	[tilespmem:$0x14C00] =	vst v63  }
0x111: {  	v7 =	vld [tilespmem:$0x7E80]  }
0x112: {  	v8 =	vld [tilespmem:$0x7E90]  }
0x113: {  	v6 =	vld [tilespmem:$0x7EA0]  }
0x114: {  	v5 =	vld [tilespmem:$0x7EB0]  }
0x115: {  	v4 =	vld [tilespmem:$0x7EC0]  }
0x116: {  	v3 =	vld [tilespmem:$0x7ED0]  }
0x117: {  	v2 =	vld [tilespmem:$0x7EE0]  }
0x118: {  	s13 =	simm.s32 $0x6F00;
	v1 =	vld [tilespmem:$0x7EF0]  }
0x119: {  	v12 =	vld [tilespmem:s13+$0x0]  }
0x11a: {  	v20 =	vld [tilespmem:s13+$0x10]  }
0x11b: {  	v28 =	vld [tilespmem:s13+$0xFFFFFF80]  }
0x11c: {  	v30 =	vld [tilespmem:s13+$0xFFFFFF90]  }
0x11d: {  	v25 =	vld [tilespmem:s13+$0x20]  }
0x11e: {  	v31 =	vld [tilespmem:s13+$0xFFFFFFA0]  }
0x11f: {  	v32 =	vld [tilespmem:s13+$0x30]  }
0x120: {  	v33 =	vld [tilespmem:s13+$0xFFFFFFB0];
	v10 =	vmul.f32 v12, v7;
	v11 =	vmul.f32 v20, v8  }
0x121: {  	v34 =	vld [tilespmem:s13+$0x40];
	v13 =	vmul.f32 v28, v7;
	v14 =	vmul.f32 v30, v8  }
0x122: {  	v35 =	vld [tilespmem:s13+$0xFFFFFFC0];
	v10 =	vadd.f32 v11, v10;
	v11 =	vmul.f32 v25, v6  }
0x123: {  	v36 =	vld [tilespmem:s13+$0x50];
	v13 =	vadd.f32 v14, v13;
	v14 =	vmul.f32 v31, v6  }
0x124: {  	v37 =	vld [tilespmem:s13+$0xFFFFFFD0];
	v10 =	vadd.f32 v11, v10;
	v11 =	vmul.f32 v32, v5  }
0x125: {  	v41 =	vld [tilespmem:s13+$0x60];
	v13 =	vadd.f32 v14, v13;
	v14 =	vmul.f32 v33, v5  }
0x126: {  	v38 =	vld [tilespmem:s13+$0xFFFFFFE0];
	v10 =	vadd.f32 v11, v10;
	v11 =	vmul.f32 v34, v4  }
0x127: {  	s31 =	sor.u32 $0x1, s30;
	v39 =	vld [tilespmem:s13+$0x70];
	v13 =	vadd.f32 v14, v13;
	v14 =	vmul.f32 v35, v4  }
0x128: {  	s12 =	smul.u32 $0xA0, s31;
	v42 =	vld [tilespmem:s13+$0xFFFFFFF0];
	v15 =	vmul.f32 v36, v3;
	v10 =	vadd.f32 v11, v10  }
0x129: {  	s14 =	simm.s32 $0x7000;
	v11 =	vadd.f32 v14, v13;
	v13 =	vmul.f32 v37, v3  }
0x12a: {  	v17 =	vld [tilespmem:s14+$0x0];
	s1 =	sshra.s32 s12, $0x2;
	v14 =	vmul.f32 v41, v2;
	v10 =	vadd.f32 v15, v10  }
0x12b: {  	v9 =	vld [tilespmem:s1+$0x0];
	v11 =	vadd.f32 v13, v11;
	v13 =	vmul.f32 v38, v2  }
0x12c: {  	v27 =	vld [tilespmem:s14+$0x10];
	v15 =	vmul.f32 v39, v1;
	v14 =	vadd.f32 v14, v10  }
0x12d: {  	v22 =	vld [tilespmem:s14+$0x20];
	v16 =	vmul.f32 v42, v1;
	v13 =	vadd.f32 v13, v11  }
0x12e: {  	v21 =	vld [tilespmem:s14+$0x30];
	v15 =	vadd.f32 v15, v14  }
0x12f: {  	v18 =	vld [tilespmem:s14+$0xFFFFFFB0];
	v13 =	vadd.f32 v16, v13  }
0x130: {  	v24 =	vld [tilespmem:s14+$0x40];
	(xrf2) =	vadd.scan.msk.f32 $0xffff, v15  }
0x131: {  	v15 =	vld [tilespmem:s14+$0xFFFFFF80];
	(xrf2) =	vadd.scan.msk.f32 $0xffff, v13  }
0x132: {  	v13 =	vld [tilespmem:s14+$0xFFFFFF90]  }
0x133: {  	v9 =	vld.idx.msk [tilespmem:v9+s10+$0x0], $0xffff  }
0x134: {  	v26 =	vmul.f32 v17, v7;
	v29 =	vmul.f32 v27, v8;
	v16 =	vld [tilespmem:s14+$0xFFFFFFA0]  }
0x135: {  	v23 =	vld [tilespmem:s14+$0xFFFFFFC0]  }
0x136: {  	s15 =	simm.s32 $0x0;
	v60 =	vmul.f32 v22, v6;
	v29 =	vadd.f32 v29, v26;
	v10 =	vld [tilespmem:s14+$0x70]  }
0x137: {  	v19 =	vmov s15;
	s16 =	simm.s32 $0x1;
	v11 =	vld [tilespmem:s14+$0xFFFFFFF0];
	v57 =	vmul.f32 v15, v7;
	v58 =	vmul.f32 v13, v8  }
0x138: {  	v59 =	vmov s16;
	v63 =	vmul.f32 v21, v5;
	v46 =	vadd.f32 v60, v29;
	v14 =	vld [tilespmem:s14+$0x50]  }
0x139: {  	v26 =	vld [tilespmem:s14+$0xFFFFFFD0];
	v47 =	vperm.xlane v9, v19;
	v61 =	vmul.f32 v16, v6;
	v19 =	vadd.f32 v58, v57  }
0x13a: {  	v56 =	vmul.f32 v18, v5;
	v29 =	vld [tilespmem:s14+$0xFFFFFFE0];
	v46 =	vadd.f32 v63, v46;
	v43 =	vperm.xlane v9, v59;
	v62, _, _ =	vpop (xrf2)  }
0x13b: {  	v59 =	vmul.f32 v23, v4;
	v49 =	vmul.f32 v10, v1;
	v40 =	vadd.f32 v61, v19;
	v19 =	vld [tilespmem:s14+$0x60];
	v57, _, _ =	vpop (xrf2)  }
0x13c: {  	v51 =	vmul.f32 v11, v1;
	v58 =	vmul.f32 v24, v4;
	(v2sf) =	vpush v57, $0xF  }
0x13d: {  	v44 =	vimm.f32 $0.0e+00;
	v60 =	vmul.f32 v14, v3;
	v61 =	vbroadcast v62, $0xF  }
0x13e: {  	v46 =	vadd.f32 v58, v46;
	v63 =	vbroadcast v57, $0xF;
	(v2sf) =	vpush v62, $0xF  }
0x13f: {  	v40 =	vadd.f32 v56, v40;
	v57 =	vmul.f32 v29, v2;
	v53 =	vmul.f32 v61, v43  }
0x140: {  	v46 =	vadd.f32 v60, v46;
	v62 =	vmul.f32 v26, v3;
	v56 =	vmul.f32 v19, v2  }
0x141: {  	v40 =	vadd.f32 v59, v40;
	v47 =	vmul.f32 v63, v47;
	v48 =	vmul.f32 v53, v20  }
0x142: {  	v52 =	vmul.f32 v53, v25;
	v54 =	vmul.f32 v53, v32;
	v58 =	vadd.f32 v56, v46  }
0x143: {  	s13 =	simm.s32 $0x7100;
	v45 =	vmul.f32 v53, v34;
	v43 =	vmul.f32 v53, v36;
	v40 =	vadd.f32 v62, v40  }
0x144: {  	v20 =	vld [tilespmem:s13+$0x70];
	v28 =	vmul.f32 v47, v28;
	v60 =	vmul.f32 v47, v30;
	v49 =	vadd.f32 v49, v58  }
0x145: {  	v25 =	vld [tilespmem:s13+$0xFFFFFFF0];
	v31 =	vmul.f32 v47, v31;
	v33 =	vmul.f32 v47, v33;
	v59 =	vadd.f32 v57, v40  }
0x146: {  	v32 =	vld [tilespmem:s13+$0xFFFFFF80];
	v63 =	vmul.f32 v47, v35;
	v42 =	vmul.f32 v47, v42;
	v61 =	vadd.f32 v28, v44;
	(xrf2) =	vadd.scan.msk.f32 $0xffff, v49  }
0x147: {  	v30 =	vld [tilespmem:s13+$0x0];
	v46 =	vmul.f32 v53, v12;
	v62 =	vadd.f32 v60, v44;
	v51 =	vadd.f32 v51, v59  }
0x148: {  	s14 =	simm.s32 $0x2;
	v12 =	vld [tilespmem:s13+$0x50];
	v56 =	vmul.f32 v47, v37;
	v55 =	vadd.f32 v31, v44;
	v33 =	vadd.f32 v33, v44  }
0x149: {  	v40 =	vmov s14;
	v28 =	vld [tilespmem:s13+$0x10];
	v50 =	vadd.f32 v63, v44;
	v34 =	vadd.f32 v46, v61;
	(xrf2) =	vadd.scan.msk.f32 $0xffff, v51  }
0x14a: {  	v57 =	vmul.f32 v47, v38;
	v31 =	vld [tilespmem:s13+$0xFFFFFF90];
	v35 =	vadd.f32 v48, v62;
	v36 =	vadd.f32 v52, v55  }
0x14b: {  	s23 =	simm.f32 $0.0e+00;
	v38 =	vld [tilespmem:s13+$0x20];
	v37 =	vadd.f32 v54, v33;
	v48 =	vmul.f32 v53, v41;
	v49 =	vadd.f32 v56, v44;
	s16 =	spop (v2sf)  }
0x14c: {  	s15 =	simm.s32 $0x6;
	s12 =	simm.s32 $0x4;
	v33 =	vld [tilespmem:s13+$0xFFFFFFA0];
	v46 =	vadd.f32 v42, v44;
	v52 =	vmul.f32 v53, v39;
	v51 =	vadd.f32 v57, v44;
	s0 =	sadd.f32 s16, s23  }
.LBB2_7:
0x14d: {  	p1 =	slt.u32 s15, $0xE;
	v47 =	vld [tilespmem:s13+$0x30];
	v54 =	vmul.f32 v30, v7;
	v41 =	vadd.f32 v45, v50;
	v42 =	vadd.f32 v43, v49;
	s16 =	spop (v2sf);
	v39 =	vmovc v10  }
0x14e: {  	v43 =	vmul.f32 v28, v8;
	s23 =	sadd.s32 $0x1, s14;
	v10 =	vmovc v20;
	s14 =	smov.u32 s12;
	v49 =	vld [tilespmem:s13+$0xFFFFFFB0];
	v44 =	vadd.f32 v48, v51;
	v46 =	vadd.f32 v52, v46;
	s0 =	sadd.f32 s16, s0  }
0x14f: {  	s12 =	smov.u32 s15;
	v20 =	vmul.f32 v32, v7;
	v50 =	vmov s23;
	v51 =	vmovc v11;
	v11 =	vmovc v25;
	v45 =	vmul.f32 v31, v8;
	v48 =	vld [tilespmem:s13+$0x40]  }
0x150: {  	v40 =	vperm.xlane v9, v40;
	v25 =	vadd.f32 v43, v54;
	v52 =	vld [tilespmem:s13+$0xFFFFFFC0];
	v43 =	vmul.f32 v38, v6;
	v53, _, _ =	vpop (xrf2)  }
0x151: {  	v50 =	vperm.xlane v9, v50;
	v20 =	vadd.f32 v45, v20;
	v59 =	vmul.f32 v33, v6;
	v54 =	vmovc v15  }
0x152: {  	v56 =	vmul.f32 v10, v1;
	v15 =	vmovc v32;
	v55 =	vld [tilespmem:s13+$0xFFFFFFD0];
	v25 =	vadd.f32 v43, v25;
	v43 =	vmul.f32 v47, v5  }
0x153: {  	v57 =	vmul.f32 v11, v1;
	v20 =	vadd.f32 v59, v20;
	v32 =	vmul.f32 v49, v5;
	v58 =	vld [tilespmem:s13+$0x60];
	v45, _, _ =	vpop (xrf2)  }
0x154: {  	v60 =	vmovc v13;
	v13 =	vmovc v31;
	v59 =	vld [tilespmem:s13+$0xFFFFFFE0];
	v25 =	vadd.f32 v43, v25;
	v43 =	vmul.f32 v48, v4;
	(v2sf) =	vpush v45, $0xF  }
0x155: {  	v61 =	vmovc v22;
	v20 =	vadd.f32 v32, v20;
	v31 =	vmul.f32 v52, v4;
	v32 =	vmul.f32 v12, v3  }
0x156: {  	v22 =	vmovc v38;
	v38 =	vmovc v16;
	v25 =	vadd.f32 v43, v25;
	v43 =	vbroadcast v53, $0xF;
	(v2sf) =	vpush v53, $0xF  }
0x157: {  	v16 =	vmovc v33;
	v45 =	vbroadcast v45, $0xF;
	v20 =	vadd.f32 v31, v20;
	v31 =	vmul.f32 v55, v3  }
0x158: {  	v25 =	vadd.f32 v32, v25;
	v32 =	vmul.f32 v58, v2;
	v53 =	vmul.f32 v43, v50  }
0x159: {  	v33 =	vmul.f32 v45, v40;
	v20 =	vadd.f32 v31, v20;
	v31 =	vmul.f32 v59, v2  }
0x15a: {  	v25 =	vadd.f32 v32, v25;
	v50 =	vmul.f32 v53, v17;
	v62 =	vmul.f32 v53, v27;
	v17 =	vmovc v30  }
0x15b: {  	s13 =	sadd.s32 $0x100, s13;
	v61 =	vmul.f32 v53, v61;
	v63 =	vmul.f32 v53, v21;
	v21 =	vmovc v47;
	v30 =	vadd.f32 v31, v20  }
0x15c: {  	v45 =	vmul.f32 v53, v24;
	v43 =	vmul.f32 v53, v14;
	v24 =	vmovc v48;
	v20 =	vld [tilespmem:s13+$0x70];
	v31 =	vadd.f32 v56, v25  }
0x15d: {  	v40 =	vmov s14;
	v32 =	vmul.f32 v33, v54;
	v47 =	vmul.f32 v33, v60;
	v14 =	vmovc v12;
	v27 =	vmovc v28;
	v25 =	vld [tilespmem:s13+$0xFFFFFFF0]  }
0x15e: {  	v48 =	vadd.f32 v57, v30;
	v12 =	vld [tilespmem:s13+$0x50];
	(xrf2) =	vadd.scan.msk.f32 $0xffff, v31;
	v31 =	vmul.f32 v33, v38;
	v38 =	vmul.f32 v33, v18  }
0x15f: {  	v34 =	vadd.f32 v32, v34;
	v35 =	vadd.f32 v47, v35;
	v47 =	vmul.f32 v33, v23;
	v18 =	vmovc v49;
	v30 =	vld [tilespmem:s13+$0x0]  }
.Ltmp2:
0x160: {  	v23 =	vmovc v52;
	v49 =	vmul.f32 v33, v26;
	v28 =	vld [tilespmem:s13+$0x10];
	v36 =	vadd.f32 v31, v36;
	v37 =	vadd.f32 v38, v37;
	(pc) =	sbr.rel @p1 .LBB2_7-.Ltmp2, $4  }
0x161: {  	v54 =	vmul.f32 v33, v29;
	v34 =	vadd.f32 v50, v34;
	v35 =	vadd.f32 v62, v35;
	v32 =	vld [tilespmem:s13+$0xFFFFFF80];
	(xrf2) =	vadd.scan.msk.f32 $0xffff, v48  }
0x162: {  	v52 =	vmul.f32 v33, v51;
	v26 =	vmovc v55;
	v31 =	vld [tilespmem:s13+$0xFFFFFF90];
	v36 =	vadd.f32 v61, v36;
	v37 =	vadd.f32 v63, v37  }
0x163: {  	v50 =	vadd.f32 v47, v41;
	v49 =	vadd.f32 v49, v42;
	v48 =	vmul.f32 v53, v19;
	v19 =	vmovc v58;
	v38 =	vld [tilespmem:s13+$0x20];
	s16 =	spop (v2sf)  }
0x164: {  	s15 =	sadd.s32 $0x2, s15;
	v29 =	vmovc v59;
	v51 =	vadd.f32 v54, v44;
	v46 =	vadd.f32 v52, v46;
	v52 =	vmul.f32 v53, v39;
	v33 =	vld [tilespmem:s13+$0xFFFFFFA0];
	s0 =	sadd.f32 s16, s0  }
0x165: {  	v53 =	vld [tilespmem:s13+$0x30]  }
0x166: {  	v39 =	vmul.f32 v30, v7;
	v47 =	vld [tilespmem:s13+$0xFFFFFFB0];
	v42 =	vmul.f32 v28, v8  }
0x167: {  	v55 =	vld [tilespmem:s13+$0x40];
	v44 =	vmul.f32 v32, v7;
	v54 =	vmul.f32 v31, v8  }
0x168: {  	v41 =	vld [tilespmem:s13+$0xFFFFFFC0];
	v39 =	vadd.f32 v42, v39;
	v56 =	vmul.f32 v38, v6  }
0x169: {  	v42 =	vld [tilespmem:s13+$0xFFFFFFD0];
	v44 =	vadd.f32 v54, v44  }
0x16a: {  	v60 =	vmul.f32 v33, v6;
	v56 =	vadd.f32 v56, v39;
	v57 =	vmul.f32 v53, v5  }
0x16b: {  	v59 =	vmul.f32 v12, v3;
	v58 =	vmul.f32 v47, v5;
	v39 =	vld [tilespmem:s13+$0x60]  }
0x16c: {  	s23 =	sadd.s32 $0x1, s14;
	v61 =	vmul.f32 v55, v4;
	v54 =	vadd.f32 v60, v44;
	v56 =	vadd.f32 v57, v56  }
0x16d: {  	v40 =	vperm.xlane v9, v40;
	v62 =	vmul.f32 v41, v4;
	v44 =	vld [tilespmem:s13+$0xFFFFFFE0];
	v57 =	vmov s23  }
0x16e: {  	v54 =	vadd.f32 v58, v54;
	v58 =	vmul.f32 v42, v3;
	v60, _, _ =	vpop (xrf2);
	v56 =	vadd.f32 v61, v56  }
0x16f: {  	v57 =	vperm.xlane v9, v57;
	v63 =	vbroadcast v60, $0xF  }
0x170: {  	v54 =	vadd.f32 v62, v54;
	v56 =	vadd.f32 v59, v56;
	v59 =	vmul.f32 v39, v2  }
0x171: {  	v61 =	vmul.f32 v20, v1;
	v63 =	vmul.f32 v63, v57  }
0x172: {  	v54 =	vadd.f32 v58, v54;
	v58 =	vmul.f32 v44, v2;
	v56 =	vadd.f32 v59, v56  }
0x173: {  	v45 =	vadd.f32 v45, v50;
	v62, _, _ =	vpop (xrf2);
	v59 =	vmul.f32 v25, v1;
	v17 =	vmul.f32 v63, v17  }
0x174: {  	v54 =	vadd.f32 v58, v54;
	v58 =	vbroadcast v62, $0xF;
	v56 =	vadd.f32 v61, v56  }
0x175: {  	v43 =	vadd.f32 v43, v49;
	v27 =	vmul.f32 v63, v27;
	v22 =	vmul.f32 v63, v22  }
0x176: {  	v21 =	vmul.f32 v63, v21;
	v40 =	vmul.f32 v58, v40;
	v54 =	vadd.f32 v59, v54;
	(xrf2) =	vadd.scan.msk.f32 $0xffff, v56  }
0x177: {  	v48 =	vadd.f32 v48, v51;
	v24 =	vmul.f32 v63, v24;
	v14 =	vmul.f32 v63, v14  }
0x178: {  	v46 =	vadd.f32 v52, v46;
	v19 =	vmul.f32 v63, v19;
	(xrf2) =	vadd.scan.msk.f32 $0xffff, v54;
	v18 =	vmul.f32 v40, v18  }
0x179: {  	(v2sf) =	vpush v62, $0xF;
	v10 =	vmul.f32 v63, v10;
	v13 =	vmul.f32 v40, v13  }
0x17a: {  	v56 =	vmov s12;
	v16 =	vmul.f32 v40, v16;
	v18 =	vadd.f32 v18, v37  }
0x17b: {  	s13 =	simm.s32 $0x7770;
	v23 =	vmul.f32 v40, v23;
	v29 =	vmul.f32 v40, v29;
	v13 =	vadd.f32 v13, v35  }
0x17c: {  	v15 =	vmul.f32 v40, v15;
	v16 =	vadd.f32 v16, v36;
	v36 =	vld [tilespmem:s13+$0xFFFFFFA0];
	v18 =	vadd.f32 v21, v18  }
0x17d: {  	v26 =	vmul.f32 v40, v26;
	v21 =	vadd.f32 v23, v45;
	v23 =	vadd.f32 v29, v48;
	v29 =	vld [tilespmem:s13+$0xFFFFFF10]  }
0x17e: {  	s14 =	sadd.s32 $0x1, s12;
	v11 =	vmul.f32 v40, v11;
	v15 =	vadd.f32 v15, v34;
	v34 =	vld [tilespmem:s13+$0xFFFFFF20];
	v13 =	vadd.f32 v27, v13  }
0x17f: {  	v16 =	vadd.f32 v22, v16;
	v27 =	vld [tilespmem:s13+$0xFFFFFF90];
	v22 =	vadd.f32 v26, v43;
	v26 =	vmov s14  }
0x180: {  	v58 =	vperm.xlane v9, v56;
	v11 =	vadd.f32 v11, v46;
	v9 =	vperm.xlane v9, v26;
	v57, _, _ =	vpop (xrf2)  }
0x181: {  	v46 =	vld [tilespmem:s13+$0xFFFFFFB0];
	v24 =	vadd.f32 v24, v21;
	v14 =	vadd.f32 v14, v22;
	v21 =	vbroadcast v57, $0xF  }
0x182: {  	v35 =	vld [tilespmem:s13+$0xFFFFFF30];
	v22 =	vadd.f32 v10, v11;
	v10 =	vmul.f32 v36, v8;
	v11 =	vmul.f32 v29, v7;
	v26, _, _ =	vpop (xrf2)  }
0x183: {  	v19 =	vadd.f32 v19, v23;
	v59 =	vbroadcast v26, $0xF;
	v23 =	vmul.f32 v21, v9  }
0x184: {  	(v2sf) =	vpush v60, $0xF;
	v43 =	vld [tilespmem:s13+$0xFFFFFF50];
	v9 =	vmul.f32 v27, v7;
	v21 =	vmul.f32 v34, v8  }
0x185: {  	v50 =	vld [tilespmem:s13+$0xFFFFFFC0];
	(v2sf) =	vpush v26, $0xF;
	v52 =	vmul.f32 v59, v58;
	v26 =	vmul.f32 v23, v30  }
0x186: {  	v37 =	vld [tilespmem:s13+$0xFFFFFF40];
	v9 =	vadd.f32 v10, v9;
	v10 =	vmul.f32 v46, v6;
	v30 =	vmul.f32 v23, v28  }
0x187: {  	v51 =	vld [tilespmem:s13+$0xFFFFFFD0];
	v11 =	vadd.f32 v21, v11;
	v21 =	vmul.f32 v35, v6;
	v54 =	vmul.f32 v23, v38  }
0x188: {  	v15 =	vadd.f32 v17, v15;
	v17 =	vld [tilespmem:s1+$0x10];
	v53 =	vmul.f32 v23, v53;
	v56 =	vmul.f32 v23, v12  }
0x189: {  	(v2sf) =	vpush v57, $0xF;
	v28 =	vld [tilespmem:s13+$0xFFFFFFE0];
	v12 =	vmul.f32 v43, v4;
	v31 =	vmul.f32 v52, v31  }
0x18a: {  	v45 =	vld [tilespmem:s13+$0xFFFFFF60];
	v47 =	vmul.f32 v52, v47;
	v9 =	vadd.f32 v10, v9;
	v10 =	vmul.f32 v50, v5  }
0x18b: {  	v38 =	vld [tilespmem:s13+$0xFFFFFFF0];
	v62 =	vmul.f32 v52, v41;
	v11 =	vadd.f32 v21, v11;
	v21 =	vmul.f32 v37, v5  }
0x18c: {  	v48 =	vld [tilespmem:s13+$0xFFFFFF70];
	v63 =	vmul.f32 v52, v42;
	v9 =	vadd.f32 v10, v9;
	v10 =	vmul.f32 v51, v4  }
0x18d: {  	v40 =	vld [tilespmem:s13+$0x0];
	v57 =	vmul.f32 v52, v44;
	v25 =	vmul.f32 v52, v25;
	v11 =	vadd.f32 v21, v11  }
0x18e: {  	v49 =	vld [tilespmem:s13+$0xFFFFFF80];
	v18 =	vadd.f32 v47, v18;
	v60 =	vmul.f32 v28, v3;
	v9 =	vadd.f32 v10, v9  }
0x18f: {  	v21 =	vmul.f32 v52, v32;
	v10 =	vadd.f32 v12, v11;
	v11 =	vmul.f32 v45, v3  }
0x190: {  	v61 =	vmul.f32 v38, v2;
	v12 =	vmul.f32 v52, v33;
	v32 =	vadd.f32 v60, v9  }
0x191: {  	s15 =	simm.s32 $0x7870;
	v15 =	vadd.f32 v21, v15;
	v9 =	vld.idx.msk [tilespmem:v17+s10+$0x0], $0xffff;
	v11 =	vadd.f32 v11, v10;
	v17 =	vmul.f32 v48, v2  }
0x192: {  	v21 =	vmul.f32 v40, v1;
	v52 =	vadd.f32 v53, v18;
	v18 =	vld [tilespmem:s15+$0xFFFFFFB0];
	v32 =	vadd.f32 v61, v32  }
0x193: {  	v31 =	vadd.f32 v31, v13;
	v13 =	vmul.f32 v49, v1;
	v10 =	vld [tilespmem:s15+$0x0];
	v17 =	vadd.f32 v17, v11  }
0x194: {  	v16 =	vadd.f32 v12, v16;
	v12 =	vld [tilespmem:s15+$0xFFFFFFE0];
	v21 =	vadd.f32 v21, v32  }
0x195: {  	v44 =	vadd.f32 v26, v15;
	v15 =	vld [tilespmem:s15+$0xFFFFFF10];
	v17 =	vadd.f32 v13, v17  }
0x196: {  	v13 =	vld [tilespmem:s15+$0xFFFFFF90];
	(xrf2) =	vadd.scan.msk.f32 $0xffff, v21  }
0x197: {  	v55 =	vmul.f32 v23, v55;
	v19 =	vadd.f32 v57, v19;
	v21 =	vld [tilespmem:s15+$0xFFFFFFA0];
	(xrf2) =	vadd.scan.msk.f32 $0xffff, v17  }
0x198: {  	v20 =	vmul.f32 v23, v20;
	v22 =	vadd.f32 v25, v22;
	v17 =	vadd.f32 v63, v14;
	v14 =	vld [tilespmem:s15+$0xFFFFFF20]  }
0x199: {  	v47 =	vadd.f32 v54, v16;
	v16 =	vadd.f32 v62, v24;
	v24 =	vmul.f32 v23, v39;
	v23 =	vld [tilespmem:s15+$0xFFFFFFD0]  }
0x19a: {  	v31 =	vadd.f32 v30, v31;
	v54 =	vadd.f32 v56, v17;
	v17 =	vld [tilespmem:s15+$0xFFFFFF30]  }
0x19b: {  	v59 =	vmul.f32 v18, v6;
	v53 =	vadd.f32 v55, v16;
	v56 =	vadd.f32 v20, v22;
	v20 =	vld [tilespmem:s15+$0xFFFFFFC0]  }
0x19c: {  	s16 =	simm.s32 $0x0;
	v55 =	vadd.f32 v24, v19;
	v19 =	vld [tilespmem:s15+$0xFFFFFF40];
	v24 =	vmul.f32 v13, v7;
	v25 =	vmul.f32 v21, v8  }
0x19d: {  	s23 =	simm.s32 $0x1;
	v11 =	vld [tilespmem:s15+$0xFFFFFF80];
	v16 =	vmov s16;
	v26 =	vmul.f32 v15, v7;
	v30 =	vmul.f32 v14, v8  }
0x19e: {  	v58 =	vmov s23;
	v39 =	vperm.xlane v9, v16;
	v22 =	vld [tilespmem:s15+$0xFFFFFF50];
	v25 =	vadd.f32 v25, v24  }
0x19f: {  	v41 =	vmul.f32 v10, v1;
	v16 =	vadd.f32 v30, v26;
	v26 =	vmul.f32 v17, v6  }
0x1a0: {  	v33 =	vmul.f32 v23, v4;
	v24 =	vld [tilespmem:s15+$0xFFFFFF60];
	v60 =	vmul.f32 v20, v5;
	v25 =	vadd.f32 v59, v25;
	v32, _, _ =	vpop (xrf2)  }
0x1a1: {  	v62 =	vmul.f32 v19, v5;
	v30 =	vperm.xlane v9, v58;
	v61 =	vadd.f32 v26, v16;
	v16 =	vld [tilespmem:s15+$0xFFFFFFF0];
	v59, _, _ =	vpop (xrf2)  }
0x1a2: {  	v58 =	vmul.f32 v11, v1;
	v26 =	vld [tilespmem:s15+$0xFFFFFF70];
	v25 =	vadd.f32 v60, v25;
	(v2sf) =	vpush v59, $0xF  }
0x1a3: {  	v57 =	vmul.f32 v22, v4;
	v60 =	vmul.f32 v12, v3;
	v42 =	vadd.f32 v62, v61  }
0x1a4: {  	v63 =	vbroadcast v32, $0xF;
	v25 =	vadd.f32 v33, v25;
	(v2sf) =	vpush v32, $0xF  }
0x1a5: {  	v32 =	vadd.f32 v57, v42;
	v42 =	vmul.f32 v24, v3;
	v57 =	vbroadcast v59, $0xF  }
0x1a6: {  	v25 =	vadd.f32 v60, v25;
	v59 =	vmul.f32 v16, v2;
	v60 =	vmul.f32 v63, v30  }
0x1a7: {  	s12 =	spop (v2sf);
	v61 =	vmul.f32 v26, v2;
	v30 =	vadd.f32 v42, v32;
	v33 =	vmul.f32 v57, v39  }
0x1a8: {  	s0 =	sadd.f32 s12, s0;
	v25 =	vadd.f32 v59, v25;
	v57 =	vmul.f32 v60, v27;
	v59 =	vmul.f32 v60, v36  }
0x1a9: {  	s12 =	simm.s32 $0x7970;
	s13 =	spop (v2sf);
	v46 =	vmul.f32 v60, v46;
	v42 =	vmul.f32 v60, v51;
	v32 =	vadd.f32 v61, v30  }
0x1aa: {  	s1 =	simm.s32 $0x2;
	s0 =	sadd.f32 s13, s0;
	v27 =	vld [tilespmem:s12+$0x0];
	v34 =	vmul.f32 v33, v34;
	v62 =	vmul.f32 v33, v35;
	v61 =	vadd.f32 v41, v25  }
0x1ab: {  	s14 =	spop (v2sf);
	v39 =	vmov s1;
	v36 =	vld [tilespmem:s12+$0xFFFFFF10];
	v63 =	vmul.f32 v33, v37;
	v43 =	vmul.f32 v33, v43  }
0x1ac: {  	s0 =	sadd.f32 s14, s0;
	v30 =	vld [tilespmem:s12+$0xFFFFFF80];
	v45 =	vmul.f32 v33, v45;
	v41 =	vmul.f32 v60, v28;
	v51 =	vadd.f32 v58, v32;
	(xrf2) =	vadd.scan.msk.f32 $0xffff, v61  }
0x1ad: {  	s15 =	spop (v2sf);
	v35 =	vld [tilespmem:s12+$0xFFFFFF20];
	v28 =	vmul.f32 v33, v29;
	v34 =	vadd.f32 v34, v31;
	v62 =	vadd.f32 v62, v47  }
0x1ae: {  	s0 =	sadd.f32 s15, s0;
	v48 =	vmul.f32 v33, v48;
	v29 =	vld [tilespmem:s12+$0xFFFFFF90];
	v63 =	vadd.f32 v63, v52;
	v43 =	vadd.f32 v43, v53  }
0x1af: {  	s16 =	spop (v2sf);
	v50 =	vmul.f32 v60, v50;
	v58 =	vadd.f32 v28, v44;
	v28 =	vld [tilespmem:s12+$0xFFFFFFA0];
	v44 =	vadd.f32 v45, v54;
	(xrf2) =	vadd.scan.msk.f32 $0xffff, v51  }
0x1b0: {  	s23 =	sadd.f32 s16, s0;
	v49 =	vmul.f32 v33, v49;
	v37 =	vld [tilespmem:s12+$0xFFFFFFB0];
	v45 =	vadd.f32 v48, v55;
	v32 =	vadd.f32 v59, v34  }
0x1b1: {  	v25 =	vld [tilespmem:s12+$0xFFFFFFE0];
	v47 =	vmul.f32 v60, v38;
	v33 =	vadd.f32 v46, v62;
	v34 =	vadd.f32 v50, v63;
	s15 =	spop (v2sf)  }
0x1b2: {  	s13 =	simm.s32 $0x6;
	s0 =	simm.s32 $0x4;
	v38 =	vld [tilespmem:s12+$0xFFFFFF30];
	v48 =	vmul.f32 v60, v40;
	v46 =	vadd.f32 v49, v56;
	v31 =	vadd.f32 v57, v58;
	s14 =	sadd.f32 s15, s23  }
.LBB2_9:
0x1b3: {  	p1 =	slt.u32 s13, $0xE;
	v49 =	vld [tilespmem:s12+$0xFFFFFFC0];
	v54 =	vmul.f32 v29, v7;
	v43 =	vadd.f32 v42, v43;
	v44 =	vadd.f32 v41, v44;
	s15 =	spop (v2sf);
	v40 =	vmovc v10  }
0x1b4: {  	v41 =	vmul.f32 v28, v8;
	s16 =	sadd.s32 $0x1, s1;
	v10 =	vmovc v27;
	s1 =	smov.u32 s0;
	v51 =	vld [tilespmem:s12+$0xFFFFFF40];
	v45 =	vadd.f32 v47, v45;
	v46 =	vadd.f32 v48, v46;
	s14 =	sadd.f32 s15, s14  }
0x1b5: {  	v52 =	vmovc v11;
	v11 =	vmovc v30;
	s0 =	smov.u32 s13;
	v27 =	vmul.f32 v36, v7;
	v48 =	vmov s16;
	v42 =	vmul.f32 v35, v8;
	v47 =	vld [tilespmem:s12+$0xFFFFFFD0]  }
0x1b6: {  	v39 =	vperm.xlane v9, v39;
	v30 =	vadd.f32 v41, v54;
	v53 =	vld [tilespmem:s12+$0xFFFFFF50];
	v41 =	vmul.f32 v37, v6;
	v50, _, _ =	vpop (xrf2)  }
0x1b7: {  	v48 =	vperm.xlane v9, v48;
	v27 =	vadd.f32 v42, v27;
	v59 =	vmul.f32 v38, v6;
	v54 =	vmovc v15  }
0x1b8: {  	v56 =	vmul.f32 v10, v1;
	v15 =	vmovc v36;
	v55 =	vld [tilespmem:s12+$0xFFFFFF60];
	v30 =	vadd.f32 v41, v30;
	v41 =	vmul.f32 v49, v5  }
0x1b9: {  	v57 =	vmul.f32 v11, v1;
	v27 =	vadd.f32 v59, v27;
	v36 =	vmul.f32 v51, v5;
	v58 =	vld [tilespmem:s12+$0xFFFFFFF0];
	v42, _, _ =	vpop (xrf2)  }
0x1ba: {  	v60 =	vmovc v14;
	v14 =	vmovc v35;
	v59 =	vld [tilespmem:s12+$0xFFFFFF70];
	v30 =	vadd.f32 v41, v30;
	v41 =	vmul.f32 v47, v4;
	(v2sf) =	vpush v42, $0xF  }
0x1bb: {  	v61 =	vmovc v18;
	v27 =	vadd.f32 v36, v27;
	v35 =	vmul.f32 v53, v4;
	v36 =	vmul.f32 v25, v3  }
0x1bc: {  	v18 =	vmovc v37;
	v37 =	vmovc v17;
	v30 =	vadd.f32 v41, v30;
	v41 =	vbroadcast v50, $0xF;
	(v2sf) =	vpush v50, $0xF  }
0x1bd: {  	v17 =	vmovc v38;
	v42 =	vbroadcast v42, $0xF;
	v27 =	vadd.f32 v35, v27;
	v35 =	vmul.f32 v55, v3  }
0x1be: {  	v30 =	vadd.f32 v36, v30;
	v36 =	vmul.f32 v58, v2;
	v48 =	vmul.f32 v41, v48  }
0x1bf: {  	v38 =	vmul.f32 v42, v39;
	v27 =	vadd.f32 v35, v27;
	v35 =	vmul.f32 v59, v2  }
0x1c0: {  	v30 =	vadd.f32 v36, v30;
	v50 =	vmul.f32 v48, v13;
	v62 =	vmul.f32 v48, v21;
	v13 =	vmovc v29  }
0x1c1: {  	s12 =	sadd.s32 $0x100, s12;
	v61 =	vmul.f32 v48, v61;
	v63 =	vmul.f32 v48, v20;
	v20 =	vmovc v49;
	v29 =	vadd.f32 v35, v27  }
0x1c2: {  	v42 =	vmul.f32 v48, v23;
	v41 =	vmul.f32 v48, v12;
	v23 =	vmovc v47;
	v27 =	vld [tilespmem:s12+$0x0];
	v35 =	vadd.f32 v56, v30  }
0x1c3: {  	v39 =	vmov s1;
	v36 =	vmul.f32 v38, v54;
	v47 =	vmul.f32 v38, v60;
	v12 =	vmovc v25;
	v21 =	vmovc v28;
	v30 =	vld [tilespmem:s12+$0xFFFFFF80]  }
0x1c4: {  	v49 =	vadd.f32 v57, v29;
	v25 =	vld [tilespmem:s12+$0xFFFFFFE0];
	(xrf2) =	vadd.scan.msk.f32 $0xffff, v35;
	v35 =	vmul.f32 v38, v37;
	v37 =	vmul.f32 v38, v19  }
0x1c5: {  	v31 =	vadd.f32 v36, v31;
	v32 =	vadd.f32 v47, v32;
	v47 =	vmul.f32 v38, v22;
	v19 =	vmovc v51;
	v29 =	vld [tilespmem:s12+$0xFFFFFF90]  }
.Ltmp3:
0x1c6: {  	v22 =	vmovc v53;
	v51 =	vmul.f32 v38, v24;
	v28 =	vld [tilespmem:s12+$0xFFFFFFA0];
	v33 =	vadd.f32 v35, v33;
	v34 =	vadd.f32 v37, v34;
	(pc) =	sbr.rel @p1 .LBB2_9-.Ltmp3, $4  }
0x1c7: {  	v53 =	vmul.f32 v38, v26;
	v31 =	vadd.f32 v50, v31;
	v32 =	vadd.f32 v62, v32;
	v36 =	vld [tilespmem:s12+$0xFFFFFF10];
	(xrf2) =	vadd.scan.msk.f32 $0xffff, v49  }
0x1c8: {  	v24 =	vmovc v55;
	v49 =	vmul.f32 v38, v52;
	v35 =	vld [tilespmem:s12+$0xFFFFFF20];
	v33 =	vadd.f32 v61, v33;
	v34 =	vadd.f32 v63, v34  }
0x1c9: {  	v43 =	vadd.f32 v47, v43;
	v47 =	vmul.f32 v48, v16;
	v16 =	vmovc v58;
	v44 =	vadd.f32 v51, v44;
	v37 =	vld [tilespmem:s12+$0xFFFFFFB0];
	s15 =	spop (v2sf)  }
0x1ca: {  	s13 =	sadd.s32 $0x2, s13;
	v26 =	vmovc v59;
	v45 =	vadd.f32 v53, v45;
	v48 =	vmul.f32 v48, v40;
	v46 =	vadd.f32 v49, v46;
	v38 =	vld [tilespmem:s12+$0xFFFFFF30];
	s14 =	sadd.f32 s15, s14  }
0x1cb: {  	v40 =	vld [tilespmem:s12+$0xFFFFFFC0]  }
0x1cc: {  	v49 =	vmul.f32 v29, v7;
	v50 =	vld [tilespmem:s12+$0xFFFFFF40];
	v51 =	vmul.f32 v28, v8  }
0x1cd: {  	v52 =	vld [tilespmem:s12+$0xFFFFFFD0];
	v7 =	vmul.f32 v36, v7;
	v8 =	vmul.f32 v35, v8  }
0x1ce: {  	v53 =	vld [tilespmem:s12+$0xFFFFFF50];
	v49 =	vadd.f32 v51, v49;
	v60 =	vmul.f32 v37, v6  }
0x1cf: {  	v7 =	vadd.f32 v8, v7;
	v6 =	vmul.f32 v38, v6  }
0x1d0: {  	v8 =	vld [tilespmem:s12+$0xFFFFFF60];
	v49 =	vadd.f32 v60, v49;
	v61 =	vmul.f32 v40, v5  }
0x1d1: {  	v5 =	vmul.f32 v50, v5;
	v6 =	vadd.f32 v6, v7;
	v7 =	vld [tilespmem:s12+$0xFFFFFFF0]  }
0x1d2: {  	v54 =	vld [tilespmem:s12+$0xFFFFFF70];
	v62 =	vmul.f32 v52, v4;
	v49 =	vadd.f32 v61, v49  }
0x1d3: {  	v4 =	vmul.f32 v53, v4;
	v5 =	vadd.f32 v5, v6  }
0x1d4: {  	v6 =	vmul.f32 v25, v3;
	v49 =	vadd.f32 v62, v49  }
0x1d5: {  	v3 =	vmul.f32 v8, v3;
	v4 =	vadd.f32 v4, v5  }
0x1d6: {  	v5 =	vadd.f32 v6, v49;
	v6 =	vmul.f32 v7, v2  }
0x1d7: {  	v2 =	vmul.f32 v54, v2;
	v3 =	vadd.f32 v3, v4  }
0x1d8: {  	s1 =	sadd.s32 $0x1, s1;
	v4 =	vmul.f32 v27, v1;
	v5 =	vadd.f32 v6, v5  }
0x1d9: {  	v63, _, _ =	vpop (xrf2);
	v1 =	vmul.f32 v30, v1;
	v6 =	vmov s1;
	v2 =	vadd.f32 v2, v3  }
0x1da: {  	v3 =	vperm.xlane v9, v6;
	v6 =	vbroadcast v63, $0xF;
	v4 =	vadd.f32 v4, v5  }
0x1db: {  	v55, _, _ =	vpop (xrf2);
	v5 =	vperm.xlane v9, v39;
	v1 =	vadd.f32 v1, v2  }
0x1dc: {  	v2 =	vbroadcast v55, $0xF;
	v3 =	vmul.f32 v6, v3;
	(xrf2) =	vadd.scan.msk.f32 $0xffff, v4  }
0x1dd: {  	v56 =	vmov s0;
	(xrf2) =	vadd.scan.msk.f32 $0xffff, v1  }
0x1de: {  	(v2sf) =	vpush v55, $0xF;
	v2 =	vmul.f32 v2, v5;
	v5 =	vmul.f32 v3, v13  }
0x1df: {  	(v2sf) =	vpush v63, $0xF;
	v13 =	vmul.f32 v3, v21;
	v18 =	vmul.f32 v3, v18  }
0x1e0: {  	v6 =	vadd.f32 v47, v45;
	v20 =	vmul.f32 v3, v20;
	v23 =	vmul.f32 v3, v23  }
0x1e1: {  	v4 =	vadd.f32 v42, v43;
	v12 =	vmul.f32 v3, v12;
	v15 =	vmul.f32 v2, v15  }
0x1e2: {  	v1 =	vadd.f32 v41, v44;
	v14 =	vmul.f32 v2, v14;
	v17 =	vmul.f32 v2, v17  }
0x1e3: {  	v21 =	vadd.f32 v48, v46;
	v19 =	vmul.f32 v2, v19;
	v22 =	vmul.f32 v2, v22  }
0x1e4: {  	v24 =	vmul.f32 v2, v24;
	v15 =	vadd.f32 v15, v31;
	v14 =	vadd.f32 v14, v32  }
0x1e5: {  	v26 =	vmul.f32 v2, v26;
	v17 =	vadd.f32 v17, v33;
	v19 =	vadd.f32 v19, v34  }
0x1e6: {  	s1 =	sadd.s32 $0x1, s0;
	v2 =	vmul.f32 v2, v11;
	v5 =	vadd.f32 v5, v15;
	v13 =	vadd.f32 v13, v14;
	v11, _, _ =	vpop (xrf2)  }
0x1e7: {  	v14 =	vadd.f32 v18, v17;
	v15 =	vadd.f32 v20, v19;
	v17 =	vmov s1;
	v18, _, _ =	vpop (xrf2)  }
0x1e8: {  	v17 =	vperm.xlane v9, v17;
	v19 =	vbroadcast v11, $0xF;
	(v2sf) =	vpush v18, $0xF  }
0x1e9: {  	v16 =	vmul.f32 v3, v16;
	v4 =	vadd.f32 v22, v4;
	v9 =	vperm.xlane v9, v56  }
0x1ea: {  	(v2sf) =	vpush v11, $0xF;
	v11 =	vbroadcast v18, $0xF;
	v17 =	vmul.f32 v19, v17  }
0x1eb: {  	v3 =	vmul.f32 v3, v10;
	v1 =	vadd.f32 v24, v1;
	v6 =	vadd.f32 v26, v6  }
0x1ec: {  	v2 =	vadd.f32 v2, v21;
	v9 =	vmul.f32 v11, v9;
	v10 =	vmul.f32 v17, v29  }
0x1ed: {  	v4 =	vadd.f32 v23, v4;
	v11 =	vmul.f32 v17, v28;
	v18 =	vmul.f32 v17, v37  }
0x1ee: {  	v1 =	vadd.f32 v12, v1;
	v12 =	vmul.f32 v17, v40;
	v19 =	vmul.f32 v17, v52  }
0x1ef: {  	v6 =	vadd.f32 v16, v6;
	v22 =	vmul.f32 v17, v25;
	v16 =	vmul.f32 v9, v36  }
0x1f0: {  	v2 =	vadd.f32 v3, v2;
	v20 =	vmul.f32 v9, v35;
	v3 =	vmul.f32 v9, v38  }
0x1f1: {  	s12 =	spop (v2sf);
	v7 =	vmul.f32 v17, v7;
	v21 =	vmul.f32 v9, v50;
	v5 =	vadd.f32 v16, v5  }
0x1f2: {  	s0 =	sadd.f32 s12, s14;
	v8 =	vmul.f32 v9, v8;
	v13 =	vadd.f32 v20, v13;
	v3 =	vadd.f32 v3, v14  }
0x1f3: {  	s14 =	sshll.u32 s31, $0x7;
	s13 =	spop (v2sf);
	v16 =	vmul.f32 v9, v53;
	v14 =	vadd.f32 v21, v15;
	v5 =	vadd.f32 v10, v5  }
0x1f4: {  	s15 =	sand.u32 $0x3FFFFF80, s14;
	s0 =	sadd.f32 s13, s0;
	v15 =	vmul.f32 v9, v54;
	v9 =	vmul.f32 v9, v30;
	v10 =	vadd.f32 v11, v13  }
0x1f5: {  	s16 =	spop (v2sf);
	v1 =	vadd.f32 v8, v1;
	v3 =	vadd.f32 v18, v3;
	[tilespmem:s15+$0xAA80] =	vst v5;
	v5 =	vmov s31  }
0x1f6: {  	s0 =	sadd.f32 s16, s0;
	v11 =	vadd.f32 v12, v14;
	v4 =	vadd.f32 v16, v4;
	[tilespmem:s15+$0xAA90] =	vst v10;
	v5 =	vand.u32 $0xFFFFFFFD, v5  }
0x1f7: {  	v6 =	vadd.f32 v15, v6;
	v1 =	vadd.f32 v22, v1;
	[tilespmem:s15+$0xAAA0] =	vst v3;
	v3 =	vbroadcast v5, $0x0;
	s23 =	spop (v2sf)  }
0x1f8: {  	v2 =	vadd.f32 v9, v2;
	v4 =	vadd.f32 v19, v4;
	[tilespmem:s15+$0xAAB0] =	vst v11;
	v5 =	vmul.f32 v17, v27;
	s0 =	sadd.f32 s23, s0  }
0x1f9: {  	v6 =	vadd.f32 v7, v6;
	[tilespmem:s15+$0xAAD0] =	vst v1;
	s31 =	spop (v2sf)  }
0x1fa: {  	[tilespmem:s15+$0xAAC0] =	vst v4;
	v2 =	vadd.f32 v5, v2;
	s0 =	sadd.f32 s31, s0  }
0x1fb: {  	[tilespmem:s15+$0xAAE0] =	vst v6  }
0x1fc: {  	[tilespmem:s15+$0xAAF0] =	vst v2;
	v1 =	vmov s0  }
0x1fd: {  	[tilespmem:v3+s19+$0x0] =	vst.idx.msk $0x1, v1  }
0x1fe: {  	_ =	swait.ge [sflag:s21], $0x1080  }
0x1ff: {  	s12 =	simm.s32 @!p0 $0x6E80;
	[sflag:s21] =	ssyncset.done $0x0  }
0x200: {  	s1 =	simm.s32 @!p0 $0x21;
	s0 =	sadd.s32 @!p0 $0xC8, s29;
	[sflag:s21] =	ssyncadd.s32 $0xFFFFEF80  }
0x201: {  	[tilespmem:s12], [sflag:$0x2] =	stream.indirect.gather @!p0 [hbm4b:s3+s1], $0x80, s0, s1, $0xb8;
	[tilespmem:$0x14C00] =	vst v63  }
0x202: {  	v7 =	vld [tilespmem:$0x9280]  }
0x203: {  	v8 =	vld [tilespmem:$0x9290]  }
0x204: {  	v6 =	vld [tilespmem:$0x92A0]  }
0x205: {  	v5 =	vld [tilespmem:$0x92B0]  }
0x206: {  	v4 =	vld [tilespmem:$0x92C0]  }
0x207: {  	v3 =	vld [tilespmem:$0x92D0]  }
0x208: {  	v2 =	vld [tilespmem:$0x92E0]  }
0x209: {  	s14 =	simm.s32 $0x8300;
	v1 =	vld [tilespmem:$0x92F0]  }
0x20a: {  	v12 =	vld [tilespmem:s14+$0x0]  }
0x20b: {  	v20 =	vld [tilespmem:s14+$0x10]  }
0x20c: {  	v28 =	vld [tilespmem:s14+$0xFFFFFF80]  }
0x20d: {  	v30 =	vld [tilespmem:s14+$0xFFFFFF90]  }
0x20e: {  	v25 =	vld [tilespmem:s14+$0x20]  }
0x20f: {  	v31 =	vld [tilespmem:s14+$0xFFFFFFA0]  }
0x210: {  	v32 =	vld [tilespmem:s14+$0x30]  }
0x211: {  	v33 =	vld [tilespmem:s14+$0xFFFFFFB0];
	v10 =	vmul.f32 v12, v7;
	v11 =	vmul.f32 v20, v8  }
0x212: {  	v34 =	vld [tilespmem:s14+$0x40];
	v13 =	vmul.f32 v28, v7;
	v14 =	vmul.f32 v30, v8  }
0x213: {  	v35 =	vld [tilespmem:s14+$0xFFFFFFC0];
	v10 =	vadd.f32 v11, v10;
	v11 =	vmul.f32 v25, v6  }
0x214: {  	v36 =	vld [tilespmem:s14+$0x50];
	v13 =	vadd.f32 v14, v13;
	v14 =	vmul.f32 v31, v6  }
0x215: {  	v37 =	vld [tilespmem:s14+$0xFFFFFFD0];
	v10 =	vadd.f32 v11, v10;
	v11 =	vmul.f32 v32, v5  }
0x216: {  	v41 =	vld [tilespmem:s14+$0x60];
	v13 =	vadd.f32 v14, v13;
	v14 =	vmul.f32 v33, v5  }
0x217: {  	s30 =	sor.u32 $0x2, s30;
	v38 =	vld [tilespmem:s14+$0xFFFFFFE0];
	v10 =	vadd.f32 v11, v10;
	v11 =	vmul.f32 v34, v4  }
0x218: {  	s13 =	smul.u32 $0xA0, s30;
	v39 =	vld [tilespmem:s14+$0x70];
	v13 =	vadd.f32 v14, v13;
	v14 =	vmul.f32 v35, v4  }
0x219: {  	v42 =	vld [tilespmem:s14+$0xFFFFFFF0];
	v15 =	vmul.f32 v36, v3;
	v10 =	vadd.f32 v11, v10  }
0x21a: {  	s1 =	sshra.s32 s13, $0x2;
	v11 =	vadd.f32 v14, v13;
	v13 =	vmul.f32 v37, v3  }
0x21b: {  	s15 =	simm.s32 $0x8400;
	v9 =	vld [tilespmem:s1+$0x0];
	v14 =	vmul.f32 v41, v2;
	v10 =	vadd.f32 v15, v10  }
0x21c: {  	v17 =	vld [tilespmem:s15+$0x0];
	v11 =	vadd.f32 v13, v11;
	v13 =	vmul.f32 v38, v2  }
0x21d: {  	v27 =	vld [tilespmem:s15+$0x10];
	v15 =	vmul.f32 v39, v1;
	v14 =	vadd.f32 v14, v10  }
0x21e: {  	v22 =	vld [tilespmem:s15+$0x20];
	v16 =	vmul.f32 v42, v1;
	v13 =	vadd.f32 v13, v11  }
0x21f: {  	v21 =	vld [tilespmem:s15+$0x30];
	v15 =	vadd.f32 v15, v14  }
0x220: {  	v18 =	vld [tilespmem:s15+$0xFFFFFFB0];
	v13 =	vadd.f32 v16, v13  }
0x221: {  	v24 =	vld [tilespmem:s15+$0x40];
	(xrf2) =	vadd.scan.msk.f32 $0xffff, v15  }
0x222: {  	v15 =	vld [tilespmem:s15+$0xFFFFFF80];
	(xrf2) =	vadd.scan.msk.f32 $0xffff, v13  }
0x223: {  	v13 =	vld [tilespmem:s15+$0xFFFFFF90]  }
0x224: {  	v9 =	vld.idx.msk [tilespmem:v9+s10+$0x0], $0xffff  }
0x225: {  	v26 =	vmul.f32 v17, v7;
	v29 =	vmul.f32 v27, v8;
	v16 =	vld [tilespmem:s15+$0xFFFFFFA0]  }
0x226: {  	v23 =	vld [tilespmem:s15+$0xFFFFFFC0]  }
0x227: {  	s16 =	simm.s32 $0x0;
	v60 =	vmul.f32 v22, v6;
	v29 =	vadd.f32 v29, v26;
	v10 =	vld [tilespmem:s15+$0x70]  }
0x228: {  	v19 =	vmov s16;
	s23 =	simm.s32 $0x1;
	v11 =	vld [tilespmem:s15+$0xFFFFFFF0];
	v57 =	vmul.f32 v15, v7;
	v58 =	vmul.f32 v13, v8  }
0x229: {  	v59 =	vmov s23;
	v63 =	vmul.f32 v21, v5;
	v46 =	vadd.f32 v60, v29;
	v14 =	vld [tilespmem:s15+$0x50]  }
0x22a: {  	v26 =	vld [tilespmem:s15+$0xFFFFFFD0];
	v47 =	vperm.xlane v9, v19;
	v61 =	vmul.f32 v16, v6;
	v19 =	vadd.f32 v58, v57  }
0x22b: {  	v56 =	vmul.f32 v18, v5;
	v29 =	vld [tilespmem:s15+$0xFFFFFFE0];
	v46 =	vadd.f32 v63, v46;
	v43 =	vperm.xlane v9, v59;
	v62, _, _ =	vpop (xrf2)  }
0x22c: {  	v59 =	vmul.f32 v23, v4;
	v49 =	vmul.f32 v10, v1;
	v40 =	vadd.f32 v61, v19;
	v19 =	vld [tilespmem:s15+$0x60];
	v57, _, _ =	vpop (xrf2)  }
0x22d: {  	v51 =	vmul.f32 v11, v1;
	v58 =	vmul.f32 v24, v4;
	(v2sf) =	vpush v57, $0xF  }
0x22e: {  	v44 =	vimm.f32 $0.0e+00;
	v60 =	vmul.f32 v14, v3;
	v61 =	vbroadcast v62, $0xF  }
0x22f: {  	v46 =	vadd.f32 v58, v46;
	v63 =	vbroadcast v57, $0xF;
	(v2sf) =	vpush v62, $0xF  }
0x230: {  	v40 =	vadd.f32 v56, v40;
	v57 =	vmul.f32 v29, v2;
	v53 =	vmul.f32 v61, v43  }
0x231: {  	v46 =	vadd.f32 v60, v46;
	v62 =	vmul.f32 v26, v3;
	v56 =	vmul.f32 v19, v2  }
0x232: {  	v40 =	vadd.f32 v59, v40;
	v47 =	vmul.f32 v63, v47;
	v48 =	vmul.f32 v53, v20  }
0x233: {  	v52 =	vmul.f32 v53, v25;
	v54 =	vmul.f32 v53, v32;
	v58 =	vadd.f32 v56, v46  }
0x234: {  	s13 =	simm.s32 $0x8500;
	v45 =	vmul.f32 v53, v34;
	v43 =	vmul.f32 v53, v36;
	v40 =	vadd.f32 v62, v40  }
0x235: {  	v20 =	vld [tilespmem:s13+$0x70];
	v28 =	vmul.f32 v47, v28;
	v60 =	vmul.f32 v47, v30;
	v49 =	vadd.f32 v49, v58  }
0x236: {  	v25 =	vld [tilespmem:s13+$0xFFFFFFF0];
	v31 =	vmul.f32 v47, v31;
	v33 =	vmul.f32 v47, v33;
	v59 =	vadd.f32 v57, v40  }
0x237: {  	v32 =	vld [tilespmem:s13+$0xFFFFFF80];
	v63 =	vmul.f32 v47, v35;
	v42 =	vmul.f32 v47, v42;
	v61 =	vadd.f32 v28, v44;
	(xrf2) =	vadd.scan.msk.f32 $0xffff, v49  }
0x238: {  	v30 =	vld [tilespmem:s13+$0x0];
	v46 =	vmul.f32 v53, v12;
	v62 =	vadd.f32 v60, v44;
	v51 =	vadd.f32 v51, v59  }
0x239: {  	s14 =	simm.s32 $0x2;
	v12 =	vld [tilespmem:s13+$0x50];
	v56 =	vmul.f32 v47, v37;
	v55 =	vadd.f32 v31, v44;
	v33 =	vadd.f32 v33, v44  }
0x23a: {  	v40 =	vmov s14;
	v28 =	vld [tilespmem:s13+$0x10];
	v50 =	vadd.f32 v63, v44;
	v34 =	vadd.f32 v46, v61;
	(xrf2) =	vadd.scan.msk.f32 $0xffff, v51  }
0x23b: {  	v57 =	vmul.f32 v47, v38;
	v31 =	vld [tilespmem:s13+$0xFFFFFF90];
	v35 =	vadd.f32 v48, v62;
	v36 =	vadd.f32 v52, v55  }
0x23c: {  	s31 =	simm.f32 $0.0e+00;
	v38 =	vld [tilespmem:s13+$0x20];
	v37 =	vadd.f32 v54, v33;
	v48 =	vmul.f32 v53, v41;
	v49 =	vadd.f32 v56, v44;
	s16 =	spop (v2sf)  }
0x23d: {  	s12 =	simm.s32 $0x4;
	s15 =	simm.s32 $0x6;
	v33 =	vld [tilespmem:s13+$0xFFFFFFA0];
	v46 =	vadd.f32 v42, v44;
	v52 =	vmul.f32 v53, v39;
	v51 =	vadd.f32 v57, v44;
	s0 =	sadd.f32 s16, s31  }
.LBB2_11:
0x23e: {  	p1 =	slt.u32 s15, $0xE;
	v47 =	vld [tilespmem:s13+$0x30];
	v54 =	vmul.f32 v30, v7;
	v41 =	vadd.f32 v45, v50;
	v42 =	vadd.f32 v43, v49;
	s16 =	spop (v2sf);
	v39 =	vmovc v10  }
0x23f: {  	v43 =	vmul.f32 v28, v8;
	s23 =	sadd.s32 $0x1, s14;
	v10 =	vmovc v20;
	s14 =	smov.u32 s12;
	v49 =	vld [tilespmem:s13+$0xFFFFFFB0];
	v44 =	vadd.f32 v48, v51;
	v46 =	vadd.f32 v52, v46;
	s0 =	sadd.f32 s16, s0  }
0x240: {  	s12 =	smov.u32 s15;
	v20 =	vmul.f32 v32, v7;
	v50 =	vmov s23;
	v51 =	vmovc v11;
	v11 =	vmovc v25;
	v45 =	vmul.f32 v31, v8;
	v48 =	vld [tilespmem:s13+$0x40]  }
0x241: {  	v40 =	vperm.xlane v9, v40;
	v25 =	vadd.f32 v43, v54;
	v52 =	vld [tilespmem:s13+$0xFFFFFFC0];
	v43 =	vmul.f32 v38, v6;
	v53, _, _ =	vpop (xrf2)  }
0x242: {  	v50 =	vperm.xlane v9, v50;
	v20 =	vadd.f32 v45, v20;
	v59 =	vmul.f32 v33, v6;
	v54 =	vmovc v15  }
0x243: {  	v56 =	vmul.f32 v10, v1;
	v15 =	vmovc v32;
	v55 =	vld [tilespmem:s13+$0xFFFFFFD0];
	v25 =	vadd.f32 v43, v25;
	v43 =	vmul.f32 v47, v5  }
0x244: {  	v57 =	vmul.f32 v11, v1;
	v20 =	vadd.f32 v59, v20;
	v32 =	vmul.f32 v49, v5;
	v58 =	vld [tilespmem:s13+$0x60];
	v45, _, _ =	vpop (xrf2)  }
0x245: {  	v60 =	vmovc v13;
	v13 =	vmovc v31;
	v59 =	vld [tilespmem:s13+$0xFFFFFFE0];
	v25 =	vadd.f32 v43, v25;
	v43 =	vmul.f32 v48, v4;
	(v2sf) =	vpush v45, $0xF  }
0x246: {  	v61 =	vmovc v22;
	v20 =	vadd.f32 v32, v20;
	v31 =	vmul.f32 v52, v4;
	v32 =	vmul.f32 v12, v3  }
0x247: {  	v22 =	vmovc v38;
	v38 =	vmovc v16;
	v25 =	vadd.f32 v43, v25;
	v43 =	vbroadcast v53, $0xF;
	(v2sf) =	vpush v53, $0xF  }
0x248: {  	v16 =	vmovc v33;
	v45 =	vbroadcast v45, $0xF;
	v20 =	vadd.f32 v31, v20;
	v31 =	vmul.f32 v55, v3  }
0x249: {  	v25 =	vadd.f32 v32, v25;
	v32 =	vmul.f32 v58, v2;
	v53 =	vmul.f32 v43, v50  }
0x24a: {  	v33 =	vmul.f32 v45, v40;
	v20 =	vadd.f32 v31, v20;
	v31 =	vmul.f32 v59, v2  }
0x24b: {  	v25 =	vadd.f32 v32, v25;
	v50 =	vmul.f32 v53, v17;
	v62 =	vmul.f32 v53, v27;
	v17 =	vmovc v30  }
0x24c: {  	s13 =	sadd.s32 $0x100, s13;
	v61 =	vmul.f32 v53, v61;
	v63 =	vmul.f32 v53, v21;
	v21 =	vmovc v47;
	v30 =	vadd.f32 v31, v20  }
0x24d: {  	v45 =	vmul.f32 v53, v24;
	v43 =	vmul.f32 v53, v14;
	v24 =	vmovc v48;
	v20 =	vld [tilespmem:s13+$0x70];
	v31 =	vadd.f32 v56, v25  }
0x24e: {  	v40 =	vmov s14;
	v32 =	vmul.f32 v33, v54;
	v47 =	vmul.f32 v33, v60;
	v14 =	vmovc v12;
	v27 =	vmovc v28;
	v25 =	vld [tilespmem:s13+$0xFFFFFFF0]  }
0x24f: {  	v48 =	vadd.f32 v57, v30;
	v12 =	vld [tilespmem:s13+$0x50];
	(xrf2) =	vadd.scan.msk.f32 $0xffff, v31;
	v31 =	vmul.f32 v33, v38;
	v38 =	vmul.f32 v33, v18  }
0x250: {  	v34 =	vadd.f32 v32, v34;
	v35 =	vadd.f32 v47, v35;
	v47 =	vmul.f32 v33, v23;
	v18 =	vmovc v49;
	v30 =	vld [tilespmem:s13+$0x0]  }
.Ltmp4:
0x251: {  	v23 =	vmovc v52;
	v49 =	vmul.f32 v33, v26;
	v28 =	vld [tilespmem:s13+$0x10];
	v36 =	vadd.f32 v31, v36;
	v37 =	vadd.f32 v38, v37;
	(pc) =	sbr.rel @p1 .LBB2_11-.Ltmp4, $4  }
0x252: {  	v54 =	vmul.f32 v33, v29;
	v34 =	vadd.f32 v50, v34;
	v35 =	vadd.f32 v62, v35;
	v32 =	vld [tilespmem:s13+$0xFFFFFF80];
	(xrf2) =	vadd.scan.msk.f32 $0xffff, v48  }
0x253: {  	v52 =	vmul.f32 v33, v51;
	v26 =	vmovc v55;
	v31 =	vld [tilespmem:s13+$0xFFFFFF90];
	v36 =	vadd.f32 v61, v36;
	v37 =	vadd.f32 v63, v37  }
0x254: {  	v50 =	vadd.f32 v47, v41;
	v49 =	vadd.f32 v49, v42;
	v48 =	vmul.f32 v53, v19;
	v19 =	vmovc v58;
	v38 =	vld [tilespmem:s13+$0x20];
	s16 =	spop (v2sf)  }
0x255: {  	s15 =	sadd.s32 $0x2, s15;
	v29 =	vmovc v59;
	v51 =	vadd.f32 v54, v44;
	v46 =	vadd.f32 v52, v46;
	v52 =	vmul.f32 v53, v39;
	v33 =	vld [tilespmem:s13+$0xFFFFFFA0];
	s0 =	sadd.f32 s16, s0  }
0x256: {  	v53 =	vld [tilespmem:s13+$0x30]  }
0x257: {  	v39 =	vmul.f32 v30, v7;
	v47 =	vld [tilespmem:s13+$0xFFFFFFB0];
	v42 =	vmul.f32 v28, v8  }
0x258: {  	v55 =	vld [tilespmem:s13+$0x40];
	v44 =	vmul.f32 v32, v7;
	v54 =	vmul.f32 v31, v8  }
0x259: {  	v41 =	vld [tilespmem:s13+$0xFFFFFFC0];
	v39 =	vadd.f32 v42, v39;
	v56 =	vmul.f32 v38, v6  }
0x25a: {  	v42 =	vld [tilespmem:s13+$0xFFFFFFD0];
	v44 =	vadd.f32 v54, v44  }
0x25b: {  	v60 =	vmul.f32 v33, v6;
	v56 =	vadd.f32 v56, v39;
	v57 =	vmul.f32 v53, v5  }
0x25c: {  	v59 =	vmul.f32 v12, v3;
	v58 =	vmul.f32 v47, v5;
	v39 =	vld [tilespmem:s13+$0x60]  }
0x25d: {  	s31 =	sadd.s32 $0x1, s14;
	v61 =	vmul.f32 v55, v4;
	v54 =	vadd.f32 v60, v44;
	v56 =	vadd.f32 v57, v56  }
0x25e: {  	v40 =	vperm.xlane v9, v40;
	v62 =	vmul.f32 v41, v4;
	v44 =	vld [tilespmem:s13+$0xFFFFFFE0];
	v57 =	vmov s31  }
0x25f: {  	v54 =	vadd.f32 v58, v54;
	v58 =	vmul.f32 v42, v3;
	v60, _, _ =	vpop (xrf2);
	v56 =	vadd.f32 v61, v56  }
0x260: {  	v57 =	vperm.xlane v9, v57;
	v63 =	vbroadcast v60, $0xF  }
0x261: {  	v54 =	vadd.f32 v62, v54;
	v56 =	vadd.f32 v59, v56;
	v59 =	vmul.f32 v39, v2  }
0x262: {  	v61 =	vmul.f32 v20, v1;
	v63 =	vmul.f32 v63, v57  }
0x263: {  	v54 =	vadd.f32 v58, v54;
	v58 =	vmul.f32 v44, v2;
	v56 =	vadd.f32 v59, v56  }
0x264: {  	v45 =	vadd.f32 v45, v50;
	v62, _, _ =	vpop (xrf2);
	v59 =	vmul.f32 v25, v1;
	v17 =	vmul.f32 v63, v17  }
0x265: {  	v54 =	vadd.f32 v58, v54;
	v58 =	vbroadcast v62, $0xF;
	v56 =	vadd.f32 v61, v56  }
0x266: {  	v43 =	vadd.f32 v43, v49;
	v27 =	vmul.f32 v63, v27;
	v22 =	vmul.f32 v63, v22  }
0x267: {  	v21 =	vmul.f32 v63, v21;
	v40 =	vmul.f32 v58, v40;
	v54 =	vadd.f32 v59, v54;
	(xrf2) =	vadd.scan.msk.f32 $0xffff, v56  }
0x268: {  	v48 =	vadd.f32 v48, v51;
	v24 =	vmul.f32 v63, v24;
	v14 =	vmul.f32 v63, v14  }
0x269: {  	v46 =	vadd.f32 v52, v46;
	v19 =	vmul.f32 v63, v19;
	(xrf2) =	vadd.scan.msk.f32 $0xffff, v54;
	v18 =	vmul.f32 v40, v18  }
0x26a: {  	(v2sf) =	vpush v62, $0xF;
	v10 =	vmul.f32 v63, v10;
	v13 =	vmul.f32 v40, v13  }
0x26b: {  	v56 =	vmov s12;
	v16 =	vmul.f32 v40, v16;
	v18 =	vadd.f32 v18, v37  }
0x26c: {  	s14 =	simm.s32 $0x8B70;
	v23 =	vmul.f32 v40, v23;
	v29 =	vmul.f32 v40, v29;
	v13 =	vadd.f32 v13, v35  }
0x26d: {  	v15 =	vmul.f32 v40, v15;
	v16 =	vadd.f32 v16, v36;
	v36 =	vld [tilespmem:s14+$0xFFFFFFA0];
	v18 =	vadd.f32 v21, v18  }
0x26e: {  	v26 =	vmul.f32 v40, v26;
	v21 =	vadd.f32 v23, v45;
	v23 =	vadd.f32 v29, v48;
	v29 =	vld [tilespmem:s14+$0xFFFFFF10]  }
0x26f: {  	s15 =	sadd.s32 $0x1, s12;
	v11 =	vmul.f32 v40, v11;
	v15 =	vadd.f32 v15, v34;
	v34 =	vld [tilespmem:s14+$0xFFFFFF20];
	v13 =	vadd.f32 v27, v13  }
0x270: {  	v16 =	vadd.f32 v22, v16;
	v27 =	vld [tilespmem:s14+$0xFFFFFF90];
	v22 =	vadd.f32 v26, v43;
	v26 =	vmov s15  }
0x271: {  	v58 =	vperm.xlane v9, v56;
	v11 =	vadd.f32 v11, v46;
	v9 =	vperm.xlane v9, v26;
	v57, _, _ =	vpop (xrf2)  }
0x272: {  	v46 =	vld [tilespmem:s14+$0xFFFFFFB0];
	v24 =	vadd.f32 v24, v21;
	v14 =	vadd.f32 v14, v22;
	v21 =	vbroadcast v57, $0xF  }
0x273: {  	v35 =	vld [tilespmem:s14+$0xFFFFFF30];
	v22 =	vadd.f32 v10, v11;
	v10 =	vmul.f32 v36, v8;
	v11 =	vmul.f32 v29, v7;
	v26, _, _ =	vpop (xrf2)  }
0x274: {  	v19 =	vadd.f32 v19, v23;
	v59 =	vbroadcast v26, $0xF;
	v23 =	vmul.f32 v21, v9  }
0x275: {  	(v2sf) =	vpush v60, $0xF;
	v43 =	vld [tilespmem:s14+$0xFFFFFF50];
	v9 =	vmul.f32 v27, v7;
	v21 =	vmul.f32 v34, v8  }
0x276: {  	v50 =	vld [tilespmem:s14+$0xFFFFFFC0];
	(v2sf) =	vpush v26, $0xF;
	v52 =	vmul.f32 v59, v58;
	v26 =	vmul.f32 v23, v30  }
0x277: {  	v37 =	vld [tilespmem:s14+$0xFFFFFF40];
	v9 =	vadd.f32 v10, v9;
	v10 =	vmul.f32 v46, v6;
	v30 =	vmul.f32 v23, v28  }
0x278: {  	v51 =	vld [tilespmem:s14+$0xFFFFFFD0];
	v11 =	vadd.f32 v21, v11;
	v21 =	vmul.f32 v35, v6;
	v54 =	vmul.f32 v23, v38  }
0x279: {  	v15 =	vadd.f32 v17, v15;
	v17 =	vld [tilespmem:s1+$0x10];
	v53 =	vmul.f32 v23, v53;
	v56 =	vmul.f32 v23, v12  }
0x27a: {  	(v2sf) =	vpush v57, $0xF;
	v28 =	vld [tilespmem:s14+$0xFFFFFFE0];
	v12 =	vmul.f32 v43, v4;
	v31 =	vmul.f32 v52, v31  }
0x27b: {  	v45 =	vld [tilespmem:s14+$0xFFFFFF60];
	v47 =	vmul.f32 v52, v47;
	v9 =	vadd.f32 v10, v9;
	v10 =	vmul.f32 v50, v5  }
0x27c: {  	v38 =	vld [tilespmem:s14+$0xFFFFFFF0];
	v62 =	vmul.f32 v52, v41;
	v11 =	vadd.f32 v21, v11;
	v21 =	vmul.f32 v37, v5  }
0x27d: {  	v48 =	vld [tilespmem:s14+$0xFFFFFF70];
	v63 =	vmul.f32 v52, v42;
	v9 =	vadd.f32 v10, v9;
	v10 =	vmul.f32 v51, v4  }
0x27e: {  	v40 =	vld [tilespmem:s14+$0x0];
	v57 =	vmul.f32 v52, v44;
	v25 =	vmul.f32 v52, v25;
	v11 =	vadd.f32 v21, v11  }
0x27f: {  	v49 =	vld [tilespmem:s14+$0xFFFFFF80];
	v18 =	vadd.f32 v47, v18;
	v60 =	vmul.f32 v28, v3;
	v9 =	vadd.f32 v10, v9  }
0x280: {  	v21 =	vmul.f32 v52, v32;
	v10 =	vadd.f32 v12, v11;
	v11 =	vmul.f32 v45, v3  }
0x281: {  	v61 =	vmul.f32 v38, v2;
	v12 =	vmul.f32 v52, v33;
	v32 =	vadd.f32 v60, v9  }
0x282: {  	s16 =	simm.s32 $0x8C70;
	v15 =	vadd.f32 v21, v15;
	v9 =	vld.idx.msk [tilespmem:v17+s10+$0x0], $0xffff;
	v11 =	vadd.f32 v11, v10;
	v17 =	vmul.f32 v48, v2  }
0x283: {  	v21 =	vmul.f32 v40, v1;
	v52 =	vadd.f32 v53, v18;
	v18 =	vld [tilespmem:s16+$0xFFFFFFB0];
	v32 =	vadd.f32 v61, v32  }
0x284: {  	v31 =	vadd.f32 v31, v13;
	v13 =	vmul.f32 v49, v1;
	v10 =	vld [tilespmem:s16+$0x0];
	v17 =	vadd.f32 v17, v11  }
0x285: {  	v16 =	vadd.f32 v12, v16;
	v12 =	vld [tilespmem:s16+$0xFFFFFFE0];
	v21 =	vadd.f32 v21, v32  }
0x286: {  	v44 =	vadd.f32 v26, v15;
	v15 =	vld [tilespmem:s16+$0xFFFFFF10];
	v17 =	vadd.f32 v13, v17  }
0x287: {  	v13 =	vld [tilespmem:s16+$0xFFFFFF90];
	(xrf2) =	vadd.scan.msk.f32 $0xffff, v21  }
0x288: {  	v55 =	vmul.f32 v23, v55;
	v19 =	vadd.f32 v57, v19;
	v21 =	vld [tilespmem:s16+$0xFFFFFFA0];
	(xrf2) =	vadd.scan.msk.f32 $0xffff, v17  }
0x289: {  	v20 =	vmul.f32 v23, v20;
	v22 =	vadd.f32 v25, v22;
	v17 =	vadd.f32 v63, v14;
	v14 =	vld [tilespmem:s16+$0xFFFFFF20]  }
0x28a: {  	v47 =	vadd.f32 v54, v16;
	v16 =	vadd.f32 v62, v24;
	v24 =	vmul.f32 v23, v39;
	v23 =	vld [tilespmem:s16+$0xFFFFFFD0]  }
0x28b: {  	v31 =	vadd.f32 v30, v31;
	v54 =	vadd.f32 v56, v17;
	v17 =	vld [tilespmem:s16+$0xFFFFFF30]  }
0x28c: {  	v59 =	vmul.f32 v18, v6;
	v53 =	vadd.f32 v55, v16;
	v56 =	vadd.f32 v20, v22;
	v20 =	vld [tilespmem:s16+$0xFFFFFFC0]  }
0x28d: {  	s23 =	simm.s32 $0x0;
	v55 =	vadd.f32 v24, v19;
	v19 =	vld [tilespmem:s16+$0xFFFFFF40];
	v24 =	vmul.f32 v13, v7;
	v25 =	vmul.f32 v21, v8  }
0x28e: {  	s31 =	simm.s32 $0x1;
	v11 =	vld [tilespmem:s16+$0xFFFFFF80];
	v16 =	vmov s23;
	v26 =	vmul.f32 v15, v7;
	v30 =	vmul.f32 v14, v8  }
0x28f: {  	v58 =	vmov s31;
	v39 =	vperm.xlane v9, v16;
	v22 =	vld [tilespmem:s16+$0xFFFFFF50];
	v25 =	vadd.f32 v25, v24  }
0x290: {  	v41 =	vmul.f32 v10, v1;
	v16 =	vadd.f32 v30, v26;
	v26 =	vmul.f32 v17, v6  }
0x291: {  	v33 =	vmul.f32 v23, v4;
	v24 =	vld [tilespmem:s16+$0xFFFFFF60];
	v60 =	vmul.f32 v20, v5;
	v25 =	vadd.f32 v59, v25;
	v32, _, _ =	vpop (xrf2)  }
0x292: {  	v62 =	vmul.f32 v19, v5;
	v30 =	vperm.xlane v9, v58;
	v61 =	vadd.f32 v26, v16;
	v16 =	vld [tilespmem:s16+$0xFFFFFFF0];
	v59, _, _ =	vpop (xrf2)  }
0x293: {  	v58 =	vmul.f32 v11, v1;
	v26 =	vld [tilespmem:s16+$0xFFFFFF70];
	v25 =	vadd.f32 v60, v25;
	(v2sf) =	vpush v59, $0xF  }
0x294: {  	v57 =	vmul.f32 v22, v4;
	v60 =	vmul.f32 v12, v3;
	v42 =	vadd.f32 v62, v61  }
0x295: {  	v63 =	vbroadcast v32, $0xF;
	v25 =	vadd.f32 v33, v25;
	(v2sf) =	vpush v32, $0xF  }
0x296: {  	v32 =	vadd.f32 v57, v42;
	v42 =	vmul.f32 v24, v3;
	v57 =	vbroadcast v59, $0xF  }
0x297: {  	v25 =	vadd.f32 v60, v25;
	v59 =	vmul.f32 v16, v2;
	v60 =	vmul.f32 v63, v30  }
0x298: {  	s13 =	spop (v2sf);
	v61 =	vmul.f32 v26, v2;
	v30 =	vadd.f32 v42, v32;
	v33 =	vmul.f32 v57, v39  }
0x299: {  	s0 =	sadd.f32 s13, s0;
	v25 =	vadd.f32 v59, v25;
	v57 =	vmul.f32 v60, v27;
	v59 =	vmul.f32 v60, v36  }
0x29a: {  	s12 =	simm.s32 $0x8D70;
	s14 =	spop (v2sf);
	v46 =	vmul.f32 v60, v46;
	v42 =	vmul.f32 v60, v51;
	v32 =	vadd.f32 v61, v30  }
0x29b: {  	s1 =	simm.s32 $0x2;
	s0 =	sadd.f32 s14, s0;
	v27 =	vld [tilespmem:s12+$0x0];
	v34 =	vmul.f32 v33, v34;
	v62 =	vmul.f32 v33, v35;
	v61 =	vadd.f32 v41, v25  }
0x29c: {  	s15 =	spop (v2sf);
	v39 =	vmov s1;
	v36 =	vld [tilespmem:s12+$0xFFFFFF10];
	v63 =	vmul.f32 v33, v37;
	v43 =	vmul.f32 v33, v43  }
0x29d: {  	s0 =	sadd.f32 s15, s0;
	v30 =	vld [tilespmem:s12+$0xFFFFFF80];
	v45 =	vmul.f32 v33, v45;
	v41 =	vmul.f32 v60, v28;
	v51 =	vadd.f32 v58, v32;
	(xrf2) =	vadd.scan.msk.f32 $0xffff, v61  }
0x29e: {  	s16 =	spop (v2sf);
	v35 =	vld [tilespmem:s12+$0xFFFFFF20];
	v28 =	vmul.f32 v33, v29;
	v34 =	vadd.f32 v34, v31;
	v62 =	vadd.f32 v62, v47  }
0x29f: {  	s0 =	sadd.f32 s16, s0;
	v48 =	vmul.f32 v33, v48;
	v29 =	vld [tilespmem:s12+$0xFFFFFF90];
	v63 =	vadd.f32 v63, v52;
	v43 =	vadd.f32 v43, v53  }
0x2a0: {  	s23 =	spop (v2sf);
	v50 =	vmul.f32 v60, v50;
	v58 =	vadd.f32 v28, v44;
	v28 =	vld [tilespmem:s12+$0xFFFFFFA0];
	v44 =	vadd.f32 v45, v54;
	(xrf2) =	vadd.scan.msk.f32 $0xffff, v51  }
0x2a1: {  	s31 =	sadd.f32 s23, s0;
	v49 =	vmul.f32 v33, v49;
	v37 =	vld [tilespmem:s12+$0xFFFFFFB0];
	v45 =	vadd.f32 v48, v55;
	v32 =	vadd.f32 v59, v34  }
0x2a2: {  	v25 =	vld [tilespmem:s12+$0xFFFFFFE0];
	v47 =	vmul.f32 v60, v38;
	v33 =	vadd.f32 v46, v62;
	v34 =	vadd.f32 v50, v63;
	s15 =	spop (v2sf)  }
0x2a3: {  	s13 =	simm.s32 $0x6;
	s0 =	simm.s32 $0x4;
	v38 =	vld [tilespmem:s12+$0xFFFFFF30];
	v48 =	vmul.f32 v60, v40;
	v46 =	vadd.f32 v49, v56;
	v31 =	vadd.f32 v57, v58;
	s14 =	sadd.f32 s15, s31  }
.LBB2_13:
0x2a4: {  	p1 =	slt.u32 s13, $0xE;
	v49 =	vld [tilespmem:s12+$0xFFFFFFC0];
	v54 =	vmul.f32 v29, v7;
	v43 =	vadd.f32 v42, v43;
	v44 =	vadd.f32 v41, v44;
	s15 =	spop (v2sf);
	v40 =	vmovc v10  }
0x2a5: {  	v41 =	vmul.f32 v28, v8;
	s16 =	sadd.s32 $0x1, s1;
	v10 =	vmovc v27;
	s1 =	smov.u32 s0;
	v51 =	vld [tilespmem:s12+$0xFFFFFF40];
	v45 =	vadd.f32 v47, v45;
	v46 =	vadd.f32 v48, v46;
	s14 =	sadd.f32 s15, s14  }
0x2a6: {  	v52 =	vmovc v11;
	v11 =	vmovc v30;
	s0 =	smov.u32 s13;
	v27 =	vmul.f32 v36, v7;
	v48 =	vmov s16;
	v42 =	vmul.f32 v35, v8;
	v47 =	vld [tilespmem:s12+$0xFFFFFFD0]  }
0x2a7: {  	v39 =	vperm.xlane v9, v39;
	v30 =	vadd.f32 v41, v54;
	v53 =	vld [tilespmem:s12+$0xFFFFFF50];
	v41 =	vmul.f32 v37, v6;
	v50, _, _ =	vpop (xrf2)  }
0x2a8: {  	v48 =	vperm.xlane v9, v48;
	v27 =	vadd.f32 v42, v27;
	v59 =	vmul.f32 v38, v6;
	v54 =	vmovc v15  }
0x2a9: {  	v56 =	vmul.f32 v10, v1;
	v15 =	vmovc v36;
	v55 =	vld [tilespmem:s12+$0xFFFFFF60];
	v30 =	vadd.f32 v41, v30;
	v41 =	vmul.f32 v49, v5  }
0x2aa: {  	v57 =	vmul.f32 v11, v1;
	v27 =	vadd.f32 v59, v27;
	v36 =	vmul.f32 v51, v5;
	v58 =	vld [tilespmem:s12+$0xFFFFFFF0];
	v42, _, _ =	vpop (xrf2)  }
0x2ab: {  	v60 =	vmovc v14;
	v14 =	vmovc v35;
	v59 =	vld [tilespmem:s12+$0xFFFFFF70];
	v30 =	vadd.f32 v41, v30;
	v41 =	vmul.f32 v47, v4;
	(v2sf) =	vpush v42, $0xF  }
0x2ac: {  	v61 =	vmovc v18;
	v27 =	vadd.f32 v36, v27;
	v35 =	vmul.f32 v53, v4;
	v36 =	vmul.f32 v25, v3  }
0x2ad: {  	v18 =	vmovc v37;
	v37 =	vmovc v17;
	v30 =	vadd.f32 v41, v30;
	v41 =	vbroadcast v50, $0xF;
	(v2sf) =	vpush v50, $0xF  }
0x2ae: {  	v17 =	vmovc v38;
	v42 =	vbroadcast v42, $0xF;
	v27 =	vadd.f32 v35, v27;
	v35 =	vmul.f32 v55, v3  }
0x2af: {  	v30 =	vadd.f32 v36, v30;
	v36 =	vmul.f32 v58, v2;
	v48 =	vmul.f32 v41, v48  }
0x2b0: {  	v38 =	vmul.f32 v42, v39;
	v27 =	vadd.f32 v35, v27;
	v35 =	vmul.f32 v59, v2  }
0x2b1: {  	v30 =	vadd.f32 v36, v30;
	v50 =	vmul.f32 v48, v13;
	v62 =	vmul.f32 v48, v21;
	v13 =	vmovc v29  }
0x2b2: {  	s12 =	sadd.s32 $0x100, s12;
	v61 =	vmul.f32 v48, v61;
	v63 =	vmul.f32 v48, v20;
	v20 =	vmovc v49;
	v29 =	vadd.f32 v35, v27  }
0x2b3: {  	v42 =	vmul.f32 v48, v23;
	v41 =	vmul.f32 v48, v12;
	v23 =	vmovc v47;
	v27 =	vld [tilespmem:s12+$0x0];
	v35 =	vadd.f32 v56, v30  }
0x2b4: {  	v39 =	vmov s1;
	v36 =	vmul.f32 v38, v54;
	v47 =	vmul.f32 v38, v60;
	v12 =	vmovc v25;
	v21 =	vmovc v28;
	v30 =	vld [tilespmem:s12+$0xFFFFFF80]  }
0x2b5: {  	v49 =	vadd.f32 v57, v29;
	v25 =	vld [tilespmem:s12+$0xFFFFFFE0];
	(xrf2) =	vadd.scan.msk.f32 $0xffff, v35;
	v35 =	vmul.f32 v38, v37;
	v37 =	vmul.f32 v38, v19  }
0x2b6: {  	v31 =	vadd.f32 v36, v31;
	v32 =	vadd.f32 v47, v32;
	v47 =	vmul.f32 v38, v22;
	v19 =	vmovc v51;
	v29 =	vld [tilespmem:s12+$0xFFFFFF90]  }
.Ltmp5:
0x2b7: {  	v22 =	vmovc v53;
	v51 =	vmul.f32 v38, v24;
	v28 =	vld [tilespmem:s12+$0xFFFFFFA0];
	v33 =	vadd.f32 v35, v33;
	v34 =	vadd.f32 v37, v34;
	(pc) =	sbr.rel @p1 .LBB2_13-.Ltmp5, $4  }
0x2b8: {  	v53 =	vmul.f32 v38, v26;
	v31 =	vadd.f32 v50, v31;
	v32 =	vadd.f32 v62, v32;
	v36 =	vld [tilespmem:s12+$0xFFFFFF10];
	(xrf2) =	vadd.scan.msk.f32 $0xffff, v49  }
0x2b9: {  	v24 =	vmovc v55;
	v49 =	vmul.f32 v38, v52;
	v35 =	vld [tilespmem:s12+$0xFFFFFF20];
	v33 =	vadd.f32 v61, v33;
	v34 =	vadd.f32 v63, v34  }
0x2ba: {  	v43 =	vadd.f32 v47, v43;
	v47 =	vmul.f32 v48, v16;
	v16 =	vmovc v58;
	v44 =	vadd.f32 v51, v44;
	v37 =	vld [tilespmem:s12+$0xFFFFFFB0];
	s15 =	spop (v2sf)  }
0x2bb: {  	s13 =	sadd.s32 $0x2, s13;
	v26 =	vmovc v59;
	v45 =	vadd.f32 v53, v45;
	v48 =	vmul.f32 v48, v40;
	v46 =	vadd.f32 v49, v46;
	v38 =	vld [tilespmem:s12+$0xFFFFFF30];
	s14 =	sadd.f32 s15, s14  }
0x2bc: {  	v40 =	vld [tilespmem:s12+$0xFFFFFFC0]  }
0x2bd: {  	v49 =	vmul.f32 v29, v7;
	v50 =	vld [tilespmem:s12+$0xFFFFFF40];
	v51 =	vmul.f32 v28, v8  }
0x2be: {  	v52 =	vld [tilespmem:s12+$0xFFFFFFD0];
	v7 =	vmul.f32 v36, v7;
	v8 =	vmul.f32 v35, v8  }
0x2bf: {  	v53 =	vld [tilespmem:s12+$0xFFFFFF50];
	v49 =	vadd.f32 v51, v49;
	v60 =	vmul.f32 v37, v6  }
0x2c0: {  	v7 =	vadd.f32 v8, v7;
	v6 =	vmul.f32 v38, v6  }
0x2c1: {  	v8 =	vld [tilespmem:s12+$0xFFFFFF60];
	v49 =	vadd.f32 v60, v49;
	v61 =	vmul.f32 v40, v5  }
0x2c2: {  	v5 =	vmul.f32 v50, v5;
	v6 =	vadd.f32 v6, v7;
	v7 =	vld [tilespmem:s12+$0xFFFFFFF0]  }
0x2c3: {  	v54 =	vld [tilespmem:s12+$0xFFFFFF70];
	v62 =	vmul.f32 v52, v4;
	v49 =	vadd.f32 v61, v49  }
0x2c4: {  	v4 =	vmul.f32 v53, v4;
	v5 =	vadd.f32 v5, v6  }
0x2c5: {  	v6 =	vmul.f32 v25, v3;
	v49 =	vadd.f32 v62, v49  }
0x2c6: {  	v3 =	vmul.f32 v8, v3;
	v4 =	vadd.f32 v4, v5  }
0x2c7: {  	v5 =	vadd.f32 v6, v49;
	v6 =	vmul.f32 v7, v2  }
0x2c8: {  	v2 =	vmul.f32 v54, v2;
	v3 =	vadd.f32 v3, v4  }
0x2c9: {  	s1 =	sadd.s32 $0x1, s1;
	v4 =	vmul.f32 v27, v1;
	v5 =	vadd.f32 v6, v5  }
0x2ca: {  	v63, _, _ =	vpop (xrf2);
	v1 =	vmul.f32 v30, v1;
	v6 =	vmov s1;
	v2 =	vadd.f32 v2, v3  }
0x2cb: {  	v3 =	vperm.xlane v9, v6;
	v6 =	vbroadcast v63, $0xF;
	v4 =	vadd.f32 v4, v5  }
0x2cc: {  	v55, _, _ =	vpop (xrf2);
	v5 =	vperm.xlane v9, v39;
	v1 =	vadd.f32 v1, v2  }
0x2cd: {  	v2 =	vbroadcast v55, $0xF;
	v3 =	vmul.f32 v6, v3;
	(xrf2) =	vadd.scan.msk.f32 $0xffff, v4  }
0x2ce: {  	v56 =	vmov s0;
	(xrf2) =	vadd.scan.msk.f32 $0xffff, v1  }
0x2cf: {  	(v2sf) =	vpush v55, $0xF;
	v2 =	vmul.f32 v2, v5;
	v5 =	vmul.f32 v3, v13  }
0x2d0: {  	(v2sf) =	vpush v63, $0xF;
	v13 =	vmul.f32 v3, v21;
	v18 =	vmul.f32 v3, v18  }
0x2d1: {  	v6 =	vadd.f32 v47, v45;
	v20 =	vmul.f32 v3, v20;
	v23 =	vmul.f32 v3, v23  }
0x2d2: {  	v4 =	vadd.f32 v42, v43;
	v12 =	vmul.f32 v3, v12;
	v15 =	vmul.f32 v2, v15  }
0x2d3: {  	v1 =	vadd.f32 v41, v44;
	v14 =	vmul.f32 v2, v14;
	v17 =	vmul.f32 v2, v17  }
0x2d4: {  	v21 =	vadd.f32 v48, v46;
	v19 =	vmul.f32 v2, v19;
	v22 =	vmul.f32 v2, v22  }
0x2d5: {  	v24 =	vmul.f32 v2, v24;
	v15 =	vadd.f32 v15, v31;
	v14 =	vadd.f32 v14, v32  }
0x2d6: {  	v26 =	vmul.f32 v2, v26;
	v17 =	vadd.f32 v17, v33;
	v19 =	vadd.f32 v19, v34  }
0x2d7: {  	s13 =	sadd.s32 $0x1, s0;
	v2 =	vmul.f32 v2, v11;
	v5 =	vadd.f32 v5, v15;
	v13 =	vadd.f32 v13, v14;
	v11, _, _ =	vpop (xrf2)  }
0x2d8: {  	v14 =	vadd.f32 v18, v17;
	v15 =	vadd.f32 v20, v19;
	v17 =	vmov s13;
	v18, _, _ =	vpop (xrf2)  }
0x2d9: {  	v17 =	vperm.xlane v9, v17;
	v19 =	vbroadcast v11, $0xF;
	(v2sf) =	vpush v18, $0xF  }
0x2da: {  	v16 =	vmul.f32 v3, v16;
	v4 =	vadd.f32 v22, v4;
	v9 =	vperm.xlane v9, v56  }
0x2db: {  	(v2sf) =	vpush v11, $0xF;
	v11 =	vbroadcast v18, $0xF;
	v17 =	vmul.f32 v19, v17  }
0x2dc: {  	v3 =	vmul.f32 v3, v10;
	v1 =	vadd.f32 v24, v1;
	v6 =	vadd.f32 v26, v6  }
0x2dd: {  	v2 =	vadd.f32 v2, v21;
	v9 =	vmul.f32 v11, v9;
	v10 =	vmul.f32 v17, v29  }
0x2de: {  	v4 =	vadd.f32 v23, v4;
	v11 =	vmul.f32 v17, v28;
	v18 =	vmul.f32 v17, v37  }
0x2df: {  	v1 =	vadd.f32 v12, v1;
	v12 =	vmul.f32 v17, v40;
	v19 =	vmul.f32 v17, v52  }
0x2e0: {  	v6 =	vadd.f32 v16, v6;
	v22 =	vmul.f32 v17, v25;
	v16 =	vmul.f32 v9, v36  }
0x2e1: {  	v2 =	vadd.f32 v3, v2;
	v20 =	vmul.f32 v9, v35;
	v3 =	vmul.f32 v9, v38  }
0x2e2: {  	s15 =	spop (v2sf);
	v7 =	vmul.f32 v17, v7;
	v21 =	vmul.f32 v9, v50;
	v5 =	vadd.f32 v16, v5  }
0x2e3: {  	s0 =	sadd.f32 s15, s14;
	v8 =	vmul.f32 v9, v8;
	v13 =	vadd.f32 v20, v13;
	v3 =	vadd.f32 v3, v14  }
0x2e4: {  	s23 =	sshll.u32 s30, $0x7;
	s16 =	spop (v2sf);
	v16 =	vmul.f32 v9, v53;
	v14 =	vadd.f32 v21, v15;
	v5 =	vadd.f32 v10, v5  }
0x2e5: {  	s31 =	sand.u32 $0x3FFFFF80, s23;
	s0 =	sadd.f32 s16, s0;
	v15 =	vmul.f32 v9, v54;
	v9 =	vmul.f32 v9, v30;
	v10 =	vadd.f32 v11, v13  }
0x2e6: {  	s13 =	spop (v2sf);
	v1 =	vadd.f32 v8, v1;
	v3 =	vadd.f32 v18, v3;
	[tilespmem:s31+$0xAA80] =	vst v5;
	v5 =	vmov s30  }
0x2e7: {  	s0 =	sadd.f32 s13, s0;
	v11 =	vadd.f32 v12, v14;
	v4 =	vadd.f32 v16, v4;
	[tilespmem:s31+$0xAA90] =	vst v10;
	v5 =	vand.u32 $0xFFFFFFFE, v5  }
0x2e8: {  	v6 =	vadd.f32 v15, v6;
	v1 =	vadd.f32 v22, v1;
	[tilespmem:s31+$0xAAA0] =	vst v3;
	v3 =	vbroadcast v5, $0x0;
	s14 =	spop (v2sf)  }
0x2e9: {  	v2 =	vadd.f32 v9, v2;
	v4 =	vadd.f32 v19, v4;
	[tilespmem:s31+$0xAAB0] =	vst v11;
	v5 =	vmul.f32 v17, v27;
	s0 =	sadd.f32 s14, s0  }
0x2ea: {  	v6 =	vadd.f32 v7, v6;
	[tilespmem:s31+$0xAAD0] =	vst v1;
	s15 =	spop (v2sf)  }
0x2eb: {  	[tilespmem:s31+$0xAAC0] =	vst v4;
	v2 =	vadd.f32 v5, v2;
	s0 =	sadd.f32 s15, s0  }
0x2ec: {  	[tilespmem:s31+$0xAAE0] =	vst v6  }
0x2ed: {  	[tilespmem:s31+$0xAAF0] =	vst v2;
	v1 =	vmov s0  }
0x2ee: {  	[tilespmem:v3+s19+$0x0] =	vst.idx.msk $0x1, v1  }
0x2ef: {  	_ =	swait.ge [sflag:s22], $0x1080  }
0x2f0: {  	s12 =	simm.s32 @!p0 $0x8280;
	[sflag:s22] =	ssyncset.done $0x0  }
0x2f1: {  	s1 =	simm.s32 @!p0 $0x21;
	s0 =	sadd.s32 @!p0 $0xF0, s29;
	[sflag:s22] =	ssyncadd.s32 $0xFFFFEF80  }
0x2f2: {  	[tilespmem:s12], [sflag:$0x3] =	stream.indirect.gather @!p0 [hbm4b:s3+s1], $0x80, s0, s1, $0xb8;
	[tilespmem:$0x14C00] =	vst v63  }
0x2f3: {  	v7 =	vld [tilespmem:$0xA680]  }
0x2f4: {  	v8 =	vld [tilespmem:$0xA690]  }
0x2f5: {  	v6 =	vld [tilespmem:$0xA6A0]  }
0x2f6: {  	v5 =	vld [tilespmem:$0xA6B0]  }
0x2f7: {  	v4 =	vld [tilespmem:$0xA6C0]  }
0x2f8: {  	v3 =	vld [tilespmem:$0xA6D0]  }
0x2f9: {  	v2 =	vld [tilespmem:$0xA6E0]  }
0x2fa: {  	s16 =	simm.s32 $0x9700;
	v1 =	vld [tilespmem:$0xA6F0]  }
0x2fb: {  	v12 =	vld [tilespmem:s16+$0x0]  }
0x2fc: {  	v20 =	vld [tilespmem:s16+$0x10]  }
0x2fd: {  	v28 =	vld [tilespmem:s16+$0xFFFFFF80]  }
0x2fe: {  	v30 =	vld [tilespmem:s16+$0xFFFFFF90]  }
0x2ff: {  	v25 =	vld [tilespmem:s16+$0x20]  }
0x300: {  	v31 =	vld [tilespmem:s16+$0xFFFFFFA0]  }
0x301: {  	v32 =	vld [tilespmem:s16+$0x30]  }
0x302: {  	v33 =	vld [tilespmem:s16+$0xFFFFFFB0];
	v10 =	vmul.f32 v12, v7;
	v11 =	vmul.f32 v20, v8  }
0x303: {  	v34 =	vld [tilespmem:s16+$0x40];
	v13 =	vmul.f32 v28, v7;
	v14 =	vmul.f32 v30, v8  }
0x304: {  	v35 =	vld [tilespmem:s16+$0xFFFFFFC0];
	v10 =	vadd.f32 v11, v10;
	v11 =	vmul.f32 v25, v6  }
0x305: {  	v36 =	vld [tilespmem:s16+$0x50];
	v13 =	vadd.f32 v14, v13;
	v14 =	vmul.f32 v31, v6  }
0x306: {  	v37 =	vld [tilespmem:s16+$0xFFFFFFD0];
	v10 =	vadd.f32 v11, v10;
	v11 =	vmul.f32 v32, v5  }
0x307: {  	v41 =	vld [tilespmem:s16+$0x60];
	v13 =	vadd.f32 v14, v13;
	v14 =	vmul.f32 v33, v5  }
0x308: {  	v38 =	vld [tilespmem:s16+$0xFFFFFFE0];
	v10 =	vadd.f32 v11, v10;
	v11 =	vmul.f32 v34, v4  }
0x309: {  	v39 =	vld [tilespmem:s16+$0x70];
	v13 =	vadd.f32 v14, v13;
	v14 =	vmul.f32 v35, v4  }
0x30a: {  	v42 =	vld [tilespmem:s16+$0xFFFFFFF0];
	v15 =	vmul.f32 v36, v3;
	v10 =	vadd.f32 v11, v10  }
0x30b: {  	v11 =	vadd.f32 v14, v13;
	v13 =	vmul.f32 v37, v3  }
0x30c: {  	s23 =	simm.s32 $0x9800;
	v9 =	vld [tilespmem:s28+$0x0];
	v14 =	vmul.f32 v41, v2;
	v10 =	vadd.f32 v15, v10  }
0x30d: {  	v17 =	vld [tilespmem:s23+$0x0];
	v11 =	vadd.f32 v13, v11;
	v13 =	vmul.f32 v38, v2  }
0x30e: {  	v27 =	vld [tilespmem:s23+$0x10];
	v15 =	vmul.f32 v39, v1;
	v14 =	vadd.f32 v14, v10  }
0x30f: {  	v22 =	vld [tilespmem:s23+$0x20];
	v16 =	vmul.f32 v42, v1;
	v13 =	vadd.f32 v13, v11  }
0x310: {  	v21 =	vld [tilespmem:s23+$0x30];
	v15 =	vadd.f32 v15, v14  }
0x311: {  	v18 =	vld [tilespmem:s23+$0xFFFFFFB0];
	v13 =	vadd.f32 v16, v13  }
0x312: {  	v24 =	vld [tilespmem:s23+$0x40];
	(xrf2) =	vadd.scan.msk.f32 $0xffff, v15  }
0x313: {  	v15 =	vld [tilespmem:s23+$0xFFFFFF80];
	(xrf2) =	vadd.scan.msk.f32 $0xffff, v13  }
0x314: {  	v13 =	vld [tilespmem:s23+$0xFFFFFF90]  }
0x315: {  	v9 =	vld.idx.msk [tilespmem:v9+s10+$0x0], $0xffff  }
0x316: {  	v26 =	vmul.f32 v17, v7;
	v29 =	vmul.f32 v27, v8;
	v16 =	vld [tilespmem:s23+$0xFFFFFFA0]  }
0x317: {  	v23 =	vld [tilespmem:s23+$0xFFFFFFC0]  }
0x318: {  	s30 =	simm.s32 $0x1;
	v60 =	vmul.f32 v22, v6;
	v29 =	vadd.f32 v29, v26;
	v10 =	vld [tilespmem:s23+$0x70]  }
0x319: {  	v59 =	vmov s30;
	s29 =	simm.s32 $0x0;
	v11 =	vld [tilespmem:s23+$0xFFFFFFF0];
	v57 =	vmul.f32 v15, v7;
	v58 =	vmul.f32 v13, v8  }
0x31a: {  	v19 =	vmov s29;
	v63 =	vmul.f32 v21, v5;
	v46 =	vadd.f32 v60, v29;
	v14 =	vld [tilespmem:s23+$0x50]  }
0x31b: {  	v26 =	vld [tilespmem:s23+$0xFFFFFFD0];
	v47 =	vperm.xlane v9, v19;
	v61 =	vmul.f32 v16, v6;
	v19 =	vadd.f32 v58, v57  }
0x31c: {  	v56 =	vmul.f32 v18, v5;
	v29 =	vld [tilespmem:s23+$0xFFFFFFE0];
	v46 =	vadd.f32 v63, v46;
	v44 =	vperm.xlane v9, v59;
	v62, _, _ =	vpop (xrf2)  }
0x31d: {  	v59 =	vmul.f32 v23, v4;
	v49 =	vmul.f32 v10, v1;
	v40 =	vadd.f32 v61, v19;
	v19 =	vld [tilespmem:s23+$0x60];
	v57, _, _ =	vpop (xrf2)  }
0x31e: {  	v51 =	vmul.f32 v11, v1;
	v58 =	vmul.f32 v24, v4;
	(v2sf) =	vpush v57, $0xF  }
0x31f: {  	v43 =	vimm.f32 $0.0e+00;
	v60 =	vmul.f32 v14, v3;
	v61 =	vbroadcast v62, $0xF  }
0x320: {  	v46 =	vadd.f32 v58, v46;
	v63 =	vbroadcast v57, $0xF;
	(v2sf) =	vpush v62, $0xF  }
0x321: {  	v40 =	vadd.f32 v56, v40;
	v57 =	vmul.f32 v29, v2;
	v53 =	vmul.f32 v61, v44  }
0x322: {  	v46 =	vadd.f32 v60, v46;
	v62 =	vmul.f32 v26, v3;
	v56 =	vmul.f32 v19, v2  }
0x323: {  	v40 =	vadd.f32 v59, v40;
	v47 =	vmul.f32 v63, v47;
	v48 =	vmul.f32 v53, v20  }
0x324: {  	v52 =	vmul.f32 v53, v25;
	v54 =	vmul.f32 v53, v32;
	v58 =	vadd.f32 v56, v46  }
0x325: {  	s12 =	simm.s32 $0x9900;
	v45 =	vmul.f32 v53, v34;
	v44 =	vmul.f32 v53, v36;
	v40 =	vadd.f32 v62, v40  }
0x326: {  	v20 =	vld [tilespmem:s12+$0x70];
	v28 =	vmul.f32 v47, v28;
	v60 =	vmul.f32 v47, v30;
	v49 =	vadd.f32 v49, v58  }
0x327: {  	v25 =	vld [tilespmem:s12+$0xFFFFFFF0];
	v31 =	vmul.f32 v47, v31;
	v33 =	vmul.f32 v47, v33;
	v59 =	vadd.f32 v57, v40  }
0x328: {  	v32 =	vld [tilespmem:s12+$0xFFFFFF80];
	v63 =	vmul.f32 v47, v35;
	v42 =	vmul.f32 v47, v42;
	v61 =	vadd.f32 v28, v43;
	(xrf2) =	vadd.scan.msk.f32 $0xffff, v49  }
0x329: {  	v30 =	vld [tilespmem:s12+$0x0];
	v46 =	vmul.f32 v53, v12;
	v62 =	vadd.f32 v60, v43;
	v51 =	vadd.f32 v51, v59  }
0x32a: {  	s13 =	simm.s32 $0x2;
	v12 =	vld [tilespmem:s12+$0x50];
	v56 =	vmul.f32 v47, v37;
	v55 =	vadd.f32 v31, v43;
	v33 =	vadd.f32 v33, v43  }
0x32b: {  	v40 =	vmov s13;
	v28 =	vld [tilespmem:s12+$0x10];
	v50 =	vadd.f32 v63, v43;
	v34 =	vadd.f32 v46, v61;
	(xrf2) =	vadd.scan.msk.f32 $0xffff, v51  }
0x32c: {  	v57 =	vmul.f32 v47, v38;
	v31 =	vld [tilespmem:s12+$0xFFFFFF90];
	v35 =	vadd.f32 v48, v62;
	v36 =	vadd.f32 v52, v55  }
0x32d: {  	s31 =	simm.f32 $0.0e+00;
	v38 =	vld [tilespmem:s12+$0x20];
	v47 =	vmul.f32 v53, v41;
	v37 =	vadd.f32 v54, v33;
	v48 =	vadd.f32 v56, v43;
	s15 =	spop (v2sf)  }
0x32e: {  	s14 =	simm.s32 $0x6;
	s1 =	simm.s32 $0x4;
	v33 =	vld [tilespmem:s12+$0xFFFFFFA0];
	v52 =	vmul.f32 v53, v39;
	v49 =	vadd.f32 v42, v43;
	v51 =	vadd.f32 v57, v43;
	s0 =	sadd.f32 s15, s31  }
.LBB2_15:
0x32f: {  	p0 =	slt.u32 s14, $0xE;
	v53 =	vld [tilespmem:s12+$0x30];
	v54 =	vmul.f32 v30, v7;
	v41 =	vadd.f32 v45, v50;
	v42 =	vadd.f32 v44, v48;
	s15 =	spop (v2sf);
	v39 =	vmovc v10  }
0x330: {  	v44 =	vmul.f32 v28, v8;
	s16 =	sadd.s32 $0x1, s13;
	v10 =	vmovc v20;
	s13 =	smov.u32 s1;
	v48 =	vld [tilespmem:s12+$0xFFFFFFB0];
	v43 =	vadd.f32 v47, v51;
	v46 =	vadd.f32 v52, v49;
	s0 =	sadd.f32 s15, s0  }
0x331: {  	v50 =	vmovc v11;
	v11 =	vmovc v25;
	s1 =	smov.u32 s14;
	v20 =	vmul.f32 v32, v7;
	v49 =	vmov s16;
	v45 =	vmul.f32 v31, v8;
	v47 =	vld [tilespmem:s12+$0x40]  }
0x332: {  	v40 =	vperm.xlane v9, v40;
	v25 =	vadd.f32 v44, v54;
	v51 =	vld [tilespmem:s12+$0xFFFFFFC0];
	v44 =	vmul.f32 v38, v6;
	v52, _, _ =	vpop (xrf2)  }
0x333: {  	v49 =	vperm.xlane v9, v49;
	v20 =	vadd.f32 v45, v20;
	v59 =	vmul.f32 v33, v6;
	v54 =	vmovc v15  }
0x334: {  	v56 =	vmul.f32 v10, v1;
	v15 =	vmovc v32;
	v55 =	vld [tilespmem:s12+$0xFFFFFFD0];
	v25 =	vadd.f32 v44, v25;
	v44 =	vmul.f32 v53, v5  }
0x335: {  	v57 =	vmul.f32 v11, v1;
	v20 =	vadd.f32 v59, v20;
	v32 =	vmul.f32 v48, v5;
	v58 =	vld [tilespmem:s12+$0x60];
	v45, _, _ =	vpop (xrf2)  }
0x336: {  	v60 =	vmovc v13;
	v13 =	vmovc v31;
	v59 =	vld [tilespmem:s12+$0xFFFFFFE0];
	v25 =	vadd.f32 v44, v25;
	v44 =	vmul.f32 v47, v4;
	(v2sf) =	vpush v45, $0xF  }
0x337: {  	v61 =	vmovc v22;
	v20 =	vadd.f32 v32, v20;
	v31 =	vmul.f32 v51, v4;
	v32 =	vmul.f32 v12, v3  }
0x338: {  	v22 =	vmovc v38;
	v38 =	vmovc v16;
	v25 =	vadd.f32 v44, v25;
	v44 =	vbroadcast v52, $0xF;
	(v2sf) =	vpush v52, $0xF  }
0x339: {  	v16 =	vmovc v33;
	v45 =	vbroadcast v45, $0xF;
	v20 =	vadd.f32 v31, v20;
	v31 =	vmul.f32 v55, v3  }
0x33a: {  	v25 =	vadd.f32 v32, v25;
	v32 =	vmul.f32 v58, v2;
	v52 =	vmul.f32 v44, v49  }
0x33b: {  	v33 =	vmul.f32 v45, v40;
	v20 =	vadd.f32 v31, v20;
	v31 =	vmul.f32 v59, v2  }
0x33c: {  	v25 =	vadd.f32 v32, v25;
	v49 =	vmul.f32 v52, v17;
	v62 =	vmul.f32 v52, v27;
	v17 =	vmovc v30  }
0x33d: {  	s12 =	sadd.s32 $0x100, s12;
	v61 =	vmul.f32 v52, v61;
	v63 =	vmul.f32 v52, v21;
	v21 =	vmovc v53;
	v30 =	vadd.f32 v31, v20  }
0x33e: {  	v45 =	vmul.f32 v52, v24;
	v44 =	vmul.f32 v52, v14;
	v24 =	vmovc v47;
	v20 =	vld [tilespmem:s12+$0x70];
	v31 =	vadd.f32 v56, v25  }
0x33f: {  	v40 =	vmov s13;
	v32 =	vmul.f32 v33, v54;
	v47 =	vmul.f32 v33, v60;
	v14 =	vmovc v12;
	v27 =	vmovc v28;
	v25 =	vld [tilespmem:s12+$0xFFFFFFF0]  }
0x340: {  	v53 =	vadd.f32 v57, v30;
	v12 =	vld [tilespmem:s12+$0x50];
	(xrf2) =	vadd.scan.msk.f32 $0xffff, v31;
	v31 =	vmul.f32 v33, v38;
	v38 =	vmul.f32 v33, v18  }
0x341: {  	v34 =	vadd.f32 v32, v34;
	v35 =	vadd.f32 v47, v35;
	v47 =	vmul.f32 v33, v23;
	v18 =	vmovc v48;
	v30 =	vld [tilespmem:s12+$0x0]  }
.Ltmp6:
0x342: {  	v23 =	vmovc v51;
	v48 =	vmul.f32 v33, v26;
	v28 =	vld [tilespmem:s12+$0x10];
	v36 =	vadd.f32 v31, v36;
	v37 =	vadd.f32 v38, v37;
	(pc) =	sbr.rel @p0 .LBB2_15-.Ltmp6, $4  }
0x343: {  	v34 =	vadd.f32 v49, v34;
	v35 =	vadd.f32 v62, v35;
	v32 =	vld [tilespmem:s12+$0xFFFFFF80];
	(xrf2) =	vadd.scan.msk.f32 $0xffff, v53;
	v53 =	vmul.f32 v33, v29  }
0x344: {  	v49 =	vmul.f32 v33, v50;
	v26 =	vmovc v55;
	v31 =	vld [tilespmem:s12+$0xFFFFFF90];
	v36 =	vadd.f32 v61, v36;
	v37 =	vadd.f32 v63, v37  }
0x345: {  	v50 =	vadd.f32 v47, v41;
	v47 =	vmul.f32 v52, v19;
	v19 =	vmovc v58;
	v48 =	vadd.f32 v48, v42;
	v38 =	vld [tilespmem:s12+$0x20];
	s15 =	spop (v2sf)  }
0x346: {  	s14 =	sadd.s32 $0x2, s14;
	v52 =	vmul.f32 v52, v39;
	v49 =	vadd.f32 v49, v46;
	v29 =	vmovc v59;
	v51 =	vadd.f32 v53, v43;
	v33 =	vld [tilespmem:s12+$0xFFFFFFA0];
	s0 =	sadd.f32 s15, s0  }
0x347: {  	v53 =	vld [tilespmem:s12+$0x30]  }
0x348: {  	v39 =	vmul.f32 v30, v7;
	v46 =	vld [tilespmem:s12+$0xFFFFFFB0];
	v42 =	vmul.f32 v28, v8  }
0x349: {  	v55 =	vld [tilespmem:s12+$0x40];
	v43 =	vmul.f32 v32, v7;
	v54 =	vmul.f32 v31, v8  }
0x34a: {  	v41 =	vld [tilespmem:s12+$0xFFFFFFC0];
	v39 =	vadd.f32 v42, v39;
	v56 =	vmul.f32 v38, v6  }
0x34b: {  	v42 =	vld [tilespmem:s12+$0xFFFFFFD0];
	v43 =	vadd.f32 v54, v43;
	v61 =	vmul.f32 v33, v6  }
0x34c: {  	v56 =	vadd.f32 v56, v39;
	v57 =	vmul.f32 v53, v5  }
0x34d: {  	v59 =	vmul.f32 v12, v3;
	v58 =	vmul.f32 v46, v5;
	v39 =	vld [tilespmem:s12+$0x60];
	v54 =	vadd.f32 v61, v43  }
0x34e: {  	v40 =	vperm.xlane v9, v40;
	v62 =	vmul.f32 v55, v4;
	v43 =	vld [tilespmem:s12+$0xFFFFFFE0];
	v56 =	vadd.f32 v57, v56  }
0x34f: {  	s30 =	sadd.s32 $0x1, s13;
	v45 =	vadd.f32 v45, v50;
	v63 =	vmul.f32 v41, v4;
	v54 =	vadd.f32 v58, v54  }
0x350: {  	v60, _, _ =	vpop (xrf2);
	v57 =	vmov s30;
	v58 =	vmul.f32 v42, v3;
	v56 =	vadd.f32 v62, v56  }
0x351: {  	v57 =	vperm.xlane v9, v57;
	v54 =	vadd.f32 v63, v54;
	v63 =	vbroadcast v60, $0xF  }
0x352: {  	v44 =	vadd.f32 v44, v48;
	v56 =	vadd.f32 v59, v56;
	v59 =	vmul.f32 v39, v2  }
0x353: {  	v54 =	vadd.f32 v58, v54;
	v58 =	vmul.f32 v43, v2;
	v50 =	vmul.f32 v63, v57  }
0x354: {  	v61 =	vmul.f32 v20, v1;
	v62, _, _ =	vpop (xrf2);
	v56 =	vadd.f32 v59, v56;
	v59 =	vmul.f32 v25, v1  }
0x355: {  	v54 =	vadd.f32 v58, v54;
	v58 =	vbroadcast v62, $0xF;
	v17 =	vmul.f32 v50, v17  }
0x356: {  	v47 =	vadd.f32 v47, v51;
	v27 =	vmul.f32 v50, v27;
	v22 =	vmul.f32 v50, v22  }
0x357: {  	v21 =	vmul.f32 v50, v21;
	v24 =	vmul.f32 v50, v24;
	v56 =	vadd.f32 v61, v56  }
0x358: {  	v14 =	vmul.f32 v50, v14;
	v40 =	vmul.f32 v58, v40;
	v59 =	vadd.f32 v59, v54  }
0x359: {  	v49 =	vadd.f32 v52, v49;
	v19 =	vmul.f32 v50, v19;
	v10 =	vmul.f32 v50, v10;
	(xrf2) =	vadd.scan.msk.f32 $0xffff, v56  }
0x35a: {  	(v2sf) =	vpush v62, $0xF;
	(xrf2) =	vadd.scan.msk.f32 $0xffff, v59;
	v15 =	vmul.f32 v40, v15;
	v13 =	vmul.f32 v40, v13  }
0x35b: {  	v61 =	vmov s1;
	v16 =	vmul.f32 v40, v16;
	v18 =	vmul.f32 v40, v18  }
0x35c: {  	s31 =	simm.s32 $0x9F70;
	v11 =	vmul.f32 v40, v11;
	v15 =	vadd.f32 v15, v34;
	v13 =	vadd.f32 v13, v35  }
0x35d: {  	v23 =	vmul.f32 v40, v23;
	v16 =	vadd.f32 v16, v36;
	v18 =	vadd.f32 v18, v37;
	v35 =	vld [tilespmem:s31+$0xFFFFFFA0]  }
0x35e: {  	v62 =	vmul.f32 v40, v29;
	v11 =	vadd.f32 v11, v49;
	v15 =	vadd.f32 v17, v15;
	v17 =	vld [tilespmem:s31+$0xFFFFFF10]  }
0x35f: {  	v26 =	vmul.f32 v40, v26;
	v13 =	vadd.f32 v27, v13;
	v18 =	vadd.f32 v21, v18;
	v27 =	vld [tilespmem:s31+$0xFFFFFF20]  }
0x360: {  	s13 =	sadd.s32 $0x1, s1;
	v57 =	vperm.xlane v9, v61;
	v21 =	vadd.f32 v23, v45;
	v23 =	vadd.f32 v62, v47;
	v47 =	vld [tilespmem:s31+$0xFFFFFF70]  }
0x361: {  	v34 =	vld [tilespmem:s31+$0xFFFFFF30];
	v16 =	vadd.f32 v22, v16;
	v22 =	vadd.f32 v26, v44;
	v26 =	vmov s13  }
0x362: {  	v29 =	vld [tilespmem:s31+$0xFFFFFF90];
	v9 =	vperm.xlane v9, v26;
	v21 =	vadd.f32 v24, v21;
	v19 =	vadd.f32 v19, v23  }
0x363: {  	v36 =	vld [tilespmem:s31+$0xFFFFFF40];
	v23 =	vadd.f32 v10, v11;
	v10 =	vmul.f32 v35, v8;
	v56, _, _ =	vpop (xrf2);
	v11 =	vmul.f32 v17, v7  }
0x364: {  	v45 =	vld [tilespmem:s31+$0xFFFFFFB0];
	v14 =	vadd.f32 v14, v22;
	v22 =	vmul.f32 v27, v8;
	v26, _, _ =	vpop (xrf2);
	v24 =	vbroadcast v56, $0xF  }
0x365: {  	(v2sf) =	vpush v60, $0xF;
	v49 =	vld [tilespmem:s31+$0xFFFFFFC0];
	v61 =	vmul.f32 v47, v2;
	v58 =	vbroadcast v26, $0xF  }
0x366: {  	v37 =	vld [tilespmem:s31+$0xFFFFFF50];
	v11 =	vadd.f32 v22, v11;
	v22 =	vmul.f32 v34, v6;
	v24 =	vmul.f32 v24, v9  }
0x367: {  	v63 =	vld [tilespmem:s28+$0x10];
	(v2sf) =	vpush v26, $0xF;
	v9 =	vmul.f32 v29, v7;
	v52 =	vmul.f32 v58, v57  }
0x368: {  	v50 =	vld [tilespmem:s31+$0xFFFFFFD0];
	v11 =	vadd.f32 v22, v11;
	v22 =	vmul.f32 v36, v5;
	v26 =	vmul.f32 v24, v30  }
0x369: {  	v40 =	vld [tilespmem:s31+$0x0];
	v9 =	vadd.f32 v10, v9;
	v10 =	vmul.f32 v45, v6;
	v54 =	vmul.f32 v24, v38  }
0x36a: {  	(v2sf) =	vpush v56, $0xF;
	v30 =	vld [tilespmem:s31+$0xFFFFFFE0];
	v53 =	vmul.f32 v24, v53;
	v56 =	vmul.f32 v24, v12  }
0x36b: {  	v44 =	vld [tilespmem:s31+$0xFFFFFF60];
	v12 =	vmul.f32 v37, v4;
	v9 =	vadd.f32 v10, v9;
	v10 =	vmul.f32 v49, v5  }
0x36c: {  	v38 =	vld [tilespmem:s31+$0xFFFFFFF0];
	v11 =	vadd.f32 v22, v11;
	v22 =	vmul.f32 v52, v32;
	v31 =	vmul.f32 v52, v31  }
0x36d: {  	v46 =	vmul.f32 v52, v46;
	v9 =	vadd.f32 v10, v9;
	v10 =	vmul.f32 v50, v4  }
0x36e: {  	v57 =	vmul.f32 v52, v43;
	v15 =	vadd.f32 v22, v15;
	v22 =	vmul.f32 v40, v1  }
0x36f: {  	v48 =	vld [tilespmem:s31+$0xFFFFFF80];
	v31 =	vadd.f32 v31, v13;
	v59 =	vmul.f32 v30, v3;
	v9 =	vadd.f32 v10, v9  }
0x370: {  	v18 =	vadd.f32 v46, v18;
	v10 =	vadd.f32 v12, v11;
	v11 =	vmul.f32 v44, v3  }
0x371: {  	s14 =	simm.s32 $0xA070;
	v60 =	vmul.f32 v38, v2;
	v43 =	vadd.f32 v26, v15;
	v32 =	vadd.f32 v59, v9  }
0x372: {  	v51 =	vadd.f32 v53, v18;
	v15 =	vld [tilespmem:s14+$0xFFFFFF10];
	v12 =	vmul.f32 v52, v33;
	v11 =	vadd.f32 v11, v10  }
0x373: {  	v26 =	vadd.f32 v57, v19;
	v9 =	vld.idx.msk [tilespmem:v63+s10+$0x0], $0xffff;
	v63 =	vmul.f32 v52, v42;
	v32 =	vadd.f32 v60, v32  }
0x374: {  	v13 =	vmul.f32 v48, v1;
	v19 =	vld [tilespmem:s14+$0xFFFFFFB0];
	v16 =	vadd.f32 v12, v16;
	v62 =	vadd.f32 v61, v11  }
0x375: {  	v41 =	vmul.f32 v52, v41;
	v18 =	vadd.f32 v63, v14;
	v14 =	vld [tilespmem:s14+$0xFFFFFF20];
	v22 =	vadd.f32 v22, v32  }
0x376: {  	v55 =	vmul.f32 v24, v55;
	v33 =	vadd.f32 v13, v62;
	v13 =	vld [tilespmem:s14+$0xFFFFFF90]  }
0x377: {  	v25 =	vmul.f32 v52, v25;
	v46 =	vadd.f32 v54, v16;
	v16 =	vadd.f32 v41, v21;
	(xrf2) =	vadd.scan.msk.f32 $0xffff, v22;
	v22 =	vld [tilespmem:s14+$0xFFFFFFA0]  }
0x378: {  	v28 =	vmul.f32 v24, v28;
	v20 =	vmul.f32 v24, v20;
	v10 =	vld [tilespmem:s14+$0x0];
	(xrf2) =	vadd.scan.msk.f32 $0xffff, v33  }
0x379: {  	v23 =	vadd.f32 v25, v23;
	v21 =	vmul.f32 v24, v39;
	v52 =	vadd.f32 v55, v16;
	v16 =	vld [tilespmem:s14+$0xFFFFFF30]  }
0x37a: {  	v31 =	vadd.f32 v28, v31;
	v11 =	vld [tilespmem:s14+$0xFFFFFF80];
	v28 =	vmul.f32 v15, v7;
	v53 =	vadd.f32 v56, v18  }
0x37b: {  	s15 =	simm.s32 $0x0;
	v54 =	vadd.f32 v21, v26;
	v55 =	vadd.f32 v20, v23;
	v21 =	vld [tilespmem:s14+$0xFFFFFFC0];
	v58 =	vmul.f32 v14, v8  }
0x37c: {  	s16 =	simm.s32 $0x1;
	v18 =	vmov s15;
	v20 =	vld [tilespmem:s14+$0xFFFFFF40];
	v25 =	vmul.f32 v13, v7;
	v26 =	vmul.f32 v22, v8  }
0x37d: {  	v59 =	vmov s16;
	v24 =	vld [tilespmem:s14+$0xFFFFFFD0];
	v60 =	vmul.f32 v19, v6;
	v41 =	vperm.xlane v9, v18  }
0x37e: {  	v23 =	vld [tilespmem:s14+$0xFFFFFF50];
	v18 =	vadd.f32 v58, v28;
	v28 =	vmul.f32 v16, v6;
	v26 =	vadd.f32 v26, v25  }
0x37f: {  	v12 =	vld [tilespmem:s14+$0xFFFFFFE0];
	v32 =	vperm.xlane v9, v59  }
0x380: {  	v61 =	vmul.f32 v21, v5;
	v28 =	vadd.f32 v28, v18;
	v18 =	vld [tilespmem:s14+$0xFFFFFFF0];
	v39 =	vadd.f32 v60, v26  }
0x381: {  	v56 =	vmul.f32 v10, v1;
	v62 =	vmul.f32 v20, v5;
	v25 =	vld [tilespmem:s14+$0xFFFFFF60];
	v33, _, _ =	vpop (xrf2)  }
0x382: {  	v42 =	vmul.f32 v24, v4;
	v58 =	vmul.f32 v11, v1;
	v26 =	vld [tilespmem:s14+$0xFFFFFF70];
	v59, _, _ =	vpop (xrf2);
	v39 =	vadd.f32 v61, v39  }
0x383: {  	v57 =	vmul.f32 v23, v4;
	v28 =	vadd.f32 v62, v28;
	(v2sf) =	vpush v59, $0xF  }
0x384: {  	v60 =	vmul.f32 v12, v3;
	v63 =	vbroadcast v33, $0xF;
	v39 =	vadd.f32 v42, v39  }
0x385: {  	v28 =	vadd.f32 v57, v28;
	v57 =	vbroadcast v59, $0xF;
	(v2sf) =	vpush v33, $0xF  }
0x386: {  	v33 =	vmul.f32 v25, v3;
	v39 =	vadd.f32 v60, v39;
	v60 =	vmul.f32 v63, v32  }
0x387: {  	v59 =	vmul.f32 v18, v2;
	v42 =	vmul.f32 v26, v2  }
0x388: {  	s23 =	spop (v2sf);
	v28 =	vadd.f32 v33, v28;
	v33 =	vmul.f32 v57, v41;
	v57 =	vmul.f32 v60, v29  }
0x389: {  	s0 =	sadd.f32 s23, s0;
	v39 =	vadd.f32 v59, v39;
	v35 =	vmul.f32 v60, v35;
	v45 =	vmul.f32 v60, v45  }
0x38a: {  	s12 =	simm.s32 $0xA170;
	s28 =	spop (v2sf);
	v29 =	vadd.f32 v42, v28;
	v49 =	vmul.f32 v60, v49;
	v42 =	vmul.f32 v60, v50  }
0x38b: {  	s0 =	sadd.f32 s28, s0;
	v28 =	vld [tilespmem:s12+$0x0];
	v41 =	vmul.f32 v60, v30;
	v59 =	vmul.f32 v33, v17;
	v56 =	vadd.f32 v56, v39  }
0x38c: {  	s29 =	spop (v2sf);
	v30 =	vld [tilespmem:s12+$0xFFFFFF80];
	v27 =	vmul.f32 v33, v27;
	v34 =	vmul.f32 v33, v34  }
0x38d: {  	s0 =	sadd.f32 s29, s0;
	v17 =	vld [tilespmem:s12+$0xFFFFFFE0];
	v36 =	vmul.f32 v33, v36;
	v44 =	vmul.f32 v33, v44;
	v50 =	vadd.f32 v58, v29;
	(xrf2) =	vadd.scan.msk.f32 $0xffff, v56  }
0x38e: {  	s30 =	spop (v2sf);
	v48 =	vmul.f32 v33, v48;
	v29 =	vld [tilespmem:s12+$0xFFFFFF90];
	v32 =	vadd.f32 v59, v43;
	v43 =	vadd.f32 v27, v31  }
0x38f: {  	s0 =	sadd.f32 s30, s0;
	v61 =	vmul.f32 v33, v37;
	v27 =	vld [tilespmem:s12+$0xFFFFFFA0];
	v34 =	vadd.f32 v34, v46;
	v62 =	vadd.f32 v36, v51  }
0x390: {  	s31 =	spop (v2sf);
	v63 =	vmul.f32 v33, v47;
	v36 =	vld [tilespmem:s12+$0xFFFFFF10];
	v44 =	vadd.f32 v44, v53;
	v46 =	vadd.f32 v48, v55;
	(xrf2) =	vadd.scan.msk.f32 $0xffff, v50  }
0x391: {  	s1 =	simm.s32 $0x2;
	s14 =	sadd.f32 s31, s0;
	v47 =	vmul.f32 v60, v38;
	v31 =	vadd.f32 v57, v32;
	v32 =	vadd.f32 v35, v43;
	v35 =	vld [tilespmem:s12+$0xFFFFFF20]  }
0x392: {  	v37 =	vld [tilespmem:s12+$0xFFFFFFB0];
	v39 =	vmov s1;
	v33 =	vadd.f32 v45, v34;
	v43 =	vadd.f32 v61, v52;
	s15 =	spop (v2sf)  }
0x393: {  	s13 =	simm.s32 $0x6;
	s0 =	simm.s32 $0x4;
	v38 =	vld [tilespmem:s12+$0xFFFFFF30];
	v48 =	vmul.f32 v60, v40;
	v34 =	vadd.f32 v49, v62;
	v45 =	vadd.f32 v63, v54;
	s14 =	sadd.f32 s15, s14  }
.LBB2_17:
0x394: {  	p0 =	slt.u32 s13, $0xE;
	v49 =	vld [tilespmem:s12+$0xFFFFFFC0];
	v54 =	vmul.f32 v29, v7;
	v43 =	vadd.f32 v42, v43;
	v44 =	vadd.f32 v41, v44;
	s15 =	spop (v2sf);
	v40 =	vmovc v10  }
0x395: {  	v41 =	vmul.f32 v27, v8;
	s16 =	sadd.s32 $0x1, s1;
	v10 =	vmovc v28;
	s1 =	smov.u32 s0;
	v51 =	vld [tilespmem:s12+$0xFFFFFF40];
	v45 =	vadd.f32 v47, v45;
	v46 =	vadd.f32 v48, v46;
	s14 =	sadd.f32 s15, s14  }
0x396: {  	v52 =	vmovc v11;
	v11 =	vmovc v30;
	s0 =	smov.u32 s13;
	v28 =	vmul.f32 v36, v7;
	v48 =	vmov s16;
	v42 =	vmul.f32 v35, v8;
	v47 =	vld [tilespmem:s12+$0xFFFFFFD0]  }
0x397: {  	v39 =	vperm.xlane v9, v39;
	v30 =	vadd.f32 v41, v54;
	v53 =	vld [tilespmem:s12+$0xFFFFFF50];
	v41 =	vmul.f32 v37, v6;
	v50, _, _ =	vpop (xrf2)  }
0x398: {  	v48 =	vperm.xlane v9, v48;
	v28 =	vadd.f32 v42, v28;
	v59 =	vmul.f32 v38, v6;
	v54 =	vmovc v15  }
0x399: {  	v56 =	vmul.f32 v10, v1;
	v15 =	vmovc v36;
	v55 =	vld [tilespmem:s12+$0xFFFFFF60];
	v30 =	vadd.f32 v41, v30;
	v41 =	vmul.f32 v49, v5  }
0x39a: {  	v57 =	vmul.f32 v11, v1;
	v28 =	vadd.f32 v59, v28;
	v36 =	vmul.f32 v51, v5;
	v58 =	vld [tilespmem:s12+$0xFFFFFFF0];
	v42, _, _ =	vpop (xrf2)  }
0x39b: {  	v60 =	vmovc v14;
	v14 =	vmovc v35;
	v59 =	vld [tilespmem:s12+$0xFFFFFF70];
	v30 =	vadd.f32 v41, v30;
	v41 =	vmul.f32 v47, v4;
	(v2sf) =	vpush v42, $0xF  }
0x39c: {  	v61 =	vmovc v19;
	v28 =	vadd.f32 v36, v28;
	v35 =	vmul.f32 v53, v4;
	v36 =	vmul.f32 v17, v3  }
0x39d: {  	v19 =	vmovc v37;
	v37 =	vmovc v16;
	v30 =	vadd.f32 v41, v30;
	v41 =	vbroadcast v50, $0xF;
	(v2sf) =	vpush v50, $0xF  }
0x39e: {  	v16 =	vmovc v38;
	v42 =	vbroadcast v42, $0xF;
	v28 =	vadd.f32 v35, v28;
	v35 =	vmul.f32 v55, v3  }
0x39f: {  	v30 =	vadd.f32 v36, v30;
	v36 =	vmul.f32 v58, v2;
	v48 =	vmul.f32 v41, v48  }
0x3a0: {  	v38 =	vmul.f32 v42, v39;
	v28 =	vadd.f32 v35, v28;
	v35 =	vmul.f32 v59, v2  }
0x3a1: {  	v30 =	vadd.f32 v36, v30;
	v50 =	vmul.f32 v48, v13;
	v62 =	vmul.f32 v48, v22;
	v13 =	vmovc v29  }
0x3a2: {  	s12 =	sadd.s32 $0x100, s12;
	v61 =	vmul.f32 v48, v61;
	v63 =	vmul.f32 v48, v21;
	v21 =	vmovc v49;
	v29 =	vadd.f32 v35, v28  }
0x3a3: {  	v42 =	vmul.f32 v48, v24;
	v41 =	vmul.f32 v48, v12;
	v24 =	vmovc v47;
	v28 =	vld [tilespmem:s12+$0x0];
	v35 =	vadd.f32 v56, v30  }
0x3a4: {  	v39 =	vmov s1;
	v36 =	vmul.f32 v38, v54;
	v47 =	vmul.f32 v38, v60;
	v12 =	vmovc v17;
	v22 =	vmovc v27;
	v30 =	vld [tilespmem:s12+$0xFFFFFF80]  }
0x3a5: {  	v49 =	vadd.f32 v57, v29;
	v17 =	vld [tilespmem:s12+$0xFFFFFFE0];
	(xrf2) =	vadd.scan.msk.f32 $0xffff, v35;
	v35 =	vmul.f32 v38, v37;
	v37 =	vmul.f32 v38, v20  }
0x3a6: {  	v31 =	vadd.f32 v36, v31;
	v32 =	vadd.f32 v47, v32;
	v47 =	vmul.f32 v38, v23;
	v20 =	vmovc v51;
	v29 =	vld [tilespmem:s12+$0xFFFFFF90]  }
.Ltmp7:
0x3a7: {  	v23 =	vmovc v53;
	v51 =	vmul.f32 v38, v25;
	v27 =	vld [tilespmem:s12+$0xFFFFFFA0];
	v33 =	vadd.f32 v35, v33;
	v34 =	vadd.f32 v37, v34;
	(pc) =	sbr.rel @p0 .LBB2_17-.Ltmp7, $4  }
0x3a8: {  	v53 =	vmul.f32 v38, v26;
	v31 =	vadd.f32 v50, v31;
	v32 =	vadd.f32 v62, v32;
	v36 =	vld [tilespmem:s12+$0xFFFFFF10];
	(xrf2) =	vadd.scan.msk.f32 $0xffff, v49  }
0x3a9: {  	v25 =	vmovc v55;
	v49 =	vmul.f32 v38, v52;
	v35 =	vld [tilespmem:s12+$0xFFFFFF20];
	v33 =	vadd.f32 v61, v33;
	v34 =	vadd.f32 v63, v34  }
0x3aa: {  	v43 =	vadd.f32 v47, v43;
	v47 =	vmul.f32 v48, v18;
	v18 =	vmovc v58;
	v44 =	vadd.f32 v51, v44;
	v37 =	vld [tilespmem:s12+$0xFFFFFFB0];
	s15 =	spop (v2sf)  }
0x3ab: {  	s13 =	sadd.s32 $0x2, s13;
	v26 =	vmovc v59;
	v45 =	vadd.f32 v53, v45;
	v48 =	vmul.f32 v48, v40;
	v46 =	vadd.f32 v49, v46;
	v38 =	vld [tilespmem:s12+$0xFFFFFF30];
	s14 =	sadd.f32 s15, s14  }
0x3ac: {  	v40 =	vld [tilespmem:s12+$0xFFFFFFC0]  }
0x3ad: {  	v49 =	vmul.f32 v29, v7;
	v50 =	vld [tilespmem:s12+$0xFFFFFF40];
	v51 =	vmul.f32 v27, v8  }
0x3ae: {  	v52 =	vld [tilespmem:s12+$0xFFFFFFD0];
	v57 =	vmul.f32 v36, v7;
	v58 =	vmul.f32 v35, v8  }
0x3af: {  	v53 =	vld [tilespmem:s12+$0xFFFFFF50];
	v49 =	vadd.f32 v51, v49;
	v59 =	vmul.f32 v37, v6  }
0x3b0: {  	v7 =	vadd.f32 v58, v57;
	v60 =	vmul.f32 v38, v6  }
0x3b1: {  	v8 =	vld [tilespmem:s12+$0xFFFFFF60];
	v49 =	vadd.f32 v59, v49;
	v61 =	vmul.f32 v40, v5  }
0x3b2: {  	v62 =	vmul.f32 v50, v5;
	v6 =	vadd.f32 v60, v7;
	v7 =	vld [tilespmem:s12+$0xFFFFFFF0]  }
0x3b3: {  	v54 =	vld [tilespmem:s12+$0xFFFFFF70];
	v63 =	vmul.f32 v52, v4;
	v49 =	vadd.f32 v61, v49  }
0x3b4: {  	v55 =	vmul.f32 v53, v4;
	v5 =	vadd.f32 v62, v6  }
0x3b5: {  	v56 =	vmul.f32 v17, v3;
	v49 =	vadd.f32 v63, v49  }
0x3b6: {  	v3 =	vmul.f32 v8, v3;
	v4 =	vadd.f32 v55, v5  }
0x3b7: {  	v57 =	vadd.f32 v56, v49;
	v58 =	vmul.f32 v7, v2  }
0x3b8: {  	v2 =	vmul.f32 v54, v2;
	v3 =	vadd.f32 v3, v4  }
0x3b9: {  	v59 =	vmul.f32 v28, v1;
	v5 =	vadd.f32 v58, v57  }
0x3ba: {  	s1 =	sadd.s32 $0x1, s1;
	v1 =	vmul.f32 v30, v1;
	v2 =	vadd.f32 v2, v3  }
0x3bb: {  	v60, _, _ =	vpop (xrf2);
	v3 =	vmov s1;
	v4 =	vadd.f32 v59, v5  }
0x3bc: {  	v61, _, _ =	vpop (xrf2);
	v62 =	vbroadcast v60, $0xF;
	v3 =	vperm.xlane v9, v3;
	v1 =	vadd.f32 v1, v2  }
0x3bd: {  	v63 =	vbroadcast v61, $0xF;
	v2 =	vperm.xlane v9, v39;
	(xrf2) =	vadd.scan.msk.f32 $0xffff, v4  }
0x3be: {  	(v2sf) =	vpush v61, $0xF;
	v3 =	vmul.f32 v62, v3;
	(xrf2) =	vadd.scan.msk.f32 $0xffff, v1  }
0x3bf: {  	(v2sf) =	vpush v60, $0xF;
	v60 =	vmov s0;
	v2 =	vmul.f32 v63, v2  }
0x3c0: {  	v1 =	vadd.f32 v42, v43;
	v42 =	vperm.xlane v9, v60;
	v13 =	vmul.f32 v3, v13  }
0x3c1: {  	v22 =	vmul.f32 v3, v22;
	v19 =	vmul.f32 v3, v19  }
0x3c2: {  	v21 =	vmul.f32 v3, v21;
	v24 =	vmul.f32 v3, v24  }
0x3c3: {  	v51 =	vadd.f32 v41, v44;
	v12 =	vmul.f32 v3, v12;
	v18 =	vmul.f32 v3, v18  }
0x3c4: {  	v55 =	vadd.f32 v47, v45;
	v3 =	vmul.f32 v3, v10;
	v57 =	vmul.f32 v2, v15  }
0x3c5: {  	v56 =	vadd.f32 v48, v46;
	v14 =	vmul.f32 v2, v14;
	v58 =	vmul.f32 v2, v16  }
0x3c6: {  	v59 =	vmul.f32 v2, v20;
	v61 =	vmul.f32 v2, v23;
	v5 =	vadd.f32 v57, v31  }
0x3c7: {  	v62 =	vmul.f32 v2, v25;
	v14 =	vadd.f32 v14, v32;
	v6 =	vadd.f32 v58, v33;
	v31, _, _ =	vpop (xrf2)  }
0x3c8: {  	v63 =	vmul.f32 v2, v26;
	v15 =	vadd.f32 v59, v34;
	v1 =	vadd.f32 v61, v1;
	v32, _, _ =	vpop (xrf2)  }
0x3c9: {  	s13 =	sadd.s32 $0x1, s0;
	v2 =	vmul.f32 v2, v11;
	v4 =	vadd.f32 v62, v51;
	(v2sf) =	vpush v32, $0xF  }
0x3ca: {  	v33 =	vmov s13;
	v44 =	vadd.f32 v63, v55;
	v6 =	vadd.f32 v19, v6  }
0x3cb: {  	v19 =	vperm.xlane v9, v33;
	v34 =	vbroadcast v31, $0xF;
	(v2sf) =	vpush v31, $0xF  }
0x3cc: {  	v2 =	vadd.f32 v2, v56;
	v63 =	vmov s26;
	v11 =	vbroadcast v32, $0xF  }
0x3cd: {  	v5 =	vadd.f32 v13, v5;
	v14 =	vadd.f32 v22, v14;
	v43 =	vmul.f32 v34, v19  }
0x3ce: {  	v15 =	vadd.f32 v21, v15;
	v1 =	vadd.f32 v24, v1;
	v9 =	vmul.f32 v11, v42  }
0x3cf: {  	v4 =	vadd.f32 v12, v4;
	v45 =	vmul.f32 v43, v29;
	v46 =	vmul.f32 v43, v27  }
0x3d0: {  	v16 =	vadd.f32 v18, v44;
	v47 =	vmul.f32 v43, v37;
	v49 =	vmul.f32 v9, v36  }
0x3d1: {  	v2 =	vadd.f32 v3, v2;
	v48 =	vmul.f32 v43, v40;
	v3 =	vmul.f32 v9, v35  }
0x3d2: {  	s15 =	spop (v2sf);
	v55 =	vmul.f32 v43, v52;
	v51 =	vmul.f32 v9, v38;
	v5 =	vadd.f32 v49, v5  }
0x3d3: {  	s0 =	sadd.f32 s15, s14;
	v56 =	vmul.f32 v9, v50;
	v57 =	vmul.f32 v9, v53;
	v3 =	vadd.f32 v3, v14  }
0x3d4: {  	s23 =	sshll.u32 s26, $0x7;
	s16 =	spop (v2sf);
	v8 =	vmul.f32 v9, v8;
	v6 =	vadd.f32 v51, v6;
	v5 =	vadd.f32 v45, v5  }
0x3d5: {  	s28 =	sand.u32 $0x3FFFFF80, s23;
	s0 =	sadd.f32 s16, s0;
	v58 =	vmul.f32 v9, v54;
	v15 =	vadd.f32 v56, v15;
	v3 =	vadd.f32 v46, v3  }
0x3d6: {  	s29 =	spop (v2sf);
	v9 =	vmul.f32 v9, v30;
	v1 =	vadd.f32 v57, v1;
	v6 =	vadd.f32 v47, v6;
	[tilespmem:s28+$0xAA80] =	vst v5  }
0x3d7: {  	s0 =	sadd.f32 s29, s0;
	v60 =	vmul.f32 v43, v17;
	v4 =	vadd.f32 v8, v4;
	v59 =	vadd.f32 v48, v15;
	[tilespmem:s28+$0xAA90] =	vst v3  }
0x3d8: {  	s25 =	sadd.s32 $0x1, s25;
	v62 =	vmul.f32 v43, v28;
	v2 =	vadd.f32 v9, v2;
	v1 =	vadd.f32 v55, v1;
	[tilespmem:s28+$0xAAA0] =	vst v6;
	s30 =	spop (v2sf)  }
0x3d9: {  	p0 =	sne.s32 s25, $0x50;
	v61 =	vadd.f32 v58, v16;
	v4 =	vadd.f32 v60, v4;
	v3 =	vmul.f32 v43, v7;
	[tilespmem:s28+$0xAAB0] =	vst v59;
	s0 =	sadd.f32 s30, s0  }
.Ltmp8:
0x3da: {  	[tilespmem:s28+$0xAAC0] =	vst v1;
	v1 =	vadd.f32 v62, v2;
	s31 =	spop (v2sf);
	(pc) =	sbr.rel @p0 .LBB2_2-.Ltmp8, $4  }
0x3db: {  	[tilespmem:s28+$0xAAD0] =	vst v4;
	v3 =	vadd.f32 v3, v61;
	s0 =	sadd.f32 s31, s0  }
0x3dc: {  	[tilespmem:s28+$0xAAF0] =	vst v1  }
0x3dd: {  	[tilespmem:s28+$0xAAE0] =	vst v3;
	v1 =	vmov s0  }
0x3de: {  	[tilespmem:v63+s19+$0x0] =	vst.idx.msk $0x1, v1  }
0x3df: {  	s0 =	simm.s32 $0xAA80  }
0x3e0: {  	[hbm4b:s6+s2] =	stream.linear.scatter [tilespmem:s0], [sflag:$0x5], $0xA000, $0x38;
	[tilespmem:$0x14C00] =	vst v63  }
0x3e1: {  	s24 =	sadd.s32 $0x1, s24;
	_ =	swait.ge [sflag:s9], $0xA000  }
0x3e2: {  	p0 =	sne.s32 s24, s8;
	[sflag:s9] =	ssyncset.done $0x0  }
.Ltmp9:
0x3e3: {  	[sflag:s9] =	ssyncadd.s32 $0xFFFF6000;
	(pc) =	sbr.rel @p0 .LBB2_1-.Ltmp9, $4  }
0x3e4: {  	[hbm4b:s7+s2] =	stream.linear.scatter [tilespmem:s19], [sflag:$0x5], $0x140, $0x38;
	[tilespmem:$0x14C00] =	vst v63  }
0x3e5: {  	_ =	swait.ge [sflag:s9], $0x140  }
0x3e6: {  	[sflag:s9] =	ssyncset.done $0x0  }
0x3e7: {  	[sflag:s9] =	ssyncadd.s32 $0xFFFFFEC0  }
0x3e8: {  	_ =	sfence.sel $0x180000  }
0x3e9: {  	[bflag:$0x0] =	sbarrier.arrive $0xFFFF  }
0x3ea: {  	_ =	strace $0x90000047  }
0x3eb: {  	s0 =	stileid.u32;
	[bflag:$0x2] =	sbarrier.arrive $0xFFFF  }
0x3ec: {  	p0 =	sne.s32 s0, $0x0;
	s0 =	rddreg [dreg:$0x2]  }
0x3ed: {  	s0 =	sadd.s32 @!p0 $0x100000, s0  }
0x3ee: {  	[sflag:s0] =	ssyncadd.tile.s32 @!p0 $0x1;
	_ =	shalt  }
.Lfunc_end2:
_tile_overlayer_lowered:
.L_overlay_start_2:
0x3ef: {  	(tag) =	ssettag $0x2  }
0x3f0: {  	s0 =	rddreg [dreg:$0x0];
	s2 =	stileid.u32  }
0x3f1: {  	s1 =	rddreg [dreg:$0x1];
	p0 =	sne.s32 s2, $0x0  }
0x3f2: {  	s3 =	rddreg [dreg:$0x2];
	[bflag:$0x3] =	sbarrier.arrive $0xFFFF;
	s2 =	simm.s32 @!p0 $0x1C05  }
0x3f3: {  	[timem:s3], [sflag:s2] =	dma.local @!p0 [hbm:s0], s1  }
0x3f4: {  	s0 =	simm.s32 @!p0 $0x5  }
0x3f5: {  	_ =	swait.ge @!p0 [sflag:s0], s1  }
0x3f6: {  	s1 =	ssub.s32 @!p0 $0x0, s1;
	[sflag:s0] =	ssyncset.done @!p0 $0x0  }
0x3f7: {  	[sflag:s0] =	ssyncadd.s32 @!p0 s1  }
0x3f8: {  	[bflag:$0x3] =	sbarrier.arrive $0xFFFF  }
0x3f9: {  	_ =	shalt  }

</sc_bundles>
